<compile_context>
chip_gen: v7x
topology: tpu7x:2x2x1
jax: 0.10.2.dev20260603
libtpu: 0.0.44.dev20260713+nightly
codegen_flags: <defaults>
</compile_context>

<pallas_src>
import functools

import jax
import jax.numpy as jnp
from jax import lax
from jax.experimental import pallas as pl
from jax.experimental.pallas import tpu as pltpu
from jax.experimental.pallas import tpu_sc as plsc

N_NODES = 100000
N_EDGES = 1600000
U = 3.5
D = 2.0

LANES = 16
NC = 2
NS = 16
NW = NC * NS

N_PAD = 100352
SLICE = N_PAD // NS
E_PER_W = N_EDGES // NW
CHUNK = 2000
N_CHUNKS = E_PER_W // CHUNK
NBUF = 6
PREF = 3
SPLIT_BLK = 262144

ROWS = N_PAD // 128
HALF = N_PAD // 2
HROWS = ROWS // 2


def _h_body(x_ref, t_ref):
    h = 1.0 / (1.0 + jnp.exp(U - D * x_ref[...]))
    lo = jax.lax.bitcast_convert_type(
        h[:HROWS, :].astype(jnp.bfloat16), jnp.uint16).astype(jnp.uint32)
    hi = jax.lax.bitcast_convert_type(
        h[HROWS:, :].astype(jnp.bfloat16), jnp.uint16).astype(jnp.uint32)
    t_ref[...] = jax.lax.bitcast_convert_type(lo | (hi << 16), jnp.int32)


def _split_body(ei_ref, src_ref, dst_ref):
    src_ref[...] = ei_ref[0, :]
    dst_ref[...] = ei_ref[1, :]


def _combine_body(x_ref, p_ref, f_ref):
    f_ref[...] = p_ref[:ROWS, :] + p_ref[ROWS:, :] - x_ref[...]


def _edge_body(h_hbm, src_hbm, dst_hbm, w_hbm, z_hbm, out_hbm,
               tab_v, src_v, dst_v, w_v, agg_sh,
               sem_h, sem_z, sem_in, sem_sc):
    c = lax.axis_index("c")
    s = lax.axis_index("s")
    wid = c * NS + s
    base = wid * E_PER_W
    sl = pl.ds(s * SLICE, SLICE)

    zd = pltpu.async_copy(z_hbm.at[sl], agg_sh.at[sl], sem_z)
    hd = pltpu.async_copy(h_hbm, tab_v, sem_h)

    def issue_inputs(j):
        b = j % NBUF
        off = base + j * CHUNK
        return (
            pltpu.async_copy(src_hbm.at[pl.ds(off, CHUNK)], src_v[b], sem_in[b]),
            pltpu.async_copy(dst_hbm.at[pl.ds(off, CHUNK)], dst_v[b], sem_in[b]),
            pltpu.async_copy(w_hbm.at[pl.ds(off, CHUNK)], w_v[b], sem_in[b]),
        )

    in_descs = {j: issue_inputs(j) for j in range(min(PREF, N_CHUNKS))}
    sc_descs = {}

    zd.wait()
    hd.wait()
    plsc.subcore_barrier()

    for j in range(N_CHUNKS):
        b = j % NBUF
        if j + PREF < N_CHUNKS:
            if j + PREF >= NBUF:
                sc_descs.pop(j + PREF - NBUF).wait()
            in_descs[j + PREF] = issue_inputs(j + PREF)
        for d in in_descs.pop(j):
            d.wait()

        @plsc.parallel_loop(0, CHUNK // LANES, unroll=8)
        def _gather_body(i, b=b):
            ds16 = pl.ds(i * LANES, LANES)
            s16 = src_v[b][ds16]
            m = s16 >= HALF
            word = plsc.load_gather(tab_v, [jnp.where(m, s16 - HALF, s16)])
            bits = jnp.where(m, word & jnp.int32(-65536),
                             word << jnp.int32(16))
            w_v[b][ds16] = plsc.bitcast(bits, jnp.float32) * w_v[b][ds16]

        sc_descs[j] = pltpu.async_copy(
            w_v[b], agg_sh.at[dst_v[b]], sem_sc[b], add=True)

    for j in sorted(sc_descs):
        sc_descs.pop(j).wait()
    plsc.subcore_barrier()
    pltpu.sync_copy(agg_sh.at[sl], out_hbm.at[pl.ds(wid * SLICE, SLICE)])


_edge_kernel = functools.partial(
    pl.kernel,
    out_type=jax.ShapeDtypeStruct((NC * N_PAD,), jnp.float32),
    mesh=plsc.VectorSubcoreMesh(core_axis_name="c", subcore_axis_name="s"),
    compiler_params=pltpu.CompilerParams(
        needs_layout_passes=False, use_tc_tiling_on_sc=False),
    scratch_types=[
        pltpu.VMEM((HALF,), jnp.int32),
        [pltpu.VMEM((CHUNK,), jnp.int32)] * NBUF,
        [pltpu.VMEM((CHUNK,), jnp.int32)] * NBUF,
        [pltpu.VMEM((CHUNK,), jnp.float32)] * NBUF,
        pltpu.VMEM_SHARED((N_PAD,), jnp.float32),
        pltpu.SemaphoreType.DMA,
        pltpu.SemaphoreType.DMA,
        [pltpu.SemaphoreType.DMA] * NBUF,
        [pltpu.SemaphoreType.DMA] * NBUF,
    ],
)(_edge_body)


@jax.jit
def kernel(t, x, edge_index, edge_weight):
    del t
    x_pad = jnp.pad(x, ((0, N_PAD - N_NODES), (0, 0))).reshape(ROWS, 128)

    t2d = pl.pallas_call(
        _h_body,
        out_shape=jax.ShapeDtypeStruct((HROWS, 128), jnp.int32),
    )(x_pad)
    h = t2d.reshape(HALF)

    src, dst = pl.pallas_call(
        _split_body,
        grid=((N_EDGES + SPLIT_BLK - 1) // SPLIT_BLK,),
        in_specs=[pl.BlockSpec((2, SPLIT_BLK), lambda i: (0, i))],
        out_specs=[pl.BlockSpec((SPLIT_BLK,), lambda i: (i,)),
                   pl.BlockSpec((SPLIT_BLK,), lambda i: (i,))],
        out_shape=[jax.ShapeDtypeStruct((N_EDGES,), jnp.int32),
                   jax.ShapeDtypeStruct((N_EDGES,), jnp.int32)],
    )(edge_index.astype(jnp.int32))

    zeros = jnp.zeros((N_PAD,), jnp.float32)
    partials = _edge_kernel(h, src, dst, edge_weight, zeros)

    f2d = pl.pallas_call(
        _combine_body,
        out_shape=jax.ShapeDtypeStruct((ROWS, 128), jnp.float32),
    )(x_pad, partials.reshape(2 * ROWS, 128))
    return f2d.reshape(N_PAD)[:N_NODES].reshape(N_NODES, 1)

# --- scband reference (transcript-rebuilt; emitter-appended) ---
"""Pipeline reference for scband-neuronal-dynamics-14499809592073 (READ-ONLY COPY).

The authoritative reference and input builder live on the scoring server;
editing this copy changes nothing except your own understanding.
"""

import jax, jax.numpy as jnp
import numpy as np

N_NODES = 100000
N_EDGES = 1600000
U = 3.5
D = 2.0


def setup_inputs(seed: int = 0) -> dict:
    key = jax.random.key(seed)
    k1, k2, k3 = jax.random.split(key, 3)
    t = jnp.zeros((), dtype=jnp.float32)
    x = jax.random.normal(k1, (N_NODES, 1), dtype=jnp.float32)
    edge_index = jax.random.randint(k2, (2, N_EDGES), 0, N_NODES, dtype=jnp.int64)
    edge_weight = jax.random.uniform(k3, (N_EDGES,), dtype=jnp.float32)
    return {"t": t, "x": x, "edge_index": edge_index, "edge_weight": edge_weight}


def reference(t, x, edge_index, edge_weight):
    # f = -x + A @ (1 / (1 + exp(u - d*x)))  with sparse A given as COO
    # (edge_index[0]=col/src, edge_index[1]=row/dst, edge_weight=values)
    h = 1.0 / (1.0 + jnp.exp(U - D * x))  # [N, 1]
    src = edge_index[0]
    dst = edge_index[1]
    msgs = h[src] * edge_weight[:, None]  # gather + weight, [E, 1]
    agg = jax.ops.segment_sum(msgs, dst, num_segments=N_NODES)  # scatter-add
    f = -x + agg
    return f

if __name__ == "__main__":
    import jax
    _d = setup_inputs()
    print(jax.jit(kernel)(*tuple(_d.values())))

</pallas_src>

<mosaic_0001>
#map = affine_map<(d0, d1) -> (0)>
module attributes {stable_mosaic.version = 14 : i64} {
  func.func @_edge_body(%arg0: i32, %arg1: i32, %arg2: memref<50176xi32, #tpu.memory_space<hbm>>, %arg3: memref<1600000xi32, #tpu.memory_space<hbm>>, %arg4: memref<1600000xi32, #tpu.memory_space<hbm>>, %arg5: memref<1600000xf32, #tpu.memory_space<hbm>>, %arg6: memref<100352xf32, #tpu.memory_space<hbm>>, %arg7: memref<200704xf32, #tpu.memory_space<hbm>>, %arg8: memref<50176xi32, #tpu.memory_space<vmem>>, %arg9: memref<2000xi32, #tpu.memory_space<vmem>>, %arg10: memref<2000xi32, #tpu.memory_space<vmem>>, %arg11: memref<2000xi32, #tpu.memory_space<vmem>>, %arg12: memref<2000xi32, #tpu.memory_space<vmem>>, %arg13: memref<2000xi32, #tpu.memory_space<vmem>>, %arg14: memref<2000xi32, #tpu.memory_space<vmem>>, %arg15: memref<2000xi32, #tpu.memory_space<vmem>>, %arg16: memref<2000xi32, #tpu.memory_space<vmem>>, %arg17: memref<2000xi32, #tpu.memory_space<vmem>>, %arg18: memref<2000xi32, #tpu.memory_space<vmem>>, %arg19: memref<2000xi32, #tpu.memory_space<vmem>>, %arg20: memref<2000xi32, #tpu.memory_space<vmem>>, %arg21: memref<2000xf32, #tpu.memory_space<vmem>>, %arg22: memref<2000xf32, #tpu.memory_space<vmem>>, %arg23: memref<2000xf32, #tpu.memory_space<vmem>>, %arg24: memref<2000xf32, #tpu.memory_space<vmem>>, %arg25: memref<2000xf32, #tpu.memory_space<vmem>>, %arg26: memref<2000xf32, #tpu.memory_space<vmem>>, %arg27: memref<100352xf32, #tpu.memory_space<vmem_shared>>, %arg28: memref<!tpu.dma_semaphore, #tpu.memory_space<semaphore_mem>>, %arg29: memref<!tpu.dma_semaphore, #tpu.memory_space<semaphore_mem>>, %arg30: memref<!tpu.dma_semaphore, #tpu.memory_space<semaphore_mem>>, %arg31: memref<!tpu.dma_semaphore, #tpu.memory_space<semaphore_mem>>, %arg32: memref<!tpu.dma_semaphore, #tpu.memory_space<semaphore_mem>>, %arg33: memref<!tpu.dma_semaphore, #tpu.memory_space<semaphore_mem>>, %arg34: memref<!tpu.dma_semaphore, #tpu.memory_space<semaphore_mem>>, %arg35: memref<!tpu.dma_semaphore, #tpu.memory_space<semaphore_mem>>, %arg36: memref<!tpu.dma_semaphore, #tpu.memory_space<semaphore_mem>>, %arg37: memref<!tpu.dma_semaphore, #tpu.memory_space<semaphore_mem>>, %arg38: memref<!tpu.dma_semaphore, #tpu.memory_space<semaphore_mem>>, %arg39: memref<!tpu.dma_semaphore, #tpu.memory_space<semaphore_mem>>, %arg40: memref<!tpu.dma_semaphore, #tpu.memory_space<semaphore_mem>>, %arg41: memref<!tpu.dma_semaphore, #tpu.memory_space<semaphore_mem>>) attributes {dimension_semantics = [#tpu.dimension_semantics<core_parallel>, #tpu.dimension_semantics<subcore_parallel>], iteration_bounds = array<i64: 2, 16>, scalar_prefetch = 0 : i64, scratch_operands = 34 : i64, tpu.core_type = #tpu.core_type<sc_vector_subcore>, window_params = [{transform_indices = #map}, {transform_indices = #map}, {transform_indices = #map}, {transform_indices = #map}, {transform_indices = #map}, {transform_indices = #map}]} {
    %mul3A = arith.constant 16 : i32
    %mul3A_0 = arith.muli %arg0, %mul3A : i32
    %add3A = arith.addi %mul3A_0, %arg1 : i32
    %mul3A_1 = arith.constant 50000 : i32
    %mul3A_2 = arith.muli %add3A, %mul3A_1 : i32
    %mul3A_3 = arith.constant 6272 : i32
    %mul3A_4 = arith.muli %arg1, %mul3A_3 : i32
    %dma_start3A = tpu.memref_slice %arg27[%mul3A_4] : memref<100352xf32, #tpu.memory_space<vmem_shared>> -> memref<6272xf32, #tpu.memory_space<vmem_shared>>
    %dma_start3A_5 = tpu.memref_slice %arg6[%mul3A_4] : memref<100352xf32, #tpu.memory_space<hbm>> -> memref<6272xf32, #tpu.memory_space<hbm>>
    tpu.enqueue_dma source(%dma_start3A_5 : memref<6272xf32, #tpu.memory_space<hbm>>) target(%dma_start3A : memref<6272xf32, #tpu.memory_space<vmem_shared>>) target_semaphore(%arg29 : memref<!tpu.dma_semaphore, #tpu.memory_space<semaphore_mem>>)
    tpu.enqueue_dma source(%arg2 : memref<50176xi32, #tpu.memory_space<hbm>>) target(%arg8 : memref<50176xi32, #tpu.memory_space<vmem>>) target_semaphore(%arg28 : memref<!tpu.dma_semaphore, #tpu.memory_space<semaphore_mem>>)
    %add3A_6 = arith.constant 0 : i32
    %add3A_7 = arith.addi %mul3A_2, %add3A_6 : i32
    %dma_start3A_8 = tpu.memref_slice %arg3[%add3A_7] : memref<1600000xi32, #tpu.memory_space<hbm>> -> memref<2000xi32, #tpu.memory_space<hbm>>
    %dma_start3A_9 = tpu.memref_slice %arg3[%add3A_7] : memref<1600000xi32, #tpu.memory_space<hbm>> -> memref<2000xi32, #tpu.memory_space<hbm>>
    tpu.enqueue_dma source(%dma_start3A_9 : memref<2000xi32, #tpu.memory_space<hbm>>) target(%arg9 : memref<2000xi32, #tpu.memory_space<vmem>>) target_semaphore(%arg30 : memref<!tpu.dma_semaphore, #tpu.memory_space<semaphore_mem>>)
    %dma_start3A_10 = tpu.memref_slice %arg4[%add3A_7] : memref<1600000xi32, #tpu.memory_space<hbm>> -> memref<2000xi32, #tpu.memory_space<hbm>>
    %dma_start3A_11 = tpu.memref_slice %arg4[%add3A_7] : memref<1600000xi32, #tpu.memory_space<hbm>> -> memref<2000xi32, #tpu.memory_space<hbm>>
    tpu.enqueue_dma source(%dma_start3A_11 : memref<2000xi32, #tpu.memory_space<hbm>>) target(%arg15 : memref<2000xi32, #tpu.memory_space<vmem>>) target_semaphore(%arg30 : memref<!tpu.dma_semaphore, #tpu.memory_space<semaphore_mem>>)
    %dma_start3A_12 = tpu.memref_slice %arg5[%add3A_7] : memref<1600000xf32, #tpu.memory_space<hbm>> -> memref<2000xf32, #tpu.memory_space<hbm>>
    %dma_start3A_13 = tpu.memref_slice %arg5[%add3A_7] : memref<1600000xf32, #tpu.memory_space<hbm>> -> memref<2000xf32, #tpu.memory_space<hbm>>
    tpu.enqueue_dma source(%dma_start3A_13 : memref<2000xf32, #tpu.memory_space<hbm>>) target(%arg21 : memref<2000xf32, #tpu.memory_space<vmem>>) target_semaphore(%arg30 : memref<!tpu.dma_semaphore, #tpu.memory_space<semaphore_mem>>)
    %add3A_14 = arith.constant 2000 : i32
    %add3A_15 = arith.addi %mul3A_2, %add3A_14 : i32
    %dma_start3A_16 = tpu.memref_slice %arg3[%add3A_15] : memref<1600000xi32, #tpu.memory_space<hbm>> -> memref<2000xi32, #tpu.memory_space<hbm>>
    %dma_start3A_17 = tpu.memref_slice %arg3[%add3A_15] : memref<1600000xi32, #tpu.memory_space<hbm>> -> memref<2000xi32, #tpu.memory_space<hbm>>
    tpu.enqueue_dma source(%dma_start3A_17 : memref<2000xi32, #tpu.memory_space<hbm>>) target(%arg10 : memref<2000xi32, #tpu.memory_space<vmem>>) target_semaphore(%arg31 : memref<!tpu.dma_semaphore, #tpu.memory_space<semaphore_mem>>)
    %dma_start3A_18 = tpu.memref_slice %arg4[%add3A_15] : memref<1600000xi32, #tpu.memory_space<hbm>> -> memref<2000xi32, #tpu.memory_space<hbm>>
    %dma_start3A_19 = tpu.memref_slice %arg4[%add3A_15] : memref<1600000xi32, #tpu.memory_space<hbm>> -> memref<2000xi32, #tpu.memory_space<hbm>>
    tpu.enqueue_dma source(%dma_start3A_19 : memref<2000xi32, #tpu.memory_space<hbm>>) target(%arg16 : memref<2000xi32, #tpu.memory_space<vmem>>) target_semaphore(%arg31 : memref<!tpu.dma_semaphore, #tpu.memory_space<semaphore_mem>>)
    %dma_start3A_20 = tpu.memref_slice %arg5[%add3A_15] : memref<1600000xf32, #tpu.memory_space<hbm>> -> memref<2000xf32, #tpu.memory_space<hbm>>
    %dma_start3A_21 = tpu.memref_slice %arg5[%add3A_15] : memref<1600000xf32, #tpu.memory_space<hbm>> -> memref<2000xf32, #tpu.memory_space<hbm>>
    tpu.enqueue_dma source(%dma_start3A_21 : memref<2000xf32, #tpu.memory_space<hbm>>) target(%arg22 : memref<2000xf32, #tpu.memory_space<vmem>>) target_semaphore(%arg31 : memref<!tpu.dma_semaphore, #tpu.memory_space<semaphore_mem>>)
    %add3A_22 = arith.constant 4000 : i32
    %add3A_23 = arith.addi %mul3A_2, %add3A_22 : i32
    %dma_start3A_24 = tpu.memref_slice %arg3[%add3A_23] : memref<1600000xi32, #tpu.memory_space<hbm>> -> memref<2000xi32, #tpu.memory_space<hbm>>
    %dma_start3A_25 = tpu.memref_slice %arg3[%add3A_23] : memref<1600000xi32, #tpu.memory_space<hbm>> -> memref<2000xi32, #tpu.memory_space<hbm>>
    tpu.enqueue_dma source(%dma_start3A_25 : memref<2000xi32, #tpu.memory_space<hbm>>) target(%arg11 : memref<2000xi32, #tpu.memory_space<vmem>>) target_semaphore(%arg32 : memref<!tpu.dma_semaphore, #tpu.memory_space<semaphore_mem>>)
    %dma_start3A_26 = tpu.memref_slice %arg4[%add3A_23] : memref<1600000xi32, #tpu.memory_space<hbm>> -> memref<2000xi32, #tpu.memory_space<hbm>>
    %dma_start3A_27 = tpu.memref_slice %arg4[%add3A_23] : memref<1600000xi32, #tpu.memory_space<hbm>> -> memref<2000xi32, #tpu.memory_space<hbm>>
    tpu.enqueue_dma source(%dma_start3A_27 : memref<2000xi32, #tpu.memory_space<hbm>>) target(%arg17 : memref<2000xi32, #tpu.memory_space<vmem>>) target_semaphore(%arg32 : memref<!tpu.dma_semaphore, #tpu.memory_space<semaphore_mem>>)
    %dma_start3A_28 = tpu.memref_slice %arg5[%add3A_23] : memref<1600000xf32, #tpu.memory_space<hbm>> -> memref<2000xf32, #tpu.memory_space<hbm>>
    %dma_start3A_29 = tpu.memref_slice %arg5[%add3A_23] : memref<1600000xf32, #tpu.memory_space<hbm>> -> memref<2000xf32, #tpu.memory_space<hbm>>
    tpu.enqueue_dma source(%dma_start3A_29 : memref<2000xf32, #tpu.memory_space<hbm>>) target(%arg23 : memref<2000xf32, #tpu.memory_space<vmem>>) target_semaphore(%arg32 : memref<!tpu.dma_semaphore, #tpu.memory_space<semaphore_mem>>)
    %dma_wait3A = tpu.memref_slice %arg27[%mul3A_4] : memref<100352xf32, #tpu.memory_space<vmem_shared>> -> memref<6272xf32, #tpu.memory_space<vmem_shared>>
    %dma_wait3A_30 = tpu.memref_slice %arg6[%mul3A_4] : memref<100352xf32, #tpu.memory_space<hbm>> -> memref<6272xf32, #tpu.memory_space<hbm>>
    tpu.wait_dma2 semaphore(%arg29 : memref<!tpu.dma_semaphore, #tpu.memory_space<semaphore_mem>>) src(%dma_wait3A_30 : memref<6272xf32, #tpu.memory_space<hbm>>) dst(%dma_wait3A : memref<6272xf32, #tpu.memory_space<vmem_shared>>)
    tpu.wait_dma2 semaphore(%arg28 : memref<!tpu.dma_semaphore, #tpu.memory_space<semaphore_mem>>) src(%arg2 : memref<50176xi32, #tpu.memory_space<hbm>>) dst(%arg8 : memref<50176xi32, #tpu.memory_space<vmem>>)
    %barrier3A = arith.constant 0 : index
    tpu.barrier barrier_id(%barrier3A)
    %add3A_31 = arith.constant 6000 : i32
    %add3A_32 = arith.addi %mul3A_2, %add3A_31 : i32
    %dma_start3A_33 = tpu.memref_slice %arg3[%add3A_32] : memref<1600000xi32, #tpu.memory_space<hbm>> -> memref<2000xi32, #tpu.memory_space<hbm>>
    %dma_start3A_34 = tpu.memref_slice %arg3[%add3A_32] : memref<1600000xi32, #tpu.memory_space<hbm>> -> memref<2000xi32, #tpu.memory_space<hbm>>
    tpu.enqueue_dma source(%dma_start3A_34 : memref<2000xi32, #tpu.memory_space<hbm>>) target(%arg12 : memref<2000xi32, #tpu.memory_space<vmem>>) target_semaphore(%arg33 : memref<!tpu.dma_semaphore, #tpu.memory_space<semaphore_mem>>)
    %dma_start3A_35 = tpu.memref_slice %arg4[%add3A_32] : memref<1600000xi32, #tpu.memory_space<hbm>> -> memref<2000xi32, #tpu.memory_space<hbm>>
    %dma_start3A_36 = tpu.memref_slice %arg4[%add3A_32] : memref<1600000xi32, #tpu.memory_space<hbm>> -> memref<2000xi32, #tpu.memory_space<hbm>>
    tpu.enqueue_dma source(%dma_start3A_36 : memref<2000xi32, #tpu.memory_space<hbm>>) target(%arg18 : memref<2000xi32, #tpu.memory_space<vmem>>) target_semaphore(%arg33 : memref<!tpu.dma_semaphore, #tpu.memory_space<semaphore_mem>>)
    %dma_start3A_37 = tpu.memref_slice %arg5[%add3A_32] : memref<1600000xf32, #tpu.memory_space<hbm>> -> memref<2000xf32, #tpu.memory_space<hbm>>
    %dma_start3A_38 = tpu.memref_slice %arg5[%add3A_32] : memref<1600000xf32, #tpu.memory_space<hbm>> -> memref<2000xf32, #tpu.memory_space<hbm>>
    tpu.enqueue_dma source(%dma_start3A_38 : memref<2000xf32, #tpu.memory_space<hbm>>) target(%arg24 : memref<2000xf32, #tpu.memory_space<vmem>>) target_semaphore(%arg33 : memref<!tpu.dma_semaphore, #tpu.memory_space<semaphore_mem>>)
    %dma_wait3A_39 = tpu.memref_slice %arg3[%add3A_7] : memref<1600000xi32, #tpu.memory_space<hbm>> -> memref<2000xi32, #tpu.memory_space<hbm>>
    %dma_wait3A_40 = tpu.memref_slice %arg3[%add3A_7] : memref<1600000xi32, #tpu.memory_space<hbm>> -> memref<2000xi32, #tpu.memory_space<hbm>>
    tpu.wait_dma2 semaphore(%arg30 : memref<!tpu.dma_semaphore, #tpu.memory_space<semaphore_mem>>) src(%dma_wait3A_40 : memref<2000xi32, #tpu.memory_space<hbm>>) dst(%arg9 : memref<2000xi32, #tpu.memory_space<vmem>>)
    %dma_wait3A_41 = tpu.memref_slice %arg4[%add3A_7] : memref<1600000xi32, #tpu.memory_space<hbm>> -> memref<2000xi32, #tpu.memory_space<hbm>>
    %dma_wait3A_42 = tpu.memref_slice %arg4[%add3A_7] : memref<1600000xi32, #tpu.memory_space<hbm>> -> memref<2000xi32, #tpu.memory_space<hbm>>
    tpu.wait_dma2 semaphore(%arg30 : memref<!tpu.dma_semaphore, #tpu.memory_space<semaphore_mem>>) src(%dma_wait3A_42 : memref<2000xi32, #tpu.memory_space<hbm>>) dst(%arg15 : memref<2000xi32, #tpu.memory_space<vmem>>)
    %dma_wait3A_43 = tpu.memref_slice %arg5[%add3A_7] : memref<1600000xf32, #tpu.memory_space<hbm>> -> memref<2000xf32, #tpu.memory_space<hbm>>
    %dma_wait3A_44 = tpu.memref_slice %arg5[%add3A_7] : memref<1600000xf32, #tpu.memory_space<hbm>> -> memref<2000xf32, #tpu.memory_space<hbm>>
    tpu.wait_dma2 semaphore(%arg30 : memref<!tpu.dma_semaphore, #tpu.memory_space<semaphore_mem>>) src(%dma_wait3A_44 : memref<2000xf32, #tpu.memory_space<hbm>>) dst(%arg21 : memref<2000xf32, #tpu.memory_space<vmem>>)
    %parallel_loop3A = arith.constant 0 : i32
    %parallel_loop3A_45 = arith.constant 125 : i32
    %parallel_loop3A_46 = arith.constant 1 : i32
    scf.for %parallel_loop3A_534 = %parallel_loop3A to %parallel_loop3A_45 step %parallel_loop3A_46  : i32 {
      %parallel_loop3A_535 = arith.constant 16 : i32
      %parallel_loop3A_536 = arith.muli %parallel_loop3A_534, %parallel_loop3A_535 : i32
      %parallel_loop3A_537 = arith.index_cast %parallel_loop3A_536 : i32 to index
      %parallel_loop3A_538 = tpu.vector_load %arg9[%parallel_loop3A_537] {strides = array<i32>} : memref<2000xi32, #tpu.memory_space<vmem>>, vector<16xi32>,
      %parallel_loop3A_539 = arith.constant 50176 : i32
      %parallel_loop3A_540 = vector.broadcast %parallel_loop3A_539 : i32 to vector<16xi32>
      %parallel_loop3A_541 = arith.cmpi sge, %parallel_loop3A_538, %parallel_loop3A_540 : vector<16xi32>
      %parallel_loop3A_542 = arith.constant 50176 : i32
      %parallel_loop3A_543 = vector.broadcast %parallel_loop3A_542 : i32 to vector<16xi32>
      %parallel_loop3A_544 = arith.subi %parallel_loop3A_538, %parallel_loop3A_543 : vector<16xi32>
      %parallel_loop3A_545 = arith.select %parallel_loop3A_541, %parallel_loop3A_544, %parallel_loop3A_538 : vector<16xi1>, vector<16xi32>
      %parallel_loop3A_546 = tpu.vector_load_idx %arg8[%parallel_loop3A_545] : memref<50176xi32, #tpu.memory_space<vmem>>[vector<16xi32>], vector<16xi32>,
      %parallel_loop3A_547 = arith.constant -65536 : i32
      %parallel_loop3A_548 = vector.broadcast %parallel_loop3A_547 : i32 to vector<16xi32>
      %parallel_loop3A_549 = arith.andi %parallel_loop3A_546, %parallel_loop3A_548 : vector<16xi32>
      %parallel_loop3A_550 = arith.constant 16 : i32
      %parallel_loop3A_551 = vector.broadcast %parallel_loop3A_550 : i32 to vector<16xi32>
      %parallel_loop3A_552 = arith.shli %parallel_loop3A_546, %parallel_loop3A_551 : vector<16xi32>
      %parallel_loop3A_553 = arith.select %parallel_loop3A_541, %parallel_loop3A_549, %parallel_loop3A_552 : vector<16xi1>, vector<16xi32>
      %parallel_loop3A_554 = vector.bitcast %parallel_loop3A_553 : vector<16xi32> to vector<16xf32>
      %parallel_loop3A_555 = arith.index_cast %parallel_loop3A_536 : i32 to index
      %parallel_loop3A_556 = tpu.vector_load %arg21[%parallel_loop3A_555] {strides = array<i32>} : memref<2000xf32, #tpu.memory_space<vmem>>, vector<16xf32>,
      %parallel_loop3A_557 = arith.mulf %parallel_loop3A_554, %parallel_loop3A_556 : vector<16xf32>
      %parallel_loop3A_558 = arith.index_cast %parallel_loop3A_536 : i32 to index
      %parallel_loop3A_559 = tpu.vector_load %arg21[%parallel_loop3A_558] {strides = array<i32>} : memref<2000xf32, #tpu.memory_space<vmem>>, vector<16xf32>,
      tpu.vector_store %arg21[%parallel_loop3A_558], %parallel_loop3A_557 {strides = array<i32>} : memref<2000xf32, #tpu.memory_space<vmem>>, vector<16xf32>,
    } {sc.loop_unroll_factor = 8 : i64, sc.parallel_access}
    %dma_start3A_47 = arith.constant 0 : i32
    %dma_start3A_48 = tpu.memref_slice %arg27[%dma_start3A_47] : memref<100352xf32, #tpu.memory_space<vmem_shared>> -> memref<100352xf32, #tpu.memory_space<vmem_shared>>
    tpu.enqueue_indirect_dma source(%arg21 : memref<2000xf32, #tpu.memory_space<vmem>>) target(%dma_start3A_48 : memref<100352xf32, #tpu.memory_space<vmem_shared>>) offsets(%arg15 : memref<2000xi32, #tpu.memory_space<vmem>>) semaphore(%arg36 : memref<!tpu.dma_semaphore, #tpu.memory_space<semaphore_mem>>) {add = true}
    %add3A_49 = arith.constant 8000 : i32
    %add3A_50 = arith.addi %mul3A_2, %add3A_49 : i32
    %dma_start3A_51 = tpu.memref_slice %arg3[%add3A_50] : memref<1600000xi32, #tpu.memory_space<hbm>> -> memref<2000xi32, #tpu.memory_space<hbm>>
    %dma_start3A_52 = tpu.memref_slice %arg3[%add3A_50] : memref<1600000xi32, #tpu.memory_space<hbm>> -> memref<2000xi32, #tpu.memory_space<hbm>>
    tpu.enqueue_dma source(%dma_start3A_52 : memref<2000xi32, #tpu.memory_space<hbm>>) target(%arg13 : memref<2000xi32, #tpu.memory_space<vmem>>) target_semaphore(%arg34 : memref<!tpu.dma_semaphore, #tpu.memory_space<semaphore_mem>>)
    %dma_start3A_53 = tpu.memref_slice %arg4[%add3A_50] : memref<1600000xi32, #tpu.memory_space<hbm>> -> memref<2000xi32, #tpu.memory_space<hbm>>
    %dma_start3A_54 = tpu.memref_slice %arg4[%add3A_50] : memref<1600000xi32, #tpu.memory_space<hbm>> -> memref<2000xi32, #tpu.memory_space<hbm>>
    tpu.enqueue_dma source(%dma_start3A_54 : memref<2000xi32, #tpu.memory_space<hbm>>) target(%arg19 : memref<2000xi32, #tpu.memory_space<vmem>>) target_semaphore(%arg34 : memref<!tpu.dma_semaphore, #tpu.memory_space<semaphore_mem>>)
    %dma_start3A_55 = tpu.memref_slice %arg5[%add3A_50] : memref<1600000xf32, #tpu.memory_space<hbm>> -> memref<2000xf32, #tpu.memory_space<hbm>>
    %dma_start3A_56 = tpu.memref_slice %arg5[%add3A_50] : memref<1600000xf32, #tpu.memory_space<hbm>> -> memref<2000xf32, #tpu.memory_space<hbm>>
    tpu.enqueue_dma source(%dma_start3A_56 : memref<2000xf32, #tpu.memory_space<hbm>>) target(%arg25 : memref<2000xf32, #tpu.memory_space<vmem>>) target_semaphore(%arg34 : memref<!tpu.dma_semaphore, #tpu.memory_space<semaphore_mem>>)
    %dma_wait3A_57 = tpu.memref_slice %arg3[%add3A_15] : memref<1600000xi32, #tpu.memory_space<hbm>> -> memref<2000xi32, #tpu.memory_space<hbm>>
    %dma_wait3A_58 = tpu.memref_slice %arg3[%add3A_15] : memref<1600000xi32, #tpu.memory_space<hbm>> -> memref<2000xi32, #tpu.memory_space<hbm>>
    tpu.wait_dma2 semaphore(%arg31 : memref<!tpu.dma_semaphore, #tpu.memory_space<semaphore_mem>>) src(%dma_wait3A_58 : memref<2000xi32, #tpu.memory_space<hbm>>) dst(%arg10 : memref<2000xi32, #tpu.memory_space<vmem>>)
    %dma_wait3A_59 = tpu.memref_slice %arg4[%add3A_15] : memref<1600000xi32, #tpu.memory_space<hbm>> -> memref<2000xi32, #tpu.memory_space<hbm>>
    %dma_wait3A_60 = tpu.memref_slice %arg4[%add3A_15] : memref<1600000xi32, #tpu.memory_space<hbm>> -> memref<2000xi32, #tpu.memory_space<hbm>>
    tpu.wait_dma2 semaphore(%arg31 : memref<!tpu.dma_semaphore, #tpu.memory_space<semaphore_mem>>) src(%dma_wait3A_60 : memref<2000xi32, #tpu.memory_space<hbm>>) dst(%arg16 : memref<2000xi32, #tpu.memory_space<vmem>>)
    %dma_wait3A_61 = tpu.memref_slice %arg5[%add3A_15] : memref<1600000xf32, #tpu.memory_space<hbm>> -> memref<2000xf32, #tpu.memory_space<hbm>>
    %dma_wait3A_62 = tpu.memref_slice %arg5[%add3A_15] : memref<1600000xf32, #tpu.memory_space<hbm>> -> memref<2000xf32, #tpu.memory_space<hbm>>
    tpu.wait_dma2 semaphore(%arg31 : memref<!tpu.dma_semaphore, #tpu.memory_space<semaphore_mem>>) src(%dma_wait3A_62 : memref<2000xf32, #tpu.memory_space<hbm>>) dst(%arg22 : memref<2000xf32, #tpu.memory_space<vmem>>)
    %parallel_loop3A_63 = arith.constant 0 : i32
    %parallel_loop3A_64 = arith.constant 125 : i32
    %parallel_loop3A_65 = arith.constant 1 : i32
    scf.for %parallel_loop3A_534 = %parallel_loop3A_63 to %parallel_loop3A_64 step %parallel_loop3A_65  : i32 {
      %parallel_loop3A_535 = arith.constant 16 : i32
      %parallel_loop3A_536 = arith.muli %parallel_loop3A_534, %parallel_loop3A_535 : i32
      %parallel_loop3A_537 = arith.index_cast %parallel_loop3A_536 : i32 to index
      %parallel_loop3A_538 = tpu.vector_load %arg10[%parallel_loop3A_537] {strides = array<i32>} : memref<2000xi32, #tpu.memory_space<vmem>>, vector<16xi32>,
      %parallel_loop3A_539 = arith.constant 50176 : i32
      %parallel_loop3A_540 = vector.broadcast %parallel_loop3A_539 : i32 to vector<16xi32>
      %parallel_loop3A_541 = arith.cmpi sge, %parallel_loop3A_538, %parallel_loop3A_540 : vector<16xi32>
      %parallel_loop3A_542 = arith.constant 50176 : i32
      %parallel_loop3A_543 = vector.broadcast %parallel_loop3A_542 : i32 to vector<16xi32>
      %parallel_loop3A_544 = arith.subi %parallel_loop3A_538, %parallel_loop3A_543 : vector<16xi32>
      %parallel_loop3A_545 = arith.select %parallel_loop3A_541, %parallel_loop3A_544, %parallel_loop3A_538 : vector<16xi1>, vector<16xi32>
      %parallel_loop3A_546 = tpu.vector_load_idx %arg8[%parallel_loop3A_545] : memref<50176xi32, #tpu.memory_space<vmem>>[vector<16xi32>], vector<16xi32>,
      %parallel_loop3A_547 = arith.constant -65536 : i32
      %parallel_loop3A_548 = vector.broadcast %parallel_loop3A_547 : i32 to vector<16xi32>
      %parallel_loop3A_549 = arith.andi %parallel_loop3A_546, %parallel_loop3A_548 : vector<16xi32>
      %parallel_loop3A_550 = arith.constant 16 : i32
      %parallel_loop3A_551 = vector.broadcast %parallel_loop3A_550 : i32 to vector<16xi32>
      %parallel_loop3A_552 = arith.shli %parallel_loop3A_546, %parallel_loop3A_551 : vector<16xi32>
      %parallel_loop3A_553 = arith.select %parallel_loop3A_541, %parallel_loop3A_549, %parallel_loop3A_552 : vector<16xi1>, vector<16xi32>
      %parallel_loop3A_554 = vector.bitcast %parallel_loop3A_553 : vector<16xi32> to vector<16xf32>
      %parallel_loop3A_555 = arith.index_cast %parallel_loop3A_536 : i32 to index
      %parallel_loop3A_556 = tpu.vector_load %arg22[%parallel_loop3A_555] {strides = array<i32>} : memref<2000xf32, #tpu.memory_space<vmem>>, vector<16xf32>,
      %parallel_loop3A_557 = arith.mulf %parallel_loop3A_554, %parallel_loop3A_556 : vector<16xf32>
      %parallel_loop3A_558 = arith.index_cast %parallel_loop3A_536 : i32 to index
      %parallel_loop3A_559 = tpu.vector_load %arg22[%parallel_loop3A_558] {strides = array<i32>} : memref<2000xf32, #tpu.memory_space<vmem>>, vector<16xf32>,
      tpu.vector_store %arg22[%parallel_loop3A_558], %parallel_loop3A_557 {strides = array<i32>} : memref<2000xf32, #tpu.memory_space<vmem>>, vector<16xf32>,
    } {sc.loop_unroll_factor = 8 : i64, sc.parallel_access}
    %dma_start3A_66 = arith.constant 0 : i32
    %dma_start3A_67 = tpu.memref_slice %arg27[%dma_start3A_66] : memref<100352xf32, #tpu.memory_space<vmem_shared>> -> memref<100352xf32, #tpu.memory_space<vmem_shared>>
    tpu.enqueue_indirect_dma source(%arg22 : memref<2000xf32, #tpu.memory_space<vmem>>) target(%dma_start3A_67 : memref<100352xf32, #tpu.memory_space<vmem_shared>>) offsets(%arg16 : memref<2000xi32, #tpu.memory_space<vmem>>) semaphore(%arg37 : memref<!tpu.dma_semaphore, #tpu.memory_space<semaphore_mem>>) {add = true}
    %add3A_68 = arith.constant 10000 : i32
    %add3A_69 = arith.addi %mul3A_2, %add3A_68 : i32
    %dma_start3A_70 = tpu.memref_slice %arg3[%add3A_69] : memref<1600000xi32, #tpu.memory_space<hbm>> -> memref<2000xi32, #tpu.memory_space<hbm>>
    %dma_start3A_71 = tpu.memref_slice %arg3[%add3A_69] : memref<1600000xi32, #tpu.memory_space<hbm>> -> memref<2000xi32, #tpu.memory_space<hbm>>
    tpu.enqueue_dma source(%dma_start3A_71 : memref<2000xi32, #tpu.memory_space<hbm>>) target(%arg14 : memref<2000xi32, #tpu.memory_space<vmem>>) target_semaphore(%arg35 : memref<!tpu.dma_semaphore, #tpu.memory_space<semaphore_mem>>)
    %dma_start3A_72 = tpu.memref_slice %arg4[%add3A_69] : memref<1600000xi32, #tpu.memory_space<hbm>> -> memref<2000xi32, #tpu.memory_space<hbm>>
    %dma_start3A_73 = tpu.memref_slice %arg4[%add3A_69] : memref<1600000xi32, #tpu.memory_space<hbm>> -> memref<2000xi32, #tpu.memory_space<hbm>>
    tpu.enqueue_dma source(%dma_start3A_73 : memref<2000xi32, #tpu.memory_space<hbm>>) target(%arg20 : memref<2000xi32, #tpu.memory_space<vmem>>) target_semaphore(%arg35 : memref<!tpu.dma_semaphore, #tpu.memory_space<semaphore_mem>>)
    %dma_start3A_74 = tpu.memref_slice %arg5[%add3A_69] : memref<1600000xf32, #tpu.memory_space<hbm>> -> memref<2000xf32, #tpu.memory_space<hbm>>
    %dma_start3A_75 = tpu.memref_slice %arg5[%add3A_69] : memref<1600000xf32, #tpu.memory_space<hbm>> -> memref<2000xf32, #tpu.memory_space<hbm>>
    tpu.enqueue_dma source(%dma_start3A_75 : memref<2000xf32, #tpu.memory_space<hbm>>) target(%arg26 : memref<2000xf32, #tpu.memory_space<vmem>>) target_semaphore(%arg35 : memref<!tpu.dma_semaphore, #tpu.memory_space<semaphore_mem>>)
    %dma_wait3A_76 = tpu.memref_slice %arg3[%add3A_23] : memref<1600000xi32, #tpu.memory_space<hbm>> -> memref<2000xi32, #tpu.memory_space<hbm>>
    %dma_wait3A_77 = tpu.memref_slice %arg3[%add3A_23] : memref<1600000xi32, #tpu.memory_space<hbm>> -> memref<2000xi32, #tpu.memory_space<hbm>>
    tpu.wait_dma2 semaphore(%arg32 : memref<!tpu.dma_semaphore, #tpu.memory_space<semaphore_mem>>) src(%dma_wait3A_77 : memref<2000xi32, #tpu.memory_space<hbm>>) dst(%arg11 : memref<2000xi32, #tpu.memory_space<vmem>>)
    %dma_wait3A_78 = tpu.memref_slice %arg4[%add3A_23] : memref<1600000xi32, #tpu.memory_space<hbm>> -> memref<2000xi32, #tpu.memory_space<hbm>>
    %dma_wait3A_79 = tpu.memref_slice %arg4[%add3A_23] : memref<1600000xi32, #tpu.memory_space<hbm>> -> memref<2000xi32, #tpu.memory_space<hbm>>
    tpu.wait_dma2 semaphore(%arg32 : memref<!tpu.dma_semaphore, #tpu.memory_space<semaphore_mem>>) src(%dma_wait3A_79 : memref<2000xi32, #tpu.memory_space<hbm>>) dst(%arg17 : memref<2000xi32, #tpu.memory_space<vmem>>)
    %dma_wait3A_80 = tpu.memref_slice %arg5[%add3A_23] : memref<1600000xf32, #tpu.memory_space<hbm>> -> memref<2000xf32, #tpu.memory_space<hbm>>
    %dma_wait3A_81 = tpu.memref_slice %arg5[%add3A_23] : memref<1600000xf32, #tpu.memory_space<hbm>> -> memref<2000xf32, #tpu.memory_space<hbm>>
    tpu.wait_dma2 semaphore(%arg32 : memref<!tpu.dma_semaphore, #tpu.memory_space<semaphore_mem>>) src(%dma_wait3A_81 : memref<2000xf32, #tpu.memory_space<hbm>>) dst(%arg23 : memref<2000xf32, #tpu.memory_space<vmem>>)
    %parallel_loop3A_82 = arith.constant 0 : i32
    %parallel_loop3A_83 = arith.constant 125 : i32
    %parallel_loop3A_84 = arith.constant 1 : i32
    scf.for %parallel_loop3A_534 = %parallel_loop3A_82 to %parallel_loop3A_83 step %parallel_loop3A_84  : i32 {
      %parallel_loop3A_535 = arith.constant 16 : i32
      %parallel_loop3A_536 = arith.muli %parallel_loop3A_534, %parallel_loop3A_535 : i32
      %parallel_loop3A_537 = arith.index_cast %parallel_loop3A_536 : i32 to index
      %parallel_loop3A_538 = tpu.vector_load %arg11[%parallel_loop3A_537] {strides = array<i32>} : memref<2000xi32, #tpu.memory_space<vmem>>, vector<16xi32>,
      %parallel_loop3A_539 = arith.constant 50176 : i32
      %parallel_loop3A_540 = vector.broadcast %parallel_loop3A_539 : i32 to vector<16xi32>
      %parallel_loop3A_541 = arith.cmpi sge, %parallel_loop3A_538, %parallel_loop3A_540 : vector<16xi32>
      %parallel_loop3A_542 = arith.constant 50176 : i32
      %parallel_loop3A_543 = vector.broadcast %parallel_loop3A_542 : i32 to vector<16xi32>
      %parallel_loop3A_544 = arith.subi %parallel_loop3A_538, %parallel_loop3A_543 : vector<16xi32>
      %parallel_loop3A_545 = arith.select %parallel_loop3A_541, %parallel_loop3A_544, %parallel_loop3A_538 : vector<16xi1>, vector<16xi32>
      %parallel_loop3A_546 = tpu.vector_load_idx %arg8[%parallel_loop3A_545] : memref<50176xi32, #tpu.memory_space<vmem>>[vector<16xi32>], vector<16xi32>,
      %parallel_loop3A_547 = arith.constant -65536 : i32
      %parallel_loop3A_548 = vector.broadcast %parallel_loop3A_547 : i32 to vector<16xi32>
      %parallel_loop3A_549 = arith.andi %parallel_loop3A_546, %parallel_loop3A_548 : vector<16xi32>
      %parallel_loop3A_550 = arith.constant 16 : i32
      %parallel_loop3A_551 = vector.broadcast %parallel_loop3A_550 : i32 to vector<16xi32>
      %parallel_loop3A_552 = arith.shli %parallel_loop3A_546, %parallel_loop3A_551 : vector<16xi32>
      %parallel_loop3A_553 = arith.select %parallel_loop3A_541, %parallel_loop3A_549, %parallel_loop3A_552 : vector<16xi1>, vector<16xi32>
      %parallel_loop3A_554 = vector.bitcast %parallel_loop3A_553 : vector<16xi32> to vector<16xf32>
      %parallel_loop3A_555 = arith.index_cast %parallel_loop3A_536 : i32 to index
      %parallel_loop3A_556 = tpu.vector_load %arg23[%parallel_loop3A_555] {strides = array<i32>} : memref<2000xf32, #tpu.memory_space<vmem>>, vector<16xf32>,
      %parallel_loop3A_557 = arith.mulf %parallel_loop3A_554, %parallel_loop3A_556 : vector<16xf32>
      %parallel_loop3A_558 = arith.index_cast %parallel_loop3A_536 : i32 to index
      %parallel_loop3A_559 = tpu.vector_load %arg23[%parallel_loop3A_558] {strides = array<i32>} : memref<2000xf32, #tpu.memory_space<vmem>>, vector<16xf32>,
      tpu.vector_store %arg23[%parallel_loop3A_558], %parallel_loop3A_557 {strides = array<i32>} : memref<2000xf32, #tpu.memory_space<vmem>>, vector<16xf32>,
    } {sc.loop_unroll_factor = 8 : i64, sc.parallel_access}
    %dma_start3A_85 = arith.constant 0 : i32
    %dma_start3A_86 = tpu.memref_slice %arg27[%dma_start3A_85] : memref<100352xf32, #tpu.memory_space<vmem_shared>> -> memref<100352xf32, #tpu.memory_space<vmem_shared>>
    tpu.enqueue_indirect_dma source(%arg23 : memref<2000xf32, #tpu.memory_space<vmem>>) target(%dma_start3A_86 : memref<100352xf32, #tpu.memory_space<vmem_shared>>) offsets(%arg17 : memref<2000xi32, #tpu.memory_space<vmem>>) semaphore(%arg38 : memref<!tpu.dma_semaphore, #tpu.memory_space<semaphore_mem>>) {add = true}
    %dma_wait3A_87 = arith.constant 0 : i32
    %dma_wait3A_88 = tpu.memref_slice %arg27[%dma_wait3A_87] : memref<100352xf32, #tpu.memory_space<vmem_shared>> -> memref<100352xf32, #tpu.memory_space<vmem_shared>>
    tpu.wait_indirect_dma semaphore(%arg36 : memref<!tpu.dma_semaphore, #tpu.memory_space<semaphore_mem>>) src(%arg21 : memref<2000xf32, #tpu.memory_space<vmem>>) dst(%dma_wait3A_88 : memref<100352xf32, #tpu.memory_space<vmem_shared>>)
    %add3A_89 = arith.constant 12000 : i32
    %add3A_90 = arith.addi %mul3A_2, %add3A_89 : i32
    %dma_start3A_91 = tpu.memref_slice %arg3[%add3A_90] : memref<1600000xi32, #tpu.memory_space<hbm>> -> memref<2000xi32, #tpu.memory_space<hbm>>
    %dma_start3A_92 = tpu.memref_slice %arg3[%add3A_90] : memref<1600000xi32, #tpu.memory_space<hbm>> -> memref<2000xi32, #tpu.memory_space<hbm>>
    tpu.enqueue_dma source(%dma_start3A_92 : memref<2000xi32, #tpu.memory_space<hbm>>) target(%arg9 : memref<2000xi32, #tpu.memory_space<vmem>>) target_semaphore(%arg30 : memref<!tpu.dma_semaphore, #tpu.memory_space<semaphore_mem>>)
    %dma_start3A_93 = tpu.memref_slice %arg4[%add3A_90] : memref<1600000xi32, #tpu.memory_space<hbm>> -> memref<2000xi32, #tpu.memory_space<hbm>>
    %dma_start3A_94 = tpu.memref_slice %arg4[%add3A_90] : memref<1600000xi32, #tpu.memory_space<hbm>> -> memref<2000xi32, #tpu.memory_space<hbm>>
    tpu.enqueue_dma source(%dma_start3A_94 : memref<2000xi32, #tpu.memory_space<hbm>>) target(%arg15 : memref<2000xi32, #tpu.memory_space<vmem>>) target_semaphore(%arg30 : memref<!tpu.dma_semaphore, #tpu.memory_space<semaphore_mem>>)
    %dma_start3A_95 = tpu.memref_slice %arg5[%add3A_90] : memref<1600000xf32, #tpu.memory_space<hbm>> -> memref<2000xf32, #tpu.memory_space<hbm>>
    %dma_start3A_96 = tpu.memref_slice %arg5[%add3A_90] : memref<1600000xf32, #tpu.memory_space<hbm>> -> memref<2000xf32, #tpu.memory_space<hbm>>
    tpu.enqueue_dma source(%dma_start3A_96 : memref<2000xf32, #tpu.memory_space<hbm>>) target(%arg21 : memref<2000xf32, #tpu.memory_space<vmem>>) target_semaphore(%arg30 : memref<!tpu.dma_semaphore, #tpu.memory_space<semaphore_mem>>)
    %dma_wait3A_97 = tpu.memref_slice %arg3[%add3A_32] : memref<1600000xi32, #tpu.memory_space<hbm>> -> memref<2000xi32, #tpu.memory_space<hbm>>
    %dma_wait3A_98 = tpu.memref_slice %arg3[%add3A_32] : memref<1600000xi32, #tpu.memory_space<hbm>> -> memref<2000xi32, #tpu.memory_space<hbm>>
    tpu.wait_dma2 semaphore(%arg33 : memref<!tpu.dma_semaphore, #tpu.memory_space<semaphore_mem>>) src(%dma_wait3A_98 : memref<2000xi32, #tpu.memory_space<hbm>>) dst(%arg12 : memref<2000xi32, #tpu.memory_space<vmem>>)
    %dma_wait3A_99 = tpu.memref_slice %arg4[%add3A_32] : memref<1600000xi32, #tpu.memory_space<hbm>> -> memref<2000xi32, #tpu.memory_space<hbm>>
    %dma_wait3A_100 = tpu.memref_slice %arg4[%add3A_32] : memref<1600000xi32, #tpu.memory_space<hbm>> -> memref<2000xi32, #tpu.memory_space<hbm>>
    tpu.wait_dma2 semaphore(%arg33 : memref<!tpu.dma_semaphore, #tpu.memory_space<semaphore_mem>>) src(%dma_wait3A_100 : memref<2000xi32, #tpu.memory_space<hbm>>) dst(%arg18 : memref<2000xi32, #tpu.memory_space<vmem>>)
    %dma_wait3A_101 = tpu.memref_slice %arg5[%add3A_32] : memref<1600000xf32, #tpu.memory_space<hbm>> -> memref<2000xf32, #tpu.memory_space<hbm>>
    %dma_wait3A_102 = tpu.memref_slice %arg5[%add3A_32] : memref<1600000xf32, #tpu.memory_space<hbm>> -> memref<2000xf32, #tpu.memory_space<hbm>>
    tpu.wait_dma2 semaphore(%arg33 : memref<!tpu.dma_semaphore, #tpu.memory_space<semaphore_mem>>) src(%dma_wait3A_102 : memref<2000xf32, #tpu.memory_space<hbm>>) dst(%arg24 : memref<2000xf32, #tpu.memory_space<vmem>>)
    %parallel_loop3A_103 = arith.constant 0 : i32
    %parallel_loop3A_104 = arith.constant 125 : i32
    %parallel_loop3A_105 = arith.constant 1 : i32
    scf.for %parallel_loop3A_534 = %parallel_loop3A_103 to %parallel_loop3A_104 step %parallel_loop3A_105  : i32 {
      %parallel_loop3A_535 = arith.constant 16 : i32
      %parallel_loop3A_536 = arith.muli %parallel_loop3A_534, %parallel_loop3A_535 : i32
      %parallel_loop3A_537 = arith.index_cast %parallel_loop3A_536 : i32 to index
      %parallel_loop3A_538 = tpu.vector_load %arg12[%parallel_loop3A_537] {strides = array<i32>} : memref<2000xi32, #tpu.memory_space<vmem>>, vector<16xi32>,
      %parallel_loop3A_539 = arith.constant 50176 : i32
      %parallel_loop3A_540 = vector.broadcast %parallel_loop3A_539 : i32 to vector<16xi32>
      %parallel_loop3A_541 = arith.cmpi sge, %parallel_loop3A_538, %parallel_loop3A_540 : vector<16xi32>
      %parallel_loop3A_542 = arith.constant 50176 : i32
      %parallel_loop3A_543 = vector.broadcast %parallel_loop3A_542 : i32 to vector<16xi32>
      %parallel_loop3A_544 = arith.subi %parallel_loop3A_538, %parallel_loop3A_543 : vector<16xi32>
      %parallel_loop3A_545 = arith.select %parallel_loop3A_541, %parallel_loop3A_544, %parallel_loop3A_538 : vector<16xi1>, vector<16xi32>
      %parallel_loop3A_546 = tpu.vector_load_idx %arg8[%parallel_loop3A_545] : memref<50176xi32, #tpu.memory_space<vmem>>[vector<16xi32>], vector<16xi32>,
      %parallel_loop3A_547 = arith.constant -65536 : i32
      %parallel_loop3A_548 = vector.broadcast %parallel_loop3A_547 : i32 to vector<16xi32>
      %parallel_loop3A_549 = arith.andi %parallel_loop3A_546, %parallel_loop3A_548 : vector<16xi32>
      %parallel_loop3A_550 = arith.constant 16 : i32
      %parallel_loop3A_551 = vector.broadcast %parallel_loop3A_550 : i32 to vector<16xi32>
      %parallel_loop3A_552 = arith.shli %parallel_loop3A_546, %parallel_loop3A_551 : vector<16xi32>
      %parallel_loop3A_553 = arith.select %parallel_loop3A_541, %parallel_loop3A_549, %parallel_loop3A_552 : vector<16xi1>, vector<16xi32>
      %parallel_loop3A_554 = vector.bitcast %parallel_loop3A_553 : vector<16xi32> to vector<16xf32>
      %parallel_loop3A_555 = arith.index_cast %parallel_loop3A_536 : i32 to index
      %parallel_loop3A_556 = tpu.vector_load %arg24[%parallel_loop3A_555] {strides = array<i32>} : memref<2000xf32, #tpu.memory_space<vmem>>, vector<16xf32>,
      %parallel_loop3A_557 = arith.mulf %parallel_loop3A_554, %parallel_loop3A_556 : vector<16xf32>
      %parallel_loop3A_558 = arith.index_cast %parallel_loop3A_536 : i32 to index
      %parallel_loop3A_559 = tpu.vector_load %arg24[%parallel_loop3A_558] {strides = array<i32>} : memref<2000xf32, #tpu.memory_space<vmem>>, vector<16xf32>,
      tpu.vector_store %arg24[%parallel_loop3A_558], %parallel_loop3A_557 {strides = array<i32>} : memref<2000xf32, #tpu.memory_space<vmem>>, vector<16xf32>,
    } {sc.loop_unroll_factor = 8 : i64, sc.parallel_access}
    %dma_start3A_106 = arith.constant 0 : i32
    %dma_start3A_107 = tpu.memref_slice %arg27[%dma_start3A_106] : memref<100352xf32, #tpu.memory_space<vmem_shared>> -> memref<100352xf32, #tpu.memory_space<vmem_shared>>
    tpu.enqueue_indirect_dma source(%arg24 : memref<2000xf32, #tpu.memory_space<vmem>>) target(%dma_start3A_107 : memref<100352xf32, #tpu.memory_space<vmem_shared>>) offsets(%arg18 : memref<2000xi32, #tpu.memory_space<vmem>>) semaphore(%arg39 : memref<!tpu.dma_semaphore, #tpu.memory_space<semaphore_mem>>) {add = true}
    %dma_wait3A_108 = arith.constant 0 : i32
    %dma_wait3A_109 = tpu.memref_slice %arg27[%dma_wait3A_108] : memref<100352xf32, #tpu.memory_space<vmem_shared>> -> memref<100352xf32, #tpu.memory_space<vmem_shared>>
    tpu.wait_indirect_dma semaphore(%arg37 : memref<!tpu.dma_semaphore, #tpu.memory_space<semaphore_mem>>) src(%arg22 : memref<2000xf32, #tpu.memory_space<vmem>>) dst(%dma_wait3A_109 : memref<100352xf32, #tpu.memory_space<vmem_shared>>)
    %add3A_110 = arith.constant 14000 : i32
    %add3A_111 = arith.addi %mul3A_2, %add3A_110 : i32
    %dma_start3A_112 = tpu.memref_slice %arg3[%add3A_111] : memref<1600000xi32, #tpu.memory_space<hbm>> -> memref<2000xi32, #tpu.memory_space<hbm>>
    %dma_start3A_113 = tpu.memref_slice %arg3[%add3A_111] : memref<1600000xi32, #tpu.memory_space<hbm>> -> memref<2000xi32, #tpu.memory_space<hbm>>
    tpu.enqueue_dma source(%dma_start3A_113 : memref<2000xi32, #tpu.memory_space<hbm>>) target(%arg10 : memref<2000xi32, #tpu.memory_space<vmem>>) target_semaphore(%arg31 : memref<!tpu.dma_semaphore, #tpu.memory_space<semaphore_mem>>)
    %dma_start3A_114 = tpu.memref_slice %arg4[%add3A_111] : memref<1600000xi32, #tpu.memory_space<hbm>> -> memref<2000xi32, #tpu.memory_space<hbm>>
    %dma_start3A_115 = tpu.memref_slice %arg4[%add3A_111] : memref<1600000xi32, #tpu.memory_space<hbm>> -> memref<2000xi32, #tpu.memory_space<hbm>>
    tpu.enqueue_dma source(%dma_start3A_115 : memref<2000xi32, #tpu.memory_space<hbm>>) target(%arg16 : memref<2000xi32, #tpu.memory_space<vmem>>) target_semaphore(%arg31 : memref<!tpu.dma_semaphore, #tpu.memory_space<semaphore_mem>>)
    %dma_start3A_116 = tpu.memref_slice %arg5[%add3A_111] : memref<1600000xf32, #tpu.memory_space<hbm>> -> memref<2000xf32, #tpu.memory_space<hbm>>
    %dma_start3A_117 = tpu.memref_slice %arg5[%add3A_111] : memref<1600000xf32, #tpu.memory_space<hbm>> -> memref<2000xf32, #tpu.memory_space<hbm>>
    tpu.enqueue_dma source(%dma_start3A_117 : memref<2000xf32, #tpu.memory_space<hbm>>) target(%arg22 : memref<2000xf32, #tpu.memory_space<vmem>>) target_semaphore(%arg31 : memref<!tpu.dma_semaphore, #tpu.memory_space<semaphore_mem>>)
    %dma_wait3A_118 = tpu.memref_slice %arg3[%add3A_50] : memref<1600000xi32, #tpu.memory_space<hbm>> -> memref<2000xi32, #tpu.memory_space<hbm>>
    %dma_wait3A_119 = tpu.memref_slice %arg3[%add3A_50] : memref<1600000xi32, #tpu.memory_space<hbm>> -> memref<2000xi32, #tpu.memory_space<hbm>>
    tpu.wait_dma2 semaphore(%arg34 : memref<!tpu.dma_semaphore, #tpu.memory_space<semaphore_mem>>) src(%dma_wait3A_119 : memref<2000xi32, #tpu.memory_space<hbm>>) dst(%arg13 : memref<2000xi32, #tpu.memory_space<vmem>>)
    %dma_wait3A_120 = tpu.memref_slice %arg4[%add3A_50] : memref<1600000xi32, #tpu.memory_space<hbm>> -> memref<2000xi32, #tpu.memory_space<hbm>>
    %dma_wait3A_121 = tpu.memref_slice %arg4[%add3A_50] : memref<1600000xi32, #tpu.memory_space<hbm>> -> memref<2000xi32, #tpu.memory_space<hbm>>
    tpu.wait_dma2 semaphore(%arg34 : memref<!tpu.dma_semaphore, #tpu.memory_space<semaphore_mem>>) src(%dma_wait3A_121 : memref<2000xi32, #tpu.memory_space<hbm>>) dst(%arg19 : memref<2000xi32, #tpu.memory_space<vmem>>)
    %dma_wait3A_122 = tpu.memref_slice %arg5[%add3A_50] : memref<1600000xf32, #tpu.memory_space<hbm>> -> memref<2000xf32, #tpu.memory_space<hbm>>
    %dma_wait3A_123 = tpu.memref_slice %arg5[%add3A_50] : memref<1600000xf32, #tpu.memory_space<hbm>> -> memref<2000xf32, #tpu.memory_space<hbm>>
    tpu.wait_dma2 semaphore(%arg34 : memref<!tpu.dma_semaphore, #tpu.memory_space<semaphore_mem>>) src(%dma_wait3A_123 : memref<2000xf32, #tpu.memory_space<hbm>>) dst(%arg25 : memref<2000xf32, #tpu.memory_space<vmem>>)
    %parallel_loop3A_124 = arith.constant 0 : i32
    %parallel_loop3A_125 = arith.constant 125 : i32
    %parallel_loop3A_126 = arith.constant 1 : i32
    scf.for %parallel_loop3A_534 = %parallel_loop3A_124 to %parallel_loop3A_125 step %parallel_loop3A_126  : i32 {
      %parallel_loop3A_535 = arith.constant 16 : i32
      %parallel_loop3A_536 = arith.muli %parallel_loop3A_534, %parallel_loop3A_535 : i32
      %parallel_loop3A_537 = arith.index_cast %parallel_loop3A_536 : i32 to index
      %parallel_loop3A_538 = tpu.vector_load %arg13[%parallel_loop3A_537] {strides = array<i32>} : memref<2000xi32, #tpu.memory_space<vmem>>, vector<16xi32>,
      %parallel_loop3A_539 = arith.constant 50176 : i32
      %parallel_loop3A_540 = vector.broadcast %parallel_loop3A_539 : i32 to vector<16xi32>
      %parallel_loop3A_541 = arith.cmpi sge, %parallel_loop3A_538, %parallel_loop3A_540 : vector<16xi32>
      %parallel_loop3A_542 = arith.constant 50176 : i32
      %parallel_loop3A_543 = vector.broadcast %parallel_loop3A_542 : i32 to vector<16xi32>
      %parallel_loop3A_544 = arith.subi %parallel_loop3A_538, %parallel_loop3A_543 : vector<16xi32>
      %parallel_loop3A_545 = arith.select %parallel_loop3A_541, %parallel_loop3A_544, %parallel_loop3A_538 : vector<16xi1>, vector<16xi32>
      %parallel_loop3A_546 = tpu.vector_load_idx %arg8[%parallel_loop3A_545] : memref<50176xi32, #tpu.memory_space<vmem>>[vector<16xi32>], vector<16xi32>,
      %parallel_loop3A_547 = arith.constant -65536 : i32
      %parallel_loop3A_548 = vector.broadcast %parallel_loop3A_547 : i32 to vector<16xi32>
      %parallel_loop3A_549 = arith.andi %parallel_loop3A_546, %parallel_loop3A_548 : vector<16xi32>
      %parallel_loop3A_550 = arith.constant 16 : i32
      %parallel_loop3A_551 = vector.broadcast %parallel_loop3A_550 : i32 to vector<16xi32>
      %parallel_loop3A_552 = arith.shli %parallel_loop3A_546, %parallel_loop3A_551 : vector<16xi32>
      %parallel_loop3A_553 = arith.select %parallel_loop3A_541, %parallel_loop3A_549, %parallel_loop3A_552 : vector<16xi1>, vector<16xi32>
      %parallel_loop3A_554 = vector.bitcast %parallel_loop3A_553 : vector<16xi32> to vector<16xf32>
      %parallel_loop3A_555 = arith.index_cast %parallel_loop3A_536 : i32 to index
      %parallel_loop3A_556 = tpu.vector_load %arg25[%parallel_loop3A_555] {strides = array<i32>} : memref<2000xf32, #tpu.memory_space<vmem>>, vector<16xf32>,
      %parallel_loop3A_557 = arith.mulf %parallel_loop3A_554, %parallel_loop3A_556 : vector<16xf32>
      %parallel_loop3A_558 = arith.index_cast %parallel_loop3A_536 : i32 to index
      %parallel_loop3A_559 = tpu.vector_load %arg25[%parallel_loop3A_558] {strides = array<i32>} : memref<2000xf32, #tpu.memory_space<vmem>>, vector<16xf32>,
      tpu.vector_store %arg25[%parallel_loop3A_558], %parallel_loop3A_557 {strides = array<i32>} : memref<2000xf32, #tpu.memory_space<vmem>>, vector<16xf32>,
    } {sc.loop_unroll_factor = 8 : i64, sc.parallel_access}
    %dma_start3A_127 = arith.constant 0 : i32
    %dma_start3A_128 = tpu.memref_slice %arg27[%dma_start3A_127] : memref<100352xf32, #tpu.memory_space<vmem_shared>> -> memref<100352xf32, #tpu.memory_space<vmem_shared>>
    tpu.enqueue_indirect_dma source(%arg25 : memref<2000xf32, #tpu.memory_space<vmem>>) target(%dma_start3A_128 : memref<100352xf32, #tpu.memory_space<vmem_shared>>) offsets(%arg19 : memref<2000xi32, #tpu.memory_space<vmem>>) semaphore(%arg40 : memref<!tpu.dma_semaphore, #tpu.memory_space<semaphore_mem>>) {add = true}
    %dma_wait3A_129 = arith.constant 0 : i32
    %dma_wait3A_130 = tpu.memref_slice %arg27[%dma_wait3A_129] : memref<100352xf32, #tpu.memory_space<vmem_shared>> -> memref<100352xf32, #tpu.memory_space<vmem_shared>>
    tpu.wait_indirect_dma semaphore(%arg38 : memref<!tpu.dma_semaphore, #tpu.memory_space<semaphore_mem>>) src(%arg23 : memref<2000xf32, #tpu.memory_space<vmem>>) dst(%dma_wait3A_130 : memref<100352xf32, #tpu.memory_space<vmem_shared>>)
    %add3A_131 = arith.constant 16000 : i32
    %add3A_132 = arith.addi %mul3A_2, %add3A_131 : i32
    %dma_start3A_133 = tpu.memref_slice %arg3[%add3A_132] : memref<1600000xi32, #tpu.memory_space<hbm>> -> memref<2000xi32, #tpu.memory_space<hbm>>
    %dma_start3A_134 = tpu.memref_slice %arg3[%add3A_132] : memref<1600000xi32, #tpu.memory_space<hbm>> -> memref<2000xi32, #tpu.memory_space<hbm>>
    tpu.enqueue_dma source(%dma_start3A_134 : memref<2000xi32, #tpu.memory_space<hbm>>) target(%arg11 : memref<2000xi32, #tpu.memory_space<vmem>>) target_semaphore(%arg32 : memref<!tpu.dma_semaphore, #tpu.memory_space<semaphore_mem>>)
    %dma_start3A_135 = tpu.memref_slice %arg4[%add3A_132] : memref<1600000xi32, #tpu.memory_space<hbm>> -> memref<2000xi32, #tpu.memory_space<hbm>>
    %dma_start3A_136 = tpu.memref_slice %arg4[%add3A_132] : memref<1600000xi32, #tpu.memory_space<hbm>> -> memref<2000xi32, #tpu.memory_space<hbm>>
    tpu.enqueue_dma source(%dma_start3A_136 : memref<2000xi32, #tpu.memory_space<hbm>>) target(%arg17 : memref<2000xi32, #tpu.memory_space<vmem>>) target_semaphore(%arg32 : memref<!tpu.dma_semaphore, #tpu.memory_space<semaphore_mem>>)
    %dma_start3A_137 = tpu.memref_slice %arg5[%add3A_132] : memref<1600000xf32, #tpu.memory_space<hbm>> -> memref<2000xf32, #tpu.memory_space<hbm>>
    %dma_start3A_138 = tpu.memref_slice %arg5[%add3A_132] : memref<1600000xf32, #tpu.memory_space<hbm>> -> memref<2000xf32, #tpu.memory_space<hbm>>
    tpu.enqueue_dma source(%dma_start3A_138 : memref<2000xf32, #tpu.memory_space<hbm>>) target(%arg23 : memref<2000xf32, #tpu.memory_space<vmem>>) target_semaphore(%arg32 : memref<!tpu.dma_semaphore, #tpu.memory_space<semaphore_mem>>)
    %dma_wait3A_139 = tpu.memref_slice %arg3[%add3A_69] : memref<1600000xi32, #tpu.memory_space<hbm>> -> memref<2000xi32, #tpu.memory_space<hbm>>
    %dma_wait3A_140 = tpu.memref_slice %arg3[%add3A_69] : memref<1600000xi32, #tpu.memory_space<hbm>> -> memref<2000xi32, #tpu.memory_space<hbm>>
    tpu.wait_dma2 semaphore(%arg35 : memref<!tpu.dma_semaphore, #tpu.memory_space<semaphore_mem>>) src(%dma_wait3A_140 : memref<2000xi32, #tpu.memory_space<hbm>>) dst(%arg14 : memref<2000xi32, #tpu.memory_space<vmem>>)
    %dma_wait3A_141 = tpu.memref_slice %arg4[%add3A_69] : memref<1600000xi32, #tpu.memory_space<hbm>> -> memref<2000xi32, #tpu.memory_space<hbm>>
    %dma_wait3A_142 = tpu.memref_slice %arg4[%add3A_69] : memref<1600000xi32, #tpu.memory_space<hbm>> -> memref<2000xi32, #tpu.memory_space<hbm>>
    tpu.wait_dma2 semaphore(%arg35 : memref<!tpu.dma_semaphore, #tpu.memory_space<semaphore_mem>>) src(%dma_wait3A_142 : memref<2000xi32, #tpu.memory_space<hbm>>) dst(%arg20 : memref<2000xi32, #tpu.memory_space<vmem>>)
    %dma_wait3A_143 = tpu.memref_slice %arg5[%add3A_69] : memref<1600000xf32, #tpu.memory_space<hbm>> -> memref<2000xf32, #tpu.memory_space<hbm>>
    %dma_wait3A_144 = tpu.memref_slice %arg5[%add3A_69] : memref<1600000xf32, #tpu.memory_space<hbm>> -> memref<2000xf32, #tpu.memory_space<hbm>>
    tpu.wait_dma2 semaphore(%arg35 : memref<!tpu.dma_semaphore, #tpu.memory_space<semaphore_mem>>) src(%dma_wait3A_144 : memref<2000xf32, #tpu.memory_space<hbm>>) dst(%arg26 : memref<2000xf32, #tpu.memory_space<vmem>>)
    %parallel_loop3A_145 = arith.constant 0 : i32
    %parallel_loop3A_146 = arith.constant 125 : i32
    %parallel_loop3A_147 = arith.constant 1 : i32
    scf.for %parallel_loop3A_534 = %parallel_loop3A_145 to %parallel_loop3A_146 step %parallel_loop3A_147  : i32 {
      %parallel_loop3A_535 = arith.constant 16 : i32
      %parallel_loop3A_536 = arith.muli %parallel_loop3A_534, %parallel_loop3A_535 : i32
      %parallel_loop3A_537 = arith.index_cast %parallel_loop3A_536 : i32 to index
      %parallel_loop3A_538 = tpu.vector_load %arg14[%parallel_loop3A_537] {strides = array<i32>} : memref<2000xi32, #tpu.memory_space<vmem>>, vector<16xi32>,
      %parallel_loop3A_539 = arith.constant 50176 : i32
      %parallel_loop3A_540 = vector.broadcast %parallel_loop3A_539 : i32 to vector<16xi32>
      %parallel_loop3A_541 = arith.cmpi sge, %parallel_loop3A_538, %parallel_loop3A_540 : vector<16xi32>
      %parallel_loop3A_542 = arith.constant 50176 : i32
      %parallel_loop3A_543 = vector.broadcast %parallel_loop3A_542 : i32 to vector<16xi32>
      %parallel_loop3A_544 = arith.subi %parallel_loop3A_538, %parallel_loop3A_543 : vector<16xi32>
      %parallel_loop3A_545 = arith.select %parallel_loop3A_541, %parallel_loop3A_544, %parallel_loop3A_538 : vector<16xi1>, vector<16xi32>
      %parallel_loop3A_546 = tpu.vector_load_idx %arg8[%parallel_loop3A_545] : memref<50176xi32, #tpu.memory_space<vmem>>[vector<16xi32>], vector<16xi32>,
      %parallel_loop3A_547 = arith.constant -65536 : i32
      %parallel_loop3A_548 = vector.broadcast %parallel_loop3A_547 : i32 to vector<16xi32>
      %parallel_loop3A_549 = arith.andi %parallel_loop3A_546, %parallel_loop3A_548 : vector<16xi32>
      %parallel_loop3A_550 = arith.constant 16 : i32
      %parallel_loop3A_551 = vector.broadcast %parallel_loop3A_550 : i32 to vector<16xi32>
      %parallel_loop3A_552 = arith.shli %parallel_loop3A_546, %parallel_loop3A_551 : vector<16xi32>
      %parallel_loop3A_553 = arith.select %parallel_loop3A_541, %parallel_loop3A_549, %parallel_loop3A_552 : vector<16xi1>, vector<16xi32>
      %parallel_loop3A_554 = vector.bitcast %parallel_loop3A_553 : vector<16xi32> to vector<16xf32>
      %parallel_loop3A_555 = arith.index_cast %parallel_loop3A_536 : i32 to index
      %parallel_loop3A_556 = tpu.vector_load %arg26[%parallel_loop3A_555] {strides = array<i32>} : memref<2000xf32, #tpu.memory_space<vmem>>, vector<16xf32>,
      %parallel_loop3A_557 = arith.mulf %parallel_loop3A_554, %parallel_loop3A_556 : vector<16xf32>
      %parallel_loop3A_558 = arith.index_cast %parallel_loop3A_536 : i32 to index
      %parallel_loop3A_559 = tpu.vector_load %arg26[%parallel_loop3A_558] {strides = array<i32>} : memref<2000xf32, #tpu.memory_space<vmem>>, vector<16xf32>,
      tpu.vector_store %arg26[%parallel_loop3A_558], %parallel_loop3A_557 {strides = array<i32>} : memref<2000xf32, #tpu.memory_space<vmem>>, vector<16xf32>,
    } {sc.loop_unroll_factor = 8 : i64, sc.parallel_access}
    %dma_start3A_148 = arith.constant 0 : i32
    %dma_start3A_149 = tpu.memref_slice %arg27[%dma_start3A_148] : memref<100352xf32, #tpu.memory_space<vmem_shared>> -> memref<100352xf32, #tpu.memory_space<vmem_shared>>
    tpu.enqueue_indirect_dma source(%arg26 : memref<2000xf32, #tpu.memory_space<vmem>>) target(%dma_start3A_149 : memref<100352xf32, #tpu.memory_space<vmem_shared>>) offsets(%arg20 : memref<2000xi32, #tpu.memory_space<vmem>>) semaphore(%arg41 : memref<!tpu.dma_semaphore, #tpu.memory_space<semaphore_mem>>) {add = true}
    %dma_wait3A_150 = arith.constant 0 : i32
    %dma_wait3A_151 = tpu.memref_slice %arg27[%dma_wait3A_150] : memref<100352xf32, #tpu.memory_space<vmem_shared>> -> memref<100352xf32, #tpu.memory_space<vmem_shared>>
    tpu.wait_indirect_dma semaphore(%arg39 : memref<!tpu.dma_semaphore, #tpu.memory_space<semaphore_mem>>) src(%arg24 : memref<2000xf32, #tpu.memory_space<vmem>>) dst(%dma_wait3A_151 : memref<100352xf32, #tpu.memory_space<vmem_shared>>)
    %add3A_152 = arith.constant 18000 : i32
    %add3A_153 = arith.addi %mul3A_2, %add3A_152 : i32
    %dma_start3A_154 = tpu.memref_slice %arg3[%add3A_153] : memref<1600000xi32, #tpu.memory_space<hbm>> -> memref<2000xi32, #tpu.memory_space<hbm>>
    %dma_start3A_155 = tpu.memref_slice %arg3[%add3A_153] : memref<1600000xi32, #tpu.memory_space<hbm>> -> memref<2000xi32, #tpu.memory_space<hbm>>
    tpu.enqueue_dma source(%dma_start3A_155 : memref<2000xi32, #tpu.memory_space<hbm>>) target(%arg12 : memref<2000xi32, #tpu.memory_space<vmem>>) target_semaphore(%arg33 : memref<!tpu.dma_semaphore, #tpu.memory_space<semaphore_mem>>)
    %dma_start3A_156 = tpu.memref_slice %arg4[%add3A_153] : memref<1600000xi32, #tpu.memory_space<hbm>> -> memref<2000xi32, #tpu.memory_space<hbm>>
    %dma_start3A_157 = tpu.memref_slice %arg4[%add3A_153] : memref<1600000xi32, #tpu.memory_space<hbm>> -> memref<2000xi32, #tpu.memory_space<hbm>>
    tpu.enqueue_dma source(%dma_start3A_157 : memref<2000xi32, #tpu.memory_space<hbm>>) target(%arg18 : memref<2000xi32, #tpu.memory_space<vmem>>) target_semaphore(%arg33 : memref<!tpu.dma_semaphore, #tpu.memory_space<semaphore_mem>>)
    %dma_start3A_158 = tpu.memref_slice %arg5[%add3A_153] : memref<1600000xf32, #tpu.memory_space<hbm>> -> memref<2000xf32, #tpu.memory_space<hbm>>
    %dma_start3A_159 = tpu.memref_slice %arg5[%add3A_153] : memref<1600000xf32, #tpu.memory_space<hbm>> -> memref<2000xf32, #tpu.memory_space<hbm>>
    tpu.enqueue_dma source(%dma_start3A_159 : memref<2000xf32, #tpu.memory_space<hbm>>) target(%arg24 : memref<2000xf32, #tpu.memory_space<vmem>>) target_semaphore(%arg33 : memref<!tpu.dma_semaphore, #tpu.memory_space<semaphore_mem>>)
    %dma_wait3A_160 = tpu.memref_slice %arg3[%add3A_90] : memref<1600000xi32, #tpu.memory_space<hbm>> -> memref<2000xi32, #tpu.memory_space<hbm>>
    %dma_wait3A_161 = tpu.memref_slice %arg3[%add3A_90] : memref<1600000xi32, #tpu.memory_space<hbm>> -> memref<2000xi32, #tpu.memory_space<hbm>>
    tpu.wait_dma2 semaphore(%arg30 : memref<!tpu.dma_semaphore, #tpu.memory_space<semaphore_mem>>) src(%dma_wait3A_161 : memref<2000xi32, #tpu.memory_space<hbm>>) dst(%arg9 : memref<2000xi32, #tpu.memory_space<vmem>>)
    %dma_wait3A_162 = tpu.memref_slice %arg4[%add3A_90] : memref<1600000xi32, #tpu.memory_space<hbm>> -> memref<2000xi32, #tpu.memory_space<hbm>>
    %dma_wait3A_163 = tpu.memref_slice %arg4[%add3A_90] : memref<1600000xi32, #tpu.memory_space<hbm>> -> memref<2000xi32, #tpu.memory_space<hbm>>
    tpu.wait_dma2 semaphore(%arg30 : memref<!tpu.dma_semaphore, #tpu.memory_space<semaphore_mem>>) src(%dma_wait3A_163 : memref<2000xi32, #tpu.memory_space<hbm>>) dst(%arg15 : memref<2000xi32, #tpu.memory_space<vmem>>)
    %dma_wait3A_164 = tpu.memref_slice %arg5[%add3A_90] : memref<1600000xf32, #tpu.memory_space<hbm>> -> memref<2000xf32, #tpu.memory_space<hbm>>
    %dma_wait3A_165 = tpu.memref_slice %arg5[%add3A_90] : memref<1600000xf32, #tpu.memory_space<hbm>> -> memref<2000xf32, #tpu.memory_space<hbm>>
    tpu.wait_dma2 semaphore(%arg30 : memref<!tpu.dma_semaphore, #tpu.memory_space<semaphore_mem>>) src(%dma_wait3A_165 : memref<2000xf32, #tpu.memory_space<hbm>>) dst(%arg21 : memref<2000xf32, #tpu.memory_space<vmem>>)
    %parallel_loop3A_166 = arith.constant 0 : i32
    %parallel_loop3A_167 = arith.constant 125 : i32
    %parallel_loop3A_168 = arith.constant 1 : i32
    scf.for %parallel_loop3A_534 = %parallel_loop3A_166 to %parallel_loop3A_167 step %parallel_loop3A_168  : i32 {
      %parallel_loop3A_535 = arith.constant 16 : i32
      %parallel_loop3A_536 = arith.muli %parallel_loop3A_534, %parallel_loop3A_535 : i32
      %parallel_loop3A_537 = arith.index_cast %parallel_loop3A_536 : i32 to index
      %parallel_loop3A_538 = tpu.vector_load %arg9[%parallel_loop3A_537] {strides = array<i32>} : memref<2000xi32, #tpu.memory_space<vmem>>, vector<16xi32>,
      %parallel_loop3A_539 = arith.constant 50176 : i32
      %parallel_loop3A_540 = vector.broadcast %parallel_loop3A_539 : i32 to vector<16xi32>
      %parallel_loop3A_541 = arith.cmpi sge, %parallel_loop3A_538, %parallel_loop3A_540 : vector<16xi32>
      %parallel_loop3A_542 = arith.constant 50176 : i32
      %parallel_loop3A_543 = vector.broadcast %parallel_loop3A_542 : i32 to vector<16xi32>
      %parallel_loop3A_544 = arith.subi %parallel_loop3A_538, %parallel_loop3A_543 : vector<16xi32>
      %parallel_loop3A_545 = arith.select %parallel_loop3A_541, %parallel_loop3A_544, %parallel_loop3A_538 : vector<16xi1>, vector<16xi32>
      %parallel_loop3A_546 = tpu.vector_load_idx %arg8[%parallel_loop3A_545] : memref<50176xi32, #tpu.memory_space<vmem>>[vector<16xi32>], vector<16xi32>,
      %parallel_loop3A_547 = arith.constant -65536 : i32
      %parallel_loop3A_548 = vector.broadcast %parallel_loop3A_547 : i32 to vector<16xi32>
      %parallel_loop3A_549 = arith.andi %parallel_loop3A_546, %parallel_loop3A_548 : vector<16xi32>
      %parallel_loop3A_550 = arith.constant 16 : i32
      %parallel_loop3A_551 = vector.broadcast %parallel_loop3A_550 : i32 to vector<16xi32>
      %parallel_loop3A_552 = arith.shli %parallel_loop3A_546, %parallel_loop3A_551 : vector<16xi32>
      %parallel_loop3A_553 = arith.select %parallel_loop3A_541, %parallel_loop3A_549, %parallel_loop3A_552 : vector<16xi1>, vector<16xi32>
      %parallel_loop3A_554 = vector.bitcast %parallel_loop3A_553 : vector<16xi32> to vector<16xf32>
      %parallel_loop3A_555 = arith.index_cast %parallel_loop3A_536 : i32 to index
      %parallel_loop3A_556 = tpu.vector_load %arg21[%parallel_loop3A_555] {strides = array<i32>} : memref<2000xf32, #tpu.memory_space<vmem>>, vector<16xf32>,
      %parallel_loop3A_557 = arith.mulf %parallel_loop3A_554, %parallel_loop3A_556 : vector<16xf32>
      %parallel_loop3A_558 = arith.index_cast %parallel_loop3A_536 : i32 to index
      %parallel_loop3A_559 = tpu.vector_load %arg21[%parallel_loop3A_558] {strides = array<i32>} : memref<2000xf32, #tpu.memory_space<vmem>>, vector<16xf32>,
      tpu.vector_store %arg21[%parallel_loop3A_558], %parallel_loop3A_557 {strides = array<i32>} : memref<2000xf32, #tpu.memory_space<vmem>>, vector<16xf32>,
    } {sc.loop_unroll_factor = 8 : i64, sc.parallel_access}
    %dma_start3A_169 = arith.constant 0 : i32
    %dma_start3A_170 = tpu.memref_slice %arg27[%dma_start3A_169] : memref<100352xf32, #tpu.memory_space<vmem_shared>> -> memref<100352xf32, #tpu.memory_space<vmem_shared>>
    tpu.enqueue_indirect_dma source(%arg21 : memref<2000xf32, #tpu.memory_space<vmem>>) target(%dma_start3A_170 : memref<100352xf32, #tpu.memory_space<vmem_shared>>) offsets(%arg15 : memref<2000xi32, #tpu.memory_space<vmem>>) semaphore(%arg36 : memref<!tpu.dma_semaphore, #tpu.memory_space<semaphore_mem>>) {add = true}
    %dma_wait3A_171 = arith.constant 0 : i32
    %dma_wait3A_172 = tpu.memref_slice %arg27[%dma_wait3A_171] : memref<100352xf32, #tpu.memory_space<vmem_shared>> -> memref<100352xf32, #tpu.memory_space<vmem_shared>>
    tpu.wait_indirect_dma semaphore(%arg40 : memref<!tpu.dma_semaphore, #tpu.memory_space<semaphore_mem>>) src(%arg25 : memref<2000xf32, #tpu.memory_space<vmem>>) dst(%dma_wait3A_172 : memref<100352xf32, #tpu.memory_space<vmem_shared>>)
    %add3A_173 = arith.constant 20000 : i32
    %add3A_174 = arith.addi %mul3A_2, %add3A_173 : i32
    %dma_start3A_175 = tpu.memref_slice %arg3[%add3A_174] : memref<1600000xi32, #tpu.memory_space<hbm>> -> memref<2000xi32, #tpu.memory_space<hbm>>
    %dma_start3A_176 = tpu.memref_slice %arg3[%add3A_174] : memref<1600000xi32, #tpu.memory_space<hbm>> -> memref<2000xi32, #tpu.memory_space<hbm>>
    tpu.enqueue_dma source(%dma_start3A_176 : memref<2000xi32, #tpu.memory_space<hbm>>) target(%arg13 : memref<2000xi32, #tpu.memory_space<vmem>>) target_semaphore(%arg34 : memref<!tpu.dma_semaphore, #tpu.memory_space<semaphore_mem>>)
    %dma_start3A_177 = tpu.memref_slice %arg4[%add3A_174] : memref<1600000xi32, #tpu.memory_space<hbm>> -> memref<2000xi32, #tpu.memory_space<hbm>>
    %dma_start3A_178 = tpu.memref_slice %arg4[%add3A_174] : memref<1600000xi32, #tpu.memory_space<hbm>> -> memref<2000xi32, #tpu.memory_space<hbm>>
    tpu.enqueue_dma source(%dma_start3A_178 : memref<2000xi32, #tpu.memory_space<hbm>>) target(%arg19 : memref<2000xi32, #tpu.memory_space<vmem>>) target_semaphore(%arg34 : memref<!tpu.dma_semaphore, #tpu.memory_space<semaphore_mem>>)
    %dma_start3A_179 = tpu.memref_slice %arg5[%add3A_174] : memref<1600000xf32, #tpu.memory_space<hbm>> -> memref<2000xf32, #tpu.memory_space<hbm>>
    %dma_start3A_180 = tpu.memref_slice %arg5[%add3A_174] : memref<1600000xf32, #tpu.memory_space<hbm>> -> memref<2000xf32, #tpu.memory_space<hbm>>
    tpu.enqueue_dma source(%dma_start3A_180 : memref<2000xf32, #tpu.memory_space<hbm>>) target(%arg25 : memref<2000xf32, #tpu.memory_space<vmem>>) target_semaphore(%arg34 : memref<!tpu.dma_semaphore, #tpu.memory_space<semaphore_mem>>)
    %dma_wait3A_181 = tpu.memref_slice %arg3[%add3A_111] : memref<1600000xi32, #tpu.memory_space<hbm>> -> memref<2000xi32, #tpu.memory_space<hbm>>
    %dma_wait3A_182 = tpu.memref_slice %arg3[%add3A_111] : memref<1600000xi32, #tpu.memory_space<hbm>> -> memref<2000xi32, #tpu.memory_space<hbm>>
    tpu.wait_dma2 semaphore(%arg31 : memref<!tpu.dma_semaphore, #tpu.memory_space<semaphore_mem>>) src(%dma_wait3A_182 : memref<2000xi32, #tpu.memory_space<hbm>>) dst(%arg10 : memref<2000xi32, #tpu.memory_space<vmem>>)
    %dma_wait3A_183 = tpu.memref_slice %arg4[%add3A_111] : memref<1600000xi32, #tpu.memory_space<hbm>> -> memref<2000xi32, #tpu.memory_space<hbm>>
    %dma_wait3A_184 = tpu.memref_slice %arg4[%add3A_111] : memref<1600000xi32, #tpu.memory_space<hbm>> -> memref<2000xi32, #tpu.memory_space<hbm>>
    tpu.wait_dma2 semaphore(%arg31 : memref<!tpu.dma_semaphore, #tpu.memory_space<semaphore_mem>>) src(%dma_wait3A_184 : memref<2000xi32, #tpu.memory_space<hbm>>) dst(%arg16 : memref<2000xi32, #tpu.memory_space<vmem>>)
    %dma_wait3A_185 = tpu.memref_slice %arg5[%add3A_111] : memref<1600000xf32, #tpu.memory_space<hbm>> -> memref<2000xf32, #tpu.memory_space<hbm>>
    %dma_wait3A_186 = tpu.memref_slice %arg5[%add3A_111] : memref<1600000xf32, #tpu.memory_space<hbm>> -> memref<2000xf32, #tpu.memory_space<hbm>>
    tpu.wait_dma2 semaphore(%arg31 : memref<!tpu.dma_semaphore, #tpu.memory_space<semaphore_mem>>) src(%dma_wait3A_186 : memref<2000xf32, #tpu.memory_space<hbm>>) dst(%arg22 : memref<2000xf32, #tpu.memory_space<vmem>>)
    %parallel_loop3A_187 = arith.constant 0 : i32
    %parallel_loop3A_188 = arith.constant 125 : i32
    %parallel_loop3A_189 = arith.constant 1 : i32
    scf.for %parallel_loop3A_534 = %parallel_loop3A_187 to %parallel_loop3A_188 step %parallel_loop3A_189  : i32 {
      %parallel_loop3A_535 = arith.constant 16 : i32
      %parallel_loop3A_536 = arith.muli %parallel_loop3A_534, %parallel_loop3A_535 : i32
      %parallel_loop3A_537 = arith.index_cast %parallel_loop3A_536 : i32 to index
      %parallel_loop3A_538 = tpu.vector_load %arg10[%parallel_loop3A_537] {strides = array<i32>} : memref<2000xi32, #tpu.memory_space<vmem>>, vector<16xi32>,
      %parallel_loop3A_539 = arith.constant 50176 : i32
      %parallel_loop3A_540 = vector.broadcast %parallel_loop3A_539 : i32 to vector<16xi32>
      %parallel_loop3A_541 = arith.cmpi sge, %parallel_loop3A_538, %parallel_loop3A_540 : vector<16xi32>
      %parallel_loop3A_542 = arith.constant 50176 : i32
      %parallel_loop3A_543 = vector.broadcast %parallel_loop3A_542 : i32 to vector<16xi32>
      %parallel_loop3A_544 = arith.subi %parallel_loop3A_538, %parallel_loop3A_543 : vector<16xi32>
      %parallel_loop3A_545 = arith.select %parallel_loop3A_541, %parallel_loop3A_544, %parallel_loop3A_538 : vector<16xi1>, vector<16xi32>
      %parallel_loop3A_546 = tpu.vector_load_idx %arg8[%parallel_loop3A_545] : memref<50176xi32, #tpu.memory_space<vmem>>[vector<16xi32>], vector<16xi32>,
      %parallel_loop3A_547 = arith.constant -65536 : i32
      %parallel_loop3A_548 = vector.broadcast %parallel_loop3A_547 : i32 to vector<16xi32>
      %parallel_loop3A_549 = arith.andi %parallel_loop3A_546, %parallel_loop3A_548 : vector<16xi32>
      %parallel_loop3A_550 = arith.constant 16 : i32
      %parallel_loop3A_551 = vector.broadcast %parallel_loop3A_550 : i32 to vector<16xi32>
      %parallel_loop3A_552 = arith.shli %parallel_loop3A_546, %parallel_loop3A_551 : vector<16xi32>
      %parallel_loop3A_553 = arith.select %parallel_loop3A_541, %parallel_loop3A_549, %parallel_loop3A_552 : vector<16xi1>, vector<16xi32>
      %parallel_loop3A_554 = vector.bitcast %parallel_loop3A_553 : vector<16xi32> to vector<16xf32>
      %parallel_loop3A_555 = arith.index_cast %parallel_loop3A_536 : i32 to index
      %parallel_loop3A_556 = tpu.vector_load %arg22[%parallel_loop3A_555] {strides = array<i32>} : memref<2000xf32, #tpu.memory_space<vmem>>, vector<16xf32>,
      %parallel_loop3A_557 = arith.mulf %parallel_loop3A_554, %parallel_loop3A_556 : vector<16xf32>
      %parallel_loop3A_558 = arith.index_cast %parallel_loop3A_536 : i32 to index
      %parallel_loop3A_559 = tpu.vector_load %arg22[%parallel_loop3A_558] {strides = array<i32>} : memref<2000xf32, #tpu.memory_space<vmem>>, vector<16xf32>,
      tpu.vector_store %arg22[%parallel_loop3A_558], %parallel_loop3A_557 {strides = array<i32>} : memref<2000xf32, #tpu.memory_space<vmem>>, vector<16xf32>,
    } {sc.loop_unroll_factor = 8 : i64, sc.parallel_access}
    %dma_start3A_190 = arith.constant 0 : i32
    %dma_start3A_191 = tpu.memref_slice %arg27[%dma_start3A_190] : memref<100352xf32, #tpu.memory_space<vmem_shared>> -> memref<100352xf32, #tpu.memory_space<vmem_shared>>
    tpu.enqueue_indirect_dma source(%arg22 : memref<2000xf32, #tpu.memory_space<vmem>>) target(%dma_start3A_191 : memref<100352xf32, #tpu.memory_space<vmem_shared>>) offsets(%arg16 : memref<2000xi32, #tpu.memory_space<vmem>>) semaphore(%arg37 : memref<!tpu.dma_semaphore, #tpu.memory_space<semaphore_mem>>) {add = true}
    %dma_wait3A_192 = arith.constant 0 : i32
    %dma_wait3A_193 = tpu.memref_slice %arg27[%dma_wait3A_192] : memref<100352xf32, #tpu.memory_space<vmem_shared>> -> memref<100352xf32, #tpu.memory_space<vmem_shared>>
    tpu.wait_indirect_dma semaphore(%arg41 : memref<!tpu.dma_semaphore, #tpu.memory_space<semaphore_mem>>) src(%arg26 : memref<2000xf32, #tpu.memory_space<vmem>>) dst(%dma_wait3A_193 : memref<100352xf32, #tpu.memory_space<vmem_shared>>)
    %add3A_194 = arith.constant 22000 : i32
    %add3A_195 = arith.addi %mul3A_2, %add3A_194 : i32
    %dma_start3A_196 = tpu.memref_slice %arg3[%add3A_195] : memref<1600000xi32, #tpu.memory_space<hbm>> -> memref<2000xi32, #tpu.memory_space<hbm>>
    %dma_start3A_197 = tpu.memref_slice %arg3[%add3A_195] : memref<1600000xi32, #tpu.memory_space<hbm>> -> memref<2000xi32, #tpu.memory_space<hbm>>
    tpu.enqueue_dma source(%dma_start3A_197 : memref<2000xi32, #tpu.memory_space<hbm>>) target(%arg14 : memref<2000xi32, #tpu.memory_space<vmem>>) target_semaphore(%arg35 : memref<!tpu.dma_semaphore, #tpu.memory_space<semaphore_mem>>)
    %dma_start3A_198 = tpu.memref_slice %arg4[%add3A_195] : memref<1600000xi32, #tpu.memory_space<hbm>> -> memref<2000xi32, #tpu.memory_space<hbm>>
    %dma_start3A_199 = tpu.memref_slice %arg4[%add3A_195] : memref<1600000xi32, #tpu.memory_space<hbm>> -> memref<2000xi32, #tpu.memory_space<hbm>>
    tpu.enqueue_dma source(%dma_start3A_199 : memref<2000xi32, #tpu.memory_space<hbm>>) target(%arg20 : memref<2000xi32, #tpu.memory_space<vmem>>) target_semaphore(%arg35 : memref<!tpu.dma_semaphore, #tpu.memory_space<semaphore_mem>>)
    %dma_start3A_200 = tpu.memref_slice %arg5[%add3A_195] : memref<1600000xf32, #tpu.memory_space<hbm>> -> memref<2000xf32, #tpu.memory_space<hbm>>
    %dma_start3A_201 = tpu.memref_slice %arg5[%add3A_195] : memref<1600000xf32, #tpu.memory_space<hbm>> -> memref<2000xf32, #tpu.memory_space<hbm>>
    tpu.enqueue_dma source(%dma_start3A_201 : memref<2000xf32, #tpu.memory_space<hbm>>) target(%arg26 : memref<2000xf32, #tpu.memory_space<vmem>>) target_semaphore(%arg35 : memref<!tpu.dma_semaphore, #tpu.memory_space<semaphore_mem>>)
    %dma_wait3A_202 = tpu.memref_slice %arg3[%add3A_132] : memref<1600000xi32, #tpu.memory_space<hbm>> -> memref<2000xi32, #tpu.memory_space<hbm>>
    %dma_wait3A_203 = tpu.memref_slice %arg3[%add3A_132] : memref<1600000xi32, #tpu.memory_space<hbm>> -> memref<2000xi32, #tpu.memory_space<hbm>>
    tpu.wait_dma2 semaphore(%arg32 : memref<!tpu.dma_semaphore, #tpu.memory_space<semaphore_mem>>) src(%dma_wait3A_203 : memref<2000xi32, #tpu.memory_space<hbm>>) dst(%arg11 : memref<2000xi32, #tpu.memory_space<vmem>>)
    %dma_wait3A_204 = tpu.memref_slice %arg4[%add3A_132] : memref<1600000xi32, #tpu.memory_space<hbm>> -> memref<2000xi32, #tpu.memory_space<hbm>>
    %dma_wait3A_205 = tpu.memref_slice %arg4[%add3A_132] : memref<1600000xi32, #tpu.memory_space<hbm>> -> memref<2000xi32, #tpu.memory_space<hbm>>
    tpu.wait_dma2 semaphore(%arg32 : memref<!tpu.dma_semaphore, #tpu.memory_space<semaphore_mem>>) src(%dma_wait3A_205 : memref<2000xi32, #tpu.memory_space<hbm>>) dst(%arg17 : memref<2000xi32, #tpu.memory_space<vmem>>)
    %dma_wait3A_206 = tpu.memref_slice %arg5[%add3A_132] : memref<1600000xf32, #tpu.memory_space<hbm>> -> memref<2000xf32, #tpu.memory_space<hbm>>
    %dma_wait3A_207 = tpu.memref_slice %arg5[%add3A_132] : memref<1600000xf32, #tpu.memory_space<hbm>> -> memref<2000xf32, #tpu.memory_space<hbm>>
    tpu.wait_dma2 semaphore(%arg32 : memref<!tpu.dma_semaphore, #tpu.memory_space<semaphore_mem>>) src(%dma_wait3A_207 : memref<2000xf32, #tpu.memory_space<hbm>>) dst(%arg23 : memref<2000xf32, #tpu.memory_space<vmem>>)
    %parallel_loop3A_208 = arith.constant 0 : i32
    %parallel_loop3A_209 = arith.constant 125 : i32
    %parallel_loop3A_210 = arith.constant 1 : i32
    scf.for %parallel_loop3A_534 = %parallel_loop3A_208 to %parallel_loop3A_209 step %parallel_loop3A_210  : i32 {
      %parallel_loop3A_535 = arith.constant 16 : i32
      %parallel_loop3A_536 = arith.muli %parallel_loop3A_534, %parallel_loop3A_535 : i32
      %parallel_loop3A_537 = arith.index_cast %parallel_loop3A_536 : i32 to index
      %parallel_loop3A_538 = tpu.vector_load %arg11[%parallel_loop3A_537] {strides = array<i32>} : memref<2000xi32, #tpu.memory_space<vmem>>, vector<16xi32>,
      %parallel_loop3A_539 = arith.constant 50176 : i32
      %parallel_loop3A_540 = vector.broadcast %parallel_loop3A_539 : i32 to vector<16xi32>
      %parallel_loop3A_541 = arith.cmpi sge, %parallel_loop3A_538, %parallel_loop3A_540 : vector<16xi32>
      %parallel_loop3A_542 = arith.constant 50176 : i32
      %parallel_loop3A_543 = vector.broadcast %parallel_loop3A_542 : i32 to vector<16xi32>
      %parallel_loop3A_544 = arith.subi %parallel_loop3A_538, %parallel_loop3A_543 : vector<16xi32>
      %parallel_loop3A_545 = arith.select %parallel_loop3A_541, %parallel_loop3A_544, %parallel_loop3A_538 : vector<16xi1>, vector<16xi32>
      %parallel_loop3A_546 = tpu.vector_load_idx %arg8[%parallel_loop3A_545] : memref<50176xi32, #tpu.memory_space<vmem>>[vector<16xi32>], vector<16xi32>,
      %parallel_loop3A_547 = arith.constant -65536 : i32
      %parallel_loop3A_548 = vector.broadcast %parallel_loop3A_547 : i32 to vector<16xi32>
      %parallel_loop3A_549 = arith.andi %parallel_loop3A_546, %parallel_loop3A_548 : vector<16xi32>
      %parallel_loop3A_550 = arith.constant 16 : i32
      %parallel_loop3A_551 = vector.broadcast %parallel_loop3A_550 : i32 to vector<16xi32>
      %parallel_loop3A_552 = arith.shli %parallel_loop3A_546, %parallel_loop3A_551 : vector<16xi32>
      %parallel_loop3A_553 = arith.select %parallel_loop3A_541, %parallel_loop3A_549, %parallel_loop3A_552 : vector<16xi1>, vector<16xi32>
      %parallel_loop3A_554 = vector.bitcast %parallel_loop3A_553 : vector<16xi32> to vector<16xf32>
      %parallel_loop3A_555 = arith.index_cast %parallel_loop3A_536 : i32 to index
      %parallel_loop3A_556 = tpu.vector_load %arg23[%parallel_loop3A_555] {strides = array<i32>} : memref<2000xf32, #tpu.memory_space<vmem>>, vector<16xf32>,
      %parallel_loop3A_557 = arith.mulf %parallel_loop3A_554, %parallel_loop3A_556 : vector<16xf32>
      %parallel_loop3A_558 = arith.index_cast %parallel_loop3A_536 : i32 to index
      %parallel_loop3A_559 = tpu.vector_load %arg23[%parallel_loop3A_558] {strides = array<i32>} : memref<2000xf32, #tpu.memory_space<vmem>>, vector<16xf32>,
      tpu.vector_store %arg23[%parallel_loop3A_558], %parallel_loop3A_557 {strides = array<i32>} : memref<2000xf32, #tpu.memory_space<vmem>>, vector<16xf32>,
    } {sc.loop_unroll_factor = 8 : i64, sc.parallel_access}
    %dma_start3A_211 = arith.constant 0 : i32
    %dma_start3A_212 = tpu.memref_slice %arg27[%dma_start3A_211] : memref<100352xf32, #tpu.memory_space<vmem_shared>> -> memref<100352xf32, #tpu.memory_space<vmem_shared>>
    tpu.enqueue_indirect_dma source(%arg23 : memref<2000xf32, #tpu.memory_space<vmem>>) target(%dma_start3A_212 : memref<100352xf32, #tpu.memory_space<vmem_shared>>) offsets(%arg17 : memref<2000xi32, #tpu.memory_space<vmem>>) semaphore(%arg38 : memref<!tpu.dma_semaphore, #tpu.memory_space<semaphore_mem>>) {add = true}
    %dma_wait3A_213 = arith.constant 0 : i32
    %dma_wait3A_214 = tpu.memref_slice %arg27[%dma_wait3A_213] : memref<100352xf32, #tpu.memory_space<vmem_shared>> -> memref<100352xf32, #tpu.memory_space<vmem_shared>>
    tpu.wait_indirect_dma semaphore(%arg36 : memref<!tpu.dma_semaphore, #tpu.memory_space<semaphore_mem>>) src(%arg21 : memref<2000xf32, #tpu.memory_space<vmem>>) dst(%dma_wait3A_214 : memref<100352xf32, #tpu.memory_space<vmem_shared>>)
    %add3A_215 = arith.constant 24000 : i32
    %add3A_216 = arith.addi %mul3A_2, %add3A_215 : i32
    %dma_start3A_217 = tpu.memref_slice %arg3[%add3A_216] : memref<1600000xi32, #tpu.memory_space<hbm>> -> memref<2000xi32, #tpu.memory_space<hbm>>
    %dma_start3A_218 = tpu.memref_slice %arg3[%add3A_216] : memref<1600000xi32, #tpu.memory_space<hbm>> -> memref<2000xi32, #tpu.memory_space<hbm>>
    tpu.enqueue_dma source(%dma_start3A_218 : memref<2000xi32, #tpu.memory_space<hbm>>) target(%arg9 : memref<2000xi32, #tpu.memory_space<vmem>>) target_semaphore(%arg30 : memref<!tpu.dma_semaphore, #tpu.memory_space<semaphore_mem>>)
    %dma_start3A_219 = tpu.memref_slice %arg4[%add3A_216] : memref<1600000xi32, #tpu.memory_space<hbm>> -> memref<2000xi32, #tpu.memory_space<hbm>>
    %dma_start3A_220 = tpu.memref_slice %arg4[%add3A_216] : memref<1600000xi32, #tpu.memory_space<hbm>> -> memref<2000xi32, #tpu.memory_space<hbm>>
    tpu.enqueue_dma source(%dma_start3A_220 : memref<2000xi32, #tpu.memory_space<hbm>>) target(%arg15 : memref<2000xi32, #tpu.memory_space<vmem>>) target_semaphore(%arg30 : memref<!tpu.dma_semaphore, #tpu.memory_space<semaphore_mem>>)
    %dma_start3A_221 = tpu.memref_slice %arg5[%add3A_216] : memref<1600000xf32, #tpu.memory_space<hbm>> -> memref<2000xf32, #tpu.memory_space<hbm>>
    %dma_start3A_222 = tpu.memref_slice %arg5[%add3A_216] : memref<1600000xf32, #tpu.memory_space<hbm>> -> memref<2000xf32, #tpu.memory_space<hbm>>
    tpu.enqueue_dma source(%dma_start3A_222 : memref<2000xf32, #tpu.memory_space<hbm>>) target(%arg21 : memref<2000xf32, #tpu.memory_space<vmem>>) target_semaphore(%arg30 : memref<!tpu.dma_semaphore, #tpu.memory_space<semaphore_mem>>)
    %dma_wait3A_223 = tpu.memref_slice %arg3[%add3A_153] : memref<1600000xi32, #tpu.memory_space<hbm>> -> memref<2000xi32, #tpu.memory_space<hbm>>
    %dma_wait3A_224 = tpu.memref_slice %arg3[%add3A_153] : memref<1600000xi32, #tpu.memory_space<hbm>> -> memref<2000xi32, #tpu.memory_space<hbm>>
    tpu.wait_dma2 semaphore(%arg33 : memref<!tpu.dma_semaphore, #tpu.memory_space<semaphore_mem>>) src(%dma_wait3A_224 : memref<2000xi32, #tpu.memory_space<hbm>>) dst(%arg12 : memref<2000xi32, #tpu.memory_space<vmem>>)
    %dma_wait3A_225 = tpu.memref_slice %arg4[%add3A_153] : memref<1600000xi32, #tpu.memory_space<hbm>> -> memref<2000xi32, #tpu.memory_space<hbm>>
    %dma_wait3A_226 = tpu.memref_slice %arg4[%add3A_153] : memref<1600000xi32, #tpu.memory_space<hbm>> -> memref<2000xi32, #tpu.memory_space<hbm>>
    tpu.wait_dma2 semaphore(%arg33 : memref<!tpu.dma_semaphore, #tpu.memory_space<semaphore_mem>>) src(%dma_wait3A_226 : memref<2000xi32, #tpu.memory_space<hbm>>) dst(%arg18 : memref<2000xi32, #tpu.memory_space<vmem>>)
    %dma_wait3A_227 = tpu.memref_slice %arg5[%add3A_153] : memref<1600000xf32, #tpu.memory_space<hbm>> -> memref<2000xf32, #tpu.memory_space<hbm>>
    %dma_wait3A_228 = tpu.memref_slice %arg5[%add3A_153] : memref<1600000xf32, #tpu.memory_space<hbm>> -> memref<2000xf32, #tpu.memory_space<hbm>>
    tpu.wait_dma2 semaphore(%arg33 : memref<!tpu.dma_semaphore, #tpu.memory_space<semaphore_mem>>) src(%dma_wait3A_228 : memref<2000xf32, #tpu.memory_space<hbm>>) dst(%arg24 : memref<2000xf32, #tpu.memory_space<vmem>>)
    %parallel_loop3A_229 = arith.constant 0 : i32
    %parallel_loop3A_230 = arith.constant 125 : i32
    %parallel_loop3A_231 = arith.constant 1 : i32
    scf.for %parallel_loop3A_534 = %parallel_loop3A_229 to %parallel_loop3A_230 step %parallel_loop3A_231  : i32 {
      %parallel_loop3A_535 = arith.constant 16 : i32
      %parallel_loop3A_536 = arith.muli %parallel_loop3A_534, %parallel_loop3A_535 : i32
      %parallel_loop3A_537 = arith.index_cast %parallel_loop3A_536 : i32 to index
      %parallel_loop3A_538 = tpu.vector_load %arg12[%parallel_loop3A_537] {strides = array<i32>} : memref<2000xi32, #tpu.memory_space<vmem>>, vector<16xi32>,
      %parallel_loop3A_539 = arith.constant 50176 : i32
      %parallel_loop3A_540 = vector.broadcast %parallel_loop3A_539 : i32 to vector<16xi32>
      %parallel_loop3A_541 = arith.cmpi sge, %parallel_loop3A_538, %parallel_loop3A_540 : vector<16xi32>
      %parallel_loop3A_542 = arith.constant 50176 : i32
      %parallel_loop3A_543 = vector.broadcast %parallel_loop3A_542 : i32 to vector<16xi32>
      %parallel_loop3A_544 = arith.subi %parallel_loop3A_538, %parallel_loop3A_543 : vector<16xi32>
      %parallel_loop3A_545 = arith.select %parallel_loop3A_541, %parallel_loop3A_544, %parallel_loop3A_538 : vector<16xi1>, vector<16xi32>
      %parallel_loop3A_546 = tpu.vector_load_idx %arg8[%parallel_loop3A_545] : memref<50176xi32, #tpu.memory_space<vmem>>[vector<16xi32>], vector<16xi32>,
      %parallel_loop3A_547 = arith.constant -65536 : i32
      %parallel_loop3A_548 = vector.broadcast %parallel_loop3A_547 : i32 to vector<16xi32>
      %parallel_loop3A_549 = arith.andi %parallel_loop3A_546, %parallel_loop3A_548 : vector<16xi32>
      %parallel_loop3A_550 = arith.constant 16 : i32
      %parallel_loop3A_551 = vector.broadcast %parallel_loop3A_550 : i32 to vector<16xi32>
      %parallel_loop3A_552 = arith.shli %parallel_loop3A_546, %parallel_loop3A_551 : vector<16xi32>
      %parallel_loop3A_553 = arith.select %parallel_loop3A_541, %parallel_loop3A_549, %parallel_loop3A_552 : vector<16xi1>, vector<16xi32>
      %parallel_loop3A_554 = vector.bitcast %parallel_loop3A_553 : vector<16xi32> to vector<16xf32>
      %parallel_loop3A_555 = arith.index_cast %parallel_loop3A_536 : i32 to index
      %parallel_loop3A_556 = tpu.vector_load %arg24[%parallel_loop3A_555] {strides = array<i32>} : memref<2000xf32, #tpu.memory_space<vmem>>, vector<16xf32>,
      %parallel_loop3A_557 = arith.mulf %parallel_loop3A_554, %parallel_loop3A_556 : vector<16xf32>
      %parallel_loop3A_558 = arith.index_cast %parallel_loop3A_536 : i32 to index
      %parallel_loop3A_559 = tpu.vector_load %arg24[%parallel_loop3A_558] {strides = array<i32>} : memref<2000xf32, #tpu.memory_space<vmem>>, vector<16xf32>,
      tpu.vector_store %arg24[%parallel_loop3A_558], %parallel_loop3A_557 {strides = array<i32>} : memref<2000xf32, #tpu.memory_space<vmem>>, vector<16xf32>,
    } {sc.loop_unroll_factor = 8 : i64, sc.parallel_access}
    %dma_start3A_232 = arith.constant 0 : i32
    %dma_start3A_233 = tpu.memref_slice %arg27[%dma_start3A_232] : memref<100352xf32, #tpu.memory_space<vmem_shared>> -> memref<100352xf32, #tpu.memory_space<vmem_shared>>
    tpu.enqueue_indirect_dma source(%arg24 : memref<2000xf32, #tpu.memory_space<vmem>>) target(%dma_start3A_233 : memref<100352xf32, #tpu.memory_space<vmem_shared>>) offsets(%arg18 : memref<2000xi32, #tpu.memory_space<vmem>>) semaphore(%arg39 : memref<!tpu.dma_semaphore, #tpu.memory_space<semaphore_mem>>) {add = true}
    %dma_wait3A_234 = arith.constant 0 : i32
    %dma_wait3A_235 = tpu.memref_slice %arg27[%dma_wait3A_234] : memref<100352xf32, #tpu.memory_space<vmem_shared>> -> memref<100352xf32, #tpu.memory_space<vmem_shared>>
    tpu.wait_indirect_dma semaphore(%arg37 : memref<!tpu.dma_semaphore, #tpu.memory_space<semaphore_mem>>) src(%arg22 : memref<2000xf32, #tpu.memory_space<vmem>>) dst(%dma_wait3A_235 : memref<100352xf32, #tpu.memory_space<vmem_shared>>)
    %add3A_236 = arith.constant 26000 : i32
    %add3A_237 = arith.addi %mul3A_2, %add3A_236 : i32
    %dma_start3A_238 = tpu.memref_slice %arg3[%add3A_237] : memref<1600000xi32, #tpu.memory_space<hbm>> -> memref<2000xi32, #tpu.memory_space<hbm>>
    %dma_start3A_239 = tpu.memref_slice %arg3[%add3A_237] : memref<1600000xi32, #tpu.memory_space<hbm>> -> memref<2000xi32, #tpu.memory_space<hbm>>
    tpu.enqueue_dma source(%dma_start3A_239 : memref<2000xi32, #tpu.memory_space<hbm>>) target(%arg10 : memref<2000xi32, #tpu.memory_space<vmem>>) target_semaphore(%arg31 : memref<!tpu.dma_semaphore, #tpu.memory_space<semaphore_mem>>)
    %dma_start3A_240 = tpu.memref_slice %arg4[%add3A_237] : memref<1600000xi32, #tpu.memory_space<hbm>> -> memref<2000xi32, #tpu.memory_space<hbm>>
    %dma_start3A_241 = tpu.memref_slice %arg4[%add3A_237] : memref<1600000xi32, #tpu.memory_space<hbm>> -> memref<2000xi32, #tpu.memory_space<hbm>>
    tpu.enqueue_dma source(%dma_start3A_241 : memref<2000xi32, #tpu.memory_space<hbm>>) target(%arg16 : memref<2000xi32, #tpu.memory_space<vmem>>) target_semaphore(%arg31 : memref<!tpu.dma_semaphore, #tpu.memory_space<semaphore_mem>>)
    %dma_start3A_242 = tpu.memref_slice %arg5[%add3A_237] : memref<1600000xf32, #tpu.memory_space<hbm>> -> memref<2000xf32, #tpu.memory_space<hbm>>
    %dma_start3A_243 = tpu.memref_slice %arg5[%add3A_237] : memref<1600000xf32, #tpu.memory_space<hbm>> -> memref<2000xf32, #tpu.memory_space<hbm>>
    tpu.enqueue_dma source(%dma_start3A_243 : memref<2000xf32, #tpu.memory_space<hbm>>) target(%arg22 : memref<2000xf32, #tpu.memory_space<vmem>>) target_semaphore(%arg31 : memref<!tpu.dma_semaphore, #tpu.memory_space<semaphore_mem>>)
    %dma_wait3A_244 = tpu.memref_slice %arg3[%add3A_174] : memref<1600000xi32, #tpu.memory_space<hbm>> -> memref<2000xi32, #tpu.memory_space<hbm>>
    %dma_wait3A_245 = tpu.memref_slice %arg3[%add3A_174] : memref<1600000xi32, #tpu.memory_space<hbm>> -> memref<2000xi32, #tpu.memory_space<hbm>>
    tpu.wait_dma2 semaphore(%arg34 : memref<!tpu.dma_semaphore, #tpu.memory_space<semaphore_mem>>) src(%dma_wait3A_245 : memref<2000xi32, #tpu.memory_space<hbm>>) dst(%arg13 : memref<2000xi32, #tpu.memory_space<vmem>>)
    %dma_wait3A_246 = tpu.memref_slice %arg4[%add3A_174] : memref<1600000xi32, #tpu.memory_space<hbm>> -> memref<2000xi32, #tpu.memory_space<hbm>>
    %dma_wait3A_247 = tpu.memref_slice %arg4[%add3A_174] : memref<1600000xi32, #tpu.memory_space<hbm>> -> memref<2000xi32, #tpu.memory_space<hbm>>
    tpu.wait_dma2 semaphore(%arg34 : memref<!tpu.dma_semaphore, #tpu.memory_space<semaphore_mem>>) src(%dma_wait3A_247 : memref<2000xi32, #tpu.memory_space<hbm>>) dst(%arg19 : memref<2000xi32, #tpu.memory_space<vmem>>)
    %dma_wait3A_248 = tpu.memref_slice %arg5[%add3A_174] : memref<1600000xf32, #tpu.memory_space<hbm>> -> memref<2000xf32, #tpu.memory_space<hbm>>
    %dma_wait3A_249 = tpu.memref_slice %arg5[%add3A_174] : memref<1600000xf32, #tpu.memory_space<hbm>> -> memref<2000xf32, #tpu.memory_space<hbm>>
    tpu.wait_dma2 semaphore(%arg34 : memref<!tpu.dma_semaphore, #tpu.memory_space<semaphore_mem>>) src(%dma_wait3A_249 : memref<2000xf32, #tpu.memory_space<hbm>>) dst(%arg25 : memref<2000xf32, #tpu.memory_space<vmem>>)
    %parallel_loop3A_250 = arith.constant 0 : i32
    %parallel_loop3A_251 = arith.constant 125 : i32
    %parallel_loop3A_252 = arith.constant 1 : i32
    scf.for %parallel_loop3A_534 = %parallel_loop3A_250 to %parallel_loop3A_251 step %parallel_loop3A_252  : i32 {
      %parallel_loop3A_535 = arith.constant 16 : i32
      %parallel_loop3A_536 = arith.muli %parallel_loop3A_534, %parallel_loop3A_535 : i32
      %parallel_loop3A_537 = arith.index_cast %parallel_loop3A_536 : i32 to index
      %parallel_loop3A_538 = tpu.vector_load %arg13[%parallel_loop3A_537] {strides = array<i32>} : memref<2000xi32, #tpu.memory_space<vmem>>, vector<16xi32>,
      %parallel_loop3A_539 = arith.constant 50176 : i32
      %parallel_loop3A_540 = vector.broadcast %parallel_loop3A_539 : i32 to vector<16xi32>
      %parallel_loop3A_541 = arith.cmpi sge, %parallel_loop3A_538, %parallel_loop3A_540 : vector<16xi32>
      %parallel_loop3A_542 = arith.constant 50176 : i32
      %parallel_loop3A_543 = vector.broadcast %parallel_loop3A_542 : i32 to vector<16xi32>
      %parallel_loop3A_544 = arith.subi %parallel_loop3A_538, %parallel_loop3A_543 : vector<16xi32>
      %parallel_loop3A_545 = arith.select %parallel_loop3A_541, %parallel_loop3A_544, %parallel_loop3A_538 : vector<16xi1>, vector<16xi32>
      %parallel_loop3A_546 = tpu.vector_load_idx %arg8[%parallel_loop3A_545] : memref<50176xi32, #tpu.memory_space<vmem>>[vector<16xi32>], vector<16xi32>,
      %parallel_loop3A_547 = arith.constant -65536 : i32
      %parallel_loop3A_548 = vector.broadcast %parallel_loop3A_547 : i32 to vector<16xi32>
      %parallel_loop3A_549 = arith.andi %parallel_loop3A_546, %parallel_loop3A_548 : vector<16xi32>
      %parallel_loop3A_550 = arith.constant 16 : i32
      %parallel_loop3A_551 = vector.broadcast %parallel_loop3A_550 : i32 to vector<16xi32>
      %parallel_loop3A_552 = arith.shli %parallel_loop3A_546, %parallel_loop3A_551 : vector<16xi32>
      %parallel_loop3A_553 = arith.select %parallel_loop3A_541, %parallel_loop3A_549, %parallel_loop3A_552 : vector<16xi1>, vector<16xi32>
      %parallel_loop3A_554 = vector.bitcast %parallel_loop3A_553 : vector<16xi32> to vector<16xf32>
      %parallel_loop3A_555 = arith.index_cast %parallel_loop3A_536 : i32 to index
      %parallel_loop3A_556 = tpu.vector_load %arg25[%parallel_loop3A_555] {strides = array<i32>} : memref<2000xf32, #tpu.memory_space<vmem>>, vector<16xf32>,
      %parallel_loop3A_557 = arith.mulf %parallel_loop3A_554, %parallel_loop3A_556 : vector<16xf32>
      %parallel_loop3A_558 = arith.index_cast %parallel_loop3A_536 : i32 to index
      %parallel_loop3A_559 = tpu.vector_load %arg25[%parallel_loop3A_558] {strides = array<i32>} : memref<2000xf32, #tpu.memory_space<vmem>>, vector<16xf32>,
      tpu.vector_store %arg25[%parallel_loop3A_558], %parallel_loop3A_557 {strides = array<i32>} : memref<2000xf32, #tpu.memory_space<vmem>>, vector<16xf32>,
    } {sc.loop_unroll_factor = 8 : i64, sc.parallel_access}
    %dma_start3A_253 = arith.constant 0 : i32
    %dma_start3A_254 = tpu.memref_slice %arg27[%dma_start3A_253] : memref<100352xf32, #tpu.memory_space<vmem_shared>> -> memref<100352xf32, #tpu.memory_space<vmem_shared>>
    tpu.enqueue_indirect_dma source(%arg25 : memref<2000xf32, #tpu.memory_space<vmem>>) target(%dma_start3A_254 : memref<100352xf32, #tpu.memory_space<vmem_shared>>) offsets(%arg19 : memref<2000xi32, #tpu.memory_space<vmem>>) semaphore(%arg40 : memref<!tpu.dma_semaphore, #tpu.memory_space<semaphore_mem>>) {add = true}
    %dma_wait3A_255 = arith.constant 0 : i32
    %dma_wait3A_256 = tpu.memref_slice %arg27[%dma_wait3A_255] : memref<100352xf32, #tpu.memory_space<vmem_shared>> -> memref<100352xf32, #tpu.memory_space<vmem_shared>>
    tpu.wait_indirect_dma semaphore(%arg38 : memref<!tpu.dma_semaphore, #tpu.memory_space<semaphore_mem>>) src(%arg23 : memref<2000xf32, #tpu.memory_space<vmem>>) dst(%dma_wait3A_256 : memref<100352xf32, #tpu.memory_space<vmem_shared>>)
    %add3A_257 = arith.constant 28000 : i32
    %add3A_258 = arith.addi %mul3A_2, %add3A_257 : i32
    %dma_start3A_259 = tpu.memref_slice %arg3[%add3A_258] : memref<1600000xi32, #tpu.memory_space<hbm>> -> memref<2000xi32, #tpu.memory_space<hbm>>
    %dma_start3A_260 = tpu.memref_slice %arg3[%add3A_258] : memref<1600000xi32, #tpu.memory_space<hbm>> -> memref<2000xi32, #tpu.memory_space<hbm>>
    tpu.enqueue_dma source(%dma_start3A_260 : memref<2000xi32, #tpu.memory_space<hbm>>) target(%arg11 : memref<2000xi32, #tpu.memory_space<vmem>>) target_semaphore(%arg32 : memref<!tpu.dma_semaphore, #tpu.memory_space<semaphore_mem>>)
    %dma_start3A_261 = tpu.memref_slice %arg4[%add3A_258] : memref<1600000xi32, #tpu.memory_space<hbm>> -> memref<2000xi32, #tpu.memory_space<hbm>>
    %dma_start3A_262 = tpu.memref_slice %arg4[%add3A_258] : memref<1600000xi32, #tpu.memory_space<hbm>> -> memref<2000xi32, #tpu.memory_space<hbm>>
    tpu.enqueue_dma source(%dma_start3A_262 : memref<2000xi32, #tpu.memory_space<hbm>>) target(%arg17 : memref<2000xi32, #tpu.memory_space<vmem>>) target_semaphore(%arg32 : memref<!tpu.dma_semaphore, #tpu.memory_space<semaphore_mem>>)
    %dma_start3A_263 = tpu.memref_slice %arg5[%add3A_258] : memref<1600000xf32, #tpu.memory_space<hbm>> -> memref<2000xf32, #tpu.memory_space<hbm>>
    %dma_start3A_264 = tpu.memref_slice %arg5[%add3A_258] : memref<1600000xf32, #tpu.memory_space<hbm>> -> memref<2000xf32, #tpu.memory_space<hbm>>
    tpu.enqueue_dma source(%dma_start3A_264 : memref<2000xf32, #tpu.memory_space<hbm>>) target(%arg23 : memref<2000xf32, #tpu.memory_space<vmem>>) target_semaphore(%arg32 : memref<!tpu.dma_semaphore, #tpu.memory_space<semaphore_mem>>)
    %dma_wait3A_265 = tpu.memref_slice %arg3[%add3A_195] : memref<1600000xi32, #tpu.memory_space<hbm>> -> memref<2000xi32, #tpu.memory_space<hbm>>
    %dma_wait3A_266 = tpu.memref_slice %arg3[%add3A_195] : memref<1600000xi32, #tpu.memory_space<hbm>> -> memref<2000xi32, #tpu.memory_space<hbm>>
    tpu.wait_dma2 semaphore(%arg35 : memref<!tpu.dma_semaphore, #tpu.memory_space<semaphore_mem>>) src(%dma_wait3A_266 : memref<2000xi32, #tpu.memory_space<hbm>>) dst(%arg14 : memref<2000xi32, #tpu.memory_space<vmem>>)
    %dma_wait3A_267 = tpu.memref_slice %arg4[%add3A_195] : memref<1600000xi32, #tpu.memory_space<hbm>> -> memref<2000xi32, #tpu.memory_space<hbm>>
    %dma_wait3A_268 = tpu.memref_slice %arg4[%add3A_195] : memref<1600000xi32, #tpu.memory_space<hbm>> -> memref<2000xi32, #tpu.memory_space<hbm>>
    tpu.wait_dma2 semaphore(%arg35 : memref<!tpu.dma_semaphore, #tpu.memory_space<semaphore_mem>>) src(%dma_wait3A_268 : memref<2000xi32, #tpu.memory_space<hbm>>) dst(%arg20 : memref<2000xi32, #tpu.memory_space<vmem>>)
    %dma_wait3A_269 = tpu.memref_slice %arg5[%add3A_195] : memref<1600000xf32, #tpu.memory_space<hbm>> -> memref<2000xf32, #tpu.memory_space<hbm>>
    %dma_wait3A_270 = tpu.memref_slice %arg5[%add3A_195] : memref<1600000xf32, #tpu.memory_space<hbm>> -> memref<2000xf32, #tpu.memory_space<hbm>>
    tpu.wait_dma2 semaphore(%arg35 : memref<!tpu.dma_semaphore, #tpu.memory_space<semaphore_mem>>) src(%dma_wait3A_270 : memref<2000xf32, #tpu.memory_space<hbm>>) dst(%arg26 : memref<2000xf32, #tpu.memory_space<vmem>>)
    %parallel_loop3A_271 = arith.constant 0 : i32
    %parallel_loop3A_272 = arith.constant 125 : i32
    %parallel_loop3A_273 = arith.constant 1 : i32
    scf.for %parallel_loop3A_534 = %parallel_loop3A_271 to %parallel_loop3A_272 step %parallel_loop3A_273  : i32 {
      %parallel_loop3A_535 = arith.constant 16 : i32
      %parallel_loop3A_536 = arith.muli %parallel_loop3A_534, %parallel_loop3A_535 : i32
      %parallel_loop3A_537 = arith.index_cast %parallel_loop3A_536 : i32 to index
      %parallel_loop3A_538 = tpu.vector_load %arg14[%parallel_loop3A_537] {strides = array<i32>} : memref<2000xi32, #tpu.memory_space<vmem>>, vector<16xi32>,
      %parallel_loop3A_539 = arith.constant 50176 : i32
      %parallel_loop3A_540 = vector.broadcast %parallel_loop3A_539 : i32 to vector<16xi32>
      %parallel_loop3A_541 = arith.cmpi sge, %parallel_loop3A_538, %parallel_loop3A_540 : vector<16xi32>
      %parallel_loop3A_542 = arith.constant 50176 : i32
      %parallel_loop3A_543 = vector.broadcast %parallel_loop3A_542 : i32 to vector<16xi32>
      %parallel_loop3A_544 = arith.subi %parallel_loop3A_538, %parallel_loop3A_543 : vector<16xi32>
      %parallel_loop3A_545 = arith.select %parallel_loop3A_541, %parallel_loop3A_544, %parallel_loop3A_538 : vector<16xi1>, vector<16xi32>
      %parallel_loop3A_546 = tpu.vector_load_idx %arg8[%parallel_loop3A_545] : memref<50176xi32, #tpu.memory_space<vmem>>[vector<16xi32>], vector<16xi32>,
      %parallel_loop3A_547 = arith.constant -65536 : i32
      %parallel_loop3A_548 = vector.broadcast %parallel_loop3A_547 : i32 to vector<16xi32>
      %parallel_loop3A_549 = arith.andi %parallel_loop3A_546, %parallel_loop3A_548 : vector<16xi32>
      %parallel_loop3A_550 = arith.constant 16 : i32
      %parallel_loop3A_551 = vector.broadcast %parallel_loop3A_550 : i32 to vector<16xi32>
      %parallel_loop3A_552 = arith.shli %parallel_loop3A_546, %parallel_loop3A_551 : vector<16xi32>
      %parallel_loop3A_553 = arith.select %parallel_loop3A_541, %parallel_loop3A_549, %parallel_loop3A_552 : vector<16xi1>, vector<16xi32>
      %parallel_loop3A_554 = vector.bitcast %parallel_loop3A_553 : vector<16xi32> to vector<16xf32>
      %parallel_loop3A_555 = arith.index_cast %parallel_loop3A_536 : i32 to index
      %parallel_loop3A_556 = tpu.vector_load %arg26[%parallel_loop3A_555] {strides = array<i32>} : memref<2000xf32, #tpu.memory_space<vmem>>, vector<16xf32>,
      %parallel_loop3A_557 = arith.mulf %parallel_loop3A_554, %parallel_loop3A_556 : vector<16xf32>
      %parallel_loop3A_558 = arith.index_cast %parallel_loop3A_536 : i32 to index
      %parallel_loop3A_559 = tpu.vector_load %arg26[%parallel_loop3A_558] {strides = array<i32>} : memref<2000xf32, #tpu.memory_space<vmem>>, vector<16xf32>,
      tpu.vector_store %arg26[%parallel_loop3A_558], %parallel_loop3A_557 {strides = array<i32>} : memref<2000xf32, #tpu.memory_space<vmem>>, vector<16xf32>,
    } {sc.loop_unroll_factor = 8 : i64, sc.parallel_access}
    %dma_start3A_274 = arith.constant 0 : i32
    %dma_start3A_275 = tpu.memref_slice %arg27[%dma_start3A_274] : memref<100352xf32, #tpu.memory_space<vmem_shared>> -> memref<100352xf32, #tpu.memory_space<vmem_shared>>
    tpu.enqueue_indirect_dma source(%arg26 : memref<2000xf32, #tpu.memory_space<vmem>>) target(%dma_start3A_275 : memref<100352xf32, #tpu.memory_space<vmem_shared>>) offsets(%arg20 : memref<2000xi32, #tpu.memory_space<vmem>>) semaphore(%arg41 : memref<!tpu.dma_semaphore, #tpu.memory_space<semaphore_mem>>) {add = true}
    %dma_wait3A_276 = arith.constant 0 : i32
    %dma_wait3A_277 = tpu.memref_slice %arg27[%dma_wait3A_276] : memref<100352xf32, #tpu.memory_space<vmem_shared>> -> memref<100352xf32, #tpu.memory_space<vmem_shared>>
    tpu.wait_indirect_dma semaphore(%arg39 : memref<!tpu.dma_semaphore, #tpu.memory_space<semaphore_mem>>) src(%arg24 : memref<2000xf32, #tpu.memory_space<vmem>>) dst(%dma_wait3A_277 : memref<100352xf32, #tpu.memory_space<vmem_shared>>)
    %add3A_278 = arith.constant 30000 : i32
    %add3A_279 = arith.addi %mul3A_2, %add3A_278 : i32
    %dma_start3A_280 = tpu.memref_slice %arg3[%add3A_279] : memref<1600000xi32, #tpu.memory_space<hbm>> -> memref<2000xi32, #tpu.memory_space<hbm>>
    %dma_start3A_281 = tpu.memref_slice %arg3[%add3A_279] : memref<1600000xi32, #tpu.memory_space<hbm>> -> memref<2000xi32, #tpu.memory_space<hbm>>
    tpu.enqueue_dma source(%dma_start3A_281 : memref<2000xi32, #tpu.memory_space<hbm>>) target(%arg12 : memref<2000xi32, #tpu.memory_space<vmem>>) target_semaphore(%arg33 : memref<!tpu.dma_semaphore, #tpu.memory_space<semaphore_mem>>)
    %dma_start3A_282 = tpu.memref_slice %arg4[%add3A_279] : memref<1600000xi32, #tpu.memory_space<hbm>> -> memref<2000xi32, #tpu.memory_space<hbm>>
    %dma_start3A_283 = tpu.memref_slice %arg4[%add3A_279] : memref<1600000xi32, #tpu.memory_space<hbm>> -> memref<2000xi32, #tpu.memory_space<hbm>>
    tpu.enqueue_dma source(%dma_start3A_283 : memref<2000xi32, #tpu.memory_space<hbm>>) target(%arg18 : memref<2000xi32, #tpu.memory_space<vmem>>) target_semaphore(%arg33 : memref<!tpu.dma_semaphore, #tpu.memory_space<semaphore_mem>>)
    %dma_start3A_284 = tpu.memref_slice %arg5[%add3A_279] : memref<1600000xf32, #tpu.memory_space<hbm>> -> memref<2000xf32, #tpu.memory_space<hbm>>
    %dma_start3A_285 = tpu.memref_slice %arg5[%add3A_279] : memref<1600000xf32, #tpu.memory_space<hbm>> -> memref<2000xf32, #tpu.memory_space<hbm>>
    tpu.enqueue_dma source(%dma_start3A_285 : memref<2000xf32, #tpu.memory_space<hbm>>) target(%arg24 : memref<2000xf32, #tpu.memory_space<vmem>>) target_semaphore(%arg33 : memref<!tpu.dma_semaphore, #tpu.memory_space<semaphore_mem>>)
    %dma_wait3A_286 = tpu.memref_slice %arg3[%add3A_216] : memref<1600000xi32, #tpu.memory_space<hbm>> -> memref<2000xi32, #tpu.memory_space<hbm>>
    %dma_wait3A_287 = tpu.memref_slice %arg3[%add3A_216] : memref<1600000xi32, #tpu.memory_space<hbm>> -> memref<2000xi32, #tpu.memory_space<hbm>>
    tpu.wait_dma2 semaphore(%arg30 : memref<!tpu.dma_semaphore, #tpu.memory_space<semaphore_mem>>) src(%dma_wait3A_287 : memref<2000xi32, #tpu.memory_space<hbm>>) dst(%arg9 : memref<2000xi32, #tpu.memory_space<vmem>>)
    %dma_wait3A_288 = tpu.memref_slice %arg4[%add3A_216] : memref<1600000xi32, #tpu.memory_space<hbm>> -> memref<2000xi32, #tpu.memory_space<hbm>>
    %dma_wait3A_289 = tpu.memref_slice %arg4[%add3A_216] : memref<1600000xi32, #tpu.memory_space<hbm>> -> memref<2000xi32, #tpu.memory_space<hbm>>
    tpu.wait_dma2 semaphore(%arg30 : memref<!tpu.dma_semaphore, #tpu.memory_space<semaphore_mem>>) src(%dma_wait3A_289 : memref<2000xi32, #tpu.memory_space<hbm>>) dst(%arg15 : memref<2000xi32, #tpu.memory_space<vmem>>)
    %dma_wait3A_290 = tpu.memref_slice %arg5[%add3A_216] : memref<1600000xf32, #tpu.memory_space<hbm>> -> memref<2000xf32, #tpu.memory_space<hbm>>
    %dma_wait3A_291 = tpu.memref_slice %arg5[%add3A_216] : memref<1600000xf32, #tpu.memory_space<hbm>> -> memref<2000xf32, #tpu.memory_space<hbm>>
    tpu.wait_dma2 semaphore(%arg30 : memref<!tpu.dma_semaphore, #tpu.memory_space<semaphore_mem>>) src(%dma_wait3A_291 : memref<2000xf32, #tpu.memory_space<hbm>>) dst(%arg21 : memref<2000xf32, #tpu.memory_space<vmem>>)
    %parallel_loop3A_292 = arith.constant 0 : i32
    %parallel_loop3A_293 = arith.constant 125 : i32
    %parallel_loop3A_294 = arith.constant 1 : i32
    scf.for %parallel_loop3A_534 = %parallel_loop3A_292 to %parallel_loop3A_293 step %parallel_loop3A_294  : i32 {
      %parallel_loop3A_535 = arith.constant 16 : i32
      %parallel_loop3A_536 = arith.muli %parallel_loop3A_534, %parallel_loop3A_535 : i32
      %parallel_loop3A_537 = arith.index_cast %parallel_loop3A_536 : i32 to index
      %parallel_loop3A_538 = tpu.vector_load %arg9[%parallel_loop3A_537] {strides = array<i32>} : memref<2000xi32, #tpu.memory_space<vmem>>, vector<16xi32>,
      %parallel_loop3A_539 = arith.constant 50176 : i32
      %parallel_loop3A_540 = vector.broadcast %parallel_loop3A_539 : i32 to vector<16xi32>
      %parallel_loop3A_541 = arith.cmpi sge, %parallel_loop3A_538, %parallel_loop3A_540 : vector<16xi32>
      %parallel_loop3A_542 = arith.constant 50176 : i32
      %parallel_loop3A_543 = vector.broadcast %parallel_loop3A_542 : i32 to vector<16xi32>
      %parallel_loop3A_544 = arith.subi %parallel_loop3A_538, %parallel_loop3A_543 : vector<16xi32>
      %parallel_loop3A_545 = arith.select %parallel_loop3A_541, %parallel_loop3A_544, %parallel_loop3A_538 : vector<16xi1>, vector<16xi32>
      %parallel_loop3A_546 = tpu.vector_load_idx %arg8[%parallel_loop3A_545] : memref<50176xi32, #tpu.memory_space<vmem>>[vector<16xi32>], vector<16xi32>,
      %parallel_loop3A_547 = arith.constant -65536 : i32
      %parallel_loop3A_548 = vector.broadcast %parallel_loop3A_547 : i32 to vector<16xi32>
      %parallel_loop3A_549 = arith.andi %parallel_loop3A_546, %parallel_loop3A_548 : vector<16xi32>
      %parallel_loop3A_550 = arith.constant 16 : i32
      %parallel_loop3A_551 = vector.broadcast %parallel_loop3A_550 : i32 to vector<16xi32>
      %parallel_loop3A_552 = arith.shli %parallel_loop3A_546, %parallel_loop3A_551 : vector<16xi32>
      %parallel_loop3A_553 = arith.select %parallel_loop3A_541, %parallel_loop3A_549, %parallel_loop3A_552 : vector<16xi1>, vector<16xi32>
      %parallel_loop3A_554 = vector.bitcast %parallel_loop3A_553 : vector<16xi32> to vector<16xf32>
      %parallel_loop3A_555 = arith.index_cast %parallel_loop3A_536 : i32 to index
      %parallel_loop3A_556 = tpu.vector_load %arg21[%parallel_loop3A_555] {strides = array<i32>} : memref<2000xf32, #tpu.memory_space<vmem>>, vector<16xf32>,
      %parallel_loop3A_557 = arith.mulf %parallel_loop3A_554, %parallel_loop3A_556 : vector<16xf32>
      %parallel_loop3A_558 = arith.index_cast %parallel_loop3A_536 : i32 to index
      %parallel_loop3A_559 = tpu.vector_load %arg21[%parallel_loop3A_558] {strides = array<i32>} : memref<2000xf32, #tpu.memory_space<vmem>>, vector<16xf32>,
      tpu.vector_store %arg21[%parallel_loop3A_558], %parallel_loop3A_557 {strides = array<i32>} : memref<2000xf32, #tpu.memory_space<vmem>>, vector<16xf32>,
    } {sc.loop_unroll_factor = 8 : i64, sc.parallel_access}
    %dma_start3A_295 = arith.constant 0 : i32
    %dma_start3A_296 = tpu.memref_slice %arg27[%dma_start3A_295] : memref<100352xf32, #tpu.memory_space<vmem_shared>> -> memref<100352xf32, #tpu.memory_space<vmem_shared>>
    tpu.enqueue_indirect_dma source(%arg21 : memref<2000xf32, #tpu.memory_space<vmem>>) target(%dma_start3A_296 : memref<100352xf32, #tpu.memory_space<vmem_shared>>) offsets(%arg15 : memref<2000xi32, #tpu.memory_space<vmem>>) semaphore(%arg36 : memref<!tpu.dma_semaphore, #tpu.memory_space<semaphore_mem>>) {add = true}
    %dma_wait3A_297 = arith.constant 0 : i32
    %dma_wait3A_298 = tpu.memref_slice %arg27[%dma_wait3A_297] : memref<100352xf32, #tpu.memory_space<vmem_shared>> -> memref<100352xf32, #tpu.memory_space<vmem_shared>>
    tpu.wait_indirect_dma semaphore(%arg40 : memref<!tpu.dma_semaphore, #tpu.memory_space<semaphore_mem>>) src(%arg25 : memref<2000xf32, #tpu.memory_space<vmem>>) dst(%dma_wait3A_298 : memref<100352xf32, #tpu.memory_space<vmem_shared>>)
    %add3A_299 = arith.constant 32000 : i32
    %add3A_300 = arith.addi %mul3A_2, %add3A_299 : i32
    %dma_start3A_301 = tpu.memref_slice %arg3[%add3A_300] : memref<1600000xi32, #tpu.memory_space<hbm>> -> memref<2000xi32, #tpu.memory_space<hbm>>
    %dma_start3A_302 = tpu.memref_slice %arg3[%add3A_300] : memref<1600000xi32, #tpu.memory_space<hbm>> -> memref<2000xi32, #tpu.memory_space<hbm>>
    tpu.enqueue_dma source(%dma_start3A_302 : memref<2000xi32, #tpu.memory_space<hbm>>) target(%arg13 : memref<2000xi32, #tpu.memory_space<vmem>>) target_semaphore(%arg34 : memref<!tpu.dma_semaphore, #tpu.memory_space<semaphore_mem>>)
    %dma_start3A_303 = tpu.memref_slice %arg4[%add3A_300] : memref<1600000xi32, #tpu.memory_space<hbm>> -> memref<2000xi32, #tpu.memory_space<hbm>>
    %dma_start3A_304 = tpu.memref_slice %arg4[%add3A_300] : memref<1600000xi32, #tpu.memory_space<hbm>> -> memref<2000xi32, #tpu.memory_space<hbm>>
    tpu.enqueue_dma source(%dma_start3A_304 : memref<2000xi32, #tpu.memory_space<hbm>>) target(%arg19 : memref<2000xi32, #tpu.memory_space<vmem>>) target_semaphore(%arg34 : memref<!tpu.dma_semaphore, #tpu.memory_space<semaphore_mem>>)
    %dma_start3A_305 = tpu.memref_slice %arg5[%add3A_300] : memref<1600000xf32, #tpu.memory_space<hbm>> -> memref<2000xf32, #tpu.memory_space<hbm>>
    %dma_start3A_306 = tpu.memref_slice %arg5[%add3A_300] : memref<1600000xf32, #tpu.memory_space<hbm>> -> memref<2000xf32, #tpu.memory_space<hbm>>
    tpu.enqueue_dma source(%dma_start3A_306 : memref<2000xf32, #tpu.memory_space<hbm>>) target(%arg25 : memref<2000xf32, #tpu.memory_space<vmem>>) target_semaphore(%arg34 : memref<!tpu.dma_semaphore, #tpu.memory_space<semaphore_mem>>)
    %dma_wait3A_307 = tpu.memref_slice %arg3[%add3A_237] : memref<1600000xi32, #tpu.memory_space<hbm>> -> memref<2000xi32, #tpu.memory_space<hbm>>
    %dma_wait3A_308 = tpu.memref_slice %arg3[%add3A_237] : memref<1600000xi32, #tpu.memory_space<hbm>> -> memref<2000xi32, #tpu.memory_space<hbm>>
    tpu.wait_dma2 semaphore(%arg31 : memref<!tpu.dma_semaphore, #tpu.memory_space<semaphore_mem>>) src(%dma_wait3A_308 : memref<2000xi32, #tpu.memory_space<hbm>>) dst(%arg10 : memref<2000xi32, #tpu.memory_space<vmem>>)
    %dma_wait3A_309 = tpu.memref_slice %arg4[%add3A_237] : memref<1600000xi32, #tpu.memory_space<hbm>> -> memref<2000xi32, #tpu.memory_space<hbm>>
    %dma_wait3A_310 = tpu.memref_slice %arg4[%add3A_237] : memref<1600000xi32, #tpu.memory_space<hbm>> -> memref<2000xi32, #tpu.memory_space<hbm>>
    tpu.wait_dma2 semaphore(%arg31 : memref<!tpu.dma_semaphore, #tpu.memory_space<semaphore_mem>>) src(%dma_wait3A_310 : memref<2000xi32, #tpu.memory_space<hbm>>) dst(%arg16 : memref<2000xi32, #tpu.memory_space<vmem>>)
    %dma_wait3A_311 = tpu.memref_slice %arg5[%add3A_237] : memref<1600000xf32, #tpu.memory_space<hbm>> -> memref<2000xf32, #tpu.memory_space<hbm>>
    %dma_wait3A_312 = tpu.memref_slice %arg5[%add3A_237] : memref<1600000xf32, #tpu.memory_space<hbm>> -> memref<2000xf32, #tpu.memory_space<hbm>>
    tpu.wait_dma2 semaphore(%arg31 : memref<!tpu.dma_semaphore, #tpu.memory_space<semaphore_mem>>) src(%dma_wait3A_312 : memref<2000xf32, #tpu.memory_space<hbm>>) dst(%arg22 : memref<2000xf32, #tpu.memory_space<vmem>>)
    %parallel_loop3A_313 = arith.constant 0 : i32
    %parallel_loop3A_314 = arith.constant 125 : i32
    %parallel_loop3A_315 = arith.constant 1 : i32
    scf.for %parallel_loop3A_534 = %parallel_loop3A_313 to %parallel_loop3A_314 step %parallel_loop3A_315  : i32 {
      %parallel_loop3A_535 = arith.constant 16 : i32
      %parallel_loop3A_536 = arith.muli %parallel_loop3A_534, %parallel_loop3A_535 : i32
      %parallel_loop3A_537 = arith.index_cast %parallel_loop3A_536 : i32 to index
      %parallel_loop3A_538 = tpu.vector_load %arg10[%parallel_loop3A_537] {strides = array<i32>} : memref<2000xi32, #tpu.memory_space<vmem>>, vector<16xi32>,
      %parallel_loop3A_539 = arith.constant 50176 : i32
      %parallel_loop3A_540 = vector.broadcast %parallel_loop3A_539 : i32 to vector<16xi32>
      %parallel_loop3A_541 = arith.cmpi sge, %parallel_loop3A_538, %parallel_loop3A_540 : vector<16xi32>
      %parallel_loop3A_542 = arith.constant 50176 : i32
      %parallel_loop3A_543 = vector.broadcast %parallel_loop3A_542 : i32 to vector<16xi32>
      %parallel_loop3A_544 = arith.subi %parallel_loop3A_538, %parallel_loop3A_543 : vector<16xi32>
      %parallel_loop3A_545 = arith.select %parallel_loop3A_541, %parallel_loop3A_544, %parallel_loop3A_538 : vector<16xi1>, vector<16xi32>
      %parallel_loop3A_546 = tpu.vector_load_idx %arg8[%parallel_loop3A_545] : memref<50176xi32, #tpu.memory_space<vmem>>[vector<16xi32>], vector<16xi32>,
      %parallel_loop3A_547 = arith.constant -65536 : i32
      %parallel_loop3A_548 = vector.broadcast %parallel_loop3A_547 : i32 to vector<16xi32>
      %parallel_loop3A_549 = arith.andi %parallel_loop3A_546, %parallel_loop3A_548 : vector<16xi32>
      %parallel_loop3A_550 = arith.constant 16 : i32
      %parallel_loop3A_551 = vector.broadcast %parallel_loop3A_550 : i32 to vector<16xi32>
      %parallel_loop3A_552 = arith.shli %parallel_loop3A_546, %parallel_loop3A_551 : vector<16xi32>
      %parallel_loop3A_553 = arith.select %parallel_loop3A_541, %parallel_loop3A_549, %parallel_loop3A_552 : vector<16xi1>, vector<16xi32>
      %parallel_loop3A_554 = vector.bitcast %parallel_loop3A_553 : vector<16xi32> to vector<16xf32>
      %parallel_loop3A_555 = arith.index_cast %parallel_loop3A_536 : i32 to index
      %parallel_loop3A_556 = tpu.vector_load %arg22[%parallel_loop3A_555] {strides = array<i32>} : memref<2000xf32, #tpu.memory_space<vmem>>, vector<16xf32>,
      %parallel_loop3A_557 = arith.mulf %parallel_loop3A_554, %parallel_loop3A_556 : vector<16xf32>
      %parallel_loop3A_558 = arith.index_cast %parallel_loop3A_536 : i32 to index
      %parallel_loop3A_559 = tpu.vector_load %arg22[%parallel_loop3A_558] {strides = array<i32>} : memref<2000xf32, #tpu.memory_space<vmem>>, vector<16xf32>,
      tpu.vector_store %arg22[%parallel_loop3A_558], %parallel_loop3A_557 {strides = array<i32>} : memref<2000xf32, #tpu.memory_space<vmem>>, vector<16xf32>,
    } {sc.loop_unroll_factor = 8 : i64, sc.parallel_access}
    %dma_start3A_316 = arith.constant 0 : i32
    %dma_start3A_317 = tpu.memref_slice %arg27[%dma_start3A_316] : memref<100352xf32, #tpu.memory_space<vmem_shared>> -> memref<100352xf32, #tpu.memory_space<vmem_shared>>
    tpu.enqueue_indirect_dma source(%arg22 : memref<2000xf32, #tpu.memory_space<vmem>>) target(%dma_start3A_317 : memref<100352xf32, #tpu.memory_space<vmem_shared>>) offsets(%arg16 : memref<2000xi32, #tpu.memory_space<vmem>>) semaphore(%arg37 : memref<!tpu.dma_semaphore, #tpu.memory_space<semaphore_mem>>) {add = true}
    %dma_wait3A_318 = arith.constant 0 : i32
    %dma_wait3A_319 = tpu.memref_slice %arg27[%dma_wait3A_318] : memref<100352xf32, #tpu.memory_space<vmem_shared>> -> memref<100352xf32, #tpu.memory_space<vmem_shared>>
    tpu.wait_indirect_dma semaphore(%arg41 : memref<!tpu.dma_semaphore, #tpu.memory_space<semaphore_mem>>) src(%arg26 : memref<2000xf32, #tpu.memory_space<vmem>>) dst(%dma_wait3A_319 : memref<100352xf32, #tpu.memory_space<vmem_shared>>)
    %add3A_320 = arith.constant 34000 : i32
    %add3A_321 = arith.addi %mul3A_2, %add3A_320 : i32
    %dma_start3A_322 = tpu.memref_slice %arg3[%add3A_321] : memref<1600000xi32, #tpu.memory_space<hbm>> -> memref<2000xi32, #tpu.memory_space<hbm>>
    %dma_start3A_323 = tpu.memref_slice %arg3[%add3A_321] : memref<1600000xi32, #tpu.memory_space<hbm>> -> memref<2000xi32, #tpu.memory_space<hbm>>
    tpu.enqueue_dma source(%dma_start3A_323 : memref<2000xi32, #tpu.memory_space<hbm>>) target(%arg14 : memref<2000xi32, #tpu.memory_space<vmem>>) target_semaphore(%arg35 : memref<!tpu.dma_semaphore, #tpu.memory_space<semaphore_mem>>)
    %dma_start3A_324 = tpu.memref_slice %arg4[%add3A_321] : memref<1600000xi32, #tpu.memory_space<hbm>> -> memref<2000xi32, #tpu.memory_space<hbm>>
    %dma_start3A_325 = tpu.memref_slice %arg4[%add3A_321] : memref<1600000xi32, #tpu.memory_space<hbm>> -> memref<2000xi32, #tpu.memory_space<hbm>>
    tpu.enqueue_dma source(%dma_start3A_325 : memref<2000xi32, #tpu.memory_space<hbm>>) target(%arg20 : memref<2000xi32, #tpu.memory_space<vmem>>) target_semaphore(%arg35 : memref<!tpu.dma_semaphore, #tpu.memory_space<semaphore_mem>>)
    %dma_start3A_326 = tpu.memref_slice %arg5[%add3A_321] : memref<1600000xf32, #tpu.memory_space<hbm>> -> memref<2000xf32, #tpu.memory_space<hbm>>
    %dma_start3A_327 = tpu.memref_slice %arg5[%add3A_321] : memref<1600000xf32, #tpu.memory_space<hbm>> -> memref<2000xf32, #tpu.memory_space<hbm>>
    tpu.enqueue_dma source(%dma_start3A_327 : memref<2000xf32, #tpu.memory_space<hbm>>) target(%arg26 : memref<2000xf32, #tpu.memory_space<vmem>>) target_semaphore(%arg35 : memref<!tpu.dma_semaphore, #tpu.memory_space<semaphore_mem>>)
    %dma_wait3A_328 = tpu.memref_slice %arg3[%add3A_258] : memref<1600000xi32, #tpu.memory_space<hbm>> -> memref<2000xi32, #tpu.memory_space<hbm>>
    %dma_wait3A_329 = tpu.memref_slice %arg3[%add3A_258] : memref<1600000xi32, #tpu.memory_space<hbm>> -> memref<2000xi32, #tpu.memory_space<hbm>>
    tpu.wait_dma2 semaphore(%arg32 : memref<!tpu.dma_semaphore, #tpu.memory_space<semaphore_mem>>) src(%dma_wait3A_329 : memref<2000xi32, #tpu.memory_space<hbm>>) dst(%arg11 : memref<2000xi32, #tpu.memory_space<vmem>>)
    %dma_wait3A_330 = tpu.memref_slice %arg4[%add3A_258] : memref<1600000xi32, #tpu.memory_space<hbm>> -> memref<2000xi32, #tpu.memory_space<hbm>>
    %dma_wait3A_331 = tpu.memref_slice %arg4[%add3A_258] : memref<1600000xi32, #tpu.memory_space<hbm>> -> memref<2000xi32, #tpu.memory_space<hbm>>
    tpu.wait_dma2 semaphore(%arg32 : memref<!tpu.dma_semaphore, #tpu.memory_space<semaphore_mem>>) src(%dma_wait3A_331 : memref<2000xi32, #tpu.memory_space<hbm>>) dst(%arg17 : memref<2000xi32, #tpu.memory_space<vmem>>)
    %dma_wait3A_332 = tpu.memref_slice %arg5[%add3A_258] : memref<1600000xf32, #tpu.memory_space<hbm>> -> memref<2000xf32, #tpu.memory_space<hbm>>
    %dma_wait3A_333 = tpu.memref_slice %arg5[%add3A_258] : memref<1600000xf32, #tpu.memory_space<hbm>> -> memref<2000xf32, #tpu.memory_space<hbm>>
    tpu.wait_dma2 semaphore(%arg32 : memref<!tpu.dma_semaphore, #tpu.memory_space<semaphore_mem>>) src(%dma_wait3A_333 : memref<2000xf32, #tpu.memory_space<hbm>>) dst(%arg23 : memref<2000xf32, #tpu.memory_space<vmem>>)
    %parallel_loop3A_334 = arith.constant 0 : i32
    %parallel_loop3A_335 = arith.constant 125 : i32
    %parallel_loop3A_336 = arith.constant 1 : i32
    scf.for %parallel_loop3A_534 = %parallel_loop3A_334 to %parallel_loop3A_335 step %parallel_loop3A_336  : i32 {
      %parallel_loop3A_535 = arith.constant 16 : i32
      %parallel_loop3A_536 = arith.muli %parallel_loop3A_534, %parallel_loop3A_535 : i32
      %parallel_loop3A_537 = arith.index_cast %parallel_loop3A_536 : i32 to index
      %parallel_loop3A_538 = tpu.vector_load %arg11[%parallel_loop3A_537] {strides = array<i32>} : memref<2000xi32, #tpu.memory_space<vmem>>, vector<16xi32>,
      %parallel_loop3A_539 = arith.constant 50176 : i32
      %parallel_loop3A_540 = vector.broadcast %parallel_loop3A_539 : i32 to vector<16xi32>
      %parallel_loop3A_541 = arith.cmpi sge, %parallel_loop3A_538, %parallel_loop3A_540 : vector<16xi32>
      %parallel_loop3A_542 = arith.constant 50176 : i32
      %parallel_loop3A_543 = vector.broadcast %parallel_loop3A_542 : i32 to vector<16xi32>
      %parallel_loop3A_544 = arith.subi %parallel_loop3A_538, %parallel_loop3A_543 : vector<16xi32>
      %parallel_loop3A_545 = arith.select %parallel_loop3A_541, %parallel_loop3A_544, %parallel_loop3A_538 : vector<16xi1>, vector<16xi32>
      %parallel_loop3A_546 = tpu.vector_load_idx %arg8[%parallel_loop3A_545] : memref<50176xi32, #tpu.memory_space<vmem>>[vector<16xi32>], vector<16xi32>,
      %parallel_loop3A_547 = arith.constant -65536 : i32
      %parallel_loop3A_548 = vector.broadcast %parallel_loop3A_547 : i32 to vector<16xi32>
      %parallel_loop3A_549 = arith.andi %parallel_loop3A_546, %parallel_loop3A_548 : vector<16xi32>
      %parallel_loop3A_550 = arith.constant 16 : i32
      %parallel_loop3A_551 = vector.broadcast %parallel_loop3A_550 : i32 to vector<16xi32>
      %parallel_loop3A_552 = arith.shli %parallel_loop3A_546, %parallel_loop3A_551 : vector<16xi32>
      %parallel_loop3A_553 = arith.select %parallel_loop3A_541, %parallel_loop3A_549, %parallel_loop3A_552 : vector<16xi1>, vector<16xi32>
      %parallel_loop3A_554 = vector.bitcast %parallel_loop3A_553 : vector<16xi32> to vector<16xf32>
      %parallel_loop3A_555 = arith.index_cast %parallel_loop3A_536 : i32 to index
      %parallel_loop3A_556 = tpu.vector_load %arg23[%parallel_loop3A_555] {strides = array<i32>} : memref<2000xf32, #tpu.memory_space<vmem>>, vector<16xf32>,
      %parallel_loop3A_557 = arith.mulf %parallel_loop3A_554, %parallel_loop3A_556 : vector<16xf32>
      %parallel_loop3A_558 = arith.index_cast %parallel_loop3A_536 : i32 to index
      %parallel_loop3A_559 = tpu.vector_load %arg23[%parallel_loop3A_558] {strides = array<i32>} : memref<2000xf32, #tpu.memory_space<vmem>>, vector<16xf32>,
      tpu.vector_store %arg23[%parallel_loop3A_558], %parallel_loop3A_557 {strides = array<i32>} : memref<2000xf32, #tpu.memory_space<vmem>>, vector<16xf32>,
    } {sc.loop_unroll_factor = 8 : i64, sc.parallel_access}
    %dma_start3A_337 = arith.constant 0 : i32
    %dma_start3A_338 = tpu.memref_slice %arg27[%dma_start3A_337] : memref<100352xf32, #tpu.memory_space<vmem_shared>> -> memref<100352xf32, #tpu.memory_space<vmem_shared>>
    tpu.enqueue_indirect_dma source(%arg23 : memref<2000xf32, #tpu.memory_space<vmem>>) target(%dma_start3A_338 : memref<100352xf32, #tpu.memory_space<vmem_shared>>) offsets(%arg17 : memref<2000xi32, #tpu.memory_space<vmem>>) semaphore(%arg38 : memref<!tpu.dma_semaphore, #tpu.memory_space<semaphore_mem>>) {add = true}
    %dma_wait3A_339 = arith.constant 0 : i32
    %dma_wait3A_340 = tpu.memref_slice %arg27[%dma_wait3A_339] : memref<100352xf32, #tpu.memory_space<vmem_shared>> -> memref<100352xf32, #tpu.memory_space<vmem_shared>>
    tpu.wait_indirect_dma semaphore(%arg36 : memref<!tpu.dma_semaphore, #tpu.memory_space<semaphore_mem>>) src(%arg21 : memref<2000xf32, #tpu.memory_space<vmem>>) dst(%dma_wait3A_340 : memref<100352xf32, #tpu.memory_space<vmem_shared>>)
    %add3A_341 = arith.constant 36000 : i32
    %add3A_342 = arith.addi %mul3A_2, %add3A_341 : i32
    %dma_start3A_343 = tpu.memref_slice %arg3[%add3A_342] : memref<1600000xi32, #tpu.memory_space<hbm>> -> memref<2000xi32, #tpu.memory_space<hbm>>
    %dma_start3A_344 = tpu.memref_slice %arg3[%add3A_342] : memref<1600000xi32, #tpu.memory_space<hbm>> -> memref<2000xi32, #tpu.memory_space<hbm>>
    tpu.enqueue_dma source(%dma_start3A_344 : memref<2000xi32, #tpu.memory_space<hbm>>) target(%arg9 : memref<2000xi32, #tpu.memory_space<vmem>>) target_semaphore(%arg30 : memref<!tpu.dma_semaphore, #tpu.memory_space<semaphore_mem>>)
    %dma_start3A_345 = tpu.memref_slice %arg4[%add3A_342] : memref<1600000xi32, #tpu.memory_space<hbm>> -> memref<2000xi32, #tpu.memory_space<hbm>>
    %dma_start3A_346 = tpu.memref_slice %arg4[%add3A_342] : memref<1600000xi32, #tpu.memory_space<hbm>> -> memref<2000xi32, #tpu.memory_space<hbm>>
    tpu.enqueue_dma source(%dma_start3A_346 : memref<2000xi32, #tpu.memory_space<hbm>>) target(%arg15 : memref<2000xi32, #tpu.memory_space<vmem>>) target_semaphore(%arg30 : memref<!tpu.dma_semaphore, #tpu.memory_space<semaphore_mem>>)
    %dma_start3A_347 = tpu.memref_slice %arg5[%add3A_342] : memref<1600000xf32, #tpu.memory_space<hbm>> -> memref<2000xf32, #tpu.memory_space<hbm>>
    %dma_start3A_348 = tpu.memref_slice %arg5[%add3A_342] : memref<1600000xf32, #tpu.memory_space<hbm>> -> memref<2000xf32, #tpu.memory_space<hbm>>
    tpu.enqueue_dma source(%dma_start3A_348 : memref<2000xf32, #tpu.memory_space<hbm>>) target(%arg21 : memref<2000xf32, #tpu.memory_space<vmem>>) target_semaphore(%arg30 : memref<!tpu.dma_semaphore, #tpu.memory_space<semaphore_mem>>)
    %dma_wait3A_349 = tpu.memref_slice %arg3[%add3A_279] : memref<1600000xi32, #tpu.memory_space<hbm>> -> memref<2000xi32, #tpu.memory_space<hbm>>
    %dma_wait3A_350 = tpu.memref_slice %arg3[%add3A_279] : memref<1600000xi32, #tpu.memory_space<hbm>> -> memref<2000xi32, #tpu.memory_space<hbm>>
    tpu.wait_dma2 semaphore(%arg33 : memref<!tpu.dma_semaphore, #tpu.memory_space<semaphore_mem>>) src(%dma_wait3A_350 : memref<2000xi32, #tpu.memory_space<hbm>>) dst(%arg12 : memref<2000xi32, #tpu.memory_space<vmem>>)
    %dma_wait3A_351 = tpu.memref_slice %arg4[%add3A_279] : memref<1600000xi32, #tpu.memory_space<hbm>> -> memref<2000xi32, #tpu.memory_space<hbm>>
    %dma_wait3A_352 = tpu.memref_slice %arg4[%add3A_279] : memref<1600000xi32, #tpu.memory_space<hbm>> -> memref<2000xi32, #tpu.memory_space<hbm>>
    tpu.wait_dma2 semaphore(%arg33 : memref<!tpu.dma_semaphore, #tpu.memory_space<semaphore_mem>>) src(%dma_wait3A_352 : memref<2000xi32, #tpu.memory_space<hbm>>) dst(%arg18 : memref<2000xi32, #tpu.memory_space<vmem>>)
    %dma_wait3A_353 = tpu.memref_slice %arg5[%add3A_279] : memref<1600000xf32, #tpu.memory_space<hbm>> -> memref<2000xf32, #tpu.memory_space<hbm>>
    %dma_wait3A_354 = tpu.memref_slice %arg5[%add3A_279] : memref<1600000xf32, #tpu.memory_space<hbm>> -> memref<2000xf32, #tpu.memory_space<hbm>>
    tpu.wait_dma2 semaphore(%arg33 : memref<!tpu.dma_semaphore, #tpu.memory_space<semaphore_mem>>) src(%dma_wait3A_354 : memref<2000xf32, #tpu.memory_space<hbm>>) dst(%arg24 : memref<2000xf32, #tpu.memory_space<vmem>>)
    %parallel_loop3A_355 = arith.constant 0 : i32
    %parallel_loop3A_356 = arith.constant 125 : i32
    %parallel_loop3A_357 = arith.constant 1 : i32
    scf.for %parallel_loop3A_534 = %parallel_loop3A_355 to %parallel_loop3A_356 step %parallel_loop3A_357  : i32 {
      %parallel_loop3A_535 = arith.constant 16 : i32
      %parallel_loop3A_536 = arith.muli %parallel_loop3A_534, %parallel_loop3A_535 : i32
      %parallel_loop3A_537 = arith.index_cast %parallel_loop3A_536 : i32 to index
      %parallel_loop3A_538 = tpu.vector_load %arg12[%parallel_loop3A_537] {strides = array<i32>} : memref<2000xi32, #tpu.memory_space<vmem>>, vector<16xi32>,
      %parallel_loop3A_539 = arith.constant 50176 : i32
      %parallel_loop3A_540 = vector.broadcast %parallel_loop3A_539 : i32 to vector<16xi32>
      %parallel_loop3A_541 = arith.cmpi sge, %parallel_loop3A_538, %parallel_loop3A_540 : vector<16xi32>
      %parallel_loop3A_542 = arith.constant 50176 : i32
      %parallel_loop3A_543 = vector.broadcast %parallel_loop3A_542 : i32 to vector<16xi32>
      %parallel_loop3A_544 = arith.subi %parallel_loop3A_538, %parallel_loop3A_543 : vector<16xi32>
      %parallel_loop3A_545 = arith.select %parallel_loop3A_541, %parallel_loop3A_544, %parallel_loop3A_538 : vector<16xi1>, vector<16xi32>
      %parallel_loop3A_546 = tpu.vector_load_idx %arg8[%parallel_loop3A_545] : memref<50176xi32, #tpu.memory_space<vmem>>[vector<16xi32>], vector<16xi32>,
      %parallel_loop3A_547 = arith.constant -65536 : i32
      %parallel_loop3A_548 = vector.broadcast %parallel_loop3A_547 : i32 to vector<16xi32>
      %parallel_loop3A_549 = arith.andi %parallel_loop3A_546, %parallel_loop3A_548 : vector<16xi32>
      %parallel_loop3A_550 = arith.constant 16 : i32
      %parallel_loop3A_551 = vector.broadcast %parallel_loop3A_550 : i32 to vector<16xi32>
      %parallel_loop3A_552 = arith.shli %parallel_loop3A_546, %parallel_loop3A_551 : vector<16xi32>
      %parallel_loop3A_553 = arith.select %parallel_loop3A_541, %parallel_loop3A_549, %parallel_loop3A_552 : vector<16xi1>, vector<16xi32>
      %parallel_loop3A_554 = vector.bitcast %parallel_loop3A_553 : vector<16xi32> to vector<16xf32>
      %parallel_loop3A_555 = arith.index_cast %parallel_loop3A_536 : i32 to index
      %parallel_loop3A_556 = tpu.vector_load %arg24[%parallel_loop3A_555] {strides = array<i32>} : memref<2000xf32, #tpu.memory_space<vmem>>, vector<16xf32>,
      %parallel_loop3A_557 = arith.mulf %parallel_loop3A_554, %parallel_loop3A_556 : vector<16xf32>
      %parallel_loop3A_558 = arith.index_cast %parallel_loop3A_536 : i32 to index
      %parallel_loop3A_559 = tpu.vector_load %arg24[%parallel_loop3A_558] {strides = array<i32>} : memref<2000xf32, #tpu.memory_space<vmem>>, vector<16xf32>,
      tpu.vector_store %arg24[%parallel_loop3A_558], %parallel_loop3A_557 {strides = array<i32>} : memref<2000xf32, #tpu.memory_space<vmem>>, vector<16xf32>,
    } {sc.loop_unroll_factor = 8 : i64, sc.parallel_access}
    %dma_start3A_358 = arith.constant 0 : i32
    %dma_start3A_359 = tpu.memref_slice %arg27[%dma_start3A_358] : memref<100352xf32, #tpu.memory_space<vmem_shared>> -> memref<100352xf32, #tpu.memory_space<vmem_shared>>
    tpu.enqueue_indirect_dma source(%arg24 : memref<2000xf32, #tpu.memory_space<vmem>>) target(%dma_start3A_359 : memref<100352xf32, #tpu.memory_space<vmem_shared>>) offsets(%arg18 : memref<2000xi32, #tpu.memory_space<vmem>>) semaphore(%arg39 : memref<!tpu.dma_semaphore, #tpu.memory_space<semaphore_mem>>) {add = true}
    %dma_wait3A_360 = arith.constant 0 : i32
    %dma_wait3A_361 = tpu.memref_slice %arg27[%dma_wait3A_360] : memref<100352xf32, #tpu.memory_space<vmem_shared>> -> memref<100352xf32, #tpu.memory_space<vmem_shared>>
    tpu.wait_indirect_dma semaphore(%arg37 : memref<!tpu.dma_semaphore, #tpu.memory_space<semaphore_mem>>) src(%arg22 : memref<2000xf32, #tpu.memory_space<vmem>>) dst(%dma_wait3A_361 : memref<100352xf32, #tpu.memory_space<vmem_shared>>)
    %add3A_362 = arith.constant 38000 : i32
    %add3A_363 = arith.addi %mul3A_2, %add3A_362 : i32
    %dma_start3A_364 = tpu.memref_slice %arg3[%add3A_363] : memref<1600000xi32, #tpu.memory_space<hbm>> -> memref<2000xi32, #tpu.memory_space<hbm>>
    %dma_start3A_365 = tpu.memref_slice %arg3[%add3A_363] : memref<1600000xi32, #tpu.memory_space<hbm>> -> memref<2000xi32, #tpu.memory_space<hbm>>
    tpu.enqueue_dma source(%dma_start3A_365 : memref<2000xi32, #tpu.memory_space<hbm>>) target(%arg10 : memref<2000xi32, #tpu.memory_space<vmem>>) target_semaphore(%arg31 : memref<!tpu.dma_semaphore, #tpu.memory_space<semaphore_mem>>)
    %dma_start3A_366 = tpu.memref_slice %arg4[%add3A_363] : memref<1600000xi32, #tpu.memory_space<hbm>> -> memref<2000xi32, #tpu.memory_space<hbm>>
    %dma_start3A_367 = tpu.memref_slice %arg4[%add3A_363] : memref<1600000xi32, #tpu.memory_space<hbm>> -> memref<2000xi32, #tpu.memory_space<hbm>>
    tpu.enqueue_dma source(%dma_start3A_367 : memref<2000xi32, #tpu.memory_space<hbm>>) target(%arg16 : memref<2000xi32, #tpu.memory_space<vmem>>) target_semaphore(%arg31 : memref<!tpu.dma_semaphore, #tpu.memory_space<semaphore_mem>>)
    %dma_start3A_368 = tpu.memref_slice %arg5[%add3A_363] : memref<1600000xf32, #tpu.memory_space<hbm>> -> memref<2000xf32, #tpu.memory_space<hbm>>
    %dma_start3A_369 = tpu.memref_slice %arg5[%add3A_363] : memref<1600000xf32, #tpu.memory_space<hbm>> -> memref<2000xf32, #tpu.memory_space<hbm>>
    tpu.enqueue_dma source(%dma_start3A_369 : memref<2000xf32, #tpu.memory_space<hbm>>) target(%arg22 : memref<2000xf32, #tpu.memory_space<vmem>>) target_semaphore(%arg31 : memref<!tpu.dma_semaphore, #tpu.memory_space<semaphore_mem>>)
    %dma_wait3A_370 = tpu.memref_slice %arg3[%add3A_300] : memref<1600000xi32, #tpu.memory_space<hbm>> -> memref<2000xi32, #tpu.memory_space<hbm>>
    %dma_wait3A_371 = tpu.memref_slice %arg3[%add3A_300] : memref<1600000xi32, #tpu.memory_space<hbm>> -> memref<2000xi32, #tpu.memory_space<hbm>>
    tpu.wait_dma2 semaphore(%arg34 : memref<!tpu.dma_semaphore, #tpu.memory_space<semaphore_mem>>) src(%dma_wait3A_371 : memref<2000xi32, #tpu.memory_space<hbm>>) dst(%arg13 : memref<2000xi32, #tpu.memory_space<vmem>>)
    %dma_wait3A_372 = tpu.memref_slice %arg4[%add3A_300] : memref<1600000xi32, #tpu.memory_space<hbm>> -> memref<2000xi32, #tpu.memory_space<hbm>>
    %dma_wait3A_373 = tpu.memref_slice %arg4[%add3A_300] : memref<1600000xi32, #tpu.memory_space<hbm>> -> memref<2000xi32, #tpu.memory_space<hbm>>
    tpu.wait_dma2 semaphore(%arg34 : memref<!tpu.dma_semaphore, #tpu.memory_space<semaphore_mem>>) src(%dma_wait3A_373 : memref<2000xi32, #tpu.memory_space<hbm>>) dst(%arg19 : memref<2000xi32, #tpu.memory_space<vmem>>)
    %dma_wait3A_374 = tpu.memref_slice %arg5[%add3A_300] : memref<1600000xf32, #tpu.memory_space<hbm>> -> memref<2000xf32, #tpu.memory_space<hbm>>
    %dma_wait3A_375 = tpu.memref_slice %arg5[%add3A_300] : memref<1600000xf32, #tpu.memory_space<hbm>> -> memref<2000xf32, #tpu.memory_space<hbm>>
    tpu.wait_dma2 semaphore(%arg34 : memref<!tpu.dma_semaphore, #tpu.memory_space<semaphore_mem>>) src(%dma_wait3A_375 : memref<2000xf32, #tpu.memory_space<hbm>>) dst(%arg25 : memref<2000xf32, #tpu.memory_space<vmem>>)
    %parallel_loop3A_376 = arith.constant 0 : i32
    %parallel_loop3A_377 = arith.constant 125 : i32
    %parallel_loop3A_378 = arith.constant 1 : i32
    scf.for %parallel_loop3A_534 = %parallel_loop3A_376 to %parallel_loop3A_377 step %parallel_loop3A_378  : i32 {
      %parallel_loop3A_535 = arith.constant 16 : i32
      %parallel_loop3A_536 = arith.muli %parallel_loop3A_534, %parallel_loop3A_535 : i32
      %parallel_loop3A_537 = arith.index_cast %parallel_loop3A_536 : i32 to index
      %parallel_loop3A_538 = tpu.vector_load %arg13[%parallel_loop3A_537] {strides = array<i32>} : memref<2000xi32, #tpu.memory_space<vmem>>, vector<16xi32>,
      %parallel_loop3A_539 = arith.constant 50176 : i32
      %parallel_loop3A_540 = vector.broadcast %parallel_loop3A_539 : i32 to vector<16xi32>
      %parallel_loop3A_541 = arith.cmpi sge, %parallel_loop3A_538, %parallel_loop3A_540 : vector<16xi32>
      %parallel_loop3A_542 = arith.constant 50176 : i32
      %parallel_loop3A_543 = vector.broadcast %parallel_loop3A_542 : i32 to vector<16xi32>
      %parallel_loop3A_544 = arith.subi %parallel_loop3A_538, %parallel_loop3A_543 : vector<16xi32>
      %parallel_loop3A_545 = arith.select %parallel_loop3A_541, %parallel_loop3A_544, %parallel_loop3A_538 : vector<16xi1>, vector<16xi32>
      %parallel_loop3A_546 = tpu.vector_load_idx %arg8[%parallel_loop3A_545] : memref<50176xi32, #tpu.memory_space<vmem>>[vector<16xi32>], vector<16xi32>,
      %parallel_loop3A_547 = arith.constant -65536 : i32
      %parallel_loop3A_548 = vector.broadcast %parallel_loop3A_547 : i32 to vector<16xi32>
      %parallel_loop3A_549 = arith.andi %parallel_loop3A_546, %parallel_loop3A_548 : vector<16xi32>
      %parallel_loop3A_550 = arith.constant 16 : i32
      %parallel_loop3A_551 = vector.broadcast %parallel_loop3A_550 : i32 to vector<16xi32>
      %parallel_loop3A_552 = arith.shli %parallel_loop3A_546, %parallel_loop3A_551 : vector<16xi32>
      %parallel_loop3A_553 = arith.select %parallel_loop3A_541, %parallel_loop3A_549, %parallel_loop3A_552 : vector<16xi1>, vector<16xi32>
      %parallel_loop3A_554 = vector.bitcast %parallel_loop3A_553 : vector<16xi32> to vector<16xf32>
      %parallel_loop3A_555 = arith.index_cast %parallel_loop3A_536 : i32 to index
      %parallel_loop3A_556 = tpu.vector_load %arg25[%parallel_loop3A_555] {strides = array<i32>} : memref<2000xf32, #tpu.memory_space<vmem>>, vector<16xf32>,
      %parallel_loop3A_557 = arith.mulf %parallel_loop3A_554, %parallel_loop3A_556 : vector<16xf32>
      %parallel_loop3A_558 = arith.index_cast %parallel_loop3A_536 : i32 to index
      %parallel_loop3A_559 = tpu.vector_load %arg25[%parallel_loop3A_558] {strides = array<i32>} : memref<2000xf32, #tpu.memory_space<vmem>>, vector<16xf32>,
      tpu.vector_store %arg25[%parallel_loop3A_558], %parallel_loop3A_557 {strides = array<i32>} : memref<2000xf32, #tpu.memory_space<vmem>>, vector<16xf32>,
    } {sc.loop_unroll_factor = 8 : i64, sc.parallel_access}
    %dma_start3A_379 = arith.constant 0 : i32
    %dma_start3A_380 = tpu.memref_slice %arg27[%dma_start3A_379] : memref<100352xf32, #tpu.memory_space<vmem_shared>> -> memref<100352xf32, #tpu.memory_space<vmem_shared>>
    tpu.enqueue_indirect_dma source(%arg25 : memref<2000xf32, #tpu.memory_space<vmem>>) target(%dma_start3A_380 : memref<100352xf32, #tpu.memory_space<vmem_shared>>) offsets(%arg19 : memref<2000xi32, #tpu.memory_space<vmem>>) semaphore(%arg40 : memref<!tpu.dma_semaphore, #tpu.memory_space<semaphore_mem>>) {add = true}
    %dma_wait3A_381 = arith.constant 0 : i32
    %dma_wait3A_382 = tpu.memref_slice %arg27[%dma_wait3A_381] : memref<100352xf32, #tpu.memory_space<vmem_shared>> -> memref<100352xf32, #tpu.memory_space<vmem_shared>>
    tpu.wait_indirect_dma semaphore(%arg38 : memref<!tpu.dma_semaphore, #tpu.memory_space<semaphore_mem>>) src(%arg23 : memref<2000xf32, #tpu.memory_space<vmem>>) dst(%dma_wait3A_382 : memref<100352xf32, #tpu.memory_space<vmem_shared>>)
    %add3A_383 = arith.constant 40000 : i32
    %add3A_384 = arith.addi %mul3A_2, %add3A_383 : i32
    %dma_start3A_385 = tpu.memref_slice %arg3[%add3A_384] : memref<1600000xi32, #tpu.memory_space<hbm>> -> memref<2000xi32, #tpu.memory_space<hbm>>
    %dma_start3A_386 = tpu.memref_slice %arg3[%add3A_384] : memref<1600000xi32, #tpu.memory_space<hbm>> -> memref<2000xi32, #tpu.memory_space<hbm>>
    tpu.enqueue_dma source(%dma_start3A_386 : memref<2000xi32, #tpu.memory_space<hbm>>) target(%arg11 : memref<2000xi32, #tpu.memory_space<vmem>>) target_semaphore(%arg32 : memref<!tpu.dma_semaphore, #tpu.memory_space<semaphore_mem>>)
    %dma_start3A_387 = tpu.memref_slice %arg4[%add3A_384] : memref<1600000xi32, #tpu.memory_space<hbm>> -> memref<2000xi32, #tpu.memory_space<hbm>>
    %dma_start3A_388 = tpu.memref_slice %arg4[%add3A_384] : memref<1600000xi32, #tpu.memory_space<hbm>> -> memref<2000xi32, #tpu.memory_space<hbm>>
    tpu.enqueue_dma source(%dma_start3A_388 : memref<2000xi32, #tpu.memory_space<hbm>>) target(%arg17 : memref<2000xi32, #tpu.memory_space<vmem>>) target_semaphore(%arg32 : memref<!tpu.dma_semaphore, #tpu.memory_space<semaphore_mem>>)
    %dma_start3A_389 = tpu.memref_slice %arg5[%add3A_384] : memref<1600000xf32, #tpu.memory_space<hbm>> -> memref<2000xf32, #tpu.memory_space<hbm>>
    %dma_start3A_390 = tpu.memref_slice %arg5[%add3A_384] : memref<1600000xf32, #tpu.memory_space<hbm>> -> memref<2000xf32, #tpu.memory_space<hbm>>
    tpu.enqueue_dma source(%dma_start3A_390 : memref<2000xf32, #tpu.memory_space<hbm>>) target(%arg23 : memref<2000xf32, #tpu.memory_space<vmem>>) target_semaphore(%arg32 : memref<!tpu.dma_semaphore, #tpu.memory_space<semaphore_mem>>)
    %dma_wait3A_391 = tpu.memref_slice %arg3[%add3A_321] : memref<1600000xi32, #tpu.memory_space<hbm>> -> memref<2000xi32, #tpu.memory_space<hbm>>
    %dma_wait3A_392 = tpu.memref_slice %arg3[%add3A_321] : memref<1600000xi32, #tpu.memory_space<hbm>> -> memref<2000xi32, #tpu.memory_space<hbm>>
    tpu.wait_dma2 semaphore(%arg35 : memref<!tpu.dma_semaphore, #tpu.memory_space<semaphore_mem>>) src(%dma_wait3A_392 : memref<2000xi32, #tpu.memory_space<hbm>>) dst(%arg14 : memref<2000xi32, #tpu.memory_space<vmem>>)
    %dma_wait3A_393 = tpu.memref_slice %arg4[%add3A_321] : memref<1600000xi32, #tpu.memory_space<hbm>> -> memref<2000xi32, #tpu.memory_space<hbm>>
    %dma_wait3A_394 = tpu.memref_slice %arg4[%add3A_321] : memref<1600000xi32, #tpu.memory_space<hbm>> -> memref<2000xi32, #tpu.memory_space<hbm>>
    tpu.wait_dma2 semaphore(%arg35 : memref<!tpu.dma_semaphore, #tpu.memory_space<semaphore_mem>>) src(%dma_wait3A_394 : memref<2000xi32, #tpu.memory_space<hbm>>) dst(%arg20 : memref<2000xi32, #tpu.memory_space<vmem>>)
    %dma_wait3A_395 = tpu.memref_slice %arg5[%add3A_321] : memref<1600000xf32, #tpu.memory_space<hbm>> -> memref<2000xf32, #tpu.memory_space<hbm>>
    %dma_wait3A_396 = tpu.memref_slice %arg5[%add3A_321] : memref<1600000xf32, #tpu.memory_space<hbm>> -> memref<2000xf32, #tpu.memory_space<hbm>>
    tpu.wait_dma2 semaphore(%arg35 : memref<!tpu.dma_semaphore, #tpu.memory_space<semaphore_mem>>) src(%dma_wait3A_396 : memref<2000xf32, #tpu.memory_space<hbm>>) dst(%arg26 : memref<2000xf32, #tpu.memory_space<vmem>>)
    %parallel_loop3A_397 = arith.constant 0 : i32
    %parallel_loop3A_398 = arith.constant 125 : i32
    %parallel_loop3A_399 = arith.constant 1 : i32
    scf.for %parallel_loop3A_534 = %parallel_loop3A_397 to %parallel_loop3A_398 step %parallel_loop3A_399  : i32 {
      %parallel_loop3A_535 = arith.constant 16 : i32
      %parallel_loop3A_536 = arith.muli %parallel_loop3A_534, %parallel_loop3A_535 : i32
      %parallel_loop3A_537 = arith.index_cast %parallel_loop3A_536 : i32 to index
      %parallel_loop3A_538 = tpu.vector_load %arg14[%parallel_loop3A_537] {strides = array<i32>} : memref<2000xi32, #tpu.memory_space<vmem>>, vector<16xi32>,
      %parallel_loop3A_539 = arith.constant 50176 : i32
      %parallel_loop3A_540 = vector.broadcast %parallel_loop3A_539 : i32 to vector<16xi32>
      %parallel_loop3A_541 = arith.cmpi sge, %parallel_loop3A_538, %parallel_loop3A_540 : vector<16xi32>
      %parallel_loop3A_542 = arith.constant 50176 : i32
      %parallel_loop3A_543 = vector.broadcast %parallel_loop3A_542 : i32 to vector<16xi32>
      %parallel_loop3A_544 = arith.subi %parallel_loop3A_538, %parallel_loop3A_543 : vector<16xi32>
      %parallel_loop3A_545 = arith.select %parallel_loop3A_541, %parallel_loop3A_544, %parallel_loop3A_538 : vector<16xi1>, vector<16xi32>
      %parallel_loop3A_546 = tpu.vector_load_idx %arg8[%parallel_loop3A_545] : memref<50176xi32, #tpu.memory_space<vmem>>[vector<16xi32>], vector<16xi32>,
      %parallel_loop3A_547 = arith.constant -65536 : i32
      %parallel_loop3A_548 = vector.broadcast %parallel_loop3A_547 : i32 to vector<16xi32>
      %parallel_loop3A_549 = arith.andi %parallel_loop3A_546, %parallel_loop3A_548 : vector<16xi32>
      %parallel_loop3A_550 = arith.constant 16 : i32
      %parallel_loop3A_551 = vector.broadcast %parallel_loop3A_550 : i32 to vector<16xi32>
      %parallel_loop3A_552 = arith.shli %parallel_loop3A_546, %parallel_loop3A_551 : vector<16xi32>
      %parallel_loop3A_553 = arith.select %parallel_loop3A_541, %parallel_loop3A_549, %parallel_loop3A_552 : vector<16xi1>, vector<16xi32>
      %parallel_loop3A_554 = vector.bitcast %parallel_loop3A_553 : vector<16xi32> to vector<16xf32>
      %parallel_loop3A_555 = arith.index_cast %parallel_loop3A_536 : i32 to index
      %parallel_loop3A_556 = tpu.vector_load %arg26[%parallel_loop3A_555] {strides = array<i32>} : memref<2000xf32, #tpu.memory_space<vmem>>, vector<16xf32>,
      %parallel_loop3A_557 = arith.mulf %parallel_loop3A_554, %parallel_loop3A_556 : vector<16xf32>
      %parallel_loop3A_558 = arith.index_cast %parallel_loop3A_536 : i32 to index
      %parallel_loop3A_559 = tpu.vector_load %arg26[%parallel_loop3A_558] {strides = array<i32>} : memref<2000xf32, #tpu.memory_space<vmem>>, vector<16xf32>,
      tpu.vector_store %arg26[%parallel_loop3A_558], %parallel_loop3A_557 {strides = array<i32>} : memref<2000xf32, #tpu.memory_space<vmem>>, vector<16xf32>,
    } {sc.loop_unroll_factor = 8 : i64, sc.parallel_access}
    %dma_start3A_400 = arith.constant 0 : i32
    %dma_start3A_401 = tpu.memref_slice %arg27[%dma_start3A_400] : memref<100352xf32, #tpu.memory_space<vmem_shared>> -> memref<100352xf32, #tpu.memory_space<vmem_shared>>
    tpu.enqueue_indirect_dma source(%arg26 : memref<2000xf32, #tpu.memory_space<vmem>>) target(%dma_start3A_401 : memref<100352xf32, #tpu.memory_space<vmem_shared>>) offsets(%arg20 : memref<2000xi32, #tpu.memory_space<vmem>>) semaphore(%arg41 : memref<!tpu.dma_semaphore, #tpu.memory_space<semaphore_mem>>) {add = true}
    %dma_wait3A_402 = arith.constant 0 : i32
    %dma_wait3A_403 = tpu.memref_slice %arg27[%dma_wait3A_402] : memref<100352xf32, #tpu.memory_space<vmem_shared>> -> memref<100352xf32, #tpu.memory_space<vmem_shared>>
    tpu.wait_indirect_dma semaphore(%arg39 : memref<!tpu.dma_semaphore, #tpu.memory_space<semaphore_mem>>) src(%arg24 : memref<2000xf32, #tpu.memory_space<vmem>>) dst(%dma_wait3A_403 : memref<100352xf32, #tpu.memory_space<vmem_shared>>)
    %add3A_404 = arith.constant 42000 : i32
    %add3A_405 = arith.addi %mul3A_2, %add3A_404 : i32
    %dma_start3A_406 = tpu.memref_slice %arg3[%add3A_405] : memref<1600000xi32, #tpu.memory_space<hbm>> -> memref<2000xi32, #tpu.memory_space<hbm>>
    %dma_start3A_407 = tpu.memref_slice %arg3[%add3A_405] : memref<1600000xi32, #tpu.memory_space<hbm>> -> memref<2000xi32, #tpu.memory_space<hbm>>
    tpu.enqueue_dma source(%dma_start3A_407 : memref<2000xi32, #tpu.memory_space<hbm>>) target(%arg12 : memref<2000xi32, #tpu.memory_space<vmem>>) target_semaphore(%arg33 : memref<!tpu.dma_semaphore, #tpu.memory_space<semaphore_mem>>)
    %dma_start3A_408 = tpu.memref_slice %arg4[%add3A_405] : memref<1600000xi32, #tpu.memory_space<hbm>> -> memref<2000xi32, #tpu.memory_space<hbm>>
    %dma_start3A_409 = tpu.memref_slice %arg4[%add3A_405] : memref<1600000xi32, #tpu.memory_space<hbm>> -> memref<2000xi32, #tpu.memory_space<hbm>>
    tpu.enqueue_dma source(%dma_start3A_409 : memref<2000xi32, #tpu.memory_space<hbm>>) target(%arg18 : memref<2000xi32, #tpu.memory_space<vmem>>) target_semaphore(%arg33 : memref<!tpu.dma_semaphore, #tpu.memory_space<semaphore_mem>>)
    %dma_start3A_410 = tpu.memref_slice %arg5[%add3A_405] : memref<1600000xf32, #tpu.memory_space<hbm>> -> memref<2000xf32, #tpu.memory_space<hbm>>
    %dma_start3A_411 = tpu.memref_slice %arg5[%add3A_405] : memref<1600000xf32, #tpu.memory_space<hbm>> -> memref<2000xf32, #tpu.memory_space<hbm>>
    tpu.enqueue_dma source(%dma_start3A_411 : memref<2000xf32, #tpu.memory_space<hbm>>) target(%arg24 : memref<2000xf32, #tpu.memory_space<vmem>>) target_semaphore(%arg33 : memref<!tpu.dma_semaphore, #tpu.memory_space<semaphore_mem>>)
    %dma_wait3A_412 = tpu.memref_slice %arg3[%add3A_342] : memref<1600000xi32, #tpu.memory_space<hbm>> -> memref<2000xi32, #tpu.memory_space<hbm>>
    %dma_wait3A_413 = tpu.memref_slice %arg3[%add3A_342] : memref<1600000xi32, #tpu.memory_space<hbm>> -> memref<2000xi32, #tpu.memory_space<hbm>>
    tpu.wait_dma2 semaphore(%arg30 : memref<!tpu.dma_semaphore, #tpu.memory_space<semaphore_mem>>) src(%dma_wait3A_413 : memref<2000xi32, #tpu.memory_space<hbm>>) dst(%arg9 : memref<2000xi32, #tpu.memory_space<vmem>>)
    %dma_wait3A_414 = tpu.memref_slice %arg4[%add3A_342] : memref<1600000xi32, #tpu.memory_space<hbm>> -> memref<2000xi32, #tpu.memory_space<hbm>>
    %dma_wait3A_415 = tpu.memref_slice %arg4[%add3A_342] : memref<1600000xi32, #tpu.memory_space<hbm>> -> memref<2000xi32, #tpu.memory_space<hbm>>
    tpu.wait_dma2 semaphore(%arg30 : memref<!tpu.dma_semaphore, #tpu.memory_space<semaphore_mem>>) src(%dma_wait3A_415 : memref<2000xi32, #tpu.memory_space<hbm>>) dst(%arg15 : memref<2000xi32, #tpu.memory_space<vmem>>)
    %dma_wait3A_416 = tpu.memref_slice %arg5[%add3A_342] : memref<1600000xf32, #tpu.memory_space<hbm>> -> memref<2000xf32, #tpu.memory_space<hbm>>
    %dma_wait3A_417 = tpu.memref_slice %arg5[%add3A_342] : memref<1600000xf32, #tpu.memory_space<hbm>> -> memref<2000xf32, #tpu.memory_space<hbm>>
    tpu.wait_dma2 semaphore(%arg30 : memref<!tpu.dma_semaphore, #tpu.memory_space<semaphore_mem>>) src(%dma_wait3A_417 : memref<2000xf32, #tpu.memory_space<hbm>>) dst(%arg21 : memref<2000xf32, #tpu.memory_space<vmem>>)
    %parallel_loop3A_418 = arith.constant 0 : i32
    %parallel_loop3A_419 = arith.constant 125 : i32
    %parallel_loop3A_420 = arith.constant 1 : i32
    scf.for %parallel_loop3A_534 = %parallel_loop3A_418 to %parallel_loop3A_419 step %parallel_loop3A_420  : i32 {
      %parallel_loop3A_535 = arith.constant 16 : i32
      %parallel_loop3A_536 = arith.muli %parallel_loop3A_534, %parallel_loop3A_535 : i32
      %parallel_loop3A_537 = arith.index_cast %parallel_loop3A_536 : i32 to index
      %parallel_loop3A_538 = tpu.vector_load %arg9[%parallel_loop3A_537] {strides = array<i32>} : memref<2000xi32, #tpu.memory_space<vmem>>, vector<16xi32>,
      %parallel_loop3A_539 = arith.constant 50176 : i32
      %parallel_loop3A_540 = vector.broadcast %parallel_loop3A_539 : i32 to vector<16xi32>
      %parallel_loop3A_541 = arith.cmpi sge, %parallel_loop3A_538, %parallel_loop3A_540 : vector<16xi32>
      %parallel_loop3A_542 = arith.constant 50176 : i32
      %parallel_loop3A_543 = vector.broadcast %parallel_loop3A_542 : i32 to vector<16xi32>
      %parallel_loop3A_544 = arith.subi %parallel_loop3A_538, %parallel_loop3A_543 : vector<16xi32>
      %parallel_loop3A_545 = arith.select %parallel_loop3A_541, %parallel_loop3A_544, %parallel_loop3A_538 : vector<16xi1>, vector<16xi32>
      %parallel_loop3A_546 = tpu.vector_load_idx %arg8[%parallel_loop3A_545] : memref<50176xi32, #tpu.memory_space<vmem>>[vector<16xi32>], vector<16xi32>,
      %parallel_loop3A_547 = arith.constant -65536 : i32
      %parallel_loop3A_548 = vector.broadcast %parallel_loop3A_547 : i32 to vector<16xi32>
      %parallel_loop3A_549 = arith.andi %parallel_loop3A_546, %parallel_loop3A_548 : vector<16xi32>
      %parallel_loop3A_550 = arith.constant 16 : i32
      %parallel_loop3A_551 = vector.broadcast %parallel_loop3A_550 : i32 to vector<16xi32>
      %parallel_loop3A_552 = arith.shli %parallel_loop3A_546, %parallel_loop3A_551 : vector<16xi32>
      %parallel_loop3A_553 = arith.select %parallel_loop3A_541, %parallel_loop3A_549, %parallel_loop3A_552 : vector<16xi1>, vector<16xi32>
      %parallel_loop3A_554 = vector.bitcast %parallel_loop3A_553 : vector<16xi32> to vector<16xf32>
      %parallel_loop3A_555 = arith.index_cast %parallel_loop3A_536 : i32 to index
      %parallel_loop3A_556 = tpu.vector_load %arg21[%parallel_loop3A_555] {strides = array<i32>} : memref<2000xf32, #tpu.memory_space<vmem>>, vector<16xf32>,
      %parallel_loop3A_557 = arith.mulf %parallel_loop3A_554, %parallel_loop3A_556 : vector<16xf32>
      %parallel_loop3A_558 = arith.index_cast %parallel_loop3A_536 : i32 to index
      %parallel_loop3A_559 = tpu.vector_load %arg21[%parallel_loop3A_558] {strides = array<i32>} : memref<2000xf32, #tpu.memory_space<vmem>>, vector<16xf32>,
      tpu.vector_store %arg21[%parallel_loop3A_558], %parallel_loop3A_557 {strides = array<i32>} : memref<2000xf32, #tpu.memory_space<vmem>>, vector<16xf32>,
    } {sc.loop_unroll_factor = 8 : i64, sc.parallel_access}
    %dma_start3A_421 = arith.constant 0 : i32
    %dma_start3A_422 = tpu.memref_slice %arg27[%dma_start3A_421] : memref<100352xf32, #tpu.memory_space<vmem_shared>> -> memref<100352xf32, #tpu.memory_space<vmem_shared>>
    tpu.enqueue_indirect_dma source(%arg21 : memref<2000xf32, #tpu.memory_space<vmem>>) target(%dma_start3A_422 : memref<100352xf32, #tpu.memory_space<vmem_shared>>) offsets(%arg15 : memref<2000xi32, #tpu.memory_space<vmem>>) semaphore(%arg36 : memref<!tpu.dma_semaphore, #tpu.memory_space<semaphore_mem>>) {add = true}
    %dma_wait3A_423 = arith.constant 0 : i32
    %dma_wait3A_424 = tpu.memref_slice %arg27[%dma_wait3A_423] : memref<100352xf32, #tpu.memory_space<vmem_shared>> -> memref<100352xf32, #tpu.memory_space<vmem_shared>>
    tpu.wait_indirect_dma semaphore(%arg40 : memref<!tpu.dma_semaphore, #tpu.memory_space<semaphore_mem>>) src(%arg25 : memref<2000xf32, #tpu.memory_space<vmem>>) dst(%dma_wait3A_424 : memref<100352xf32, #tpu.memory_space<vmem_shared>>)
    %add3A_425 = arith.constant 44000 : i32
    %add3A_426 = arith.addi %mul3A_2, %add3A_425 : i32
    %dma_start3A_427 = tpu.memref_slice %arg3[%add3A_426] : memref<1600000xi32, #tpu.memory_space<hbm>> -> memref<2000xi32, #tpu.memory_space<hbm>>
    %dma_start3A_428 = tpu.memref_slice %arg3[%add3A_426] : memref<1600000xi32, #tpu.memory_space<hbm>> -> memref<2000xi32, #tpu.memory_space<hbm>>
    tpu.enqueue_dma source(%dma_start3A_428 : memref<2000xi32, #tpu.memory_space<hbm>>) target(%arg13 : memref<2000xi32, #tpu.memory_space<vmem>>) target_semaphore(%arg34 : memref<!tpu.dma_semaphore, #tpu.memory_space<semaphore_mem>>)
    %dma_start3A_429 = tpu.memref_slice %arg4[%add3A_426] : memref<1600000xi32, #tpu.memory_space<hbm>> -> memref<2000xi32, #tpu.memory_space<hbm>>
    %dma_start3A_430 = tpu.memref_slice %arg4[%add3A_426] : memref<1600000xi32, #tpu.memory_space<hbm>> -> memref<2000xi32, #tpu.memory_space<hbm>>
    tpu.enqueue_dma source(%dma_start3A_430 : memref<2000xi32, #tpu.memory_space<hbm>>) target(%arg19 : memref<2000xi32, #tpu.memory_space<vmem>>) target_semaphore(%arg34 : memref<!tpu.dma_semaphore, #tpu.memory_space<semaphore_mem>>)
    %dma_start3A_431 = tpu.memref_slice %arg5[%add3A_426] : memref<1600000xf32, #tpu.memory_space<hbm>> -> memref<2000xf32, #tpu.memory_space<hbm>>
    %dma_start3A_432 = tpu.memref_slice %arg5[%add3A_426] : memref<1600000xf32, #tpu.memory_space<hbm>> -> memref<2000xf32, #tpu.memory_space<hbm>>
    tpu.enqueue_dma source(%dma_start3A_432 : memref<2000xf32, #tpu.memory_space<hbm>>) target(%arg25 : memref<2000xf32, #tpu.memory_space<vmem>>) target_semaphore(%arg34 : memref<!tpu.dma_semaphore, #tpu.memory_space<semaphore_mem>>)
    %dma_wait3A_433 = tpu.memref_slice %arg3[%add3A_363] : memref<1600000xi32, #tpu.memory_space<hbm>> -> memref<2000xi32, #tpu.memory_space<hbm>>
    %dma_wait3A_434 = tpu.memref_slice %arg3[%add3A_363] : memref<1600000xi32, #tpu.memory_space<hbm>> -> memref<2000xi32, #tpu.memory_space<hbm>>
    tpu.wait_dma2 semaphore(%arg31 : memref<!tpu.dma_semaphore, #tpu.memory_space<semaphore_mem>>) src(%dma_wait3A_434 : memref<2000xi32, #tpu.memory_space<hbm>>) dst(%arg10 : memref<2000xi32, #tpu.memory_space<vmem>>)
    %dma_wait3A_435 = tpu.memref_slice %arg4[%add3A_363] : memref<1600000xi32, #tpu.memory_space<hbm>> -> memref<2000xi32, #tpu.memory_space<hbm>>
    %dma_wait3A_436 = tpu.memref_slice %arg4[%add3A_363] : memref<1600000xi32, #tpu.memory_space<hbm>> -> memref<2000xi32, #tpu.memory_space<hbm>>
    tpu.wait_dma2 semaphore(%arg31 : memref<!tpu.dma_semaphore, #tpu.memory_space<semaphore_mem>>) src(%dma_wait3A_436 : memref<2000xi32, #tpu.memory_space<hbm>>) dst(%arg16 : memref<2000xi32, #tpu.memory_space<vmem>>)
    %dma_wait3A_437 = tpu.memref_slice %arg5[%add3A_363] : memref<1600000xf32, #tpu.memory_space<hbm>> -> memref<2000xf32, #tpu.memory_space<hbm>>
    %dma_wait3A_438 = tpu.memref_slice %arg5[%add3A_363] : memref<1600000xf32, #tpu.memory_space<hbm>> -> memref<2000xf32, #tpu.memory_space<hbm>>
    tpu.wait_dma2 semaphore(%arg31 : memref<!tpu.dma_semaphore, #tpu.memory_space<semaphore_mem>>) src(%dma_wait3A_438 : memref<2000xf32, #tpu.memory_space<hbm>>) dst(%arg22 : memref<2000xf32, #tpu.memory_space<vmem>>)
    %parallel_loop3A_439 = arith.constant 0 : i32
    %parallel_loop3A_440 = arith.constant 125 : i32
    %parallel_loop3A_441 = arith.constant 1 : i32
    scf.for %parallel_loop3A_534 = %parallel_loop3A_439 to %parallel_loop3A_440 step %parallel_loop3A_441  : i32 {
      %parallel_loop3A_535 = arith.constant 16 : i32
      %parallel_loop3A_536 = arith.muli %parallel_loop3A_534, %parallel_loop3A_535 : i32
      %parallel_loop3A_537 = arith.index_cast %parallel_loop3A_536 : i32 to index
      %parallel_loop3A_538 = tpu.vector_load %arg10[%parallel_loop3A_537] {strides = array<i32>} : memref<2000xi32, #tpu.memory_space<vmem>>, vector<16xi32>,
      %parallel_loop3A_539 = arith.constant 50176 : i32
      %parallel_loop3A_540 = vector.broadcast %parallel_loop3A_539 : i32 to vector<16xi32>
      %parallel_loop3A_541 = arith.cmpi sge, %parallel_loop3A_538, %parallel_loop3A_540 : vector<16xi32>
      %parallel_loop3A_542 = arith.constant 50176 : i32
      %parallel_loop3A_543 = vector.broadcast %parallel_loop3A_542 : i32 to vector<16xi32>
      %parallel_loop3A_544 = arith.subi %parallel_loop3A_538, %parallel_loop3A_543 : vector<16xi32>
      %parallel_loop3A_545 = arith.select %parallel_loop3A_541, %parallel_loop3A_544, %parallel_loop3A_538 : vector<16xi1>, vector<16xi32>
      %parallel_loop3A_546 = tpu.vector_load_idx %arg8[%parallel_loop3A_545] : memref<50176xi32, #tpu.memory_space<vmem>>[vector<16xi32>], vector<16xi32>,
      %parallel_loop3A_547 = arith.constant -65536 : i32
      %parallel_loop3A_548 = vector.broadcast %parallel_loop3A_547 : i32 to vector<16xi32>
      %parallel_loop3A_549 = arith.andi %parallel_loop3A_546, %parallel_loop3A_548 : vector<16xi32>
      %parallel_loop3A_550 = arith.constant 16 : i32
      %parallel_loop3A_551 = vector.broadcast %parallel_loop3A_550 : i32 to vector<16xi32>
      %parallel_loop3A_552 = arith.shli %parallel_loop3A_546, %parallel_loop3A_551 : vector<16xi32>
      %parallel_loop3A_553 = arith.select %parallel_loop3A_541, %parallel_loop3A_549, %parallel_loop3A_552 : vector<16xi1>, vector<16xi32>
      %parallel_loop3A_554 = vector.bitcast %parallel_loop3A_553 : vector<16xi32> to vector<16xf32>
      %parallel_loop3A_555 = arith.index_cast %parallel_loop3A_536 : i32 to index
      %parallel_loop3A_556 = tpu.vector_load %arg22[%parallel_loop3A_555] {strides = array<i32>} : memref<2000xf32, #tpu.memory_space<vmem>>, vector<16xf32>,
      %parallel_loop3A_557 = arith.mulf %parallel_loop3A_554, %parallel_loop3A_556 : vector<16xf32>
      %parallel_loop3A_558 = arith.index_cast %parallel_loop3A_536 : i32 to index
      %parallel_loop3A_559 = tpu.vector_load %arg22[%parallel_loop3A_558] {strides = array<i32>} : memref<2000xf32, #tpu.memory_space<vmem>>, vector<16xf32>,
      tpu.vector_store %arg22[%parallel_loop3A_558], %parallel_loop3A_557 {strides = array<i32>} : memref<2000xf32, #tpu.memory_space<vmem>>, vector<16xf32>,
    } {sc.loop_unroll_factor = 8 : i64, sc.parallel_access}
    %dma_start3A_442 = arith.constant 0 : i32
    %dma_start3A_443 = tpu.memref_slice %arg27[%dma_start3A_442] : memref<100352xf32, #tpu.memory_space<vmem_shared>> -> memref<100352xf32, #tpu.memory_space<vmem_shared>>
    tpu.enqueue_indirect_dma source(%arg22 : memref<2000xf32, #tpu.memory_space<vmem>>) target(%dma_start3A_443 : memref<100352xf32, #tpu.memory_space<vmem_shared>>) offsets(%arg16 : memref<2000xi32, #tpu.memory_space<vmem>>) semaphore(%arg37 : memref<!tpu.dma_semaphore, #tpu.memory_space<semaphore_mem>>) {add = true}
    %dma_wait3A_444 = arith.constant 0 : i32
    %dma_wait3A_445 = tpu.memref_slice %arg27[%dma_wait3A_444] : memref<100352xf32, #tpu.memory_space<vmem_shared>> -> memref<100352xf32, #tpu.memory_space<vmem_shared>>
    tpu.wait_indirect_dma semaphore(%arg41 : memref<!tpu.dma_semaphore, #tpu.memory_space<semaphore_mem>>) src(%arg26 : memref<2000xf32, #tpu.memory_space<vmem>>) dst(%dma_wait3A_445 : memref<100352xf32, #tpu.memory_space<vmem_shared>>)
    %add3A_446 = arith.constant 46000 : i32
    %add3A_447 = arith.addi %mul3A_2, %add3A_446 : i32
    %dma_start3A_448 = tpu.memref_slice %arg3[%add3A_447] : memref<1600000xi32, #tpu.memory_space<hbm>> -> memref<2000xi32, #tpu.memory_space<hbm>>
    %dma_start3A_449 = tpu.memref_slice %arg3[%add3A_447] : memref<1600000xi32, #tpu.memory_space<hbm>> -> memref<2000xi32, #tpu.memory_space<hbm>>
    tpu.enqueue_dma source(%dma_start3A_449 : memref<2000xi32, #tpu.memory_space<hbm>>) target(%arg14 : memref<2000xi32, #tpu.memory_space<vmem>>) target_semaphore(%arg35 : memref<!tpu.dma_semaphore, #tpu.memory_space<semaphore_mem>>)
    %dma_start3A_450 = tpu.memref_slice %arg4[%add3A_447] : memref<1600000xi32, #tpu.memory_space<hbm>> -> memref<2000xi32, #tpu.memory_space<hbm>>
    %dma_start3A_451 = tpu.memref_slice %arg4[%add3A_447] : memref<1600000xi32, #tpu.memory_space<hbm>> -> memref<2000xi32, #tpu.memory_space<hbm>>
    tpu.enqueue_dma source(%dma_start3A_451 : memref<2000xi32, #tpu.memory_space<hbm>>) target(%arg20 : memref<2000xi32, #tpu.memory_space<vmem>>) target_semaphore(%arg35 : memref<!tpu.dma_semaphore, #tpu.memory_space<semaphore_mem>>)
    %dma_start3A_452 = tpu.memref_slice %arg5[%add3A_447] : memref<1600000xf32, #tpu.memory_space<hbm>> -> memref<2000xf32, #tpu.memory_space<hbm>>
    %dma_start3A_453 = tpu.memref_slice %arg5[%add3A_447] : memref<1600000xf32, #tpu.memory_space<hbm>> -> memref<2000xf32, #tpu.memory_space<hbm>>
    tpu.enqueue_dma source(%dma_start3A_453 : memref<2000xf32, #tpu.memory_space<hbm>>) target(%arg26 : memref<2000xf32, #tpu.memory_space<vmem>>) target_semaphore(%arg35 : memref<!tpu.dma_semaphore, #tpu.memory_space<semaphore_mem>>)
    %dma_wait3A_454 = tpu.memref_slice %arg3[%add3A_384] : memref<1600000xi32, #tpu.memory_space<hbm>> -> memref<2000xi32, #tpu.memory_space<hbm>>
    %dma_wait3A_455 = tpu.memref_slice %arg3[%add3A_384] : memref<1600000xi32, #tpu.memory_space<hbm>> -> memref<2000xi32, #tpu.memory_space<hbm>>
    tpu.wait_dma2 semaphore(%arg32 : memref<!tpu.dma_semaphore, #tpu.memory_space<semaphore_mem>>) src(%dma_wait3A_455 : memref<2000xi32, #tpu.memory_space<hbm>>) dst(%arg11 : memref<2000xi32, #tpu.memory_space<vmem>>)
    %dma_wait3A_456 = tpu.memref_slice %arg4[%add3A_384] : memref<1600000xi32, #tpu.memory_space<hbm>> -> memref<2000xi32, #tpu.memory_space<hbm>>
    %dma_wait3A_457 = tpu.memref_slice %arg4[%add3A_384] : memref<1600000xi32, #tpu.memory_space<hbm>> -> memref<2000xi32, #tpu.memory_space<hbm>>
    tpu.wait_dma2 semaphore(%arg32 : memref<!tpu.dma_semaphore, #tpu.memory_space<semaphore_mem>>) src(%dma_wait3A_457 : memref<2000xi32, #tpu.memory_space<hbm>>) dst(%arg17 : memref<2000xi32, #tpu.memory_space<vmem>>)
    %dma_wait3A_458 = tpu.memref_slice %arg5[%add3A_384] : memref<1600000xf32, #tpu.memory_space<hbm>> -> memref<2000xf32, #tpu.memory_space<hbm>>
    %dma_wait3A_459 = tpu.memref_slice %arg5[%add3A_384] : memref<1600000xf32, #tpu.memory_space<hbm>> -> memref<2000xf32, #tpu.memory_space<hbm>>
    tpu.wait_dma2 semaphore(%arg32 : memref<!tpu.dma_semaphore, #tpu.memory_space<semaphore_mem>>) src(%dma_wait3A_459 : memref<2000xf32, #tpu.memory_space<hbm>>) dst(%arg23 : memref<2000xf32, #tpu.memory_space<vmem>>)
    %parallel_loop3A_460 = arith.constant 0 : i32
    %parallel_loop3A_461 = arith.constant 125 : i32
    %parallel_loop3A_462 = arith.constant 1 : i32
    scf.for %parallel_loop3A_534 = %parallel_loop3A_460 to %parallel_loop3A_461 step %parallel_loop3A_462  : i32 {
      %parallel_loop3A_535 = arith.constant 16 : i32
      %parallel_loop3A_536 = arith.muli %parallel_loop3A_534, %parallel_loop3A_535 : i32
      %parallel_loop3A_537 = arith.index_cast %parallel_loop3A_536 : i32 to index
      %parallel_loop3A_538 = tpu.vector_load %arg11[%parallel_loop3A_537] {strides = array<i32>} : memref<2000xi32, #tpu.memory_space<vmem>>, vector<16xi32>,
      %parallel_loop3A_539 = arith.constant 50176 : i32
      %parallel_loop3A_540 = vector.broadcast %parallel_loop3A_539 : i32 to vector<16xi32>
      %parallel_loop3A_541 = arith.cmpi sge, %parallel_loop3A_538, %parallel_loop3A_540 : vector<16xi32>
      %parallel_loop3A_542 = arith.constant 50176 : i32
      %parallel_loop3A_543 = vector.broadcast %parallel_loop3A_542 : i32 to vector<16xi32>
      %parallel_loop3A_544 = arith.subi %parallel_loop3A_538, %parallel_loop3A_543 : vector<16xi32>
      %parallel_loop3A_545 = arith.select %parallel_loop3A_541, %parallel_loop3A_544, %parallel_loop3A_538 : vector<16xi1>, vector<16xi32>
      %parallel_loop3A_546 = tpu.vector_load_idx %arg8[%parallel_loop3A_545] : memref<50176xi32, #tpu.memory_space<vmem>>[vector<16xi32>], vector<16xi32>,
      %parallel_loop3A_547 = arith.constant -65536 : i32
      %parallel_loop3A_548 = vector.broadcast %parallel_loop3A_547 : i32 to vector<16xi32>
      %parallel_loop3A_549 = arith.andi %parallel_loop3A_546, %parallel_loop3A_548 : vector<16xi32>
      %parallel_loop3A_550 = arith.constant 16 : i32
      %parallel_loop3A_551 = vector.broadcast %parallel_loop3A_550 : i32 to vector<16xi32>
      %parallel_loop3A_552 = arith.shli %parallel_loop3A_546, %parallel_loop3A_551 : vector<16xi32>
      %parallel_loop3A_553 = arith.select %parallel_loop3A_541, %parallel_loop3A_549, %parallel_loop3A_552 : vector<16xi1>, vector<16xi32>
      %parallel_loop3A_554 = vector.bitcast %parallel_loop3A_553 : vector<16xi32> to vector<16xf32>
      %parallel_loop3A_555 = arith.index_cast %parallel_loop3A_536 : i32 to index
      %parallel_loop3A_556 = tpu.vector_load %arg23[%parallel_loop3A_555] {strides = array<i32>} : memref<2000xf32, #tpu.memory_space<vmem>>, vector<16xf32>,
      %parallel_loop3A_557 = arith.mulf %parallel_loop3A_554, %parallel_loop3A_556 : vector<16xf32>
      %parallel_loop3A_558 = arith.index_cast %parallel_loop3A_536 : i32 to index
      %parallel_loop3A_559 = tpu.vector_load %arg23[%parallel_loop3A_558] {strides = array<i32>} : memref<2000xf32, #tpu.memory_space<vmem>>, vector<16xf32>,
      tpu.vector_store %arg23[%parallel_loop3A_558], %parallel_loop3A_557 {strides = array<i32>} : memref<2000xf32, #tpu.memory_space<vmem>>, vector<16xf32>,
    } {sc.loop_unroll_factor = 8 : i64, sc.parallel_access}
    %dma_start3A_463 = arith.constant 0 : i32
    %dma_start3A_464 = tpu.memref_slice %arg27[%dma_start3A_463] : memref<100352xf32, #tpu.memory_space<vmem_shared>> -> memref<100352xf32, #tpu.memory_space<vmem_shared>>
    tpu.enqueue_indirect_dma source(%arg23 : memref<2000xf32, #tpu.memory_space<vmem>>) target(%dma_start3A_464 : memref<100352xf32, #tpu.memory_space<vmem_shared>>) offsets(%arg17 : memref<2000xi32, #tpu.memory_space<vmem>>) semaphore(%arg38 : memref<!tpu.dma_semaphore, #tpu.memory_space<semaphore_mem>>) {add = true}
    %dma_wait3A_465 = arith.constant 0 : i32
    %dma_wait3A_466 = tpu.memref_slice %arg27[%dma_wait3A_465] : memref<100352xf32, #tpu.memory_space<vmem_shared>> -> memref<100352xf32, #tpu.memory_space<vmem_shared>>
    tpu.wait_indirect_dma semaphore(%arg36 : memref<!tpu.dma_semaphore, #tpu.memory_space<semaphore_mem>>) src(%arg21 : memref<2000xf32, #tpu.memory_space<vmem>>) dst(%dma_wait3A_466 : memref<100352xf32, #tpu.memory_space<vmem_shared>>)
    %add3A_467 = arith.constant 48000 : i32
    %add3A_468 = arith.addi %mul3A_2, %add3A_467 : i32
    %dma_start3A_469 = tpu.memref_slice %arg3[%add3A_468] : memref<1600000xi32, #tpu.memory_space<hbm>> -> memref<2000xi32, #tpu.memory_space<hbm>>
    %dma_start3A_470 = tpu.memref_slice %arg3[%add3A_468] : memref<1600000xi32, #tpu.memory_space<hbm>> -> memref<2000xi32, #tpu.memory_space<hbm>>
    tpu.enqueue_dma source(%dma_start3A_470 : memref<2000xi32, #tpu.memory_space<hbm>>) target(%arg9 : memref<2000xi32, #tpu.memory_space<vmem>>) target_semaphore(%arg30 : memref<!tpu.dma_semaphore, #tpu.memory_space<semaphore_mem>>)
    %dma_start3A_471 = tpu.memref_slice %arg4[%add3A_468] : memref<1600000xi32, #tpu.memory_space<hbm>> -> memref<2000xi32, #tpu.memory_space<hbm>>
    %dma_start3A_472 = tpu.memref_slice %arg4[%add3A_468] : memref<1600000xi32, #tpu.memory_space<hbm>> -> memref<2000xi32, #tpu.memory_space<hbm>>
    tpu.enqueue_dma source(%dma_start3A_472 : memref<2000xi32, #tpu.memory_space<hbm>>) target(%arg15 : memref<2000xi32, #tpu.memory_space<vmem>>) target_semaphore(%arg30 : memref<!tpu.dma_semaphore, #tpu.memory_space<semaphore_mem>>)
    %dma_start3A_473 = tpu.memref_slice %arg5[%add3A_468] : memref<1600000xf32, #tpu.memory_space<hbm>> -> memref<2000xf32, #tpu.memory_space<hbm>>
    %dma_start3A_474 = tpu.memref_slice %arg5[%add3A_468] : memref<1600000xf32, #tpu.memory_space<hbm>> -> memref<2000xf32, #tpu.memory_space<hbm>>
    tpu.enqueue_dma source(%dma_start3A_474 : memref<2000xf32, #tpu.memory_space<hbm>>) target(%arg21 : memref<2000xf32, #tpu.memory_space<vmem>>) target_semaphore(%arg30 : memref<!tpu.dma_semaphore, #tpu.memory_space<semaphore_mem>>)
    %dma_wait3A_475 = tpu.memref_slice %arg3[%add3A_405] : memref<1600000xi32, #tpu.memory_space<hbm>> -> memref<2000xi32, #tpu.memory_space<hbm>>
    %dma_wait3A_476 = tpu.memref_slice %arg3[%add3A_405] : memref<1600000xi32, #tpu.memory_space<hbm>> -> memref<2000xi32, #tpu.memory_space<hbm>>
    tpu.wait_dma2 semaphore(%arg33 : memref<!tpu.dma_semaphore, #tpu.memory_space<semaphore_mem>>) src(%dma_wait3A_476 : memref<2000xi32, #tpu.memory_space<hbm>>) dst(%arg12 : memref<2000xi32, #tpu.memory_space<vmem>>)
    %dma_wait3A_477 = tpu.memref_slice %arg4[%add3A_405] : memref<1600000xi32, #tpu.memory_space<hbm>> -> memref<2000xi32, #tpu.memory_space<hbm>>
    %dma_wait3A_478 = tpu.memref_slice %arg4[%add3A_405] : memref<1600000xi32, #tpu.memory_space<hbm>> -> memref<2000xi32, #tpu.memory_space<hbm>>
    tpu.wait_dma2 semaphore(%arg33 : memref<!tpu.dma_semaphore, #tpu.memory_space<semaphore_mem>>) src(%dma_wait3A_478 : memref<2000xi32, #tpu.memory_space<hbm>>) dst(%arg18 : memref<2000xi32, #tpu.memory_space<vmem>>)
    %dma_wait3A_479 = tpu.memref_slice %arg5[%add3A_405] : memref<1600000xf32, #tpu.memory_space<hbm>> -> memref<2000xf32, #tpu.memory_space<hbm>>
    %dma_wait3A_480 = tpu.memref_slice %arg5[%add3A_405] : memref<1600000xf32, #tpu.memory_space<hbm>> -> memref<2000xf32, #tpu.memory_space<hbm>>
    tpu.wait_dma2 semaphore(%arg33 : memref<!tpu.dma_semaphore, #tpu.memory_space<semaphore_mem>>) src(%dma_wait3A_480 : memref<2000xf32, #tpu.memory_space<hbm>>) dst(%arg24 : memref<2000xf32, #tpu.memory_space<vmem>>)
    %parallel_loop3A_481 = arith.constant 0 : i32
    %parallel_loop3A_482 = arith.constant 125 : i32
    %parallel_loop3A_483 = arith.constant 1 : i32
    scf.for %parallel_loop3A_534 = %parallel_loop3A_481 to %parallel_loop3A_482 step %parallel_loop3A_483  : i32 {
      %parallel_loop3A_535 = arith.constant 16 : i32
      %parallel_loop3A_536 = arith.muli %parallel_loop3A_534, %parallel_loop3A_535 : i32
      %parallel_loop3A_537 = arith.index_cast %parallel_loop3A_536 : i32 to index
      %parallel_loop3A_538 = tpu.vector_load %arg12[%parallel_loop3A_537] {strides = array<i32>} : memref<2000xi32, #tpu.memory_space<vmem>>, vector<16xi32>,
      %parallel_loop3A_539 = arith.constant 50176 : i32
      %parallel_loop3A_540 = vector.broadcast %parallel_loop3A_539 : i32 to vector<16xi32>
      %parallel_loop3A_541 = arith.cmpi sge, %parallel_loop3A_538, %parallel_loop3A_540 : vector<16xi32>
      %parallel_loop3A_542 = arith.constant 50176 : i32
      %parallel_loop3A_543 = vector.broadcast %parallel_loop3A_542 : i32 to vector<16xi32>
      %parallel_loop3A_544 = arith.subi %parallel_loop3A_538, %parallel_loop3A_543 : vector<16xi32>
      %parallel_loop3A_545 = arith.select %parallel_loop3A_541, %parallel_loop3A_544, %parallel_loop3A_538 : vector<16xi1>, vector<16xi32>
      %parallel_loop3A_546 = tpu.vector_load_idx %arg8[%parallel_loop3A_545] : memref<50176xi32, #tpu.memory_space<vmem>>[vector<16xi32>], vector<16xi32>,
      %parallel_loop3A_547 = arith.constant -65536 : i32
      %parallel_loop3A_548 = vector.broadcast %parallel_loop3A_547 : i32 to vector<16xi32>
      %parallel_loop3A_549 = arith.andi %parallel_loop3A_546, %parallel_loop3A_548 : vector<16xi32>
      %parallel_loop3A_550 = arith.constant 16 : i32
      %parallel_loop3A_551 = vector.broadcast %parallel_loop3A_550 : i32 to vector<16xi32>
      %parallel_loop3A_552 = arith.shli %parallel_loop3A_546, %parallel_loop3A_551 : vector<16xi32>
      %parallel_loop3A_553 = arith.select %parallel_loop3A_541, %parallel_loop3A_549, %parallel_loop3A_552 : vector<16xi1>, vector<16xi32>
      %parallel_loop3A_554 = vector.bitcast %parallel_loop3A_553 : vector<16xi32> to vector<16xf32>
      %parallel_loop3A_555 = arith.index_cast %parallel_loop3A_536 : i32 to index
      %parallel_loop3A_556 = tpu.vector_load %arg24[%parallel_loop3A_555] {strides = array<i32>} : memref<2000xf32, #tpu.memory_space<vmem>>, vector<16xf32>,
      %parallel_loop3A_557 = arith.mulf %parallel_loop3A_554, %parallel_loop3A_556 : vector<16xf32>
      %parallel_loop3A_558 = arith.index_cast %parallel_loop3A_536 : i32 to index
      %parallel_loop3A_559 = tpu.vector_load %arg24[%parallel_loop3A_558] {strides = array<i32>} : memref<2000xf32, #tpu.memory_space<vmem>>, vector<16xf32>,
      tpu.vector_store %arg24[%parallel_loop3A_558], %parallel_loop3A_557 {strides = array<i32>} : memref<2000xf32, #tpu.memory_space<vmem>>, vector<16xf32>,
    } {sc.loop_unroll_factor = 8 : i64, sc.parallel_access}
    %dma_start3A_484 = arith.constant 0 : i32
    %dma_start3A_485 = tpu.memref_slice %arg27[%dma_start3A_484] : memref<100352xf32, #tpu.memory_space<vmem_shared>> -> memref<100352xf32, #tpu.memory_space<vmem_shared>>
    tpu.enqueue_indirect_dma source(%arg24 : memref<2000xf32, #tpu.memory_space<vmem>>) target(%dma_start3A_485 : memref<100352xf32, #tpu.memory_space<vmem_shared>>) offsets(%arg18 : memref<2000xi32, #tpu.memory_space<vmem>>) semaphore(%arg39 : memref<!tpu.dma_semaphore, #tpu.memory_space<semaphore_mem>>) {add = true}
    %dma_wait3A_486 = tpu.memref_slice %arg3[%add3A_426] : memref<1600000xi32, #tpu.memory_space<hbm>> -> memref<2000xi32, #tpu.memory_space<hbm>>
    %dma_wait3A_487 = tpu.memref_slice %arg3[%add3A_426] : memref<1600000xi32, #tpu.memory_space<hbm>> -> memref<2000xi32, #tpu.memory_space<hbm>>
    tpu.wait_dma2 semaphore(%arg34 : memref<!tpu.dma_semaphore, #tpu.memory_space<semaphore_mem>>) src(%dma_wait3A_487 : memref<2000xi32, #tpu.memory_space<hbm>>) dst(%arg13 : memref<2000xi32, #tpu.memory_space<vmem>>)
    %dma_wait3A_488 = tpu.memref_slice %arg4[%add3A_426] : memref<1600000xi32, #tpu.memory_space<hbm>> -> memref<2000xi32, #tpu.memory_space<hbm>>
    %dma_wait3A_489 = tpu.memref_slice %arg4[%add3A_426] : memref<1600000xi32, #tpu.memory_space<hbm>> -> memref<2000xi32, #tpu.memory_space<hbm>>
    tpu.wait_dma2 semaphore(%arg34 : memref<!tpu.dma_semaphore, #tpu.memory_space<semaphore_mem>>) src(%dma_wait3A_489 : memref<2000xi32, #tpu.memory_space<hbm>>) dst(%arg19 : memref<2000xi32, #tpu.memory_space<vmem>>)
    %dma_wait3A_490 = tpu.memref_slice %arg5[%add3A_426] : memref<1600000xf32, #tpu.memory_space<hbm>> -> memref<2000xf32, #tpu.memory_space<hbm>>
    %dma_wait3A_491 = tpu.memref_slice %arg5[%add3A_426] : memref<1600000xf32, #tpu.memory_space<hbm>> -> memref<2000xf32, #tpu.memory_space<hbm>>
    tpu.wait_dma2 semaphore(%arg34 : memref<!tpu.dma_semaphore, #tpu.memory_space<semaphore_mem>>) src(%dma_wait3A_491 : memref<2000xf32, #tpu.memory_space<hbm>>) dst(%arg25 : memref<2000xf32, #tpu.memory_space<vmem>>)
    %parallel_loop3A_492 = arith.constant 0 : i32
    %parallel_loop3A_493 = arith.constant 125 : i32
    %parallel_loop3A_494 = arith.constant 1 : i32
    scf.for %parallel_loop3A_534 = %parallel_loop3A_492 to %parallel_loop3A_493 step %parallel_loop3A_494  : i32 {
      %parallel_loop3A_535 = arith.constant 16 : i32
      %parallel_loop3A_536 = arith.muli %parallel_loop3A_534, %parallel_loop3A_535 : i32
      %parallel_loop3A_537 = arith.index_cast %parallel_loop3A_536 : i32 to index
      %parallel_loop3A_538 = tpu.vector_load %arg13[%parallel_loop3A_537] {strides = array<i32>} : memref<2000xi32, #tpu.memory_space<vmem>>, vector<16xi32>,
      %parallel_loop3A_539 = arith.constant 50176 : i32
      %parallel_loop3A_540 = vector.broadcast %parallel_loop3A_539 : i32 to vector<16xi32>
      %parallel_loop3A_541 = arith.cmpi sge, %parallel_loop3A_538, %parallel_loop3A_540 : vector<16xi32>
      %parallel_loop3A_542 = arith.constant 50176 : i32
      %parallel_loop3A_543 = vector.broadcast %parallel_loop3A_542 : i32 to vector<16xi32>
      %parallel_loop3A_544 = arith.subi %parallel_loop3A_538, %parallel_loop3A_543 : vector<16xi32>
      %parallel_loop3A_545 = arith.select %parallel_loop3A_541, %parallel_loop3A_544, %parallel_loop3A_538 : vector<16xi1>, vector<16xi32>
      %parallel_loop3A_546 = tpu.vector_load_idx %arg8[%parallel_loop3A_545] : memref<50176xi32, #tpu.memory_space<vmem>>[vector<16xi32>], vector<16xi32>,
      %parallel_loop3A_547 = arith.constant -65536 : i32
      %parallel_loop3A_548 = vector.broadcast %parallel_loop3A_547 : i32 to vector<16xi32>
      %parallel_loop3A_549 = arith.andi %parallel_loop3A_546, %parallel_loop3A_548 : vector<16xi32>
      %parallel_loop3A_550 = arith.constant 16 : i32
      %parallel_loop3A_551 = vector.broadcast %parallel_loop3A_550 : i32 to vector<16xi32>
      %parallel_loop3A_552 = arith.shli %parallel_loop3A_546, %parallel_loop3A_551 : vector<16xi32>
      %parallel_loop3A_553 = arith.select %parallel_loop3A_541, %parallel_loop3A_549, %parallel_loop3A_552 : vector<16xi1>, vector<16xi32>
      %parallel_loop3A_554 = vector.bitcast %parallel_loop3A_553 : vector<16xi32> to vector<16xf32>
      %parallel_loop3A_555 = arith.index_cast %parallel_loop3A_536 : i32 to index
      %parallel_loop3A_556 = tpu.vector_load %arg25[%parallel_loop3A_555] {strides = array<i32>} : memref<2000xf32, #tpu.memory_space<vmem>>, vector<16xf32>,
      %parallel_loop3A_557 = arith.mulf %parallel_loop3A_554, %parallel_loop3A_556 : vector<16xf32>
      %parallel_loop3A_558 = arith.index_cast %parallel_loop3A_536 : i32 to index
      %parallel_loop3A_559 = tpu.vector_load %arg25[%parallel_loop3A_558] {strides = array<i32>} : memref<2000xf32, #tpu.memory_space<vmem>>, vector<16xf32>,
      tpu.vector_store %arg25[%parallel_loop3A_558], %parallel_loop3A_557 {strides = array<i32>} : memref<2000xf32, #tpu.memory_space<vmem>>, vector<16xf32>,
    } {sc.loop_unroll_factor = 8 : i64, sc.parallel_access}
    %dma_start3A_495 = arith.constant 0 : i32
    %dma_start3A_496 = tpu.memref_slice %arg27[%dma_start3A_495] : memref<100352xf32, #tpu.memory_space<vmem_shared>> -> memref<100352xf32, #tpu.memory_space<vmem_shared>>
    tpu.enqueue_indirect_dma source(%arg25 : memref<2000xf32, #tpu.memory_space<vmem>>) target(%dma_start3A_496 : memref<100352xf32, #tpu.memory_space<vmem_shared>>) offsets(%arg19 : memref<2000xi32, #tpu.memory_space<vmem>>) semaphore(%arg40 : memref<!tpu.dma_semaphore, #tpu.memory_space<semaphore_mem>>) {add = true}
    %dma_wait3A_497 = tpu.memref_slice %arg3[%add3A_447] : memref<1600000xi32, #tpu.memory_space<hbm>> -> memref<2000xi32, #tpu.memory_space<hbm>>
    %dma_wait3A_498 = tpu.memref_slice %arg3[%add3A_447] : memref<1600000xi32, #tpu.memory_space<hbm>> -> memref<2000xi32, #tpu.memory_space<hbm>>
    tpu.wait_dma2 semaphore(%arg35 : memref<!tpu.dma_semaphore, #tpu.memory_space<semaphore_mem>>) src(%dma_wait3A_498 : memref<2000xi32, #tpu.memory_space<hbm>>) dst(%arg14 : memref<2000xi32, #tpu.memory_space<vmem>>)
    %dma_wait3A_499 = tpu.memref_slice %arg4[%add3A_447] : memref<1600000xi32, #tpu.memory_space<hbm>> -> memref<2000xi32, #tpu.memory_space<hbm>>
    %dma_wait3A_500 = tpu.memref_slice %arg4[%add3A_447] : memref<1600000xi32, #tpu.memory_space<hbm>> -> memref<2000xi32, #tpu.memory_space<hbm>>
    tpu.wait_dma2 semaphore(%arg35 : memref<!tpu.dma_semaphore, #tpu.memory_space<semaphore_mem>>) src(%dma_wait3A_500 : memref<2000xi32, #tpu.memory_space<hbm>>) dst(%arg20 : memref<2000xi32, #tpu.memory_space<vmem>>)
    %dma_wait3A_501 = tpu.memref_slice %arg5[%add3A_447] : memref<1600000xf32, #tpu.memory_space<hbm>> -> memref<2000xf32, #tpu.memory_space<hbm>>
    %dma_wait3A_502 = tpu.memref_slice %arg5[%add3A_447] : memref<1600000xf32, #tpu.memory_space<hbm>> -> memref<2000xf32, #tpu.memory_space<hbm>>
    tpu.wait_dma2 semaphore(%arg35 : memref<!tpu.dma_semaphore, #tpu.memory_space<semaphore_mem>>) src(%dma_wait3A_502 : memref<2000xf32, #tpu.memory_space<hbm>>) dst(%arg26 : memref<2000xf32, #tpu.memory_space<vmem>>)
    %parallel_loop3A_503 = arith.constant 0 : i32
    %parallel_loop3A_504 = arith.constant 125 : i32
    %parallel_loop3A_505 = arith.constant 1 : i32
    scf.for %parallel_loop3A_534 = %parallel_loop3A_503 to %parallel_loop3A_504 step %parallel_loop3A_505  : i32 {
      %parallel_loop3A_535 = arith.constant 16 : i32
      %parallel_loop3A_536 = arith.muli %parallel_loop3A_534, %parallel_loop3A_535 : i32
      %parallel_loop3A_537 = arith.index_cast %parallel_loop3A_536 : i32 to index
      %parallel_loop3A_538 = tpu.vector_load %arg14[%parallel_loop3A_537] {strides = array<i32>} : memref<2000xi32, #tpu.memory_space<vmem>>, vector<16xi32>,
      %parallel_loop3A_539 = arith.constant 50176 : i32
      %parallel_loop3A_540 = vector.broadcast %parallel_loop3A_539 : i32 to vector<16xi32>
      %parallel_loop3A_541 = arith.cmpi sge, %parallel_loop3A_538, %parallel_loop3A_540 : vector<16xi32>
      %parallel_loop3A_542 = arith.constant 50176 : i32
      %parallel_loop3A_543 = vector.broadcast %parallel_loop3A_542 : i32 to vector<16xi32>
      %parallel_loop3A_544 = arith.subi %parallel_loop3A_538, %parallel_loop3A_543 : vector<16xi32>
      %parallel_loop3A_545 = arith.select %parallel_loop3A_541, %parallel_loop3A_544, %parallel_loop3A_538 : vector<16xi1>, vector<16xi32>
      %parallel_loop3A_546 = tpu.vector_load_idx %arg8[%parallel_loop3A_545] : memref<50176xi32, #tpu.memory_space<vmem>>[vector<16xi32>], vector<16xi32>,
      %parallel_loop3A_547 = arith.constant -65536 : i32
      %parallel_loop3A_548 = vector.broadcast %parallel_loop3A_547 : i32 to vector<16xi32>
      %parallel_loop3A_549 = arith.andi %parallel_loop3A_546, %parallel_loop3A_548 : vector<16xi32>
      %parallel_loop3A_550 = arith.constant 16 : i32
      %parallel_loop3A_551 = vector.broadcast %parallel_loop3A_550 : i32 to vector<16xi32>
      %parallel_loop3A_552 = arith.shli %parallel_loop3A_546, %parallel_loop3A_551 : vector<16xi32>
      %parallel_loop3A_553 = arith.select %parallel_loop3A_541, %parallel_loop3A_549, %parallel_loop3A_552 : vector<16xi1>, vector<16xi32>
      %parallel_loop3A_554 = vector.bitcast %parallel_loop3A_553 : vector<16xi32> to vector<16xf32>
      %parallel_loop3A_555 = arith.index_cast %parallel_loop3A_536 : i32 to index
      %parallel_loop3A_556 = tpu.vector_load %arg26[%parallel_loop3A_555] {strides = array<i32>} : memref<2000xf32, #tpu.memory_space<vmem>>, vector<16xf32>,
      %parallel_loop3A_557 = arith.mulf %parallel_loop3A_554, %parallel_loop3A_556 : vector<16xf32>
      %parallel_loop3A_558 = arith.index_cast %parallel_loop3A_536 : i32 to index
      %parallel_loop3A_559 = tpu.vector_load %arg26[%parallel_loop3A_558] {strides = array<i32>} : memref<2000xf32, #tpu.memory_space<vmem>>, vector<16xf32>,
      tpu.vector_store %arg26[%parallel_loop3A_558], %parallel_loop3A_557 {strides = array<i32>} : memref<2000xf32, #tpu.memory_space<vmem>>, vector<16xf32>,
    } {sc.loop_unroll_factor = 8 : i64, sc.parallel_access}
    %dma_start3A_506 = arith.constant 0 : i32
    %dma_start3A_507 = tpu.memref_slice %arg27[%dma_start3A_506] : memref<100352xf32, #tpu.memory_space<vmem_shared>> -> memref<100352xf32, #tpu.memory_space<vmem_shared>>
    tpu.enqueue_indirect_dma source(%arg26 : memref<2000xf32, #tpu.memory_space<vmem>>) target(%dma_start3A_507 : memref<100352xf32, #tpu.memory_space<vmem_shared>>) offsets(%arg20 : memref<2000xi32, #tpu.memory_space<vmem>>) semaphore(%arg41 : memref<!tpu.dma_semaphore, #tpu.memory_space<semaphore_mem>>) {add = true}
    %dma_wait3A_508 = tpu.memref_slice %arg3[%add3A_468] : memref<1600000xi32, #tpu.memory_space<hbm>> -> memref<2000xi32, #tpu.memory_space<hbm>>
    %dma_wait3A_509 = tpu.memref_slice %arg3[%add3A_468] : memref<1600000xi32, #tpu.memory_space<hbm>> -> memref<2000xi32, #tpu.memory_space<hbm>>
    tpu.wait_dma2 semaphore(%arg30 : memref<!tpu.dma_semaphore, #tpu.memory_space<semaphore_mem>>) src(%dma_wait3A_509 : memref<2000xi32, #tpu.memory_space<hbm>>) dst(%arg9 : memref<2000xi32, #tpu.memory_space<vmem>>)
    %dma_wait3A_510 = tpu.memref_slice %arg4[%add3A_468] : memref<1600000xi32, #tpu.memory_space<hbm>> -> memref<2000xi32, #tpu.memory_space<hbm>>
    %dma_wait3A_511 = tpu.memref_slice %arg4[%add3A_468] : memref<1600000xi32, #tpu.memory_space<hbm>> -> memref<2000xi32, #tpu.memory_space<hbm>>
    tpu.wait_dma2 semaphore(%arg30 : memref<!tpu.dma_semaphore, #tpu.memory_space<semaphore_mem>>) src(%dma_wait3A_511 : memref<2000xi32, #tpu.memory_space<hbm>>) dst(%arg15 : memref<2000xi32, #tpu.memory_space<vmem>>)
    %dma_wait3A_512 = tpu.memref_slice %arg5[%add3A_468] : memref<1600000xf32, #tpu.memory_space<hbm>> -> memref<2000xf32, #tpu.memory_space<hbm>>
    %dma_wait3A_513 = tpu.memref_slice %arg5[%add3A_468] : memref<1600000xf32, #tpu.memory_space<hbm>> -> memref<2000xf32, #tpu.memory_space<hbm>>
    tpu.wait_dma2 semaphore(%arg30 : memref<!tpu.dma_semaphore, #tpu.memory_space<semaphore_mem>>) src(%dma_wait3A_513 : memref<2000xf32, #tpu.memory_space<hbm>>) dst(%arg21 : memref<2000xf32, #tpu.memory_space<vmem>>)
    %parallel_loop3A_514 = arith.constant 0 : i32
    %parallel_loop3A_515 = arith.constant 125 : i32
    %parallel_loop3A_516 = arith.constant 1 : i32
    scf.for %parallel_loop3A_534 = %parallel_loop3A_514 to %parallel_loop3A_515 step %parallel_loop3A_516  : i32 {
      %parallel_loop3A_535 = arith.constant 16 : i32
      %parallel_loop3A_536 = arith.muli %parallel_loop3A_534, %parallel_loop3A_535 : i32
      %parallel_loop3A_537 = arith.index_cast %parallel_loop3A_536 : i32 to index
      %parallel_loop3A_538 = tpu.vector_load %arg9[%parallel_loop3A_537] {strides = array<i32>} : memref<2000xi32, #tpu.memory_space<vmem>>, vector<16xi32>,
      %parallel_loop3A_539 = arith.constant 50176 : i32
      %parallel_loop3A_540 = vector.broadcast %parallel_loop3A_539 : i32 to vector<16xi32>
      %parallel_loop3A_541 = arith.cmpi sge, %parallel_loop3A_538, %parallel_loop3A_540 : vector<16xi32>
      %parallel_loop3A_542 = arith.constant 50176 : i32
      %parallel_loop3A_543 = vector.broadcast %parallel_loop3A_542 : i32 to vector<16xi32>
      %parallel_loop3A_544 = arith.subi %parallel_loop3A_538, %parallel_loop3A_543 : vector<16xi32>
      %parallel_loop3A_545 = arith.select %parallel_loop3A_541, %parallel_loop3A_544, %parallel_loop3A_538 : vector<16xi1>, vector<16xi32>
      %parallel_loop3A_546 = tpu.vector_load_idx %arg8[%parallel_loop3A_545] : memref<50176xi32, #tpu.memory_space<vmem>>[vector<16xi32>], vector<16xi32>,
      %parallel_loop3A_547 = arith.constant -65536 : i32
      %parallel_loop3A_548 = vector.broadcast %parallel_loop3A_547 : i32 to vector<16xi32>
      %parallel_loop3A_549 = arith.andi %parallel_loop3A_546, %parallel_loop3A_548 : vector<16xi32>
      %parallel_loop3A_550 = arith.constant 16 : i32
      %parallel_loop3A_551 = vector.broadcast %parallel_loop3A_550 : i32 to vector<16xi32>
      %parallel_loop3A_552 = arith.shli %parallel_loop3A_546, %parallel_loop3A_551 : vector<16xi32>
      %parallel_loop3A_553 = arith.select %parallel_loop3A_541, %parallel_loop3A_549, %parallel_loop3A_552 : vector<16xi1>, vector<16xi32>
      %parallel_loop3A_554 = vector.bitcast %parallel_loop3A_553 : vector<16xi32> to vector<16xf32>
      %parallel_loop3A_555 = arith.index_cast %parallel_loop3A_536 : i32 to index
      %parallel_loop3A_556 = tpu.vector_load %arg21[%parallel_loop3A_555] {strides = array<i32>} : memref<2000xf32, #tpu.memory_space<vmem>>, vector<16xf32>,
      %parallel_loop3A_557 = arith.mulf %parallel_loop3A_554, %parallel_loop3A_556 : vector<16xf32>
      %parallel_loop3A_558 = arith.index_cast %parallel_loop3A_536 : i32 to index
      %parallel_loop3A_559 = tpu.vector_load %arg21[%parallel_loop3A_558] {strides = array<i32>} : memref<2000xf32, #tpu.memory_space<vmem>>, vector<16xf32>,
      tpu.vector_store %arg21[%parallel_loop3A_558], %parallel_loop3A_557 {strides = array<i32>} : memref<2000xf32, #tpu.memory_space<vmem>>, vector<16xf32>,
    } {sc.loop_unroll_factor = 8 : i64, sc.parallel_access}
    %dma_start3A_517 = arith.constant 0 : i32
    %dma_start3A_518 = tpu.memref_slice %arg27[%dma_start3A_517] : memref<100352xf32, #tpu.memory_space<vmem_shared>> -> memref<100352xf32, #tpu.memory_space<vmem_shared>>
    tpu.enqueue_indirect_dma source(%arg21 : memref<2000xf32, #tpu.memory_space<vmem>>) target(%dma_start3A_518 : memref<100352xf32, #tpu.memory_space<vmem_shared>>) offsets(%arg15 : memref<2000xi32, #tpu.memory_space<vmem>>) semaphore(%arg36 : memref<!tpu.dma_semaphore, #tpu.memory_space<semaphore_mem>>) {add = true}
    %dma_wait3A_519 = arith.constant 0 : i32
    %dma_wait3A_520 = tpu.memref_slice %arg27[%dma_wait3A_519] : memref<100352xf32, #tpu.memory_space<vmem_shared>> -> memref<100352xf32, #tpu.memory_space<vmem_shared>>
    tpu.wait_indirect_dma semaphore(%arg37 : memref<!tpu.dma_semaphore, #tpu.memory_space<semaphore_mem>>) src(%arg22 : memref<2000xf32, #tpu.memory_space<vmem>>) dst(%dma_wait3A_520 : memref<100352xf32, #tpu.memory_space<vmem_shared>>)
    %dma_wait3A_521 = arith.constant 0 : i32
    %dma_wait3A_522 = tpu.memref_slice %arg27[%dma_wait3A_521] : memref<100352xf32, #tpu.memory_space<vmem_shared>> -> memref<100352xf32, #tpu.memory_space<vmem_shared>>
    tpu.wait_indirect_dma semaphore(%arg38 : memref<!tpu.dma_semaphore, #tpu.memory_space<semaphore_mem>>) src(%arg23 : memref<2000xf32, #tpu.memory_space<vmem>>) dst(%dma_wait3A_522 : memref<100352xf32, #tpu.memory_space<vmem_shared>>)
    %dma_wait3A_523 = arith.constant 0 : i32
    %dma_wait3A_524 = tpu.memref_slice %arg27[%dma_wait3A_523] : memref<100352xf32, #tpu.memory_space<vmem_shared>> -> memref<100352xf32, #tpu.memory_space<vmem_shared>>
    tpu.wait_indirect_dma semaphore(%arg39 : memref<!tpu.dma_semaphore, #tpu.memory_space<semaphore_mem>>) src(%arg24 : memref<2000xf32, #tpu.memory_space<vmem>>) dst(%dma_wait3A_524 : memref<100352xf32, #tpu.memory_space<vmem_shared>>)
    %dma_wait3A_525 = arith.constant 0 : i32
    %dma_wait3A_526 = tpu.memref_slice %arg27[%dma_wait3A_525] : memref<100352xf32, #tpu.memory_space<vmem_shared>> -> memref<100352xf32, #tpu.memory_space<vmem_shared>>
    tpu.wait_indirect_dma semaphore(%arg40 : memref<!tpu.dma_semaphore, #tpu.memory_space<semaphore_mem>>) src(%arg25 : memref<2000xf32, #tpu.memory_space<vmem>>) dst(%dma_wait3A_526 : memref<100352xf32, #tpu.memory_space<vmem_shared>>)
    %dma_wait3A_527 = arith.constant 0 : i32
    %dma_wait3A_528 = tpu.memref_slice %arg27[%dma_wait3A_527] : memref<100352xf32, #tpu.memory_space<vmem_shared>> -> memref<100352xf32, #tpu.memory_space<vmem_shared>>
    tpu.wait_indirect_dma semaphore(%arg41 : memref<!tpu.dma_semaphore, #tpu.memory_space<semaphore_mem>>) src(%arg26 : memref<2000xf32, #tpu.memory_space<vmem>>) dst(%dma_wait3A_528 : memref<100352xf32, #tpu.memory_space<vmem_shared>>)
    %dma_wait3A_529 = arith.constant 0 : i32
    %dma_wait3A_530 = tpu.memref_slice %arg27[%dma_wait3A_529] : memref<100352xf32, #tpu.memory_space<vmem_shared>> -> memref<100352xf32, #tpu.memory_space<vmem_shared>>
    tpu.wait_indirect_dma semaphore(%arg36 : memref<!tpu.dma_semaphore, #tpu.memory_space<semaphore_mem>>) src(%arg21 : memref<2000xf32, #tpu.memory_space<vmem>>) dst(%dma_wait3A_530 : memref<100352xf32, #tpu.memory_space<vmem_shared>>)
    %barrier3A_531 = arith.constant 0 : index
    tpu.barrier barrier_id(%barrier3A_531)
    %mul3A_532 = arith.constant 6272 : i32
    %mul3A_533 = arith.muli %add3A, %mul3A_532 : i32
    "tpu.region"() ({
      %run_scoped3A = tpu.sem_alloc : memref<!tpu.dma_semaphore, #tpu.memory_space<semaphore_mem>>
      %dma_start3A_534 = tpu.memref_slice %arg7[%mul3A_533] : memref<200704xf32, #tpu.memory_space<hbm>> -> memref<6272xf32, #tpu.memory_space<hbm>>
      %dma_start3A_535 = tpu.memref_slice %arg27[%mul3A_4] : memref<100352xf32, #tpu.memory_space<vmem_shared>> -> memref<6272xf32, #tpu.memory_space<vmem_shared>>
      tpu.enqueue_dma source(%dma_start3A_535 : memref<6272xf32, #tpu.memory_space<vmem_shared>>) target(%dma_start3A_534 : memref<6272xf32, #tpu.memory_space<hbm>>) target_semaphore(%run_scoped3A : memref<!tpu.dma_semaphore, #tpu.memory_space<semaphore_mem>>)
      %dma_wait3A_536 = tpu.memref_slice %arg7[%mul3A_533] : memref<200704xf32, #tpu.memory_space<hbm>> -> memref<6272xf32, #tpu.memory_space<hbm>>
      %dma_wait3A_537 = tpu.memref_slice %arg27[%mul3A_4] : memref<100352xf32, #tpu.memory_space<vmem_shared>> -> memref<6272xf32, #tpu.memory_space<vmem_shared>>
      tpu.wait_dma2 semaphore(%run_scoped3A : memref<!tpu.dma_semaphore, #tpu.memory_space<semaphore_mem>>) src(%dma_wait3A_537 : memref<6272xf32, #tpu.memory_space<vmem_shared>>) dst(%dma_wait3A_536 : memref<6272xf32, #tpu.memory_space<hbm>>)
      tpu.yield
    }) : () -> ()
    return
  }
}

module attributes {stable_mosaic.version = 14 : i64} {
  func.func @_h_body(%arg0: memref<784x128xf32, #tpu.memory_space<vmem>>, %arg1: memref<392x128xi32, #tpu.memory_space<vmem>>) attributes {dimension_semantics = [], scalar_prefetch = 0 : i64, scratch_operands = 0 : i64, tpu.core_type = #tpu.core_type<tc>} {
    %get3A = arith.constant 0 : index
    %get3A_0 = arith.constant 0 : index
    %get3A_1 = vector.load %arg0[%get3A, %get3A_0] : memref<784x128xf32, #tpu.memory_space<vmem>>, vector<784x128xf32>
    %mul3A = arith.constant 2.000000e+00 : f32
    %mul3A_2 = vector.broadcast %mul3A : f32 to vector<784x128xf32>
    %mul3A_3 = arith.mulf %mul3A_2, %get3A_1 : vector<784x128xf32>
    %sub3A = arith.constant 3.500000e+00 : f32
    %sub3A_4 = vector.broadcast %sub3A : f32 to vector<784x128xf32>
    %sub3A_5 = arith.subf %sub3A_4, %mul3A_3 : vector<784x128xf32>
    %exp3A = math.exp %sub3A_5 : vector<784x128xf32>
    %add3A = arith.constant 1.000000e+00 : f32
    %add3A_6 = vector.broadcast %add3A : f32 to vector<784x128xf32>
    %add3A_7 = arith.addf %add3A_6, %exp3A : vector<784x128xf32>
    %div3A = arith.constant 1.000000e+00 : f32
    %div3A_8 = vector.broadcast %div3A : f32 to vector<784x128xf32>
    %div3A_9 = arith.divf %div3A_8, %add3A_7 : vector<784x128xf32>
    %slice3A = vector.extract_strided_slice %div3A_9 {offsets = [0, 0], sizes = [392, 128], strides = [1, 1]} : vector<784x128xf32> to vector<392x128xf32>
    %convert_element_type3A = arith.truncf %slice3A : vector<392x128xf32> to vector<392x128xbf16>
    %bitcast_convert_type3A = tpu.bitcast %convert_element_type3A : vector<392x128xbf16> -> vector<392x128xi16>
    %convert_element_type3A_10 = arith.extui %bitcast_convert_type3A : vector<392x128xi16> to vector<392x128xi32>
    %slice3A_11 = vector.extract_strided_slice %div3A_9 {offsets = [392, 0], sizes = [392, 128], strides = [1, 1]} : vector<784x128xf32> to vector<392x128xf32>
    %convert_element_type3A_12 = arith.truncf %slice3A_11 : vector<392x128xf32> to vector<392x128xbf16>
    %bitcast_convert_type3A_13 = tpu.bitcast %convert_element_type3A_12 : vector<392x128xbf16> -> vector<392x128xi16>
    %convert_element_type3A_14 = arith.extui %bitcast_convert_type3A_13 : vector<392x128xi16> to vector<392x128xi32>
    %shift_left3A = arith.constant 16 : i32
    %shift_left3A_15 = vector.broadcast %shift_left3A : i32 to vector<392x128xi32>
    %shift_left3A_16 = arith.shli %convert_element_type3A_14, %shift_left3A_15 : vector<392x128xi32>
    %or3A = arith.ori %convert_element_type3A_10, %shift_left3A_16 : vector<392x128xi32>
    %bitcast_convert_type3A_17 = tpu.bitcast %or3A : vector<392x128xi32> -> vector<392x128xi32>
    %swap3A = arith.constant 0 : index
    %swap3A_18 = arith.constant 0 : index
    %swap3A_19 = vector.load %arg1[%swap3A, %swap3A_18] : memref<392x128xi32, #tpu.memory_space<vmem>>, vector<392x128xi32>
    tpu.vector_store %arg1[%swap3A, %swap3A_18], %bitcast_convert_type3A_17 {strides = array<i32>} : memref<392x128xi32, #tpu.memory_space<vmem>>, vector<392x128xi32>,
    return
  }
}

module attributes {stable_mosaic.version = 14 : i64} {
  func.func @_combine_body(%arg0: memref<784x128xf32, #tpu.memory_space<vmem>>, %arg1: memref<1568x128xf32, #tpu.memory_space<vmem>>, %arg2: memref<784x128xf32, #tpu.memory_space<vmem>>) attributes {dimension_semantics = [], scalar_prefetch = 0 : i64, scratch_operands = 0 : i64, tpu.core_type = #tpu.core_type<tc>} {
    %get3A = arith.constant 0 : index
    %get3A_0 = arith.constant 0 : index
    %get3A_1 = vector.load %arg1[%get3A, %get3A_0] : memref<1568x128xf32, #tpu.memory_space<vmem>>, vector<784x128xf32>
    %get3A_2 = arith.constant 784 : index
    %get3A_3 = arith.constant 0 : index
    %get3A_4 = vector.load %arg1[%get3A_2, %get3A_3] : memref<1568x128xf32, #tpu.memory_space<vmem>>, vector<784x128xf32>
    %add3A = arith.addf %get3A_1, %get3A_4 : vector<784x128xf32>
    %get3A_5 = arith.constant 0 : index
    %get3A_6 = arith.constant 0 : index
    %get3A_7 = vector.load %arg0[%get3A_5, %get3A_6] : memref<784x128xf32, #tpu.memory_space<vmem>>, vector<784x128xf32>
    %sub3A = arith.subf %add3A, %get3A_7 : vector<784x128xf32>
    %swap3A = arith.constant 0 : index
    %swap3A_8 = arith.constant 0 : index
    %swap3A_9 = vector.load %arg2[%swap3A, %swap3A_8] : memref<784x128xf32, #tpu.memory_space<vmem>>, vector<784x128xf32>
    tpu.vector_store %arg2[%swap3A, %swap3A_8], %sub3A {strides = array<i32>} : memref<784x128xf32, #tpu.memory_space<vmem>>, vector<784x128xf32>,
    return
  }
}

module attributes {stable_mosaic.version = 14 : i64} {
  func.func @_split_body(%arg0: i32, %arg1: memref<2x262144xi32, #tpu.memory_space<vmem>>, %arg2: memref<262144xi32, #tpu.memory_space<vmem>>, %arg3: memref<262144xi32, #tpu.memory_space<vmem>>) attributes {dimension_semantics = [#tpu.dimension_semantics<arbitrary>], iteration_bounds = array<i64: 7>, scalar_prefetch = 0 : i64, scratch_operands = 0 : i64, tpu.core_type = #tpu.core_type<tc>, window_params = [{transform_indices = @transform_0, window_bounds = array<i64: 2, 262144>}, {transform_indices = @transform_1, window_bounds = array<i64: 262144>}, {transform_indices = @transform_2, window_bounds = array<i64: 262144>}]} {
    %get3A = arith.constant 0 : index
    %get3A_0 = arith.constant 0 : index
    %get3A_1 = vector.load %arg1[%get3A, %get3A_0] : memref<2x262144xi32, #tpu.memory_space<vmem>>, vector<1x262144xi32>
    %get3A_2 = vector.shape_cast %get3A_1 : vector<1x262144xi32> to vector<262144xi32>
    %swap3A = arith.constant 0 : index
    %swap3A_3 = vector.load %arg2[%swap3A] : memref<262144xi32, #tpu.memory_space<vmem>>, vector<262144xi32>
    tpu.vector_store %arg2[%swap3A], %get3A_2 {strides = array<i32>} : memref<262144xi32, #tpu.memory_space<vmem>>, vector<262144xi32>,
    %get3A_4 = arith.constant 1 : index
    %get3A_5 = arith.constant 0 : index
    %get3A_6 = vector.load %arg1[%get3A_4, %get3A_5] : memref<2x262144xi32, #tpu.memory_space<vmem>>, vector<1x262144xi32>
    %get3A_7 = vector.shape_cast %get3A_6 : vector<1x262144xi32> to vector<262144xi32>
    %swap3A_8 = arith.constant 0 : index
    %swap3A_9 = vector.load %arg3[%swap3A_8] : memref<262144xi32, #tpu.memory_space<vmem>>, vector<262144xi32>
    tpu.vector_store %arg3[%swap3A_8], %get3A_7 {strides = array<i32>} : memref<262144xi32, #tpu.memory_space<vmem>>, vector<262144xi32>,
    return
  }
  func.func @transform_0(%arg0: i32) -> (i32, i32) {
    %c0_i32 = arith.constant 0 : i32
    %c0_i32_0 = arith.constant 0 : i32
    return %c0_i32, %arg0 : i32, i32
  }
  func.func @transform_1(%arg0: i32) -> i32 {
    %c0_i32 = arith.constant 0 : i32
    return %arg0 : i32
  }
  func.func @transform_2(%arg0: i32) -> i32 {
    %c0_i32 = arith.constant 0 : i32
    return %arg0 : i32
  }
}

</mosaic_0001>

<sc_bundles>
// kernel: kernel.6.cloned.1.call-start
scs
__scs_entry_jumppad:
0x0: {  	(pc) =	sbr.rel $0x88, $3  }
0x1: {  	(tag) =	ssettag $0x0;
	lr =	simm.s32 $0x1  }
0x2: {  	[smem:$0x3F9E] =	sst lr;
	_ =	strace $0xD0000000  }
0x3: {  	_ = 	snop  }
0x4: {  	_ = 	snop  }
0x5: {  	_ = 	snop  }
0x6: {  	_ = 	snop  }
0x7: {  	_ = 	snop  }
__scs_overlays_trampoline_lowered:
0x8: {  	[smem:$0x3FAD] =	sst s0  }
0x9: {  	[smem:$0x3FAE] =	sst s1  }
0xa: {  	[smem:$0x3FAF] =	sst s2  }
0xb: {  	[smem:$0x3FB0] =	sst s3  }
0xc: {  	[smem:$0x3FB1] =	sst s4  }
0xd: {  	[smem:$0x3FB2] =	sst s5  }
0xe: {  	[smem:$0x3FB3] =	sst s6  }
0xf: {  	[smem:$0x3FB4] =	sst s7  }
0x10: {  	[smem:$0x3FB5] =	sst s8  }
0x11: {  	[smem:$0x3FB6] =	sst s9;
	s0 =	simm.s32 @!p0 $0x0  }
0x12: {  	s1 =	sld [smem:$0x3F9C];
	s0 =	simm.s32 @p0 $0x1  }
0x13: {  	[smem:$0x3FB7] =	sst s0;
	s0 =	simm.s32 @!p1 $0x0  }
0x14: {  	s2 =	sld [smem:$0x3F9B];
	s0 =	simm.s32 @p1 $0x1  }
0x15: {  	[smem:$0x3FB8] =	sst s0;
	s0 =	simm.s32 @!p2 $0x0  }
0x16: {  	s3 =	sld [smem:$0x3FDB];
	s0 =	simm.s32 @p2 $0x1  }
0x17: {  	s4 =	simm.s32 $0x1BF5;
	[smem:$0x3FBA] =	sst s0  }
0x18: {  	s0 =	sld [smem:$0x3F9D];
	_ =	swait.ge [sflag:s4], $0x0  }
0x19: {  	s7 =	sld [smem:$0x3F9E]  }
0x1a: {  	s8 =	sadd.s32 $0xFFFFE003, lr  }
0x1b: {  	s9 =	sadd.s32 $0xFFFFFEF7, lr;
	s5 =	simm.s32 $0xFFFFFFFF;
	p2 =	slt.u32 s8, $0xFFFFF086  }
0x1c: {  	p1 =	slt.u32 s9, $0xF7A;
	s5 =	simm.s32 @!p2 $0x0  }
0x1d: {  	s5 =	simm.s32 @p1 $0x1;
	p0 =	seq.s32 s7, s2  }
0x1e: {  	s7 =	smul.u32 @!p0 $0xF7A, s2;
	p2 =	seq.s32 @!p0 s5, $0x0  }
0x1f: {  	s9 =	smul.u32 $0xF7A, s1;
	s8 =	simm.s32 @!p0 $0x1BF5;
	p2 =	por !p2, p0  }
0x20: {  	[sflag:s8] =	ssyncset.s32 @!p0 $0xFFFFF086;
	s6 =	sadd.s32 @!p0 s3, s7;
	s7 =	simm.s32 @!p0 $0x108  }
0x21: {  	s3 =	sadd.s32 s3, s9;
	s6 =	sadd.s32 @!p0 $0x88, s6;
	s7 =	simm.s32 @p2 $0x1082  }
0x22: {  	[simem:s7], [sflag:s8] =	dma.local @!p0 [hbm:s6], $0xF7A  }
0x23: {  	s9 =	sor.u32 $0xD0000000, s2;
	s6 =	simm.s32 $0x108;
	_ =	swait.ge @!p0 [sflag:s8], $0x0  }
0x24: {  	s3 =	sadd.s32 $0x88, s3;
	s6 =	simm.s32 @!p1 $0x1082;
	[sflag:s4] =	ssyncset.s32 $0xFFFFF086  }
0x25: {  	[simem:s6], [sflag:s4] =	dma.local [hbm:s3], $0xF7A  }
0x26: {  	[smem:$0x3F9E] =	sst s1;
	(tag) =	ssettag s2;
	_ =	strace s9  }
0x27: {  	s1 =	sld [smem:$0x3FAE]  }
0x28: {  	s2 =	sld [smem:$0x3FAF]  }
0x29: {  	s4 =	sld [smem:$0x3FB1]  }
0x2a: {  	p0 =	seq.s32 s5, $0x0;
	s5 =	sld [smem:$0x3FB2]  }
0x2b: {  	s6 =	sld [smem:$0x3FB3]  }
0x2c: {  	s7 =	sld [smem:$0x3FB4]  }
0x2d: {  	s3 =	simm.s32 $0x108;
	s8 =	sld [smem:$0x3FB5]  }
0x2e: {  	s3 =	simm.s32 @!p0 $0x1082;
	s9 =	sld [smem:$0x3FB6]  }
0x2f: {  	lr =	sadd.s32 s0, s3;
	s0 =	sld [smem:$0x3FAD]  }
0x30: {  	s3 =	sld [smem:$0x3FB0]  }
0x31: {  	[smem:$0x3FB9] =	sst s10  }
0x32: {  	s10 =	sld [smem:$0x3FB7];
	_ =	sdelay $0x3  }
0x33: {  	p0 =	seq.s32 s10, $0x1;
	s10 =	sld [smem:$0x3FB9];
	_ =	sdelay $0x3  }
0x34: {  	[smem:$0x3FB9] =	sst s10  }
0x35: {  	s10 =	sld [smem:$0x3FB8];
	_ =	sdelay $0x3  }
0x36: {  	p1 =	seq.s32 s10, $0x1;
	s10 =	sld [smem:$0x3FB9];
	_ =	sdelay $0x3  }
0x37: {  	[smem:$0x3FB9] =	sst s10  }
0x38: {  	s10 =	sld [smem:$0x3FBA]  }
0x39: {  	_ = 	snop;
	(pc) =	sbr.ind lr, $3  }
0x3a: {  	_ = 	snop  }
0x3b: {  	_ = 	snop  }
0x3c: {  	p2 =	seq.s32 s10, $0x1;
	s10 =	sld [smem:$0x3FB9]  }
0x3d: {  	_ =	shalt  }
0x3e: {  	_ =	shalt  }
0x3f: {  	_ =	shalt  }
0x40: {  	_ =	shalt  }
0x41: {  	_ =	shalt  }
0x42: {  	_ =	shalt  }
0x43: {  	_ =	shalt  }
0x44: {  	_ =	shalt  }
0x45: {  	_ =	shalt  }
0x46: {  	_ =	shalt  }
0x47: {  	_ =	shalt  }
0x48: {  	_ =	shalt  }
0x49: {  	_ =	shalt  }
0x4a: {  	_ =	shalt  }
0x4b: {  	_ =	shalt  }
0x4c: {  	_ =	shalt  }
0x4d: {  	_ =	shalt  }
0x4e: {  	_ =	shalt  }
0x4f: {  	_ =	shalt  }
0x50: {  	_ =	shalt  }
0x51: {  	_ =	shalt  }
0x52: {  	_ =	shalt  }
0x53: {  	_ =	shalt  }
0x54: {  	_ =	shalt  }
0x55: {  	_ =	shalt  }
0x56: {  	_ =	shalt  }
0x57: {  	_ =	shalt  }
0x58: {  	_ =	shalt  }
0x59: {  	_ =	shalt  }
0x5a: {  	_ =	shalt  }
0x5b: {  	_ =	shalt  }
0x5c: {  	_ =	shalt  }
0x5d: {  	_ =	shalt  }
0x5e: {  	_ =	shalt  }
0x5f: {  	_ =	shalt  }
0x60: {  	_ =	shalt  }
0x61: {  	_ =	shalt  }
0x62: {  	_ =	shalt  }
0x63: {  	_ =	shalt  }
0x64: {  	_ =	shalt  }
0x65: {  	_ =	shalt  }
0x66: {  	_ =	shalt  }
0x67: {  	_ =	shalt  }
0x68: {  	_ =	shalt  }
0x69: {  	_ =	shalt  }
0x6a: {  	_ =	shalt  }
0x6b: {  	_ =	shalt  }
0x6c: {  	_ =	shalt  }
0x6d: {  	_ =	shalt  }
0x6e: {  	_ =	shalt  }
0x6f: {  	_ =	shalt  }
0x70: {  	_ =	shalt  }
0x71: {  	_ =	shalt  }
0x72: {  	_ =	shalt  }
0x73: {  	_ =	shalt  }
0x74: {  	_ =	shalt  }
0x75: {  	_ =	shalt  }
0x76: {  	_ =	shalt  }
0x77: {  	_ =	shalt  }
0x78: {  	_ =	shalt  }
0x79: {  	_ =	shalt  }
0x7a: {  	_ =	shalt  }
0x7b: {  	_ =	shalt  }
0x7c: {  	_ =	shalt  }
0x7d: {  	_ =	shalt  }
0x7e: {  	_ =	shalt  }
0x7f: {  	_ =	shalt  }
0x80: {  	_ =	shalt  }
0x81: {  	_ =	shalt  }
0x82: {  	_ =	shalt  }
0x83: {  	_ =	shalt  }
0x84: {  	_ =	shalt  }
0x85: {  	_ =	shalt  }
0x86: {  	_ =	shalt  }
0x87: {  	_ =	shalt  }
.Lfunc_end0:
.L_simem_size_0:
called_computation_lowered:
.L_overlay_start_0:
0x88: {  	s2 =	sld [smem:$0x3FD9]  }
0x89: {  	s3 =	sld [smem:$0x3FFE];
	_ =	sdelay $0x1  }
0x8a: {  	s1 =	srdreg.scid  }
0x8b: {  	s0 =	sand.u32 $0x1, s1  }
0x8c: {  	s17 =	sshll.u32 s0, $0xA;
	s2 =	sadd.s32 s3, s2  }
0x8d: {  	s2 =	sadd.s32 s2, s17  }
0x8e: {  	[smem:$0x3FC5] =	sst s2  }
0x8f: {  	_ = 	snop  }
0x90: {  	s2 =	sld [smem:$0x3FC7]  }
0x91: {  	s18 =	sld [smem:$0x3FD0];
	(tm) =	ssettm $0x1  }
0x92: {  	s4 =	sld [smem:$0x3FFB];
	_ =	sdelay $0x3  }
0x93: {  	_ =	strace s4  }
0x94: {  	s4 =	sld [smem:$0x3FFC];
	_ =	sdelay $0x3  }
0x95: {  	_ =	strace s4  }
0x96: {  	s4 =	sld [smem:$0x3FFD];
	_ =	sdelay $0x3  }
0x97: {  	_ =	strace s4  }
0x98: {  	_ =	strace $0x8FFFFFFF  }
0x99: {  	s19 =	sld [smem:$0x3FDB];
	_ =	sdelay $0x1  }
0x9a: {  	s5 =	simm.s32 $_scs_section_size  }
0x9b: {  	s6 =	simm.s32 $_size__tile_overlayer_lowered;
	s7 =	simm.s32 $_tile_overlayer_lowered  }
0x9c: {  	s22 =	simm.s32 $0x1BFF;
	s21 =	sshll.u32 s7, $0x1;
	s4 =	sadd.s32 s5, s19  }
0x9d: {  	s8 =	simm.s32 $0x0;
	s20 =	sshll.u32 s6, $0x1;
	s6 =	sadd.s32 s21, s4  }
0x9e: {  	[timem:s8], [sflag:s22] =	dma.local [hbm:s6], s20  }
0x9f: {  	_ =	swait.ge [sflag:s22], s20  }
0xa0: {  	s5 =	ssub.s32 $0x0, s20;
	[sflag:s22] =	ssyncset.done $0x0  }
0xa1: {  	[sflag:s22] =	ssyncadd.s32 s5;
	_ =	sdelay $0x1  }
0xa2: {  	s23 =	simm.s32 $0x1B8B  }
0xa3: {  	_ =	swait.ge [sflag:s23], $0x1  }
0xa4: {  	[sflag:s23] =	ssyncset.done $0x0  }
0xa5: {  	s25 =	simm.s32 $0x1B8E;
	s24 =	sld [smem:$0x3FFE];
	[sflag:s23] =	ssyncadd.s32 $0xFFFFFFFF  }
0xa6: {  	s26 =	simm.s32 $execute0_lowered;
	[smem:$0x3FD2] =	sst s25  }
0xa7: {  	s6 =	sshll.u32 s26, $0x1;
	_ =	strace $0x80000046;
	[dreg:$0x1] =	wrdreg $0xFFFFFFFF  }
0xa8: {  	s28 =	simm.s32 $_size_execute0_lowered;
	s4 =	sadd.s32 s4, s6;
	[dreg:$0x0] =	wrdreg $0x0  }
0xa9: {  	s6 =	sshll.u32 s28, $0x1;
	[dreg:$0x2] =	wrdreg s4  }
0xaa: {  	[dreg:$0x3] =	wrdreg s6  }
0xab: {  	[dreg:$0x4] =	wrdreg $0xC0  }
0xac: {  	_ =	task [dreg:s8], $0x5FFFF  }
0xad: {  	[dreg:$0x1] =	wrdreg $0xFFFFFFFF  }
0xae: {  	[dreg:$0x0] =	wrdreg $0x60  }
0xaf: {  	[dreg:$0x2] =	wrdreg s18  }
0xb0: {  	[dreg:$0x3] =	wrdreg s24  }
0xb1: {  	[dreg:$0x4] =	wrdreg s2  }
0xb2: {  	[dreg:$0x5] =	wrdreg $0x150A00  }
0xb3: {  	[dreg:$0x6] =	wrdreg $0x9  }
0xb4: {  	_ =	task.clear_ibuf [dreg:s8], $0x7FFFF;
	_ =	strace $0x90000046  }
0xb5: {  	s29 =	simm.s32 $0x9;
	_ =	strace $0x80000048  }
0xb6: {  	_ =	swait.ge [sflag:s29], $0x1  }
0xb7: {  	[sflag:s29] =	ssyncadd.s32 $0xFFFFFFFF  }
0xb8: {  	_ =	strace $0x90000048  }
0xb9: {  	_ =	sfence  }
0xba: {  	s30 =	sld [smem:$0x0];
	_ =	sdelay $0x2  }
0xbb: {  	s31 =	sshll.u32 s1, $0xD;
	s1 =	sshrl.u32 s1, $0x2  }
0xbc: {  	s3 =	sand.u32 $0x4000, s31;
	s1 =	sadd.s32 s1, s30  }
0xbd: {  	s0 =	sor.u32 s3, s0;
	s1 =	sshll.u32 s1, $0x11  }
0xbe: {  	s0 =	sor.u32 s1, s0  }
0xbf: {  	s0 =	sadd.s32 $0x8F2B, s0  }
0xc0: {  	[sflag:s0] =	ssyncadd.remote.s32 $0x1  }
0xc1: {  	_ =	sfence.sel $0xFFFF  }
0xc2: {  	[dreg:$0x0] =	wrdreg $0xFFFFFFFF;
	(pc) =	sbr.abs _section_cstart, $3  }
0xc3: {  	[dreg:$0x1] =	wrdreg $0xFFFFFFFF  }
0xc4: {  	_ =	task.clear_ibuf [dreg:s8], $0x2FFFF;
	_ =	strace $0x9FFFFFFF  }
0xc5: {  	(tm) =	ssettm $0x7FFFFFFF  }
tec
execute0_lowered:
.L_overlay_start_1:
0x0: {  	(tag) =	ssettag $0x1  }
0x1: {  	s0 =	srdreg.scid  }
0x2: {  	s7 =	sand.u32 $0x1, s0  }
0x3: {  	s11 =	stileid.u32;
	s3 =	sshll.u32 s7, $0x4  }
0x4: {  	s3 =	sor.u32 s11, s3  }
0x5: {  	s6 =	rddreg [dreg:$0x1];
	s8 =	smul.u32 $0xC350, s3  }
0x6: {  	s1 =	simm.s32 $0x0;
	s0 =	rddreg [dreg:$0x2];
	s2 =	smul.u32 $0x1880, s11  }
0x7: {  	[smem:$0x7FF] =	sst s1;
	s4 =	sadd.s32 $0xE00, s6;
	s8 =	sshrl.u32 s8, $0x3  }
0x8: {  	s9 =	sshrl.u32 s2, $0x3;
	s10 =	smul.u32 $0x310, s3;
	s17 =	sadd.s32 $0xFA, s8  }
0x9: {  	s5 =	sadd.s32 $0x31C00, s6;
	s3 =	sadd.s32 s9, s6;
	s18 =	sadd.s32 s4, s17  }
0xa: {  	s6 =	sadd.s32 s10, s6;
	s12 =	sadd.s32 s5, s17;
	[dreg:$0x5] =	wrdreg s18  }
0xb: {  	s19 =	sadd.s32 $0x1F4, s8;
	s10 =	sadd.s32 s0, s17;
	[dreg:$0x6] =	wrdreg s12  }
0xc: {  	s20 =	sadd.s32 s4, s19;
	[dreg:$0x7] =	wrdreg s10  }
0xd: {  	s21 =	sadd.s32 s5, s19;
	[dreg:$0x8] =	wrdreg s20  }
0xe: {  	s22 =	sadd.s32 $0x2EE, s8;
	s9 =	sadd.s32 s0, s19;
	[dreg:$0x9] =	wrdreg s21  }
0xf: {  	s23 =	sadd.s32 s4, s22;
	[dreg:$0xa] =	wrdreg s9  }
0x10: {  	s25 =	sadd.s32 $0x3E8, s8;
	s24 =	sadd.s32 s5, s22;
	[dreg:$0xb] =	wrdreg s23  }
0x11: {  	s7 =	ssub.s32 $0x2, s7;
	s26 =	sadd.s32 s4, s25;
	[dreg:$0xc] =	wrdreg s24  }
0x12: {  	s29 =	sadd.s32 $0x4E2, s8;
	s30 =	sadd.s32 s5, s25;
	[dreg:$0xe] =	wrdreg s26  }
0x13: {  	s14 =	sadd.s32 $0x5DC, s8;
	s13 =	sadd.s32 s5, s29;
	[dreg:$0xf] =	wrdreg s30  }
0x14: {  	s16 =	sshrl.u32 s7, $0x1;
	s15 =	sadd.s32 s4, s14;
	[dreg:$0x12] =	wrdreg s13  }
0x15: {  	s7 =	ssub.s32 s7, s16;
	s16 =	sadd.s32 s5, s14;
	[dreg:$0x14] =	wrdreg s15  }
0x16: {  	s9 =	sadd.s32 s0, s22;
	[dreg:$0x15] =	wrdreg s16  }
0x17: {  	s10 =	sadd.s32 s0, s25;
	[dreg:$0xd] =	wrdreg s9  }
0x18: {  	s17 =	sadd.s32 $0x6D6, s8;
	s12 =	sadd.s32 s4, s29;
	[dreg:$0x10] =	wrdreg s10  }
0x19: {  	s18 =	sadd.s32 s4, s17;
	[dreg:$0x11] =	wrdreg s12  }
0x1a: {  	s19 =	sadd.s32 $0x7D0, s8;
	s20 =	sadd.s32 s5, s17;
	[dreg:$0x17] =	wrdreg s18  }
0x1b: {  	s21 =	sadd.s32 s4, s19;
	[dreg:$0x18] =	wrdreg s20  }
0x1c: {  	s22 =	sadd.s32 s5, s19;
	[dreg:$0x1a] =	wrdreg s21  }
0x1d: {  	s9 =	sadd.s32 s0, s29;
	[dreg:$0x1b] =	wrdreg s22  }
0x1e: {  	s23 =	sadd.s32 $0x8CA, s8;
	s10 =	sadd.s32 s0, s17;
	[dreg:$0x13] =	wrdreg s9  }
0x1f: {  	s24 =	sadd.s32 s4, s23;
	[dreg:$0x19] =	wrdreg s10  }
0x20: {  	s26 =	sadd.s32 $0x9C4, s8;
	s25 =	sadd.s32 s5, s23;
	[dreg:$0x1d] =	wrdreg s24  }
0x21: {  	s29 =	sadd.s32 s4, s26;
	[dreg:$0x1e] =	wrdreg s25  }
0x22: {  	s30 =	sadd.s32 $0xABE, s8;
	s13 =	sadd.s32 s5, s26;
	[smem:$0x7C8] =	sst s29  }
0x23: {  	s16 =	sadd.s32 $0xBB8, s8;
	s15 =	sadd.s32 s5, s30;
	[smem:$0x7C9] =	sst s13  }
0x24: {  	s17 =	sadd.s32 s4, s16;
	[smem:$0x7CC] =	sst s15  }
0x25: {  	s18 =	sadd.s32 s5, s16;
	[smem:$0x7CE] =	sst s17  }
0x26: {  	s9 =	sadd.s32 s0, s14;
	[smem:$0x7CF] =	sst s18  }
0x27: {  	s10 =	sadd.s32 s0, s26;
	[dreg:$0x16] =	wrdreg s9  }
0x28: {  	s21 =	sadd.s32 $0xDAC, s8;
	s14 =	sadd.s32 s4, s30;
	[smem:$0x7CA] =	sst s10  }
0x29: {  	s24 =	sadd.s32 s5, s21;
	[smem:$0x7CB] =	sst s14  }
0x2a: {  	s25 =	sadd.s32 $0xEA6, s8;
	s9 =	sadd.s32 s0, s19;
	[smem:$0x7D5] =	sst s24  }
0x2b: {  	s26 =	sadd.s32 s4, s25;
	[dreg:$0x1c] =	wrdreg s9  }
0x2c: {  	s29 =	sadd.s32 s5, s25;
	[smem:$0x7D7] =	sst s26  }
0x2d: {  	s19 =	sadd.s32 $0xCB2, s8;
	s9 =	sadd.s32 s0, s23;
	[smem:$0x7D8] =	sst s29  }
0x2e: {  	s20 =	sadd.s32 s4, s19;
	[dreg:$0x1f] =	wrdreg s9  }
0x2f: {  	s22 =	sadd.s32 s5, s19;
	[smem:$0x7D1] =	sst s20  }
0x30: {  	s10 =	sadd.s32 s0, s19;
	[smem:$0x7D2] =	sst s22  }
0x31: {  	s14 =	sadd.s32 $0x109A, s8;
	s23 =	sadd.s32 s4, s21;
	[smem:$0x7D3] =	sst s10  }
0x32: {  	s18 =	sadd.s32 $0x1194, s8;
	s17 =	sadd.s32 s5, s14;
	[smem:$0x7D4] =	sst s23  }
0x33: {  	s19 =	sadd.s32 s4, s18;
	[smem:$0x7DE] =	sst s17  }
0x34: {  	s9 =	sadd.s32 s0, s30;
	[smem:$0x7E0] =	sst s19  }
0x35: {  	s29 =	sadd.s32 $0x1482, s8;
	s20 =	sadd.s32 s5, s18;
	[smem:$0x7CD] =	sst s9  }
0x36: {  	s12 =	sadd.s32 s5, s29;
	[smem:$0x7E1] =	sst s20  }
0x37: {  	s17 =	sadd.s32 s4, s8;
	[smem:$0x7EA] =	sst s12  }
0x38: {  	s19 =	sadd.s32 s0, s8;
	[smem:$0x7EF] =	sst s17  }
0x39: {  	s30 =	sadd.s32 $0xFA0, s8;
	s9 =	sadd.s32 s0, s16;
	[smem:$0x7F1] =	sst s19  }
0x3a: {  	s13 =	sadd.s32 s4, s30;
	[smem:$0x7D0] =	sst s9  }
0x3b: {  	s15 =	sadd.s32 s5, s30;
	[smem:$0x7DA] =	sst s13  }
0x3c: {  	s10 =	sadd.s32 s0, s30;
	[smem:$0x7DB] =	sst s15  }
0x3d: {  	s23 =	sadd.s32 $0x1388, s8;
	s16 =	sadd.s32 s4, s14;
	[smem:$0x7DC] =	sst s10  }
0x3e: {  	s26 =	sadd.s32 s5, s23;
	[smem:$0x7DD] =	sst s16  }
0x3f: {  	s30 =	sadd.s32 s4, s29;
	[smem:$0x7E7] =	sst s26  }
0x40: {  	s9 =	sadd.s32 s0, s21;
	[smem:$0x7E9] =	sst s30  }
0x41: {  	s21 =	sadd.s32 $0x128E, s8;
	[smem:$0x7D6] =	sst s9;
	s9 =	sadd.s32 s0, s25  }
0x42: {  	s22 =	sadd.s32 s4, s21;
	[smem:$0x7D9] =	sst s9  }
0x43: {  	s24 =	sadd.s32 s5, s21;
	[smem:$0x7E3] =	sst s22  }
0x44: {  	s10 =	sadd.s32 s0, s21;
	[smem:$0x7E4] =	sst s24  }
0x45: {  	s13 =	sadd.s32 $0x157C, s8;
	s25 =	sadd.s32 s4, s23;
	[smem:$0x7E5] =	sst s10  }
0x46: {  	s28 =	simm.s32 $0xD;
	s15 =	sadd.s32 s5, s13;
	[smem:$0x7E6] =	sst s25  }
0x47: {  	s20 =	sadd.s32 $0x1676, s8;
	s16 =	sadd.s32 s0, s13;
	[smem:$0x7ED] =	sst s15  }
0x48: {  	s31 =	simm.s32 $0xE;
	s21 =	sadd.s32 s4, s20;
	[smem:$0x7EE] =	sst s16  }
0x49: {  	s12 =	simm.s32 $0x14100;
	s17 =	simm.s32 $0x148D0;
	[smem:$0x7F2] =	sst s21  }
0x4a: {  	s19 =	simm.s32 $0x9;
	s9 =	sadd.s32 s0, s14;
	s15 =	rddreg [dreg:$0x3]  }
0x4b: {  	s26 =	sadd.s32 $0x65C00, s6;
	s14 =	sadd.s32 s4, s13;
	[smem:$0x7DF] =	sst s9  }
0x4c: {  	s30 =	sshll.u32 s11, $0x6;
	s22 =	sadd.s32 s5, s20;
	[smem:$0x7EC] =	sst s14  }
0x4d: {  	s6 =	simm.s32 $0x10A50;
	s9 =	sadd.s32 s0, s18;
	[smem:$0x7F3] =	sst s22  }
0x4e: {  	s11 =	simm.s32 $0x11220;
	s18 =	sadd.s32 s5, s8;
	[smem:$0x7E2] =	sst s9  }
0x4f: {  	s8 =	sadd.s32 $0x1770, s8;
	s9 =	sadd.s32 s0, s23;
	[smem:$0x7F0] =	sst s18  }
0x50: {  	s25 =	sadd.s32 $0x62A00, s3;
	s4 =	sadd.s32 s4, s8;
	[smem:$0x7E8] =	sst s9  }
0x51: {  	s13 =	simm.s32 $0x4;
	s23 =	sadd.s32 s5, s8;
	[smem:$0x7F5] =	sst s4  }
0x52: {  	s16 =	simm.s32 $0x119F0;
	s9 =	sadd.s32 s0, s29;
	[smem:$0x7F6] =	sst s23  }
0x53: {  	s21 =	simm.s32 $0xA;
	[smem:$0x7EB] =	sst s9;
	s9 =	sadd.s32 s0, s20  }
0x54: {  	s3 =	simm.s32 $0x8;
	s0 =	sadd.s32 s0, s8;
	[smem:$0x7F4] =	sst s9  }
0x55: {  	s24 =	sadd.s32 s2, s15;
	s2 =	simm.s32 $0x13160;
	[smem:$0x7F7] =	sst s0  }
0x56: {  	s22 =	simm.s32 $0xB;
	_ =	strace $0x80000047;
	[smem:$0x7F8] =	sst s24  }
0x57: {  	s18 =	simm.s32 $0x5;
	s5 =	simm.s32 $0x0;
	[smem:$0x7F9] =	sst s25  }
0x58: {  	s29 =	smax.u32 s7, $0x1;
	s7 =	simm.s32 $0x13930;
	[smem:$0x7FA] =	sst s26  }
0x59: {  	s23 =	simm.s32 $0x7;
	s4 =	simm.s32 $0xC;
	[smem:$0x7FB] =	sst s29  }
0x5a: {  	s8 =	simm.s32 $0x3;
	s0 =	sor.u32 $0x1C02, s30;
	[smem:$0x7FC] =	sst s30  }
0x5b: {  	s20 =	simm.s32 $0x6;
	s9 =	simm.s32 $0x7D0;
	[smem:$0x7FD] =	sst s0  }
0x5c: {  	s25 =	simm.s32 $0xF2E0;
	s26 =	simm.s32 $0x121C0;
	s0 =	simm.s32 $0x10280  }
.LBB2_1:
0x5d: {  	s10 =	sld [smem:$0x7F8]  }
0x5e: {  	s30 =	sld [smem:$0x7F9]  }
0x5f: {  	s14 =	sld [smem:$0x7FD]  }
0x60: {  	s24 =	sshrl.u32 s10, $0x3  }
0x61: {  	[smem:$0x7C7] =	sst s24  }
0x62: {  	[spmem:s24], [sflag:s14] =	dma.local [hbm:s30], $0x310  }
0x63: {  	s10 =	rddreg [dreg:$0x0]  }
0x64: {  	s14 =	sld [smem:$0x7EF]  }
0x65: {  	[tilespmem:s1], [sflag:$0x1] =	stream.linear.gather [hbm4b:s10+s1], $0xC400, $0x38;
	[tilespmem:$0x16920] =	vst v63  }
0x66: {  	s24 =	simm.s32 $0xC400;
	s30 =	sld [smem:$0x7F0]  }
0x67: {  	[tilespmem:s24], [sflag:$0x3] =	stream.linear.gather [hbm4b:s14+s1], $0x7D0, $0x38;
	[tilespmem:$0x16920] =	vst v63  }
0x68: {  	s14 =	sld [smem:$0x7F1]  }
0x69: {  	[tilespmem:s25], [sflag:$0x3] =	stream.linear.gather [hbm4b:s30+s1], $0x7D0, $0x38;
	[tilespmem:$0x16920] =	vst v63  }
0x6a: {  	_ = 	snop  }
0x6b: {  	[tilespmem:s26], [sflag:$0x3] =	stream.linear.gather [hbm4b:s14+s1], $0x7D0, $0x38;
	[tilespmem:$0x16920] =	vst v63  }
0x6c: {  	s24 =	rddreg [dreg:$0x5];
	s30 =	simm.s32 $0xCBD0  }
0x6d: {  	[tilespmem:s30], [sflag:$0x4] =	stream.linear.gather [hbm4b:s24+s1], $0x7D0, $0x38;
	[tilespmem:$0x16920] =	vst v63  }
0x6e: {  	s24 =	rddreg [dreg:$0x6];
	s30 =	simm.s32 $0xFAB0  }
0x6f: {  	[tilespmem:s30], [sflag:$0x4] =	stream.linear.gather [hbm4b:s24+s1], $0x7D0, $0x38;
	[tilespmem:$0x16920] =	vst v63  }
0x70: {  	s24 =	rddreg [dreg:$0x7];
	s30 =	simm.s32 $0x12990  }
0x71: {  	[tilespmem:s30], [sflag:$0x4] =	stream.linear.gather [hbm4b:s24+s1], $0x7D0, $0x38;
	[tilespmem:$0x16920] =	vst v63  }
0x72: {  	s24 =	rddreg [dreg:$0x8];
	s30 =	simm.s32 $0xD3A0  }
0x73: {  	[tilespmem:s30], [sflag:$0x5] =	stream.linear.gather [hbm4b:s24+s1], $0x7D0, $0x38;
	[tilespmem:$0x16920] =	vst v63  }
0x74: {  	s14 =	rddreg [dreg:$0x9]  }
0x75: {  	[tilespmem:s0], [sflag:$0x5] =	stream.linear.gather [hbm4b:s14+s1], $0x7D0, $0x38;
	[tilespmem:$0x16920] =	vst v63  }
0x76: {  	s24 =	rddreg [dreg:$0xa];
	s30 =	simm.s32 $0x2  }
0x77: {  	[tilespmem:s2], [sflag:$0x5] =	stream.linear.gather [hbm4b:s24+s1], $0x7D0, $0x38;
	[tilespmem:$0x16920] =	vst v63  }
0x78: {  	_ =	swait.ge [sflag:s30], $0x310  }
0x79: {  	[sflag:s30] =	ssyncset.done $0x0  }
0x7a: {  	s14 =	simm.s32 $0x1;
	[sflag:s30] =	ssyncadd.s32 $0xFFFFFCF0  }
0x7b: {  	_ =	swait.ge [sflag:s14], $0xC400  }
0x7c: {  	[sflag:s14] =	ssyncset.done $0x0  }
0x7d: {  	[sflag:s14] =	ssyncadd.s32 $0xFFFF3C00  }
0x7e: {  	[bflag:$0x0] =	sbarrier.arrive $0xFFFF  }
0x7f: {  	s30 =	simm.s32 $0xDB70;
	s24 =	rddreg [dreg:$0xb]  }
0x80: {  	[tilespmem:s30], [sflag:$0x6] =	stream.linear.gather [hbm4b:s24+s1], $0x7D0, $0x38;
	[tilespmem:$0x16920] =	vst v63  }
0x81: {  	s14 =	rddreg [dreg:$0xc]  }
0x82: {  	[tilespmem:s6], [sflag:$0x6] =	stream.linear.gather [hbm4b:s14+s1], $0x7D0, $0x38;
	[tilespmem:$0x16920] =	vst v63  }
0x83: {  	s24 =	rddreg [dreg:$0xd]  }
0x84: {  	[tilespmem:s7], [sflag:$0x6] =	stream.linear.gather [hbm4b:s24+s1], $0x7D0, $0x38;
	[tilespmem:$0x16920] =	vst v63  }
0x85: {  	_ =	swait.ge [sflag:s8], $0x7D0  }
0x86: {  	[sflag:s8] =	ssyncset.done $0x0  }
0x87: {  	[sflag:s8] =	ssyncadd.s32 $0xFFFFF830  }
0x88: {  	_ =	swait.ge [sflag:s8], $0x7D0  }
0x89: {  	[sflag:s8] =	ssyncset.done $0x0  }
0x8a: {  	[sflag:s8] =	ssyncadd.s32 $0xFFFFF830  }
0x8b: {  	_ =	swait.ge [sflag:s8], $0x7D0  }
0x8c: {  	[sflag:s8] =	ssyncset.done $0x0  }
0x8d: {  	s30 =	simm.s32 $0xC440;
	[sflag:s8] =	ssyncadd.s32 $0xFFFFF830  }
0x8e: {  	v0 =	vld [tilespmem:s30+$0x30]  }
0x8f: {  	v1 =	vld [tilespmem:s30+$0xFFFFFFD0]  }
0x90: {  	v2 =	vld [tilespmem:s30+$0xFFFFFFE0]  }
0x91: {  	v3 =	vld [tilespmem:s30+$0xFFFFFFF0]  }
0x92: {  	v4 =	vld [tilespmem:s30+$0x0]  }
0x93: {  	v6 =	vld [tilespmem:s30+$0x10]  }
0x94: {  	v8 =	vld [tilespmem:s30+$0x20]  }
0x95: {  	vm5 =	vgt.s32 v0, $0xC3FF;
	v5 =	vadd.s32 $0xFFFF3C00, v0  }
0x96: {  	vm3 =	vgt.s32 v1, $0xC3FF;
	v7 =	vadd.s32 $0xFFFF3C00, v1;
	vm7 =	vgt.s32 v2, $0xC3FF  }
0x97: {  	vm6 =	vgt.s32 v3, $0xC3FF;
	vm4 =	vgt.s32 v4, $0xC3FF;
	v0 =	vsel vm5, v5, v0  }
0x98: {  	vm1 =	vgt.s32 v6, $0xC3FF;
	v5 =	vld [tilespmem:s30+$0xFFFFFFC0];
	v1 =	vsel vm3, v7, v1;
	v7 =	vadd.s32 $0xFFFF3C00, v2  }
0x99: {  	vm0 =	vgt.s32 v8, $0xC3FF;
	v2 =	vsel vm7, v7, v2;
	v7 =	vadd.s32 $0xFFFF3C00, v3  }
0x9a: {  	s14 =	simm.s32 $0x12200;
	v9 =	vadd.s32 $0xFFFF3C00, v8;
	v3 =	vsel vm6, v7, v3;
	v7 =	vadd.s32 $0xFFFF3C00, v4  }
0x9b: {  	v8 =	vsel vm0, v9, v8;
	v9 =	vld [tilespmem:s14+$0x30];
	v4 =	vsel vm4, v7, v4;
	v7 =	vadd.s32 $0xFFFF3C00, v6  }
0x9c: {  	v6 =	vsel vm1, v7, v6;
	v0 =	vld.idx.msk [tilespmem:v0+s1+$0x0], $0xffff  }
0x9d: {  	vm2 =	vgt.s32 v5, $0xC3FF;
	v7 =	vadd.s32 $0xFFFF3C00, v5;
	v1 =	vld.idx.msk [tilespmem:v1+s1+$0x0], $0xffff  }
0x9e: {  	v5 =	vsel vm2, v7, v5;
	v7 =	vld.idx.msk [tilespmem:v2+s1+$0x0], $0xffff  }
0x9f: {  	v10 =	vld.idx.msk [tilespmem:v3+s1+$0x0], $0xffff  }
0xa0: {  	v11 =	vld.idx.msk [tilespmem:v4+s1+$0x0], $0xffff  }
0xa1: {  	v12 =	vld.idx.msk [tilespmem:v6+s1+$0x0], $0xffff;
	v3 =	vand.u32 $0xFFFF0000, v0  }
0xa2: {  	v0 =	vshll.u32 v0, $0x10;
	v4 =	vand.u32 $0xFFFF0000, v1;
	v6 =	vshll.u32 v1, $0x10;
	v1 =	vld.idx.msk [tilespmem:v8+s1+$0x0], $0xffff  }
0xa3: {  	v2 =	vld.idx.msk [tilespmem:v5+s1+$0x0], $0xffff;
	v0 =	vsel vm5, v3, v0;
	v3 =	vand.u32 $0xFFFF0000, v7  }
0xa4: {  	v7 =	vshll.u32 v7, $0x10;
	v5 =	vld [tilespmem:s14+$0xFFFFFFC0];
	v4 =	vsel vm3, v4, v6;
	v0 =	vmul.f32 v0, v9  }
0xa5: {  	v3 =	vsel vm7, v3, v7;
	v7 =	vld [tilespmem:s14+$0xFFFFFFD0];
	v6 =	vand.u32 $0xFFFF0000, v10;
	v9 =	vshll.u32 v10, $0x10  }
0xa6: {  	v8 =	vld [tilespmem:s14+$0xFFFFFFE0];
	v6 =	vsel vm6, v6, v9;
	v10 =	vand.u32 $0xFFFF0000, v11;
	v11 =	vshll.u32 v11, $0x10  }
0xa7: {  	s29 =	simm.s32 $0xC4C0;
	s10 =	simm.s32 $0x0;
	s24 =	simm.s32 $0x12200;
	v9 =	vld [tilespmem:s14+$0xFFFFFFF0];
	[tilespmem:s14+$0x30] =	vst v0;
	v0 =	vsel vm4, v10, v11;
	v10 =	vand.u32 $0xFFFF0000, v12;
	v11 =	vshll.u32 v12, $0x10  }
.LBB2_2:
0xa8: {  	v12 =	vld [tilespmem:s29+$0x30];
	s10 =	sadd.s32 $0x8, s10;
	v13 =	vand.u32 $0xFFFF0000, v2;
	v2 =	vshll.u32 v2, $0x10;
	v10 =	vsel vm1, v10, v11  }
0xa9: {  	v11 =	vld [tilespmem:s29+$0xFFFFFFD0];
	p0 =	slt.u32 s10, $0x70;
	v2 =	vsel vm2, v13, v2;
	v13 =	vand.u32 $0xFFFF0000, v1;
	v1 =	vshll.u32 v1, $0x10  }
0xaa: {  	v14 =	vld [tilespmem:s29+$0xFFFFFFE0];
	v2 =	vmul.f32 v2, v5;
	v4 =	vmul.f32 v4, v7;
	v1 =	vsel vm0, v13, v1  }
0xab: {  	v5 =	vld [tilespmem:s29+$0xFFFFFFF0];
	v3 =	vmul.f32 v3, v8  }
0xac: {  	v7 =	vld [tilespmem:s29+$0x0];
	[tilespmem:s14+$0xFFFFFFC0] =	vst v2;
	v2 =	vmul.f32 v6, v9  }
0xad: {  	v6 =	vld [tilespmem:s29+$0x10];
	vm6 =	vgt.s32 v12, $0xC3FF;
	v8 =	vadd.s32 $0xFFFF3C00, v12;
	[tilespmem:s14+$0xFFFFFFD0] =	vst v4  }
0xae: {  	vm3 =	vgt.s32 v11, $0xC3FF;
	v4 =	vadd.s32 $0xFFFF3C00, v11;
	v9 =	vld [tilespmem:s29+$0x20];
	v8 =	vsel vm6, v8, v12;
	[tilespmem:s14+$0xFFFFFFE0] =	vst v3  }
0xaf: {  	v3 =	vld [tilespmem:s29+$0xFFFFFFC0];
	v4 =	vsel vm3, v4, v11;
	vm7 =	vgt.s32 v14, $0xC3FF;
	v11 =	vadd.s32 $0xFFFF3C00, v14;
	[tilespmem:s14+$0xFFFFFFF0] =	vst v2  }
0xb0: {  	v2 =	vsel vm7, v11, v14;
	vm4 =	vgt.s32 v5, $0xC3FF;
	v11 =	vadd.s32 $0xFFFF3C00, v5;
	v12 =	vld [tilespmem:s14+$0x0]  }
0xb1: {  	v5 =	vsel vm4, v11, v5;
	vm5 =	vgt.s32 v7, $0xC3FF;
	v11 =	vadd.s32 $0xFFFF3C00, v7;
	v13 =	vld [tilespmem:s14+$0x10]  }
0xb2: {  	s30 =	simm.s32 $0x0;
	v7 =	vsel vm5, v11, v7;
	vm1 =	vgt.s32 v6, $0xC3FF;
	v11 =	vadd.s32 $0xFFFF3C00, v6;
	v14 =	vld [tilespmem:s14+$0x20]  }
0xb3: {  	v6 =	vsel vm1, v11, v6;
	vm0 =	vgt.s32 v9, $0xC3FF;
	v11 =	vadd.s32 $0xFFFF3C00, v9;
	v8 =	vld.idx.msk [tilespmem:v8+s30+$0x0], $0xffff  }
0xb4: {  	vm2 =	vgt.s32 v3, $0xC3FF;
	v15 =	vadd.s32 $0xFFFF3C00, v3;
	v4 =	vld.idx.msk [tilespmem:v4+s30+$0x0], $0xffff;
	v9 =	vsel vm0, v11, v9  }
0xb5: {  	s14 =	sadd.s32 $0x80, s14;
	v3 =	vsel vm2, v15, v3;
	v11 =	vld.idx.msk [tilespmem:v2+s30+$0x0], $0xffff;
	v0 =	vmul.f32 v0, v12  }
0xb6: {  	v12 =	vld [tilespmem:s14+$0x30];
	v2 =	vmul.f32 v10, v13  }
0xb7: {  	v10 =	vld.idx.msk [tilespmem:v5+s30+$0x0], $0xffff;
	[tilespmem:s24+$0x0] =	vst v0;
	v0 =	vmul.f32 v1, v14  }
0xb8: {  	v13 =	vld.idx.msk [tilespmem:v7+s30+$0x0], $0xffff;
	[tilespmem:s24+$0x10] =	vst v2  }
0xb9: {  	v1 =	vand.u32 $0xFFFF0000, v8;
	v5 =	vshll.u32 v8, $0x10;
	v14 =	vld.idx.msk [tilespmem:v6+s30+$0x0], $0xffff;
	[tilespmem:s24+$0x20] =	vst v0;
	s24 =	smov.u32 s14  }
0xba: {  	v0 =	vand.u32 $0xFFFF0000, v4;
	v2 =	vld.idx.msk [tilespmem:v3+s30+$0x0], $0xffff;
	v3 =	vshll.u32 v4, $0x10;
	v4 =	vsel vm6, v1, v5  }
.Ltmp0:
0xbb: {  	v6 =	vand.u32 $0xFFFF0000, v11;
	v7 =	vshll.u32 v11, $0x10;
	v1 =	vld.idx.msk [tilespmem:v9+s30+$0x0], $0xffff;
	v8 =	vmul.f32 v4, v12;
	(pc) =	sbr.rel @p0 .LBB2_2-.Ltmp0, $4  }
0xbc: {  	v4 =	vsel vm3, v0, v3;
	v3 =	vsel vm7, v6, v7;
	v5 =	vld [tilespmem:s14+$0xFFFFFFC0]  }
0xbd: {  	v0 =	vand.u32 $0xFFFF0000, v10;
	v6 =	vshll.u32 v10, $0x10;
	v7 =	vld [tilespmem:s14+$0xFFFFFFD0];
	[tilespmem:s14+$0x30] =	vst v8  }
0xbe: {  	v6 =	vsel vm4, v0, v6;
	v0 =	vand.u32 $0xFFFF0000, v13;
	v10 =	vshll.u32 v13, $0x10;
	v8 =	vld [tilespmem:s14+$0xFFFFFFE0]  }
0xbf: {  	s29 =	sadd.s32 $0x80, s29;
	v0 =	vsel vm5, v0, v10;
	v10 =	vand.u32 $0xFFFF0000, v14;
	v11 =	vshll.u32 v14, $0x10;
	v9 =	vld [tilespmem:s14+$0xFFFFFFF0]  }
0xc0: {  	v12 =	vand.u32 $0xFFFF0000, v2;
	v56 =	vshll.u32 v2, $0x10  }
0xc1: {  	v57 =	vld [tilespmem:s14+$0x0];
	v2 =	vsel vm2, v12, v56  }
0xc2: {  	v58 =	vld [tilespmem:s14+$0x10];
	v2 =	vmul.f32 v2, v5  }
0xc3: {  	v59 =	vld [tilespmem:s14+$0x20];
	v4 =	vmul.f32 v4, v7  }
0xc4: {  	v3 =	vmul.f32 v3, v8;
	[tilespmem:s14+$0xFFFFFFC0] =	vst v2  }
0xc5: {  	v60 =	vsel vm1, v10, v11;
	v6 =	vmul.f32 v6, v9;
	[tilespmem:s14+$0xFFFFFFD0] =	vst v4  }
0xc6: {  	v61 =	vand.u32 $0xFFFF0000, v1;
	v62 =	vshll.u32 v1, $0x10;
	[tilespmem:s14+$0xFFFFFFE0] =	vst v3;
	v0 =	vmul.f32 v0, v57  }
0xc7: {  	v1 =	vsel vm0, v61, v62;
	v2 =	vmul.f32 v60, v58;
	[tilespmem:s14+$0xFFFFFFF0] =	vst v6  }
0xc8: {  	v63 =	vmul.f32 v1, v59;
	[tilespmem:s24+$0x0] =	vst v0  }
0xc9: {  	[tilespmem:s24+$0x10] =	vst v2  }
0xca: {  	[tilespmem:s24+$0x20] =	vst v63  }
.LBB2_4:
0xcb: {  	s10 =	sshra.s32 s30, $0x2  }
0xcc: {  	v0 =	vld [tilespmem:s10+$0xCB80];
	_ =	sdelay $0x4  }
0xcd: {  	vm0 =	vgt.s32 v0, $0xC3FF;
	v1 =	vadd.s32 $0xFFFF3C00, v0  }
0xce: {  	v0 =	vsel vm0, v1, v0;
	_ =	sdelay $0x4  }
0xcf: {  	v0 =	vld.idx.msk [tilespmem:v0+s1+$0x0], $0xffff;
	_ =	sdelay $0x1  }
0xd0: {  	v63 =	vld [tilespmem:s10+$0x12940];
	_ =	sdelay $0x1  }
0xd1: {  	p0 =	sne.s32 s30, $0x100  }
.Ltmp1:
0xd2: {  	v2 =	vand.u32 $0xFFFF0000, v0;
	v0 =	vshll.u32 v0, $0x10;
	(pc) =	sbr.rel @p0 .LBB2_4-.Ltmp1, $3  }
0xd3: {  	v0 =	vsel vm0, v2, v0  }
0xd4: {  	v0 =	vmul.f32 v0, v63;
	_ =	sdelay $0x1  }
0xd5: {  	s30 =	sadd.s32 $0x40, s30;
	[tilespmem:s10+$0x12940] =	vst v0  }
0xd6: {  	[spmem:s15] =	stream.indirect.scatter.add.f32 [tilespmem:s26], [sflag:$0x9], $0x1, s25, s9, $0xb8;
	[tilespmem:$0x16920] =	vst v63  }
0xd7: {  	s10 =	rddreg [dreg:$0xe];
	s14 =	simm.s32 $0xE340  }
0xd8: {  	[tilespmem:s14], [sflag:$0x7] =	stream.linear.gather [hbm4b:s10+s1], $0x7D0, $0x38;
	[tilespmem:$0x16920] =	vst v63  }
0xd9: {  	s24 =	rddreg [dreg:$0xf]  }
0xda: {  	[tilespmem:s11], [sflag:$0x7] =	stream.linear.gather [hbm4b:s24+s1], $0x7D0, $0x38;
	[tilespmem:$0x16920] =	vst v63  }
0xdb: {  	s14 =	rddreg [dreg:$0x10]  }
0xdc: {  	[tilespmem:s12], [sflag:$0x7] =	stream.linear.gather [hbm4b:s14+s1], $0x7D0, $0x38;
	[tilespmem:$0x16920] =	vst v63  }
0xdd: {  	_ =	swait.ge [sflag:s13], $0x7D0  }
0xde: {  	[sflag:s13] =	ssyncset.done $0x0  }
0xdf: {  	[sflag:s13] =	ssyncadd.s32 $0xFFFFF830  }
0xe0: {  	_ =	swait.ge [sflag:s13], $0x7D0  }
0xe1: {  	[sflag:s13] =	ssyncset.done $0x0  }
0xe2: {  	[sflag:s13] =	ssyncadd.s32 $0xFFFFF830  }
0xe3: {  	_ =	swait.ge [sflag:s13], $0x7D0  }
0xe4: {  	[sflag:s13] =	ssyncset.done $0x0  }
0xe5: {  	s24 =	simm.s32 $0xCC10;
	[sflag:s13] =	ssyncadd.s32 $0xFFFFF830  }
0xe6: {  	v0 =	vld [tilespmem:s24+$0x30]  }
0xe7: {  	v1 =	vld [tilespmem:s24+$0xFFFFFFD0]  }
0xe8: {  	v2 =	vld [tilespmem:s24+$0xFFFFFFE0]  }
0xe9: {  	v3 =	vld [tilespmem:s24+$0xFFFFFFF0]  }
0xea: {  	v4 =	vld [tilespmem:s24+$0x0]  }
0xeb: {  	v6 =	vld [tilespmem:s24+$0x10]  }
0xec: {  	v8 =	vld [tilespmem:s24+$0x20]  }
0xed: {  	vm5 =	vgt.s32 v0, $0xC3FF;
	v5 =	vadd.s32 $0xFFFF3C00, v0  }
0xee: {  	vm3 =	vgt.s32 v1, $0xC3FF;
	v7 =	vadd.s32 $0xFFFF3C00, v1;
	vm7 =	vgt.s32 v2, $0xC3FF  }
0xef: {  	vm6 =	vgt.s32 v3, $0xC3FF;
	vm4 =	vgt.s32 v4, $0xC3FF;
	v0 =	vsel vm5, v5, v0  }
0xf0: {  	vm1 =	vgt.s32 v6, $0xC3FF;
	v5 =	vld [tilespmem:s24+$0xFFFFFFC0];
	v1 =	vsel vm3, v7, v1;
	v7 =	vadd.s32 $0xFFFF3C00, v2  }
0xf1: {  	vm0 =	vgt.s32 v8, $0xC3FF;
	v2 =	vsel vm7, v7, v2;
	v7 =	vadd.s32 $0xFFFF3C00, v3  }
0xf2: {  	v9 =	vadd.s32 $0xFFFF3C00, v8;
	s24 =	simm.s32 $0x129D0;
	v3 =	vsel vm6, v7, v3;
	v7 =	vadd.s32 $0xFFFF3C00, v4  }
0xf3: {  	s14 =	simm.s32 $0x0;
	v8 =	vsel vm0, v9, v8;
	v9 =	vld [tilespmem:s24+$0x30];
	v4 =	vsel vm4, v7, v4;
	v7 =	vadd.s32 $0xFFFF3C00, v6  }
0xf4: {  	v6 =	vsel vm1, v7, v6;
	v0 =	vld.idx.msk [tilespmem:v0+s14+$0x0], $0xffff  }
0xf5: {  	vm2 =	vgt.s32 v5, $0xC3FF;
	v7 =	vadd.s32 $0xFFFF3C00, v5;
	v1 =	vld.idx.msk [tilespmem:v1+s14+$0x0], $0xffff  }
0xf6: {  	v5 =	vsel vm2, v7, v5;
	v7 =	vld.idx.msk [tilespmem:v2+s14+$0x0], $0xffff  }
0xf7: {  	v10 =	vld.idx.msk [tilespmem:v3+s14+$0x0], $0xffff  }
0xf8: {  	v11 =	vld.idx.msk [tilespmem:v4+s14+$0x0], $0xffff  }
0xf9: {  	v12 =	vld.idx.msk [tilespmem:v6+s14+$0x0], $0xffff;
	v3 =	vand.u32 $0xFFFF0000, v0  }
0xfa: {  	v0 =	vshll.u32 v0, $0x10;
	v4 =	vand.u32 $0xFFFF0000, v1;
	v6 =	vshll.u32 v1, $0x10;
	v1 =	vld.idx.msk [tilespmem:v8+s14+$0x0], $0xffff  }
0xfb: {  	v2 =	vld.idx.msk [tilespmem:v5+s14+$0x0], $0xffff;
	v0 =	vsel vm5, v3, v0;
	v3 =	vand.u32 $0xFFFF0000, v7  }
0xfc: {  	v7 =	vshll.u32 v7, $0x10;
	v5 =	vld [tilespmem:s24+$0xFFFFFFC0];
	v4 =	vsel vm3, v4, v6;
	v0 =	vmul.f32 v0, v9  }
0xfd: {  	v3 =	vsel vm7, v3, v7;
	v7 =	vld [tilespmem:s24+$0xFFFFFFD0];
	v6 =	vand.u32 $0xFFFF0000, v10;
	v9 =	vshll.u32 v10, $0x10  }
0xfe: {  	v8 =	vld [tilespmem:s24+$0xFFFFFFE0];
	v6 =	vsel vm6, v6, v9;
	v10 =	vand.u32 $0xFFFF0000, v11;
	v11 =	vshll.u32 v11, $0x10  }
0xff: {  	s29 =	simm.s32 $0x0;
	s30 =	simm.s32 $0xCC90;
	s10 =	simm.s32 $0x129D0;
	v9 =	vld [tilespmem:s24+$0xFFFFFFF0];
	[tilespmem:s24+$0x30] =	vst v0;
	v0 =	vsel vm4, v10, v11;
	v10 =	vand.u32 $0xFFFF0000, v12;
	v11 =	vshll.u32 v12, $0x10  }
.LBB2_6:
0x100: {  	v12 =	vld [tilespmem:s30+$0x30];
	s29 =	sadd.s32 $0x8, s29;
	v13 =	vand.u32 $0xFFFF0000, v2;
	v2 =	vshll.u32 v2, $0x10;
	v10 =	vsel vm1, v10, v11  }
0x101: {  	v11 =	vld [tilespmem:s30+$0xFFFFFFD0];
	p0 =	slt.u32 s29, $0x70;
	v2 =	vsel vm2, v13, v2;
	v13 =	vand.u32 $0xFFFF0000, v1;
	v1 =	vshll.u32 v1, $0x10  }
0x102: {  	v14 =	vld [tilespmem:s30+$0xFFFFFFE0];
	v2 =	vmul.f32 v2, v5;
	v4 =	vmul.f32 v4, v7;
	v1 =	vsel vm0, v13, v1  }
0x103: {  	v5 =	vld [tilespmem:s30+$0xFFFFFFF0];
	v3 =	vmul.f32 v3, v8  }
0x104: {  	v7 =	vld [tilespmem:s30+$0x0];
	[tilespmem:s24+$0xFFFFFFC0] =	vst v2;
	v2 =	vmul.f32 v6, v9  }
0x105: {  	v6 =	vld [tilespmem:s30+$0x10];
	vm6 =	vgt.s32 v12, $0xC3FF;
	v8 =	vadd.s32 $0xFFFF3C00, v12;
	[tilespmem:s24+$0xFFFFFFD0] =	vst v4  }
0x106: {  	vm3 =	vgt.s32 v11, $0xC3FF;
	v4 =	vadd.s32 $0xFFFF3C00, v11;
	v9 =	vld [tilespmem:s30+$0x20];
	v8 =	vsel vm6, v8, v12;
	[tilespmem:s24+$0xFFFFFFE0] =	vst v3  }
0x107: {  	v3 =	vld [tilespmem:s30+$0xFFFFFFC0];
	v4 =	vsel vm3, v4, v11;
	vm7 =	vgt.s32 v14, $0xC3FF;
	v11 =	vadd.s32 $0xFFFF3C00, v14;
	[tilespmem:s24+$0xFFFFFFF0] =	vst v2  }
0x108: {  	v2 =	vsel vm7, v11, v14;
	vm4 =	vgt.s32 v5, $0xC3FF;
	v11 =	vadd.s32 $0xFFFF3C00, v5;
	v12 =	vld [tilespmem:s24+$0x0]  }
0x109: {  	v5 =	vsel vm4, v11, v5;
	vm5 =	vgt.s32 v7, $0xC3FF;
	v11 =	vadd.s32 $0xFFFF3C00, v7;
	v13 =	vld [tilespmem:s24+$0x10]  }
0x10a: {  	v7 =	vsel vm5, v11, v7;
	vm1 =	vgt.s32 v6, $0xC3FF;
	v11 =	vadd.s32 $0xFFFF3C00, v6;
	v14 =	vld [tilespmem:s24+$0x20]  }
0x10b: {  	v6 =	vsel vm1, v11, v6;
	vm0 =	vgt.s32 v9, $0xC3FF;
	v11 =	vadd.s32 $0xFFFF3C00, v9;
	v8 =	vld.idx.msk [tilespmem:v8+s14+$0x0], $0xffff  }
0x10c: {  	vm2 =	vgt.s32 v3, $0xC3FF;
	v15 =	vadd.s32 $0xFFFF3C00, v3;
	v4 =	vld.idx.msk [tilespmem:v4+s14+$0x0], $0xffff;
	v9 =	vsel vm0, v11, v9  }
0x10d: {  	s24 =	sadd.s32 $0x80, s24;
	v3 =	vsel vm2, v15, v3;
	v11 =	vld.idx.msk [tilespmem:v2+s14+$0x0], $0xffff;
	v0 =	vmul.f32 v0, v12  }
0x10e: {  	v12 =	vld [tilespmem:s24+$0x30];
	v2 =	vmul.f32 v10, v13  }
0x10f: {  	v10 =	vld.idx.msk [tilespmem:v5+s14+$0x0], $0xffff;
	[tilespmem:s10+$0x0] =	vst v0;
	v0 =	vmul.f32 v1, v14  }
0x110: {  	v13 =	vld.idx.msk [tilespmem:v7+s14+$0x0], $0xffff;
	[tilespmem:s10+$0x10] =	vst v2  }
0x111: {  	v1 =	vand.u32 $0xFFFF0000, v8;
	v5 =	vshll.u32 v8, $0x10;
	v14 =	vld.idx.msk [tilespmem:v6+s14+$0x0], $0xffff;
	[tilespmem:s10+$0x20] =	vst v0;
	s10 =	smov.u32 s24  }
0x112: {  	v0 =	vand.u32 $0xFFFF0000, v4;
	v2 =	vld.idx.msk [tilespmem:v3+s14+$0x0], $0xffff;
	v3 =	vshll.u32 v4, $0x10;
	v4 =	vsel vm6, v1, v5  }
.Ltmp2:
0x113: {  	v6 =	vand.u32 $0xFFFF0000, v11;
	v7 =	vshll.u32 v11, $0x10;
	v1 =	vld.idx.msk [tilespmem:v9+s14+$0x0], $0xffff;
	v8 =	vmul.f32 v4, v12;
	(pc) =	sbr.rel @p0 .LBB2_6-.Ltmp2, $4  }
0x114: {  	v4 =	vsel vm3, v0, v3;
	v3 =	vsel vm7, v6, v7;
	v5 =	vld [tilespmem:s24+$0xFFFFFFC0]  }
0x115: {  	v0 =	vand.u32 $0xFFFF0000, v10;
	v6 =	vshll.u32 v10, $0x10;
	v7 =	vld [tilespmem:s24+$0xFFFFFFD0];
	[tilespmem:s24+$0x30] =	vst v8  }
0x116: {  	v6 =	vsel vm4, v0, v6;
	v0 =	vand.u32 $0xFFFF0000, v13;
	v10 =	vshll.u32 v13, $0x10;
	v8 =	vld [tilespmem:s24+$0xFFFFFFE0]  }
0x117: {  	s30 =	sadd.s32 $0x80, s30;
	v0 =	vsel vm5, v0, v10;
	v10 =	vand.u32 $0xFFFF0000, v14;
	v11 =	vshll.u32 v14, $0x10;
	v9 =	vld [tilespmem:s24+$0xFFFFFFF0]  }
0x118: {  	v12 =	vand.u32 $0xFFFF0000, v2;
	v56 =	vshll.u32 v2, $0x10  }
0x119: {  	v57 =	vld [tilespmem:s24+$0x0];
	v2 =	vsel vm2, v12, v56  }
0x11a: {  	v58 =	vld [tilespmem:s24+$0x10];
	v2 =	vmul.f32 v2, v5  }
0x11b: {  	v59 =	vld [tilespmem:s24+$0x20];
	v4 =	vmul.f32 v4, v7  }
0x11c: {  	v3 =	vmul.f32 v3, v8;
	[tilespmem:s24+$0xFFFFFFC0] =	vst v2  }
0x11d: {  	v60 =	vsel vm1, v10, v11;
	v6 =	vmul.f32 v6, v9;
	[tilespmem:s24+$0xFFFFFFD0] =	vst v4  }
0x11e: {  	v61 =	vand.u32 $0xFFFF0000, v1;
	v62 =	vshll.u32 v1, $0x10;
	[tilespmem:s24+$0xFFFFFFE0] =	vst v3;
	v0 =	vmul.f32 v0, v57  }
0x11f: {  	v1 =	vsel vm0, v61, v62;
	v2 =	vmul.f32 v60, v58;
	[tilespmem:s24+$0xFFFFFFF0] =	vst v6  }
0x120: {  	v63 =	vmul.f32 v1, v59;
	[tilespmem:s10+$0x0] =	vst v0  }
0x121: {  	[tilespmem:s10+$0x10] =	vst v2  }
0x122: {  	[tilespmem:s10+$0x20] =	vst v63  }
.LBB2_8:
0x123: {  	s10 =	sshra.s32 s14, $0x2  }
0x124: {  	v0 =	vld [tilespmem:s10+$0xD350];
	_ =	sdelay $0x4  }
0x125: {  	vm0 =	vgt.s32 v0, $0xC3FF;
	v1 =	vadd.s32 $0xFFFF3C00, v0  }
0x126: {  	v0 =	vsel vm0, v1, v0;
	_ =	sdelay $0x4  }
0x127: {  	v0 =	vld.idx.msk [tilespmem:v0+s1+$0x0], $0xffff;
	_ =	sdelay $0x1  }
0x128: {  	v63 =	vld [tilespmem:s10+$0x13110];
	_ =	sdelay $0x1  }
0x129: {  	p0 =	sne.s32 s14, $0x100  }
.Ltmp3:
0x12a: {  	v2 =	vand.u32 $0xFFFF0000, v0;
	v0 =	vshll.u32 v0, $0x10;
	(pc) =	sbr.rel @p0 .LBB2_8-.Ltmp3, $3  }
0x12b: {  	v0 =	vsel vm0, v2, v0  }
0x12c: {  	v0 =	vmul.f32 v0, v63;
	_ =	sdelay $0x1  }
0x12d: {  	s14 =	sadd.s32 $0x40, s14;
	[tilespmem:s10+$0x13110] =	vst v0  }
0x12e: {  	s10 =	simm.s32 $0xFAB0;
	s14 =	simm.s32 $0x12990  }
0x12f: {  	[spmem:s15] =	stream.indirect.scatter.add.f32 [tilespmem:s14], [sflag:$0xA], $0x1, s10, s9, $0xb8;
	[tilespmem:$0x16920] =	vst v63  }
0x130: {  	s24 =	simm.s32 $0xEB10;
	s14 =	rddreg [dreg:$0x11]  }
0x131: {  	[tilespmem:s24], [sflag:$0x8] =	stream.linear.gather [hbm4b:s14+s1], $0x7D0, $0x38;
	[tilespmem:$0x16920] =	vst v63  }
0x132: {  	s24 =	rddreg [dreg:$0x12]  }
0x133: {  	[tilespmem:s16], [sflag:$0x8] =	stream.linear.gather [hbm4b:s24+s1], $0x7D0, $0x38;
	[tilespmem:$0x16920] =	vst v63  }
0x134: {  	s14 =	rddreg [dreg:$0x13]  }
0x135: {  	[tilespmem:s17], [sflag:$0x8] =	stream.linear.gather [hbm4b:s14+s1], $0x7D0, $0x38;
	[tilespmem:$0x16920] =	vst v63  }
0x136: {  	_ =	swait.ge [sflag:s18], $0x7D0  }
0x137: {  	[sflag:s18] =	ssyncset.done $0x0  }
0x138: {  	[sflag:s18] =	ssyncadd.s32 $0xFFFFF830  }
0x139: {  	_ =	swait.ge [sflag:s18], $0x7D0  }
0x13a: {  	[sflag:s18] =	ssyncset.done $0x0  }
0x13b: {  	[sflag:s18] =	ssyncadd.s32 $0xFFFFF830  }
0x13c: {  	_ =	swait.ge [sflag:s18], $0x7D0  }
0x13d: {  	[sflag:s18] =	ssyncset.done $0x0  }
0x13e: {  	s24 =	simm.s32 $0xD3E0;
	[sflag:s18] =	ssyncadd.s32 $0xFFFFF830  }
0x13f: {  	v0 =	vld [tilespmem:s24+$0x30]  }
0x140: {  	v1 =	vld [tilespmem:s24+$0xFFFFFFD0]  }
0x141: {  	v2 =	vld [tilespmem:s24+$0xFFFFFFE0]  }
0x142: {  	v3 =	vld [tilespmem:s24+$0xFFFFFFF0]  }
0x143: {  	v4 =	vld [tilespmem:s24+$0x0]  }
0x144: {  	v6 =	vld [tilespmem:s24+$0x10]  }
0x145: {  	v8 =	vld [tilespmem:s24+$0x20]  }
0x146: {  	vm5 =	vgt.s32 v0, $0xC3FF;
	v5 =	vadd.s32 $0xFFFF3C00, v0  }
0x147: {  	vm3 =	vgt.s32 v1, $0xC3FF;
	v7 =	vadd.s32 $0xFFFF3C00, v1;
	vm7 =	vgt.s32 v2, $0xC3FF  }
0x148: {  	vm6 =	vgt.s32 v3, $0xC3FF;
	vm4 =	vgt.s32 v4, $0xC3FF;
	v0 =	vsel vm5, v5, v0  }
0x149: {  	vm1 =	vgt.s32 v6, $0xC3FF;
	v5 =	vld [tilespmem:s24+$0xFFFFFFC0];
	v1 =	vsel vm3, v7, v1;
	v7 =	vadd.s32 $0xFFFF3C00, v2  }
0x14a: {  	vm0 =	vgt.s32 v8, $0xC3FF;
	v2 =	vsel vm7, v7, v2;
	v7 =	vadd.s32 $0xFFFF3C00, v3  }
0x14b: {  	v9 =	vadd.s32 $0xFFFF3C00, v8;
	s24 =	simm.s32 $0x131A0;
	v3 =	vsel vm6, v7, v3;
	v7 =	vadd.s32 $0xFFFF3C00, v4  }
0x14c: {  	s14 =	simm.s32 $0x0;
	v8 =	vsel vm0, v9, v8;
	v9 =	vld [tilespmem:s24+$0x30];
	v4 =	vsel vm4, v7, v4;
	v7 =	vadd.s32 $0xFFFF3C00, v6  }
0x14d: {  	v6 =	vsel vm1, v7, v6;
	v0 =	vld.idx.msk [tilespmem:v0+s14+$0x0], $0xffff  }
0x14e: {  	vm2 =	vgt.s32 v5, $0xC3FF;
	v7 =	vadd.s32 $0xFFFF3C00, v5;
	v1 =	vld.idx.msk [tilespmem:v1+s14+$0x0], $0xffff  }
0x14f: {  	v5 =	vsel vm2, v7, v5;
	v7 =	vld.idx.msk [tilespmem:v2+s14+$0x0], $0xffff  }
0x150: {  	v10 =	vld.idx.msk [tilespmem:v3+s14+$0x0], $0xffff  }
0x151: {  	v11 =	vld.idx.msk [tilespmem:v4+s14+$0x0], $0xffff  }
0x152: {  	v12 =	vld.idx.msk [tilespmem:v6+s14+$0x0], $0xffff;
	v3 =	vand.u32 $0xFFFF0000, v0  }
0x153: {  	v0 =	vshll.u32 v0, $0x10;
	v4 =	vand.u32 $0xFFFF0000, v1;
	v6 =	vshll.u32 v1, $0x10;
	v1 =	vld.idx.msk [tilespmem:v8+s14+$0x0], $0xffff  }
0x154: {  	v2 =	vld.idx.msk [tilespmem:v5+s14+$0x0], $0xffff;
	v0 =	vsel vm5, v3, v0;
	v3 =	vand.u32 $0xFFFF0000, v7  }
0x155: {  	v7 =	vshll.u32 v7, $0x10;
	v5 =	vld [tilespmem:s24+$0xFFFFFFC0];
	v4 =	vsel vm3, v4, v6;
	v0 =	vmul.f32 v0, v9  }
0x156: {  	v3 =	vsel vm7, v3, v7;
	v7 =	vld [tilespmem:s24+$0xFFFFFFD0];
	v6 =	vand.u32 $0xFFFF0000, v10;
	v9 =	vshll.u32 v10, $0x10  }
0x157: {  	v8 =	vld [tilespmem:s24+$0xFFFFFFE0];
	v6 =	vsel vm6, v6, v9;
	v10 =	vand.u32 $0xFFFF0000, v11;
	v11 =	vshll.u32 v11, $0x10  }
0x158: {  	s29 =	simm.s32 $0x0;
	s30 =	simm.s32 $0xD460;
	s10 =	simm.s32 $0x131A0;
	v9 =	vld [tilespmem:s24+$0xFFFFFFF0];
	[tilespmem:s24+$0x30] =	vst v0;
	v0 =	vsel vm4, v10, v11;
	v10 =	vand.u32 $0xFFFF0000, v12;
	v11 =	vshll.u32 v12, $0x10  }
.LBB2_10:
0x159: {  	v12 =	vld [tilespmem:s30+$0x30];
	s29 =	sadd.s32 $0x8, s29;
	v13 =	vand.u32 $0xFFFF0000, v2;
	v2 =	vshll.u32 v2, $0x10;
	v10 =	vsel vm1, v10, v11  }
0x15a: {  	v11 =	vld [tilespmem:s30+$0xFFFFFFD0];
	p0 =	slt.u32 s29, $0x70;
	v2 =	vsel vm2, v13, v2;
	v13 =	vand.u32 $0xFFFF0000, v1;
	v1 =	vshll.u32 v1, $0x10  }
0x15b: {  	v14 =	vld [tilespmem:s30+$0xFFFFFFE0];
	v2 =	vmul.f32 v2, v5;
	v4 =	vmul.f32 v4, v7;
	v1 =	vsel vm0, v13, v1  }
0x15c: {  	v5 =	vld [tilespmem:s30+$0xFFFFFFF0];
	v3 =	vmul.f32 v3, v8  }
0x15d: {  	v7 =	vld [tilespmem:s30+$0x0];
	[tilespmem:s24+$0xFFFFFFC0] =	vst v2;
	v2 =	vmul.f32 v6, v9  }
0x15e: {  	v6 =	vld [tilespmem:s30+$0x10];
	vm6 =	vgt.s32 v12, $0xC3FF;
	v8 =	vadd.s32 $0xFFFF3C00, v12;
	[tilespmem:s24+$0xFFFFFFD0] =	vst v4  }
0x15f: {  	vm3 =	vgt.s32 v11, $0xC3FF;
	v4 =	vadd.s32 $0xFFFF3C00, v11;
	v9 =	vld [tilespmem:s30+$0x20];
	v8 =	vsel vm6, v8, v12;
	[tilespmem:s24+$0xFFFFFFE0] =	vst v3  }
0x160: {  	v3 =	vld [tilespmem:s30+$0xFFFFFFC0];
	v4 =	vsel vm3, v4, v11;
	vm7 =	vgt.s32 v14, $0xC3FF;
	v11 =	vadd.s32 $0xFFFF3C00, v14;
	[tilespmem:s24+$0xFFFFFFF0] =	vst v2  }
0x161: {  	v2 =	vsel vm7, v11, v14;
	vm4 =	vgt.s32 v5, $0xC3FF;
	v11 =	vadd.s32 $0xFFFF3C00, v5;
	v12 =	vld [tilespmem:s24+$0x0]  }
0x162: {  	v5 =	vsel vm4, v11, v5;
	vm5 =	vgt.s32 v7, $0xC3FF;
	v11 =	vadd.s32 $0xFFFF3C00, v7;
	v13 =	vld [tilespmem:s24+$0x10]  }
0x163: {  	v7 =	vsel vm5, v11, v7;
	vm1 =	vgt.s32 v6, $0xC3FF;
	v11 =	vadd.s32 $0xFFFF3C00, v6;
	v14 =	vld [tilespmem:s24+$0x20]  }
0x164: {  	v6 =	vsel vm1, v11, v6;
	vm0 =	vgt.s32 v9, $0xC3FF;
	v11 =	vadd.s32 $0xFFFF3C00, v9;
	v8 =	vld.idx.msk [tilespmem:v8+s14+$0x0], $0xffff  }
0x165: {  	vm2 =	vgt.s32 v3, $0xC3FF;
	v15 =	vadd.s32 $0xFFFF3C00, v3;
	v4 =	vld.idx.msk [tilespmem:v4+s14+$0x0], $0xffff;
	v9 =	vsel vm0, v11, v9  }
0x166: {  	s24 =	sadd.s32 $0x80, s24;
	v3 =	vsel vm2, v15, v3;
	v11 =	vld.idx.msk [tilespmem:v2+s14+$0x0], $0xffff;
	v0 =	vmul.f32 v0, v12  }
0x167: {  	v12 =	vld [tilespmem:s24+$0x30];
	v2 =	vmul.f32 v10, v13  }
0x168: {  	v10 =	vld.idx.msk [tilespmem:v5+s14+$0x0], $0xffff;
	[tilespmem:s10+$0x0] =	vst v0;
	v0 =	vmul.f32 v1, v14  }
0x169: {  	v13 =	vld.idx.msk [tilespmem:v7+s14+$0x0], $0xffff;
	[tilespmem:s10+$0x10] =	vst v2  }
0x16a: {  	v1 =	vand.u32 $0xFFFF0000, v8;
	v5 =	vshll.u32 v8, $0x10;
	v14 =	vld.idx.msk [tilespmem:v6+s14+$0x0], $0xffff;
	[tilespmem:s10+$0x20] =	vst v0;
	s10 =	smov.u32 s24  }
0x16b: {  	v0 =	vand.u32 $0xFFFF0000, v4;
	v2 =	vld.idx.msk [tilespmem:v3+s14+$0x0], $0xffff;
	v3 =	vshll.u32 v4, $0x10;
	v4 =	vsel vm6, v1, v5  }
.Ltmp4:
0x16c: {  	v6 =	vand.u32 $0xFFFF0000, v11;
	v7 =	vshll.u32 v11, $0x10;
	v1 =	vld.idx.msk [tilespmem:v9+s14+$0x0], $0xffff;
	v8 =	vmul.f32 v4, v12;
	(pc) =	sbr.rel @p0 .LBB2_10-.Ltmp4, $4  }
0x16d: {  	v4 =	vsel vm3, v0, v3;
	v3 =	vsel vm7, v6, v7;
	v5 =	vld [tilespmem:s24+$0xFFFFFFC0]  }
0x16e: {  	v0 =	vand.u32 $0xFFFF0000, v10;
	v6 =	vshll.u32 v10, $0x10;
	v7 =	vld [tilespmem:s24+$0xFFFFFFD0];
	[tilespmem:s24+$0x30] =	vst v8  }
0x16f: {  	v6 =	vsel vm4, v0, v6;
	v0 =	vand.u32 $0xFFFF0000, v13;
	v10 =	vshll.u32 v13, $0x10;
	v8 =	vld [tilespmem:s24+$0xFFFFFFE0]  }
0x170: {  	s30 =	sadd.s32 $0x80, s30;
	v0 =	vsel vm5, v0, v10;
	v10 =	vand.u32 $0xFFFF0000, v14;
	v11 =	vshll.u32 v14, $0x10;
	v9 =	vld [tilespmem:s24+$0xFFFFFFF0]  }
0x171: {  	v12 =	vand.u32 $0xFFFF0000, v2;
	v56 =	vshll.u32 v2, $0x10  }
0x172: {  	v57 =	vld [tilespmem:s24+$0x0];
	v2 =	vsel vm2, v12, v56  }
0x173: {  	v58 =	vld [tilespmem:s24+$0x10];
	v2 =	vmul.f32 v2, v5  }
0x174: {  	v59 =	vld [tilespmem:s24+$0x20];
	v4 =	vmul.f32 v4, v7  }
0x175: {  	v3 =	vmul.f32 v3, v8;
	[tilespmem:s24+$0xFFFFFFC0] =	vst v2  }
0x176: {  	v60 =	vsel vm1, v10, v11;
	v6 =	vmul.f32 v6, v9;
	[tilespmem:s24+$0xFFFFFFD0] =	vst v4  }
0x177: {  	v61 =	vand.u32 $0xFFFF0000, v1;
	v62 =	vshll.u32 v1, $0x10;
	[tilespmem:s24+$0xFFFFFFE0] =	vst v3;
	v0 =	vmul.f32 v0, v57  }
0x178: {  	v1 =	vsel vm0, v61, v62;
	v2 =	vmul.f32 v60, v58;
	[tilespmem:s24+$0xFFFFFFF0] =	vst v6  }
0x179: {  	v63 =	vmul.f32 v1, v59;
	[tilespmem:s10+$0x0] =	vst v0  }
0x17a: {  	[tilespmem:s10+$0x10] =	vst v2  }
0x17b: {  	[tilespmem:s10+$0x20] =	vst v63  }
.LBB2_12:
0x17c: {  	s10 =	sshra.s32 s14, $0x2  }
0x17d: {  	v0 =	vld [tilespmem:s10+$0xDB20];
	_ =	sdelay $0x4  }
0x17e: {  	vm0 =	vgt.s32 v0, $0xC3FF;
	v1 =	vadd.s32 $0xFFFF3C00, v0  }
0x17f: {  	v0 =	vsel vm0, v1, v0;
	_ =	sdelay $0x4  }
0x180: {  	v0 =	vld.idx.msk [tilespmem:v0+s1+$0x0], $0xffff;
	_ =	sdelay $0x1  }
0x181: {  	v63 =	vld [tilespmem:s10+$0x138E0];
	_ =	sdelay $0x1  }
0x182: {  	p0 =	sne.s32 s14, $0x100  }
.Ltmp5:
0x183: {  	v2 =	vand.u32 $0xFFFF0000, v0;
	v0 =	vshll.u32 v0, $0x10;
	(pc) =	sbr.rel @p0 .LBB2_12-.Ltmp5, $3  }
0x184: {  	v0 =	vsel vm0, v2, v0  }
0x185: {  	v0 =	vmul.f32 v0, v63;
	_ =	sdelay $0x1  }
0x186: {  	s14 =	sadd.s32 $0x40, s14;
	[tilespmem:s10+$0x138E0] =	vst v0  }
0x187: {  	[spmem:s15] =	stream.indirect.scatter.add.f32 [tilespmem:s2], [sflag:$0xB], $0x1, s0, s9, $0xb8;
	[tilespmem:$0x16920] =	vst v63  }
0x188: {  	_ =	swait.ge [sflag:s19], $0x7D0  }
0x189: {  	[sflag:s19] =	ssyncset.done $0x0  }
0x18a: {  	s14 =	simm.s32 $0xC400;
	s10 =	rddreg [dreg:$0x14];
	[sflag:s19] =	ssyncadd.s32 $0xFFFFF830  }
0x18b: {  	[tilespmem:s14], [sflag:$0x3] =	stream.linear.gather [hbm4b:s10+s1], $0x7D0, $0x38;
	[tilespmem:$0x16920] =	vst v63  }
0x18c: {  	s24 =	rddreg [dreg:$0x15]  }
0x18d: {  	[tilespmem:s25], [sflag:$0x3] =	stream.linear.gather [hbm4b:s24+s1], $0x7D0, $0x38;
	[tilespmem:$0x16920] =	vst v63  }
0x18e: {  	s14 =	rddreg [dreg:$0x16]  }
0x18f: {  	[tilespmem:s26], [sflag:$0x3] =	stream.linear.gather [hbm4b:s14+s1], $0x7D0, $0x38;
	[tilespmem:$0x16920] =	vst v63  }
0x190: {  	_ =	swait.ge [sflag:s20], $0x7D0  }
0x191: {  	[sflag:s20] =	ssyncset.done $0x0  }
0x192: {  	[sflag:s20] =	ssyncadd.s32 $0xFFFFF830  }
0x193: {  	_ =	swait.ge [sflag:s20], $0x7D0  }
0x194: {  	[sflag:s20] =	ssyncset.done $0x0  }
0x195: {  	[sflag:s20] =	ssyncadd.s32 $0xFFFFF830  }
0x196: {  	_ =	swait.ge [sflag:s20], $0x7D0  }
0x197: {  	[sflag:s20] =	ssyncset.done $0x0  }
0x198: {  	s24 =	simm.s32 $0xDBB0;
	[sflag:s20] =	ssyncadd.s32 $0xFFFFF830  }
0x199: {  	v0 =	vld [tilespmem:s24+$0x30]  }
0x19a: {  	v1 =	vld [tilespmem:s24+$0xFFFFFFD0]  }
0x19b: {  	v2 =	vld [tilespmem:s24+$0xFFFFFFE0]  }
0x19c: {  	v3 =	vld [tilespmem:s24+$0xFFFFFFF0]  }
0x19d: {  	v4 =	vld [tilespmem:s24+$0x0]  }
0x19e: {  	v6 =	vld [tilespmem:s24+$0x10]  }
0x19f: {  	v8 =	vld [tilespmem:s24+$0x20]  }
0x1a0: {  	vm5 =	vgt.s32 v0, $0xC3FF;
	v5 =	vadd.s32 $0xFFFF3C00, v0  }
0x1a1: {  	vm3 =	vgt.s32 v1, $0xC3FF;
	v7 =	vadd.s32 $0xFFFF3C00, v1;
	vm7 =	vgt.s32 v2, $0xC3FF  }
0x1a2: {  	vm6 =	vgt.s32 v3, $0xC3FF;
	vm4 =	vgt.s32 v4, $0xC3FF;
	v0 =	vsel vm5, v5, v0  }
0x1a3: {  	vm1 =	vgt.s32 v6, $0xC3FF;
	v5 =	vld [tilespmem:s24+$0xFFFFFFC0];
	v1 =	vsel vm3, v7, v1;
	v7 =	vadd.s32 $0xFFFF3C00, v2  }
0x1a4: {  	vm0 =	vgt.s32 v8, $0xC3FF;
	v2 =	vsel vm7, v7, v2;
	v7 =	vadd.s32 $0xFFFF3C00, v3  }
0x1a5: {  	v9 =	vadd.s32 $0xFFFF3C00, v8;
	s24 =	simm.s32 $0x13970;
	v3 =	vsel vm6, v7, v3;
	v7 =	vadd.s32 $0xFFFF3C00, v4  }
0x1a6: {  	s14 =	simm.s32 $0x0;
	v8 =	vsel vm0, v9, v8;
	v9 =	vld [tilespmem:s24+$0x30];
	v4 =	vsel vm4, v7, v4;
	v7 =	vadd.s32 $0xFFFF3C00, v6  }
0x1a7: {  	v6 =	vsel vm1, v7, v6;
	v0 =	vld.idx.msk [tilespmem:v0+s14+$0x0], $0xffff  }
0x1a8: {  	vm2 =	vgt.s32 v5, $0xC3FF;
	v7 =	vadd.s32 $0xFFFF3C00, v5;
	v1 =	vld.idx.msk [tilespmem:v1+s14+$0x0], $0xffff  }
0x1a9: {  	v5 =	vsel vm2, v7, v5;
	v7 =	vld.idx.msk [tilespmem:v2+s14+$0x0], $0xffff  }
0x1aa: {  	v10 =	vld.idx.msk [tilespmem:v3+s14+$0x0], $0xffff  }
0x1ab: {  	v11 =	vld.idx.msk [tilespmem:v4+s14+$0x0], $0xffff  }
0x1ac: {  	v12 =	vld.idx.msk [tilespmem:v6+s14+$0x0], $0xffff;
	v3 =	vand.u32 $0xFFFF0000, v0  }
0x1ad: {  	v0 =	vshll.u32 v0, $0x10;
	v4 =	vand.u32 $0xFFFF0000, v1;
	v6 =	vshll.u32 v1, $0x10;
	v1 =	vld.idx.msk [tilespmem:v8+s14+$0x0], $0xffff  }
0x1ae: {  	v2 =	vld.idx.msk [tilespmem:v5+s14+$0x0], $0xffff;
	v0 =	vsel vm5, v3, v0;
	v3 =	vand.u32 $0xFFFF0000, v7  }
0x1af: {  	v7 =	vshll.u32 v7, $0x10;
	v5 =	vld [tilespmem:s24+$0xFFFFFFC0];
	v4 =	vsel vm3, v4, v6;
	v0 =	vmul.f32 v0, v9  }
0x1b0: {  	v3 =	vsel vm7, v3, v7;
	v7 =	vld [tilespmem:s24+$0xFFFFFFD0];
	v6 =	vand.u32 $0xFFFF0000, v10;
	v9 =	vshll.u32 v10, $0x10  }
0x1b1: {  	v8 =	vld [tilespmem:s24+$0xFFFFFFE0];
	v6 =	vsel vm6, v6, v9;
	v10 =	vand.u32 $0xFFFF0000, v11;
	v11 =	vshll.u32 v11, $0x10  }
0x1b2: {  	s29 =	simm.s32 $0x0;
	s30 =	simm.s32 $0xDC30;
	s10 =	simm.s32 $0x13970;
	v9 =	vld [tilespmem:s24+$0xFFFFFFF0];
	[tilespmem:s24+$0x30] =	vst v0;
	v0 =	vsel vm4, v10, v11;
	v10 =	vand.u32 $0xFFFF0000, v12;
	v11 =	vshll.u32 v12, $0x10  }
.LBB2_14:
0x1b3: {  	v12 =	vld [tilespmem:s30+$0x30];
	s29 =	sadd.s32 $0x8, s29;
	v13 =	vand.u32 $0xFFFF0000, v2;
	v2 =	vshll.u32 v2, $0x10;
	v10 =	vsel vm1, v10, v11  }
0x1b4: {  	v11 =	vld [tilespmem:s30+$0xFFFFFFD0];
	p0 =	slt.u32 s29, $0x70;
	v2 =	vsel vm2, v13, v2;
	v13 =	vand.u32 $0xFFFF0000, v1;
	v1 =	vshll.u32 v1, $0x10  }
0x1b5: {  	v14 =	vld [tilespmem:s30+$0xFFFFFFE0];
	v2 =	vmul.f32 v2, v5;
	v4 =	vmul.f32 v4, v7;
	v1 =	vsel vm0, v13, v1  }
0x1b6: {  	v5 =	vld [tilespmem:s30+$0xFFFFFFF0];
	v3 =	vmul.f32 v3, v8  }
0x1b7: {  	v7 =	vld [tilespmem:s30+$0x0];
	[tilespmem:s24+$0xFFFFFFC0] =	vst v2;
	v2 =	vmul.f32 v6, v9  }
0x1b8: {  	v6 =	vld [tilespmem:s30+$0x10];
	vm6 =	vgt.s32 v12, $0xC3FF;
	v8 =	vadd.s32 $0xFFFF3C00, v12;
	[tilespmem:s24+$0xFFFFFFD0] =	vst v4  }
0x1b9: {  	vm3 =	vgt.s32 v11, $0xC3FF;
	v4 =	vadd.s32 $0xFFFF3C00, v11;
	v9 =	vld [tilespmem:s30+$0x20];
	v8 =	vsel vm6, v8, v12;
	[tilespmem:s24+$0xFFFFFFE0] =	vst v3  }
0x1ba: {  	v3 =	vld [tilespmem:s30+$0xFFFFFFC0];
	v4 =	vsel vm3, v4, v11;
	vm7 =	vgt.s32 v14, $0xC3FF;
	v11 =	vadd.s32 $0xFFFF3C00, v14;
	[tilespmem:s24+$0xFFFFFFF0] =	vst v2  }
0x1bb: {  	v2 =	vsel vm7, v11, v14;
	vm4 =	vgt.s32 v5, $0xC3FF;
	v11 =	vadd.s32 $0xFFFF3C00, v5;
	v12 =	vld [tilespmem:s24+$0x0]  }
0x1bc: {  	v5 =	vsel vm4, v11, v5;
	vm5 =	vgt.s32 v7, $0xC3FF;
	v11 =	vadd.s32 $0xFFFF3C00, v7;
	v13 =	vld [tilespmem:s24+$0x10]  }
0x1bd: {  	v7 =	vsel vm5, v11, v7;
	vm1 =	vgt.s32 v6, $0xC3FF;
	v11 =	vadd.s32 $0xFFFF3C00, v6;
	v14 =	vld [tilespmem:s24+$0x20]  }
0x1be: {  	v6 =	vsel vm1, v11, v6;
	vm0 =	vgt.s32 v9, $0xC3FF;
	v11 =	vadd.s32 $0xFFFF3C00, v9;
	v8 =	vld.idx.msk [tilespmem:v8+s14+$0x0], $0xffff  }
0x1bf: {  	vm2 =	vgt.s32 v3, $0xC3FF;
	v15 =	vadd.s32 $0xFFFF3C00, v3;
	v4 =	vld.idx.msk [tilespmem:v4+s14+$0x0], $0xffff;
	v9 =	vsel vm0, v11, v9  }
0x1c0: {  	s24 =	sadd.s32 $0x80, s24;
	v3 =	vsel vm2, v15, v3;
	v11 =	vld.idx.msk [tilespmem:v2+s14+$0x0], $0xffff;
	v0 =	vmul.f32 v0, v12  }
0x1c1: {  	v12 =	vld [tilespmem:s24+$0x30];
	v2 =	vmul.f32 v10, v13  }
0x1c2: {  	v10 =	vld.idx.msk [tilespmem:v5+s14+$0x0], $0xffff;
	[tilespmem:s10+$0x0] =	vst v0;
	v0 =	vmul.f32 v1, v14  }
0x1c3: {  	v13 =	vld.idx.msk [tilespmem:v7+s14+$0x0], $0xffff;
	[tilespmem:s10+$0x10] =	vst v2  }
0x1c4: {  	v1 =	vand.u32 $0xFFFF0000, v8;
	v5 =	vshll.u32 v8, $0x10;
	v14 =	vld.idx.msk [tilespmem:v6+s14+$0x0], $0xffff;
	[tilespmem:s10+$0x20] =	vst v0;
	s10 =	smov.u32 s24  }
0x1c5: {  	v0 =	vand.u32 $0xFFFF0000, v4;
	v2 =	vld.idx.msk [tilespmem:v3+s14+$0x0], $0xffff;
	v3 =	vshll.u32 v4, $0x10;
	v4 =	vsel vm6, v1, v5  }
.Ltmp6:
0x1c6: {  	v6 =	vand.u32 $0xFFFF0000, v11;
	v7 =	vshll.u32 v11, $0x10;
	v1 =	vld.idx.msk [tilespmem:v9+s14+$0x0], $0xffff;
	v8 =	vmul.f32 v4, v12;
	(pc) =	sbr.rel @p0 .LBB2_14-.Ltmp6, $4  }
0x1c7: {  	v4 =	vsel vm3, v0, v3;
	v3 =	vsel vm7, v6, v7;
	v5 =	vld [tilespmem:s24+$0xFFFFFFC0]  }
0x1c8: {  	v0 =	vand.u32 $0xFFFF0000, v10;
	v6 =	vshll.u32 v10, $0x10;
	v7 =	vld [tilespmem:s24+$0xFFFFFFD0];
	[tilespmem:s24+$0x30] =	vst v8  }
0x1c9: {  	v6 =	vsel vm4, v0, v6;
	v0 =	vand.u32 $0xFFFF0000, v13;
	v10 =	vshll.u32 v13, $0x10;
	v8 =	vld [tilespmem:s24+$0xFFFFFFE0]  }
0x1ca: {  	s30 =	sadd.s32 $0x80, s30;
	v0 =	vsel vm5, v0, v10;
	v10 =	vand.u32 $0xFFFF0000, v14;
	v11 =	vshll.u32 v14, $0x10;
	v9 =	vld [tilespmem:s24+$0xFFFFFFF0]  }
0x1cb: {  	v12 =	vand.u32 $0xFFFF0000, v2;
	v56 =	vshll.u32 v2, $0x10  }
0x1cc: {  	v57 =	vld [tilespmem:s24+$0x0];
	v2 =	vsel vm2, v12, v56  }
0x1cd: {  	v58 =	vld [tilespmem:s24+$0x10];
	v2 =	vmul.f32 v2, v5  }
0x1ce: {  	v59 =	vld [tilespmem:s24+$0x20];
	v4 =	vmul.f32 v4, v7  }
0x1cf: {  	v3 =	vmul.f32 v3, v8;
	[tilespmem:s24+$0xFFFFFFC0] =	vst v2  }
0x1d0: {  	v60 =	vsel vm1, v10, v11;
	v6 =	vmul.f32 v6, v9;
	[tilespmem:s24+$0xFFFFFFD0] =	vst v4  }
0x1d1: {  	v61 =	vand.u32 $0xFFFF0000, v1;
	v62 =	vshll.u32 v1, $0x10;
	[tilespmem:s24+$0xFFFFFFE0] =	vst v3;
	v0 =	vmul.f32 v0, v57  }
0x1d2: {  	v1 =	vsel vm0, v61, v62;
	v2 =	vmul.f32 v60, v58;
	[tilespmem:s24+$0xFFFFFFF0] =	vst v6  }
0x1d3: {  	v63 =	vmul.f32 v1, v59;
	[tilespmem:s10+$0x0] =	vst v0  }
0x1d4: {  	[tilespmem:s10+$0x10] =	vst v2  }
0x1d5: {  	[tilespmem:s10+$0x20] =	vst v63  }
.LBB2_16:
0x1d6: {  	s10 =	sshra.s32 s14, $0x2  }
0x1d7: {  	v0 =	vld [tilespmem:s10+$0xE2F0];
	_ =	sdelay $0x4  }
0x1d8: {  	vm0 =	vgt.s32 v0, $0xC3FF;
	v1 =	vadd.s32 $0xFFFF3C00, v0  }
0x1d9: {  	v0 =	vsel vm0, v1, v0;
	_ =	sdelay $0x4  }
0x1da: {  	v0 =	vld.idx.msk [tilespmem:v0+s1+$0x0], $0xffff;
	_ =	sdelay $0x1  }
0x1db: {  	v63 =	vld [tilespmem:s10+$0x140B0];
	_ =	sdelay $0x1  }
0x1dc: {  	p0 =	sne.s32 s14, $0x100  }
.Ltmp7:
0x1dd: {  	v2 =	vand.u32 $0xFFFF0000, v0;
	v0 =	vshll.u32 v0, $0x10;
	(pc) =	sbr.rel @p0 .LBB2_16-.Ltmp7, $3  }
0x1de: {  	v0 =	vsel vm0, v2, v0  }
0x1df: {  	v0 =	vmul.f32 v0, v63;
	_ =	sdelay $0x1  }
0x1e0: {  	s14 =	sadd.s32 $0x40, s14;
	[tilespmem:s10+$0x140B0] =	vst v0  }
0x1e1: {  	[spmem:s15] =	stream.indirect.scatter.add.f32 [tilespmem:s7], [sflag:$0xC], $0x1, s6, s9, $0xb8;
	[tilespmem:$0x16920] =	vst v63  }
0x1e2: {  	_ =	swait.ge [sflag:s21], $0x7D0  }
0x1e3: {  	[sflag:s21] =	ssyncset.done $0x0  }
0x1e4: {  	s14 =	simm.s32 $0xCBD0;
	s10 =	rddreg [dreg:$0x17];
	[sflag:s21] =	ssyncadd.s32 $0xFFFFF830  }
0x1e5: {  	[tilespmem:s14], [sflag:$0x4] =	stream.linear.gather [hbm4b:s10+s1], $0x7D0, $0x38;
	[tilespmem:$0x16920] =	vst v63  }
0x1e6: {  	s24 =	simm.s32 $0xFAB0;
	s14 =	rddreg [dreg:$0x18]  }
0x1e7: {  	[tilespmem:s24], [sflag:$0x4] =	stream.linear.gather [hbm4b:s14+s1], $0x7D0, $0x38;
	[tilespmem:$0x16920] =	vst v63  }
0x1e8: {  	s14 =	rddreg [dreg:$0x19];
	s24 =	simm.s32 $0x12990  }
0x1e9: {  	[tilespmem:s24], [sflag:$0x4] =	stream.linear.gather [hbm4b:s14+s1], $0x7D0, $0x38;
	[tilespmem:$0x16920] =	vst v63  }
0x1ea: {  	_ =	swait.ge [sflag:s23], $0x7D0  }
0x1eb: {  	[sflag:s23] =	ssyncset.done $0x0  }
0x1ec: {  	[sflag:s23] =	ssyncadd.s32 $0xFFFFF830  }
0x1ed: {  	_ =	swait.ge [sflag:s23], $0x7D0  }
0x1ee: {  	[sflag:s23] =	ssyncset.done $0x0  }
0x1ef: {  	[sflag:s23] =	ssyncadd.s32 $0xFFFFF830  }
0x1f0: {  	_ =	swait.ge [sflag:s23], $0x7D0  }
0x1f1: {  	[sflag:s23] =	ssyncset.done $0x0  }
0x1f2: {  	s24 =	simm.s32 $0xE380;
	[sflag:s23] =	ssyncadd.s32 $0xFFFFF830  }
0x1f3: {  	v0 =	vld [tilespmem:s24+$0x30]  }
0x1f4: {  	v1 =	vld [tilespmem:s24+$0xFFFFFFD0]  }
0x1f5: {  	v2 =	vld [tilespmem:s24+$0xFFFFFFE0]  }
0x1f6: {  	v3 =	vld [tilespmem:s24+$0xFFFFFFF0]  }
0x1f7: {  	v4 =	vld [tilespmem:s24+$0x0]  }
0x1f8: {  	v6 =	vld [tilespmem:s24+$0x10]  }
0x1f9: {  	v8 =	vld [tilespmem:s24+$0x20]  }
0x1fa: {  	vm5 =	vgt.s32 v0, $0xC3FF;
	v5 =	vadd.s32 $0xFFFF3C00, v0  }
0x1fb: {  	vm3 =	vgt.s32 v1, $0xC3FF;
	v7 =	vadd.s32 $0xFFFF3C00, v1;
	vm7 =	vgt.s32 v2, $0xC3FF  }
0x1fc: {  	vm6 =	vgt.s32 v3, $0xC3FF;
	vm4 =	vgt.s32 v4, $0xC3FF;
	v0 =	vsel vm5, v5, v0  }
0x1fd: {  	vm1 =	vgt.s32 v6, $0xC3FF;
	v5 =	vld [tilespmem:s24+$0xFFFFFFC0];
	v1 =	vsel vm3, v7, v1;
	v7 =	vadd.s32 $0xFFFF3C00, v2  }
0x1fe: {  	vm0 =	vgt.s32 v8, $0xC3FF;
	v2 =	vsel vm7, v7, v2;
	v7 =	vadd.s32 $0xFFFF3C00, v3  }
0x1ff: {  	v9 =	vadd.s32 $0xFFFF3C00, v8;
	s24 =	simm.s32 $0x14140;
	v3 =	vsel vm6, v7, v3;
	v7 =	vadd.s32 $0xFFFF3C00, v4  }
0x200: {  	s14 =	simm.s32 $0x0;
	v8 =	vsel vm0, v9, v8;
	v9 =	vld [tilespmem:s24+$0x30];
	v4 =	vsel vm4, v7, v4;
	v7 =	vadd.s32 $0xFFFF3C00, v6  }
0x201: {  	v6 =	vsel vm1, v7, v6;
	v0 =	vld.idx.msk [tilespmem:v0+s14+$0x0], $0xffff  }
0x202: {  	vm2 =	vgt.s32 v5, $0xC3FF;
	v7 =	vadd.s32 $0xFFFF3C00, v5;
	v1 =	vld.idx.msk [tilespmem:v1+s14+$0x0], $0xffff  }
0x203: {  	v5 =	vsel vm2, v7, v5;
	v7 =	vld.idx.msk [tilespmem:v2+s14+$0x0], $0xffff  }
0x204: {  	v10 =	vld.idx.msk [tilespmem:v3+s14+$0x0], $0xffff  }
0x205: {  	v11 =	vld.idx.msk [tilespmem:v4+s14+$0x0], $0xffff  }
0x206: {  	v12 =	vld.idx.msk [tilespmem:v6+s14+$0x0], $0xffff;
	v3 =	vand.u32 $0xFFFF0000, v0  }
0x207: {  	v0 =	vshll.u32 v0, $0x10;
	v4 =	vand.u32 $0xFFFF0000, v1;
	v6 =	vshll.u32 v1, $0x10;
	v1 =	vld.idx.msk [tilespmem:v8+s14+$0x0], $0xffff  }
0x208: {  	v2 =	vld.idx.msk [tilespmem:v5+s14+$0x0], $0xffff;
	v0 =	vsel vm5, v3, v0;
	v3 =	vand.u32 $0xFFFF0000, v7  }
0x209: {  	v7 =	vshll.u32 v7, $0x10;
	v5 =	vld [tilespmem:s24+$0xFFFFFFC0];
	v4 =	vsel vm3, v4, v6;
	v0 =	vmul.f32 v0, v9  }
0x20a: {  	v3 =	vsel vm7, v3, v7;
	v7 =	vld [tilespmem:s24+$0xFFFFFFD0];
	v6 =	vand.u32 $0xFFFF0000, v10;
	v9 =	vshll.u32 v10, $0x10  }
0x20b: {  	v8 =	vld [tilespmem:s24+$0xFFFFFFE0];
	v6 =	vsel vm6, v6, v9;
	v10 =	vand.u32 $0xFFFF0000, v11;
	v11 =	vshll.u32 v11, $0x10  }
0x20c: {  	s29 =	simm.s32 $0x0;
	s30 =	simm.s32 $0xE400;
	s10 =	simm.s32 $0x14140;
	v9 =	vld [tilespmem:s24+$0xFFFFFFF0];
	[tilespmem:s24+$0x30] =	vst v0;
	v0 =	vsel vm4, v10, v11;
	v10 =	vand.u32 $0xFFFF0000, v12;
	v11 =	vshll.u32 v12, $0x10  }
.LBB2_18:
0x20d: {  	v12 =	vld [tilespmem:s30+$0x30];
	s29 =	sadd.s32 $0x8, s29;
	v13 =	vand.u32 $0xFFFF0000, v2;
	v2 =	vshll.u32 v2, $0x10;
	v10 =	vsel vm1, v10, v11  }
0x20e: {  	v11 =	vld [tilespmem:s30+$0xFFFFFFD0];
	p0 =	slt.u32 s29, $0x70;
	v2 =	vsel vm2, v13, v2;
	v13 =	vand.u32 $0xFFFF0000, v1;
	v1 =	vshll.u32 v1, $0x10  }
0x20f: {  	v14 =	vld [tilespmem:s30+$0xFFFFFFE0];
	v2 =	vmul.f32 v2, v5;
	v4 =	vmul.f32 v4, v7;
	v1 =	vsel vm0, v13, v1  }
0x210: {  	v5 =	vld [tilespmem:s30+$0xFFFFFFF0];
	v3 =	vmul.f32 v3, v8  }
0x211: {  	v7 =	vld [tilespmem:s30+$0x0];
	[tilespmem:s24+$0xFFFFFFC0] =	vst v2;
	v2 =	vmul.f32 v6, v9  }
0x212: {  	v6 =	vld [tilespmem:s30+$0x10];
	vm6 =	vgt.s32 v12, $0xC3FF;
	v8 =	vadd.s32 $0xFFFF3C00, v12;
	[tilespmem:s24+$0xFFFFFFD0] =	vst v4  }
0x213: {  	vm3 =	vgt.s32 v11, $0xC3FF;
	v4 =	vadd.s32 $0xFFFF3C00, v11;
	v9 =	vld [tilespmem:s30+$0x20];
	v8 =	vsel vm6, v8, v12;
	[tilespmem:s24+$0xFFFFFFE0] =	vst v3  }
0x214: {  	v3 =	vld [tilespmem:s30+$0xFFFFFFC0];
	v4 =	vsel vm3, v4, v11;
	vm7 =	vgt.s32 v14, $0xC3FF;
	v11 =	vadd.s32 $0xFFFF3C00, v14;
	[tilespmem:s24+$0xFFFFFFF0] =	vst v2  }
0x215: {  	v2 =	vsel vm7, v11, v14;
	vm4 =	vgt.s32 v5, $0xC3FF;
	v11 =	vadd.s32 $0xFFFF3C00, v5;
	v12 =	vld [tilespmem:s24+$0x0]  }
0x216: {  	v5 =	vsel vm4, v11, v5;
	vm5 =	vgt.s32 v7, $0xC3FF;
	v11 =	vadd.s32 $0xFFFF3C00, v7;
	v13 =	vld [tilespmem:s24+$0x10]  }
0x217: {  	v7 =	vsel vm5, v11, v7;
	vm1 =	vgt.s32 v6, $0xC3FF;
	v11 =	vadd.s32 $0xFFFF3C00, v6;
	v14 =	vld [tilespmem:s24+$0x20]  }
0x218: {  	v6 =	vsel vm1, v11, v6;
	vm0 =	vgt.s32 v9, $0xC3FF;
	v11 =	vadd.s32 $0xFFFF3C00, v9;
	v8 =	vld.idx.msk [tilespmem:v8+s14+$0x0], $0xffff  }
0x219: {  	vm2 =	vgt.s32 v3, $0xC3FF;
	v15 =	vadd.s32 $0xFFFF3C00, v3;
	v4 =	vld.idx.msk [tilespmem:v4+s14+$0x0], $0xffff;
	v9 =	vsel vm0, v11, v9  }
0x21a: {  	s24 =	sadd.s32 $0x80, s24;
	v3 =	vsel vm2, v15, v3;
	v11 =	vld.idx.msk [tilespmem:v2+s14+$0x0], $0xffff;
	v0 =	vmul.f32 v0, v12  }
0x21b: {  	v12 =	vld [tilespmem:s24+$0x30];
	v2 =	vmul.f32 v10, v13  }
0x21c: {  	v10 =	vld.idx.msk [tilespmem:v5+s14+$0x0], $0xffff;
	[tilespmem:s10+$0x0] =	vst v0;
	v0 =	vmul.f32 v1, v14  }
0x21d: {  	v13 =	vld.idx.msk [tilespmem:v7+s14+$0x0], $0xffff;
	[tilespmem:s10+$0x10] =	vst v2  }
0x21e: {  	v1 =	vand.u32 $0xFFFF0000, v8;
	v5 =	vshll.u32 v8, $0x10;
	v14 =	vld.idx.msk [tilespmem:v6+s14+$0x0], $0xffff;
	[tilespmem:s10+$0x20] =	vst v0;
	s10 =	smov.u32 s24  }
0x21f: {  	v0 =	vand.u32 $0xFFFF0000, v4;
	v2 =	vld.idx.msk [tilespmem:v3+s14+$0x0], $0xffff;
	v3 =	vshll.u32 v4, $0x10;
	v4 =	vsel vm6, v1, v5  }
.Ltmp8:
0x220: {  	v6 =	vand.u32 $0xFFFF0000, v11;
	v7 =	vshll.u32 v11, $0x10;
	v1 =	vld.idx.msk [tilespmem:v9+s14+$0x0], $0xffff;
	v8 =	vmul.f32 v4, v12;
	(pc) =	sbr.rel @p0 .LBB2_18-.Ltmp8, $4  }
0x221: {  	v4 =	vsel vm3, v0, v3;
	v3 =	vsel vm7, v6, v7;
	v5 =	vld [tilespmem:s24+$0xFFFFFFC0]  }
0x222: {  	v0 =	vand.u32 $0xFFFF0000, v10;
	v6 =	vshll.u32 v10, $0x10;
	v7 =	vld [tilespmem:s24+$0xFFFFFFD0];
	[tilespmem:s24+$0x30] =	vst v8  }
0x223: {  	v6 =	vsel vm4, v0, v6;
	v0 =	vand.u32 $0xFFFF0000, v13;
	v10 =	vshll.u32 v13, $0x10;
	v8 =	vld [tilespmem:s24+$0xFFFFFFE0]  }
0x224: {  	s30 =	sadd.s32 $0x80, s30;
	v0 =	vsel vm5, v0, v10;
	v10 =	vand.u32 $0xFFFF0000, v14;
	v11 =	vshll.u32 v14, $0x10;
	v9 =	vld [tilespmem:s24+$0xFFFFFFF0]  }
0x225: {  	v12 =	vand.u32 $0xFFFF0000, v2;
	v56 =	vshll.u32 v2, $0x10  }
0x226: {  	v57 =	vld [tilespmem:s24+$0x0];
	v2 =	vsel vm2, v12, v56  }
0x227: {  	v58 =	vld [tilespmem:s24+$0x10];
	v2 =	vmul.f32 v2, v5  }
0x228: {  	v59 =	vld [tilespmem:s24+$0x20];
	v4 =	vmul.f32 v4, v7  }
0x229: {  	v3 =	vmul.f32 v3, v8;
	[tilespmem:s24+$0xFFFFFFC0] =	vst v2  }
0x22a: {  	v60 =	vsel vm1, v10, v11;
	v6 =	vmul.f32 v6, v9;
	[tilespmem:s24+$0xFFFFFFD0] =	vst v4  }
0x22b: {  	v61 =	vand.u32 $0xFFFF0000, v1;
	v62 =	vshll.u32 v1, $0x10;
	[tilespmem:s24+$0xFFFFFFE0] =	vst v3;
	v0 =	vmul.f32 v0, v57  }
0x22c: {  	v1 =	vsel vm0, v61, v62;
	v2 =	vmul.f32 v60, v58;
	[tilespmem:s24+$0xFFFFFFF0] =	vst v6  }
0x22d: {  	v63 =	vmul.f32 v1, v59;
	[tilespmem:s10+$0x0] =	vst v0  }
0x22e: {  	[tilespmem:s10+$0x10] =	vst v2  }
0x22f: {  	[tilespmem:s10+$0x20] =	vst v63  }
.LBB2_20:
0x230: {  	s10 =	sshra.s32 s14, $0x2  }
0x231: {  	v0 =	vld [tilespmem:s10+$0xEAC0];
	_ =	sdelay $0x4  }
0x232: {  	vm0 =	vgt.s32 v0, $0xC3FF;
	v1 =	vadd.s32 $0xFFFF3C00, v0  }
0x233: {  	v0 =	vsel vm0, v1, v0;
	_ =	sdelay $0x4  }
0x234: {  	v0 =	vld.idx.msk [tilespmem:v0+s1+$0x0], $0xffff;
	_ =	sdelay $0x1  }
0x235: {  	v63 =	vld [tilespmem:s10+$0x14880];
	_ =	sdelay $0x1  }
0x236: {  	p0 =	sne.s32 s14, $0x100  }
.Ltmp9:
0x237: {  	v2 =	vand.u32 $0xFFFF0000, v0;
	v0 =	vshll.u32 v0, $0x10;
	(pc) =	sbr.rel @p0 .LBB2_20-.Ltmp9, $3  }
0x238: {  	v0 =	vsel vm0, v2, v0  }
0x239: {  	v0 =	vmul.f32 v0, v63;
	_ =	sdelay $0x1  }
0x23a: {  	s14 =	sadd.s32 $0x40, s14;
	[tilespmem:s10+$0x14880] =	vst v0  }
0x23b: {  	[spmem:s15] =	stream.indirect.scatter.add.f32 [tilespmem:s12], [sflag:$0xD], $0x1, s11, s9, $0xb8;
	[tilespmem:$0x16920] =	vst v63  }
0x23c: {  	_ =	swait.ge [sflag:s22], $0x7D0  }
0x23d: {  	[sflag:s22] =	ssyncset.done $0x0  }
0x23e: {  	s14 =	simm.s32 $0xD3A0;
	s10 =	rddreg [dreg:$0x1a];
	[sflag:s22] =	ssyncadd.s32 $0xFFFFF830  }
0x23f: {  	[tilespmem:s14], [sflag:$0x5] =	stream.linear.gather [hbm4b:s10+s1], $0x7D0, $0x38;
	[tilespmem:$0x16920] =	vst v63  }
0x240: {  	s24 =	rddreg [dreg:$0x1b]  }
0x241: {  	[tilespmem:s0], [sflag:$0x5] =	stream.linear.gather [hbm4b:s24+s1], $0x7D0, $0x38;
	[tilespmem:$0x16920] =	vst v63  }
0x242: {  	s14 =	rddreg [dreg:$0x1c]  }
0x243: {  	[tilespmem:s2], [sflag:$0x5] =	stream.linear.gather [hbm4b:s14+s1], $0x7D0, $0x38;
	[tilespmem:$0x16920] =	vst v63  }
0x244: {  	_ =	swait.ge [sflag:s3], $0x7D0  }
0x245: {  	[sflag:s3] =	ssyncset.done $0x0  }
0x246: {  	[sflag:s3] =	ssyncadd.s32 $0xFFFFF830  }
0x247: {  	_ =	swait.ge [sflag:s3], $0x7D0  }
0x248: {  	[sflag:s3] =	ssyncset.done $0x0  }
0x249: {  	[sflag:s3] =	ssyncadd.s32 $0xFFFFF830  }
0x24a: {  	_ =	swait.ge [sflag:s3], $0x7D0  }
0x24b: {  	[sflag:s3] =	ssyncset.done $0x0  }
0x24c: {  	s24 =	simm.s32 $0xEB50;
	[sflag:s3] =	ssyncadd.s32 $0xFFFFF830  }
0x24d: {  	v0 =	vld [tilespmem:s24+$0x30]  }
0x24e: {  	v1 =	vld [tilespmem:s24+$0xFFFFFFD0]  }
0x24f: {  	v2 =	vld [tilespmem:s24+$0xFFFFFFE0]  }
0x250: {  	v3 =	vld [tilespmem:s24+$0xFFFFFFF0]  }
0x251: {  	v4 =	vld [tilespmem:s24+$0x0]  }
0x252: {  	v6 =	vld [tilespmem:s24+$0x10]  }
0x253: {  	v8 =	vld [tilespmem:s24+$0x20]  }
0x254: {  	vm5 =	vgt.s32 v0, $0xC3FF;
	v5 =	vadd.s32 $0xFFFF3C00, v0  }
0x255: {  	vm3 =	vgt.s32 v1, $0xC3FF;
	v7 =	vadd.s32 $0xFFFF3C00, v1;
	vm7 =	vgt.s32 v2, $0xC3FF  }
0x256: {  	vm6 =	vgt.s32 v3, $0xC3FF;
	vm4 =	vgt.s32 v4, $0xC3FF;
	v0 =	vsel vm5, v5, v0  }
0x257: {  	vm1 =	vgt.s32 v6, $0xC3FF;
	v5 =	vld [tilespmem:s24+$0xFFFFFFC0];
	v1 =	vsel vm3, v7, v1;
	v7 =	vadd.s32 $0xFFFF3C00, v2  }
0x258: {  	vm0 =	vgt.s32 v8, $0xC3FF;
	v2 =	vsel vm7, v7, v2;
	v7 =	vadd.s32 $0xFFFF3C00, v3  }
0x259: {  	v9 =	vadd.s32 $0xFFFF3C00, v8;
	s24 =	simm.s32 $0x14910;
	v3 =	vsel vm6, v7, v3;
	v7 =	vadd.s32 $0xFFFF3C00, v4  }
0x25a: {  	s14 =	simm.s32 $0x0;
	v8 =	vsel vm0, v9, v8;
	v9 =	vld [tilespmem:s24+$0x30];
	v4 =	vsel vm4, v7, v4;
	v7 =	vadd.s32 $0xFFFF3C00, v6  }
0x25b: {  	v6 =	vsel vm1, v7, v6;
	v0 =	vld.idx.msk [tilespmem:v0+s14+$0x0], $0xffff  }
0x25c: {  	vm2 =	vgt.s32 v5, $0xC3FF;
	v7 =	vadd.s32 $0xFFFF3C00, v5;
	v1 =	vld.idx.msk [tilespmem:v1+s14+$0x0], $0xffff  }
0x25d: {  	v5 =	vsel vm2, v7, v5;
	v7 =	vld.idx.msk [tilespmem:v2+s14+$0x0], $0xffff  }
0x25e: {  	v10 =	vld.idx.msk [tilespmem:v3+s14+$0x0], $0xffff  }
0x25f: {  	v11 =	vld.idx.msk [tilespmem:v4+s14+$0x0], $0xffff  }
0x260: {  	v12 =	vld.idx.msk [tilespmem:v6+s14+$0x0], $0xffff;
	v3 =	vand.u32 $0xFFFF0000, v0  }
0x261: {  	v0 =	vshll.u32 v0, $0x10;
	v4 =	vand.u32 $0xFFFF0000, v1;
	v6 =	vshll.u32 v1, $0x10;
	v1 =	vld.idx.msk [tilespmem:v8+s14+$0x0], $0xffff  }
0x262: {  	v2 =	vld.idx.msk [tilespmem:v5+s14+$0x0], $0xffff;
	v0 =	vsel vm5, v3, v0;
	v3 =	vand.u32 $0xFFFF0000, v7  }
0x263: {  	v7 =	vshll.u32 v7, $0x10;
	v5 =	vld [tilespmem:s24+$0xFFFFFFC0];
	v4 =	vsel vm3, v4, v6;
	v0 =	vmul.f32 v0, v9  }
0x264: {  	v3 =	vsel vm7, v3, v7;
	v7 =	vld [tilespmem:s24+$0xFFFFFFD0];
	v6 =	vand.u32 $0xFFFF0000, v10;
	v9 =	vshll.u32 v10, $0x10  }
0x265: {  	v8 =	vld [tilespmem:s24+$0xFFFFFFE0];
	v6 =	vsel vm6, v6, v9;
	v10 =	vand.u32 $0xFFFF0000, v11;
	v11 =	vshll.u32 v11, $0x10  }
0x266: {  	s29 =	simm.s32 $0x0;
	s30 =	simm.s32 $0xEBD0;
	s10 =	simm.s32 $0x14910;
	v9 =	vld [tilespmem:s24+$0xFFFFFFF0];
	[tilespmem:s24+$0x30] =	vst v0;
	v0 =	vsel vm4, v10, v11;
	v10 =	vand.u32 $0xFFFF0000, v12;
	v11 =	vshll.u32 v12, $0x10  }
.LBB2_22:
0x267: {  	v12 =	vld [tilespmem:s30+$0x30];
	s29 =	sadd.s32 $0x8, s29;
	v13 =	vand.u32 $0xFFFF0000, v2;
	v2 =	vshll.u32 v2, $0x10;
	v10 =	vsel vm1, v10, v11  }
0x268: {  	v11 =	vld [tilespmem:s30+$0xFFFFFFD0];
	p0 =	slt.u32 s29, $0x70;
	v2 =	vsel vm2, v13, v2;
	v13 =	vand.u32 $0xFFFF0000, v1;
	v1 =	vshll.u32 v1, $0x10  }
0x269: {  	v14 =	vld [tilespmem:s30+$0xFFFFFFE0];
	v2 =	vmul.f32 v2, v5;
	v4 =	vmul.f32 v4, v7;
	v1 =	vsel vm0, v13, v1  }
0x26a: {  	v5 =	vld [tilespmem:s30+$0xFFFFFFF0];
	v3 =	vmul.f32 v3, v8  }
0x26b: {  	v7 =	vld [tilespmem:s30+$0x0];
	[tilespmem:s24+$0xFFFFFFC0] =	vst v2;
	v2 =	vmul.f32 v6, v9  }
0x26c: {  	v6 =	vld [tilespmem:s30+$0x10];
	vm6 =	vgt.s32 v12, $0xC3FF;
	v8 =	vadd.s32 $0xFFFF3C00, v12;
	[tilespmem:s24+$0xFFFFFFD0] =	vst v4  }
0x26d: {  	vm3 =	vgt.s32 v11, $0xC3FF;
	v4 =	vadd.s32 $0xFFFF3C00, v11;
	v9 =	vld [tilespmem:s30+$0x20];
	v8 =	vsel vm6, v8, v12;
	[tilespmem:s24+$0xFFFFFFE0] =	vst v3  }
0x26e: {  	v3 =	vld [tilespmem:s30+$0xFFFFFFC0];
	v4 =	vsel vm3, v4, v11;
	vm7 =	vgt.s32 v14, $0xC3FF;
	v11 =	vadd.s32 $0xFFFF3C00, v14;
	[tilespmem:s24+$0xFFFFFFF0] =	vst v2  }
0x26f: {  	v2 =	vsel vm7, v11, v14;
	vm4 =	vgt.s32 v5, $0xC3FF;
	v11 =	vadd.s32 $0xFFFF3C00, v5;
	v12 =	vld [tilespmem:s24+$0x0]  }
0x270: {  	v5 =	vsel vm4, v11, v5;
	vm5 =	vgt.s32 v7, $0xC3FF;
	v11 =	vadd.s32 $0xFFFF3C00, v7;
	v13 =	vld [tilespmem:s24+$0x10]  }
0x271: {  	v7 =	vsel vm5, v11, v7;
	vm1 =	vgt.s32 v6, $0xC3FF;
	v11 =	vadd.s32 $0xFFFF3C00, v6;
	v14 =	vld [tilespmem:s24+$0x20]  }
0x272: {  	v6 =	vsel vm1, v11, v6;
	vm0 =	vgt.s32 v9, $0xC3FF;
	v11 =	vadd.s32 $0xFFFF3C00, v9;
	v8 =	vld.idx.msk [tilespmem:v8+s14+$0x0], $0xffff  }
0x273: {  	vm2 =	vgt.s32 v3, $0xC3FF;
	v15 =	vadd.s32 $0xFFFF3C00, v3;
	v4 =	vld.idx.msk [tilespmem:v4+s14+$0x0], $0xffff;
	v9 =	vsel vm0, v11, v9  }
0x274: {  	s24 =	sadd.s32 $0x80, s24;
	v3 =	vsel vm2, v15, v3;
	v11 =	vld.idx.msk [tilespmem:v2+s14+$0x0], $0xffff;
	v0 =	vmul.f32 v0, v12  }
0x275: {  	v12 =	vld [tilespmem:s24+$0x30];
	v2 =	vmul.f32 v10, v13  }
0x276: {  	v10 =	vld.idx.msk [tilespmem:v5+s14+$0x0], $0xffff;
	[tilespmem:s10+$0x0] =	vst v0;
	v0 =	vmul.f32 v1, v14  }
0x277: {  	v13 =	vld.idx.msk [tilespmem:v7+s14+$0x0], $0xffff;
	[tilespmem:s10+$0x10] =	vst v2  }
0x278: {  	v1 =	vand.u32 $0xFFFF0000, v8;
	v5 =	vshll.u32 v8, $0x10;
	v14 =	vld.idx.msk [tilespmem:v6+s14+$0x0], $0xffff;
	[tilespmem:s10+$0x20] =	vst v0;
	s10 =	smov.u32 s24  }
0x279: {  	v0 =	vand.u32 $0xFFFF0000, v4;
	v2 =	vld.idx.msk [tilespmem:v3+s14+$0x0], $0xffff;
	v3 =	vshll.u32 v4, $0x10;
	v4 =	vsel vm6, v1, v5  }
.Ltmp10:
0x27a: {  	v6 =	vand.u32 $0xFFFF0000, v11;
	v7 =	vshll.u32 v11, $0x10;
	v1 =	vld.idx.msk [tilespmem:v9+s14+$0x0], $0xffff;
	v8 =	vmul.f32 v4, v12;
	(pc) =	sbr.rel @p0 .LBB2_22-.Ltmp10, $4  }
0x27b: {  	v4 =	vsel vm3, v0, v3;
	v3 =	vsel vm7, v6, v7;
	v5 =	vld [tilespmem:s24+$0xFFFFFFC0]  }
0x27c: {  	v0 =	vand.u32 $0xFFFF0000, v10;
	v6 =	vshll.u32 v10, $0x10;
	v7 =	vld [tilespmem:s24+$0xFFFFFFD0];
	[tilespmem:s24+$0x30] =	vst v8  }
0x27d: {  	v6 =	vsel vm4, v0, v6;
	v0 =	vand.u32 $0xFFFF0000, v13;
	v10 =	vshll.u32 v13, $0x10;
	v8 =	vld [tilespmem:s24+$0xFFFFFFE0]  }
0x27e: {  	s30 =	sadd.s32 $0x80, s30;
	v0 =	vsel vm5, v0, v10;
	v10 =	vand.u32 $0xFFFF0000, v14;
	v11 =	vshll.u32 v14, $0x10;
	v9 =	vld [tilespmem:s24+$0xFFFFFFF0]  }
0x27f: {  	v12 =	vand.u32 $0xFFFF0000, v2;
	v56 =	vshll.u32 v2, $0x10  }
0x280: {  	v57 =	vld [tilespmem:s24+$0x0];
	v2 =	vsel vm2, v12, v56  }
0x281: {  	v58 =	vld [tilespmem:s24+$0x10];
	v2 =	vmul.f32 v2, v5  }
0x282: {  	v59 =	vld [tilespmem:s24+$0x20];
	v4 =	vmul.f32 v4, v7  }
0x283: {  	v3 =	vmul.f32 v3, v8;
	[tilespmem:s24+$0xFFFFFFC0] =	vst v2  }
0x284: {  	v60 =	vsel vm1, v10, v11;
	v6 =	vmul.f32 v6, v9;
	[tilespmem:s24+$0xFFFFFFD0] =	vst v4  }
0x285: {  	v61 =	vand.u32 $0xFFFF0000, v1;
	v62 =	vshll.u32 v1, $0x10;
	[tilespmem:s24+$0xFFFFFFE0] =	vst v3;
	v0 =	vmul.f32 v0, v57  }
0x286: {  	v1 =	vsel vm0, v61, v62;
	v2 =	vmul.f32 v60, v58;
	[tilespmem:s24+$0xFFFFFFF0] =	vst v6  }
0x287: {  	v63 =	vmul.f32 v1, v59;
	[tilespmem:s10+$0x0] =	vst v0  }
0x288: {  	[tilespmem:s10+$0x10] =	vst v2  }
0x289: {  	[tilespmem:s10+$0x20] =	vst v63  }
.LBB2_24:
0x28a: {  	s10 =	sshra.s32 s14, $0x2  }
0x28b: {  	v0 =	vld [tilespmem:s10+$0xF290];
	_ =	sdelay $0x4  }
0x28c: {  	vm0 =	vgt.s32 v0, $0xC3FF;
	v1 =	vadd.s32 $0xFFFF3C00, v0  }
0x28d: {  	v0 =	vsel vm0, v1, v0;
	_ =	sdelay $0x4  }
0x28e: {  	v0 =	vld.idx.msk [tilespmem:v0+s1+$0x0], $0xffff;
	_ =	sdelay $0x1  }
0x28f: {  	v63 =	vld [tilespmem:s10+$0x15050];
	_ =	sdelay $0x1  }
0x290: {  	p0 =	sne.s32 s14, $0x100  }
.Ltmp11:
0x291: {  	v2 =	vand.u32 $0xFFFF0000, v0;
	v0 =	vshll.u32 v0, $0x10;
	(pc) =	sbr.rel @p0 .LBB2_24-.Ltmp11, $3  }
0x292: {  	v0 =	vsel vm0, v2, v0  }
0x293: {  	v0 =	vmul.f32 v0, v63;
	_ =	sdelay $0x1  }
0x294: {  	s14 =	sadd.s32 $0x40, s14;
	[tilespmem:s10+$0x15050] =	vst v0  }
0x295: {  	[spmem:s15] =	stream.indirect.scatter.add.f32 [tilespmem:s17], [sflag:$0xE], $0x1, s16, s9, $0xb8;
	[tilespmem:$0x16920] =	vst v63  }
0x296: {  	_ =	swait.ge [sflag:s4], $0x7D0  }
0x297: {  	[sflag:s4] =	ssyncset.done $0x0  }
0x298: {  	s14 =	simm.s32 $0xDB70;
	s10 =	rddreg [dreg:$0x1d];
	[sflag:s4] =	ssyncadd.s32 $0xFFFFF830  }
0x299: {  	[tilespmem:s14], [sflag:$0x6] =	stream.linear.gather [hbm4b:s10+s1], $0x7D0, $0x38;
	[tilespmem:$0x16920] =	vst v63  }
0x29a: {  	s24 =	rddreg [dreg:$0x1e]  }
0x29b: {  	[tilespmem:s6], [sflag:$0x6] =	stream.linear.gather [hbm4b:s24+s1], $0x7D0, $0x38;
	[tilespmem:$0x16920] =	vst v63  }
0x29c: {  	s14 =	rddreg [dreg:$0x1f]  }
0x29d: {  	[tilespmem:s7], [sflag:$0x6] =	stream.linear.gather [hbm4b:s14+s1], $0x7D0, $0x38;
	[tilespmem:$0x16920] =	vst v63  }
0x29e: {  	_ =	swait.ge [sflag:s8], $0x7D0  }
0x29f: {  	[sflag:s8] =	ssyncset.done $0x0  }
0x2a0: {  	[sflag:s8] =	ssyncadd.s32 $0xFFFFF830  }
0x2a1: {  	_ =	swait.ge [sflag:s8], $0x7D0  }
0x2a2: {  	[sflag:s8] =	ssyncset.done $0x0  }
0x2a3: {  	[sflag:s8] =	ssyncadd.s32 $0xFFFFF830  }
0x2a4: {  	_ =	swait.ge [sflag:s8], $0x7D0  }
0x2a5: {  	[sflag:s8] =	ssyncset.done $0x0  }
0x2a6: {  	s24 =	simm.s32 $0xC440;
	[sflag:s8] =	ssyncadd.s32 $0xFFFFF830  }
0x2a7: {  	v0 =	vld [tilespmem:s24+$0x30]  }
0x2a8: {  	v1 =	vld [tilespmem:s24+$0xFFFFFFD0]  }
0x2a9: {  	v2 =	vld [tilespmem:s24+$0xFFFFFFE0]  }
0x2aa: {  	v3 =	vld [tilespmem:s24+$0xFFFFFFF0]  }
0x2ab: {  	v4 =	vld [tilespmem:s24+$0x0]  }
0x2ac: {  	v6 =	vld [tilespmem:s24+$0x10]  }
0x2ad: {  	v8 =	vld [tilespmem:s24+$0x20]  }
0x2ae: {  	vm5 =	vgt.s32 v0, $0xC3FF;
	v5 =	vadd.s32 $0xFFFF3C00, v0  }
0x2af: {  	vm3 =	vgt.s32 v1, $0xC3FF;
	v7 =	vadd.s32 $0xFFFF3C00, v1;
	vm7 =	vgt.s32 v2, $0xC3FF  }
0x2b0: {  	vm6 =	vgt.s32 v3, $0xC3FF;
	vm4 =	vgt.s32 v4, $0xC3FF;
	v0 =	vsel vm5, v5, v0  }
0x2b1: {  	vm1 =	vgt.s32 v6, $0xC3FF;
	v5 =	vld [tilespmem:s24+$0xFFFFFFC0];
	v1 =	vsel vm3, v7, v1;
	v7 =	vadd.s32 $0xFFFF3C00, v2  }
0x2b2: {  	vm0 =	vgt.s32 v8, $0xC3FF;
	v2 =	vsel vm7, v7, v2;
	v7 =	vadd.s32 $0xFFFF3C00, v3  }
0x2b3: {  	v9 =	vadd.s32 $0xFFFF3C00, v8;
	s24 =	simm.s32 $0x12200;
	v3 =	vsel vm6, v7, v3;
	v7 =	vadd.s32 $0xFFFF3C00, v4  }
0x2b4: {  	s14 =	simm.s32 $0x0;
	v8 =	vsel vm0, v9, v8;
	v9 =	vld [tilespmem:s24+$0x30];
	v4 =	vsel vm4, v7, v4;
	v7 =	vadd.s32 $0xFFFF3C00, v6  }
0x2b5: {  	v6 =	vsel vm1, v7, v6;
	v0 =	vld.idx.msk [tilespmem:v0+s14+$0x0], $0xffff  }
0x2b6: {  	vm2 =	vgt.s32 v5, $0xC3FF;
	v7 =	vadd.s32 $0xFFFF3C00, v5;
	v1 =	vld.idx.msk [tilespmem:v1+s14+$0x0], $0xffff  }
0x2b7: {  	v5 =	vsel vm2, v7, v5;
	v7 =	vld.idx.msk [tilespmem:v2+s14+$0x0], $0xffff  }
0x2b8: {  	v10 =	vld.idx.msk [tilespmem:v3+s14+$0x0], $0xffff  }
0x2b9: {  	v11 =	vld.idx.msk [tilespmem:v4+s14+$0x0], $0xffff  }
0x2ba: {  	v12 =	vld.idx.msk [tilespmem:v6+s14+$0x0], $0xffff;
	v3 =	vand.u32 $0xFFFF0000, v0  }
0x2bb: {  	v0 =	vshll.u32 v0, $0x10;
	v4 =	vand.u32 $0xFFFF0000, v1;
	v6 =	vshll.u32 v1, $0x10;
	v1 =	vld.idx.msk [tilespmem:v8+s14+$0x0], $0xffff  }
0x2bc: {  	v2 =	vld.idx.msk [tilespmem:v5+s14+$0x0], $0xffff;
	v0 =	vsel vm5, v3, v0;
	v3 =	vand.u32 $0xFFFF0000, v7  }
0x2bd: {  	v7 =	vshll.u32 v7, $0x10;
	v5 =	vld [tilespmem:s24+$0xFFFFFFC0];
	v4 =	vsel vm3, v4, v6;
	v0 =	vmul.f32 v0, v9  }
0x2be: {  	v3 =	vsel vm7, v3, v7;
	v7 =	vld [tilespmem:s24+$0xFFFFFFD0];
	v6 =	vand.u32 $0xFFFF0000, v10;
	v9 =	vshll.u32 v10, $0x10  }
0x2bf: {  	v8 =	vld [tilespmem:s24+$0xFFFFFFE0];
	v6 =	vsel vm6, v6, v9;
	v10 =	vand.u32 $0xFFFF0000, v11;
	v11 =	vshll.u32 v11, $0x10  }
0x2c0: {  	s29 =	simm.s32 $0x0;
	s30 =	simm.s32 $0xC4C0;
	s10 =	simm.s32 $0x12200;
	v9 =	vld [tilespmem:s24+$0xFFFFFFF0];
	[tilespmem:s24+$0x30] =	vst v0;
	v0 =	vsel vm4, v10, v11;
	v10 =	vand.u32 $0xFFFF0000, v12;
	v11 =	vshll.u32 v12, $0x10  }
.LBB2_26:
0x2c1: {  	v12 =	vld [tilespmem:s30+$0x30];
	s29 =	sadd.s32 $0x8, s29;
	v13 =	vand.u32 $0xFFFF0000, v2;
	v2 =	vshll.u32 v2, $0x10;
	v10 =	vsel vm1, v10, v11  }
0x2c2: {  	v11 =	vld [tilespmem:s30+$0xFFFFFFD0];
	p0 =	slt.u32 s29, $0x70;
	v2 =	vsel vm2, v13, v2;
	v13 =	vand.u32 $0xFFFF0000, v1;
	v1 =	vshll.u32 v1, $0x10  }
0x2c3: {  	v14 =	vld [tilespmem:s30+$0xFFFFFFE0];
	v2 =	vmul.f32 v2, v5;
	v4 =	vmul.f32 v4, v7;
	v1 =	vsel vm0, v13, v1  }
0x2c4: {  	v5 =	vld [tilespmem:s30+$0xFFFFFFF0];
	v3 =	vmul.f32 v3, v8  }
0x2c5: {  	v7 =	vld [tilespmem:s30+$0x0];
	[tilespmem:s24+$0xFFFFFFC0] =	vst v2;
	v2 =	vmul.f32 v6, v9  }
0x2c6: {  	v6 =	vld [tilespmem:s30+$0x10];
	vm6 =	vgt.s32 v12, $0xC3FF;
	v8 =	vadd.s32 $0xFFFF3C00, v12;
	[tilespmem:s24+$0xFFFFFFD0] =	vst v4  }
0x2c7: {  	vm3 =	vgt.s32 v11, $0xC3FF;
	v4 =	vadd.s32 $0xFFFF3C00, v11;
	v9 =	vld [tilespmem:s30+$0x20];
	v8 =	vsel vm6, v8, v12;
	[tilespmem:s24+$0xFFFFFFE0] =	vst v3  }
0x2c8: {  	v3 =	vld [tilespmem:s30+$0xFFFFFFC0];
	v4 =	vsel vm3, v4, v11;
	vm7 =	vgt.s32 v14, $0xC3FF;
	v11 =	vadd.s32 $0xFFFF3C00, v14;
	[tilespmem:s24+$0xFFFFFFF0] =	vst v2  }
0x2c9: {  	v2 =	vsel vm7, v11, v14;
	vm4 =	vgt.s32 v5, $0xC3FF;
	v11 =	vadd.s32 $0xFFFF3C00, v5;
	v12 =	vld [tilespmem:s24+$0x0]  }
0x2ca: {  	v5 =	vsel vm4, v11, v5;
	vm5 =	vgt.s32 v7, $0xC3FF;
	v11 =	vadd.s32 $0xFFFF3C00, v7;
	v13 =	vld [tilespmem:s24+$0x10]  }
0x2cb: {  	v7 =	vsel vm5, v11, v7;
	vm1 =	vgt.s32 v6, $0xC3FF;
	v11 =	vadd.s32 $0xFFFF3C00, v6;
	v14 =	vld [tilespmem:s24+$0x20]  }
0x2cc: {  	v6 =	vsel vm1, v11, v6;
	vm0 =	vgt.s32 v9, $0xC3FF;
	v11 =	vadd.s32 $0xFFFF3C00, v9;
	v8 =	vld.idx.msk [tilespmem:v8+s14+$0x0], $0xffff  }
0x2cd: {  	vm2 =	vgt.s32 v3, $0xC3FF;
	v15 =	vadd.s32 $0xFFFF3C00, v3;
	v4 =	vld.idx.msk [tilespmem:v4+s14+$0x0], $0xffff;
	v9 =	vsel vm0, v11, v9  }
0x2ce: {  	s24 =	sadd.s32 $0x80, s24;
	v3 =	vsel vm2, v15, v3;
	v11 =	vld.idx.msk [tilespmem:v2+s14+$0x0], $0xffff;
	v0 =	vmul.f32 v0, v12  }
0x2cf: {  	v12 =	vld [tilespmem:s24+$0x30];
	v2 =	vmul.f32 v10, v13  }
0x2d0: {  	v10 =	vld.idx.msk [tilespmem:v5+s14+$0x0], $0xffff;
	[tilespmem:s10+$0x0] =	vst v0;
	v0 =	vmul.f32 v1, v14  }
0x2d1: {  	v13 =	vld.idx.msk [tilespmem:v7+s14+$0x0], $0xffff;
	[tilespmem:s10+$0x10] =	vst v2  }
0x2d2: {  	v1 =	vand.u32 $0xFFFF0000, v8;
	v5 =	vshll.u32 v8, $0x10;
	v14 =	vld.idx.msk [tilespmem:v6+s14+$0x0], $0xffff;
	[tilespmem:s10+$0x20] =	vst v0;
	s10 =	smov.u32 s24  }
0x2d3: {  	v0 =	vand.u32 $0xFFFF0000, v4;
	v2 =	vld.idx.msk [tilespmem:v3+s14+$0x0], $0xffff;
	v3 =	vshll.u32 v4, $0x10;
	v4 =	vsel vm6, v1, v5  }
.Ltmp12:
0x2d4: {  	v6 =	vand.u32 $0xFFFF0000, v11;
	v7 =	vshll.u32 v11, $0x10;
	v1 =	vld.idx.msk [tilespmem:v9+s14+$0x0], $0xffff;
	v8 =	vmul.f32 v4, v12;
	(pc) =	sbr.rel @p0 .LBB2_26-.Ltmp12, $4  }
0x2d5: {  	v4 =	vsel vm3, v0, v3;
	v3 =	vsel vm7, v6, v7;
	v5 =	vld [tilespmem:s24+$0xFFFFFFC0]  }
0x2d6: {  	v0 =	vand.u32 $0xFFFF0000, v10;
	v6 =	vshll.u32 v10, $0x10;
	v7 =	vld [tilespmem:s24+$0xFFFFFFD0];
	[tilespmem:s24+$0x30] =	vst v8  }
0x2d7: {  	v6 =	vsel vm4, v0, v6;
	v0 =	vand.u32 $0xFFFF0000, v13;
	v10 =	vshll.u32 v13, $0x10;
	v8 =	vld [tilespmem:s24+$0xFFFFFFE0]  }
0x2d8: {  	s30 =	sadd.s32 $0x80, s30;
	v0 =	vsel vm5, v0, v10;
	v10 =	vand.u32 $0xFFFF0000, v14;
	v11 =	vshll.u32 v14, $0x10;
	v9 =	vld [tilespmem:s24+$0xFFFFFFF0]  }
0x2d9: {  	v12 =	vand.u32 $0xFFFF0000, v2;
	v56 =	vshll.u32 v2, $0x10  }
0x2da: {  	v57 =	vld [tilespmem:s24+$0x0];
	v2 =	vsel vm2, v12, v56  }
0x2db: {  	v58 =	vld [tilespmem:s24+$0x10];
	v2 =	vmul.f32 v2, v5  }
0x2dc: {  	v59 =	vld [tilespmem:s24+$0x20];
	v4 =	vmul.f32 v4, v7  }
0x2dd: {  	v3 =	vmul.f32 v3, v8;
	[tilespmem:s24+$0xFFFFFFC0] =	vst v2  }
0x2de: {  	v60 =	vsel vm1, v10, v11;
	v6 =	vmul.f32 v6, v9;
	[tilespmem:s24+$0xFFFFFFD0] =	vst v4  }
0x2df: {  	v61 =	vand.u32 $0xFFFF0000, v1;
	v62 =	vshll.u32 v1, $0x10;
	[tilespmem:s24+$0xFFFFFFE0] =	vst v3;
	v0 =	vmul.f32 v0, v57  }
0x2e0: {  	v1 =	vsel vm0, v61, v62;
	v2 =	vmul.f32 v60, v58;
	[tilespmem:s24+$0xFFFFFFF0] =	vst v6  }
0x2e1: {  	v63 =	vmul.f32 v1, v59;
	[tilespmem:s10+$0x0] =	vst v0  }
0x2e2: {  	[tilespmem:s10+$0x10] =	vst v2  }
0x2e3: {  	[tilespmem:s10+$0x20] =	vst v63  }
.LBB2_28:
0x2e4: {  	s10 =	sshra.s32 s14, $0x2  }
0x2e5: {  	v0 =	vld [tilespmem:s10+$0xCB80];
	_ =	sdelay $0x4  }
0x2e6: {  	vm0 =	vgt.s32 v0, $0xC3FF;
	v1 =	vadd.s32 $0xFFFF3C00, v0  }
0x2e7: {  	v0 =	vsel vm0, v1, v0;
	_ =	sdelay $0x4  }
0x2e8: {  	v0 =	vld.idx.msk [tilespmem:v0+s1+$0x0], $0xffff;
	_ =	sdelay $0x1  }
0x2e9: {  	v63 =	vld [tilespmem:s10+$0x12940];
	_ =	sdelay $0x1  }
0x2ea: {  	p0 =	sne.s32 s14, $0x100  }
.Ltmp13:
0x2eb: {  	v2 =	vand.u32 $0xFFFF0000, v0;
	v0 =	vshll.u32 v0, $0x10;
	(pc) =	sbr.rel @p0 .LBB2_28-.Ltmp13, $3  }
0x2ec: {  	v0 =	vsel vm0, v2, v0  }
0x2ed: {  	v0 =	vmul.f32 v0, v63;
	_ =	sdelay $0x1  }
0x2ee: {  	s14 =	sadd.s32 $0x40, s14;
	[tilespmem:s10+$0x12940] =	vst v0  }
0x2ef: {  	[spmem:s15] =	stream.indirect.scatter.add.f32 [tilespmem:s26], [sflag:$0x9], $0x1, s25, s9, $0xb8;
	[tilespmem:$0x16920] =	vst v63  }
0x2f0: {  	_ =	swait.ge [sflag:s28], $0x7D0  }
0x2f1: {  	s10 =	sld [smem:$0x7C8]  }
0x2f2: {  	[sflag:s28] =	ssyncset.done $0x0  }
0x2f3: {  	s14 =	simm.s32 $0xE340;
	s24 =	sld [smem:$0x7C9];
	[sflag:s28] =	ssyncadd.s32 $0xFFFFF830  }
0x2f4: {  	[tilespmem:s14], [sflag:$0x7] =	stream.linear.gather [hbm4b:s10+s1], $0x7D0, $0x38;
	[tilespmem:$0x16920] =	vst v63  }
0x2f5: {  	s14 =	sld [smem:$0x7CA]  }
0x2f6: {  	[tilespmem:s11], [sflag:$0x7] =	stream.linear.gather [hbm4b:s24+s1], $0x7D0, $0x38;
	[tilespmem:$0x16920] =	vst v63  }
0x2f7: {  	_ = 	snop  }
0x2f8: {  	[tilespmem:s12], [sflag:$0x7] =	stream.linear.gather [hbm4b:s14+s1], $0x7D0, $0x38;
	[tilespmem:$0x16920] =	vst v63  }
0x2f9: {  	_ =	swait.ge [sflag:s13], $0x7D0  }
0x2fa: {  	[sflag:s13] =	ssyncset.done $0x0  }
0x2fb: {  	[sflag:s13] =	ssyncadd.s32 $0xFFFFF830  }
0x2fc: {  	_ =	swait.ge [sflag:s13], $0x7D0  }
0x2fd: {  	[sflag:s13] =	ssyncset.done $0x0  }
0x2fe: {  	[sflag:s13] =	ssyncadd.s32 $0xFFFFF830  }
0x2ff: {  	_ =	swait.ge [sflag:s13], $0x7D0  }
0x300: {  	[sflag:s13] =	ssyncset.done $0x0  }
0x301: {  	s24 =	simm.s32 $0xCC10;
	[sflag:s13] =	ssyncadd.s32 $0xFFFFF830  }
0x302: {  	v0 =	vld [tilespmem:s24+$0x30]  }
0x303: {  	v1 =	vld [tilespmem:s24+$0xFFFFFFD0]  }
0x304: {  	v2 =	vld [tilespmem:s24+$0xFFFFFFE0]  }
0x305: {  	v3 =	vld [tilespmem:s24+$0xFFFFFFF0]  }
0x306: {  	v4 =	vld [tilespmem:s24+$0x0]  }
0x307: {  	v6 =	vld [tilespmem:s24+$0x10]  }
0x308: {  	v8 =	vld [tilespmem:s24+$0x20]  }
0x309: {  	vm5 =	vgt.s32 v0, $0xC3FF;
	v5 =	vadd.s32 $0xFFFF3C00, v0  }
0x30a: {  	vm3 =	vgt.s32 v1, $0xC3FF;
	v7 =	vadd.s32 $0xFFFF3C00, v1;
	vm7 =	vgt.s32 v2, $0xC3FF  }
0x30b: {  	vm6 =	vgt.s32 v3, $0xC3FF;
	vm4 =	vgt.s32 v4, $0xC3FF;
	v0 =	vsel vm5, v5, v0  }
0x30c: {  	vm1 =	vgt.s32 v6, $0xC3FF;
	v5 =	vld [tilespmem:s24+$0xFFFFFFC0];
	v1 =	vsel vm3, v7, v1;
	v7 =	vadd.s32 $0xFFFF3C00, v2  }
0x30d: {  	vm0 =	vgt.s32 v8, $0xC3FF;
	v2 =	vsel vm7, v7, v2;
	v7 =	vadd.s32 $0xFFFF3C00, v3  }
0x30e: {  	v9 =	vadd.s32 $0xFFFF3C00, v8;
	s24 =	simm.s32 $0x129D0;
	v3 =	vsel vm6, v7, v3;
	v7 =	vadd.s32 $0xFFFF3C00, v4  }
0x30f: {  	s14 =	simm.s32 $0x0;
	v8 =	vsel vm0, v9, v8;
	v9 =	vld [tilespmem:s24+$0x30];
	v4 =	vsel vm4, v7, v4;
	v7 =	vadd.s32 $0xFFFF3C00, v6  }
0x310: {  	v6 =	vsel vm1, v7, v6;
	v0 =	vld.idx.msk [tilespmem:v0+s14+$0x0], $0xffff  }
0x311: {  	vm2 =	vgt.s32 v5, $0xC3FF;
	v7 =	vadd.s32 $0xFFFF3C00, v5;
	v1 =	vld.idx.msk [tilespmem:v1+s14+$0x0], $0xffff  }
0x312: {  	v5 =	vsel vm2, v7, v5;
	v7 =	vld.idx.msk [tilespmem:v2+s14+$0x0], $0xffff  }
0x313: {  	v10 =	vld.idx.msk [tilespmem:v3+s14+$0x0], $0xffff  }
0x314: {  	v11 =	vld.idx.msk [tilespmem:v4+s14+$0x0], $0xffff  }
0x315: {  	v12 =	vld.idx.msk [tilespmem:v6+s14+$0x0], $0xffff;
	v3 =	vand.u32 $0xFFFF0000, v0  }
0x316: {  	v0 =	vshll.u32 v0, $0x10;
	v4 =	vand.u32 $0xFFFF0000, v1;
	v6 =	vshll.u32 v1, $0x10;
	v1 =	vld.idx.msk [tilespmem:v8+s14+$0x0], $0xffff  }
0x317: {  	v2 =	vld.idx.msk [tilespmem:v5+s14+$0x0], $0xffff;
	v0 =	vsel vm5, v3, v0;
	v3 =	vand.u32 $0xFFFF0000, v7  }
0x318: {  	v7 =	vshll.u32 v7, $0x10;
	v5 =	vld [tilespmem:s24+$0xFFFFFFC0];
	v4 =	vsel vm3, v4, v6;
	v0 =	vmul.f32 v0, v9  }
0x319: {  	v3 =	vsel vm7, v3, v7;
	v7 =	vld [tilespmem:s24+$0xFFFFFFD0];
	v6 =	vand.u32 $0xFFFF0000, v10;
	v9 =	vshll.u32 v10, $0x10  }
0x31a: {  	v8 =	vld [tilespmem:s24+$0xFFFFFFE0];
	v6 =	vsel vm6, v6, v9;
	v10 =	vand.u32 $0xFFFF0000, v11;
	v11 =	vshll.u32 v11, $0x10  }
0x31b: {  	s29 =	simm.s32 $0x0;
	s30 =	simm.s32 $0xCC90;
	s10 =	simm.s32 $0x129D0;
	v9 =	vld [tilespmem:s24+$0xFFFFFFF0];
	[tilespmem:s24+$0x30] =	vst v0;
	v0 =	vsel vm4, v10, v11;
	v10 =	vand.u32 $0xFFFF0000, v12;
	v11 =	vshll.u32 v12, $0x10  }
.LBB2_30:
0x31c: {  	v12 =	vld [tilespmem:s30+$0x30];
	s29 =	sadd.s32 $0x8, s29;
	v13 =	vand.u32 $0xFFFF0000, v2;
	v2 =	vshll.u32 v2, $0x10;
	v10 =	vsel vm1, v10, v11  }
0x31d: {  	v11 =	vld [tilespmem:s30+$0xFFFFFFD0];
	p0 =	slt.u32 s29, $0x70;
	v2 =	vsel vm2, v13, v2;
	v13 =	vand.u32 $0xFFFF0000, v1;
	v1 =	vshll.u32 v1, $0x10  }
0x31e: {  	v14 =	vld [tilespmem:s30+$0xFFFFFFE0];
	v2 =	vmul.f32 v2, v5;
	v4 =	vmul.f32 v4, v7;
	v1 =	vsel vm0, v13, v1  }
0x31f: {  	v5 =	vld [tilespmem:s30+$0xFFFFFFF0];
	v3 =	vmul.f32 v3, v8  }
0x320: {  	v7 =	vld [tilespmem:s30+$0x0];
	[tilespmem:s24+$0xFFFFFFC0] =	vst v2;
	v2 =	vmul.f32 v6, v9  }
0x321: {  	v6 =	vld [tilespmem:s30+$0x10];
	vm6 =	vgt.s32 v12, $0xC3FF;
	v8 =	vadd.s32 $0xFFFF3C00, v12;
	[tilespmem:s24+$0xFFFFFFD0] =	vst v4  }
0x322: {  	vm3 =	vgt.s32 v11, $0xC3FF;
	v4 =	vadd.s32 $0xFFFF3C00, v11;
	v9 =	vld [tilespmem:s30+$0x20];
	v8 =	vsel vm6, v8, v12;
	[tilespmem:s24+$0xFFFFFFE0] =	vst v3  }
0x323: {  	v3 =	vld [tilespmem:s30+$0xFFFFFFC0];
	v4 =	vsel vm3, v4, v11;
	vm7 =	vgt.s32 v14, $0xC3FF;
	v11 =	vadd.s32 $0xFFFF3C00, v14;
	[tilespmem:s24+$0xFFFFFFF0] =	vst v2  }
0x324: {  	v2 =	vsel vm7, v11, v14;
	vm4 =	vgt.s32 v5, $0xC3FF;
	v11 =	vadd.s32 $0xFFFF3C00, v5;
	v12 =	vld [tilespmem:s24+$0x0]  }
0x325: {  	v5 =	vsel vm4, v11, v5;
	vm5 =	vgt.s32 v7, $0xC3FF;
	v11 =	vadd.s32 $0xFFFF3C00, v7;
	v13 =	vld [tilespmem:s24+$0x10]  }
0x326: {  	v7 =	vsel vm5, v11, v7;
	vm1 =	vgt.s32 v6, $0xC3FF;
	v11 =	vadd.s32 $0xFFFF3C00, v6;
	v14 =	vld [tilespmem:s24+$0x20]  }
0x327: {  	v6 =	vsel vm1, v11, v6;
	vm0 =	vgt.s32 v9, $0xC3FF;
	v11 =	vadd.s32 $0xFFFF3C00, v9;
	v8 =	vld.idx.msk [tilespmem:v8+s14+$0x0], $0xffff  }
0x328: {  	vm2 =	vgt.s32 v3, $0xC3FF;
	v15 =	vadd.s32 $0xFFFF3C00, v3;
	v4 =	vld.idx.msk [tilespmem:v4+s14+$0x0], $0xffff;
	v9 =	vsel vm0, v11, v9  }
0x329: {  	s24 =	sadd.s32 $0x80, s24;
	v3 =	vsel vm2, v15, v3;
	v11 =	vld.idx.msk [tilespmem:v2+s14+$0x0], $0xffff;
	v0 =	vmul.f32 v0, v12  }
0x32a: {  	v12 =	vld [tilespmem:s24+$0x30];
	v2 =	vmul.f32 v10, v13  }
0x32b: {  	v10 =	vld.idx.msk [tilespmem:v5+s14+$0x0], $0xffff;
	[tilespmem:s10+$0x0] =	vst v0;
	v0 =	vmul.f32 v1, v14  }
0x32c: {  	v13 =	vld.idx.msk [tilespmem:v7+s14+$0x0], $0xffff;
	[tilespmem:s10+$0x10] =	vst v2  }
0x32d: {  	v1 =	vand.u32 $0xFFFF0000, v8;
	v5 =	vshll.u32 v8, $0x10;
	v14 =	vld.idx.msk [tilespmem:v6+s14+$0x0], $0xffff;
	[tilespmem:s10+$0x20] =	vst v0;
	s10 =	smov.u32 s24  }
0x32e: {  	v0 =	vand.u32 $0xFFFF0000, v4;
	v2 =	vld.idx.msk [tilespmem:v3+s14+$0x0], $0xffff;
	v3 =	vshll.u32 v4, $0x10;
	v4 =	vsel vm6, v1, v5  }
.Ltmp14:
0x32f: {  	v6 =	vand.u32 $0xFFFF0000, v11;
	v7 =	vshll.u32 v11, $0x10;
	v1 =	vld.idx.msk [tilespmem:v9+s14+$0x0], $0xffff;
	v8 =	vmul.f32 v4, v12;
	(pc) =	sbr.rel @p0 .LBB2_30-.Ltmp14, $4  }
0x330: {  	v4 =	vsel vm3, v0, v3;
	v3 =	vsel vm7, v6, v7;
	v5 =	vld [tilespmem:s24+$0xFFFFFFC0]  }
0x331: {  	v0 =	vand.u32 $0xFFFF0000, v10;
	v6 =	vshll.u32 v10, $0x10;
	v7 =	vld [tilespmem:s24+$0xFFFFFFD0];
	[tilespmem:s24+$0x30] =	vst v8  }
0x332: {  	v6 =	vsel vm4, v0, v6;
	v0 =	vand.u32 $0xFFFF0000, v13;
	v10 =	vshll.u32 v13, $0x10;
	v8 =	vld [tilespmem:s24+$0xFFFFFFE0]  }
0x333: {  	s30 =	sadd.s32 $0x80, s30;
	v0 =	vsel vm5, v0, v10;
	v10 =	vand.u32 $0xFFFF0000, v14;
	v11 =	vshll.u32 v14, $0x10;
	v9 =	vld [tilespmem:s24+$0xFFFFFFF0]  }
0x334: {  	v12 =	vand.u32 $0xFFFF0000, v2;
	v56 =	vshll.u32 v2, $0x10  }
0x335: {  	v57 =	vld [tilespmem:s24+$0x0];
	v2 =	vsel vm2, v12, v56  }
0x336: {  	v58 =	vld [tilespmem:s24+$0x10];
	v2 =	vmul.f32 v2, v5  }
0x337: {  	v59 =	vld [tilespmem:s24+$0x20];
	v4 =	vmul.f32 v4, v7  }
0x338: {  	v3 =	vmul.f32 v3, v8;
	[tilespmem:s24+$0xFFFFFFC0] =	vst v2  }
0x339: {  	v60 =	vsel vm1, v10, v11;
	v6 =	vmul.f32 v6, v9;
	[tilespmem:s24+$0xFFFFFFD0] =	vst v4  }
0x33a: {  	v61 =	vand.u32 $0xFFFF0000, v1;
	v62 =	vshll.u32 v1, $0x10;
	[tilespmem:s24+$0xFFFFFFE0] =	vst v3;
	v0 =	vmul.f32 v0, v57  }
0x33b: {  	v1 =	vsel vm0, v61, v62;
	v2 =	vmul.f32 v60, v58;
	[tilespmem:s24+$0xFFFFFFF0] =	vst v6  }
0x33c: {  	v63 =	vmul.f32 v1, v59;
	[tilespmem:s10+$0x0] =	vst v0  }
0x33d: {  	[tilespmem:s10+$0x10] =	vst v2  }
0x33e: {  	[tilespmem:s10+$0x20] =	vst v63  }
.LBB2_32:
0x33f: {  	s10 =	sshra.s32 s14, $0x2  }
0x340: {  	v0 =	vld [tilespmem:s10+$0xD350];
	_ =	sdelay $0x4  }
0x341: {  	vm0 =	vgt.s32 v0, $0xC3FF;
	v1 =	vadd.s32 $0xFFFF3C00, v0  }
0x342: {  	v0 =	vsel vm0, v1, v0;
	_ =	sdelay $0x4  }
0x343: {  	v0 =	vld.idx.msk [tilespmem:v0+s1+$0x0], $0xffff;
	_ =	sdelay $0x1  }
0x344: {  	v63 =	vld [tilespmem:s10+$0x13110];
	_ =	sdelay $0x1  }
0x345: {  	p0 =	sne.s32 s14, $0x100  }
.Ltmp15:
0x346: {  	v2 =	vand.u32 $0xFFFF0000, v0;
	v0 =	vshll.u32 v0, $0x10;
	(pc) =	sbr.rel @p0 .LBB2_32-.Ltmp15, $3  }
0x347: {  	v0 =	vsel vm0, v2, v0  }
0x348: {  	v0 =	vmul.f32 v0, v63;
	_ =	sdelay $0x1  }
0x349: {  	s14 =	sadd.s32 $0x40, s14;
	[tilespmem:s10+$0x13110] =	vst v0  }
0x34a: {  	s10 =	simm.s32 $0xFAB0;
	s14 =	simm.s32 $0x12990  }
0x34b: {  	[spmem:s15] =	stream.indirect.scatter.add.f32 [tilespmem:s14], [sflag:$0xA], $0x1, s10, s9, $0xb8;
	[tilespmem:$0x16920] =	vst v63  }
0x34c: {  	_ =	swait.ge [sflag:s31], $0x7D0  }
0x34d: {  	s14 =	sld [smem:$0x7CB]  }
0x34e: {  	[sflag:s31] =	ssyncset.done $0x0  }
0x34f: {  	s24 =	simm.s32 $0xEB10;
	[sflag:s31] =	ssyncadd.s32 $0xFFFFF830  }
0x350: {  	[tilespmem:s24], [sflag:$0x8] =	stream.linear.gather [hbm4b:s14+s1], $0x7D0, $0x38;
	[tilespmem:$0x16920] =	vst v63  }
0x351: {  	s24 =	sld [smem:$0x7CC];
	_ =	sdelay $0x1  }
0x352: {  	s14 =	sld [smem:$0x7CD]  }
0x353: {  	[tilespmem:s16], [sflag:$0x8] =	stream.linear.gather [hbm4b:s24+s1], $0x7D0, $0x38;
	[tilespmem:$0x16920] =	vst v63  }
0x354: {  	_ = 	snop  }
0x355: {  	[tilespmem:s17], [sflag:$0x8] =	stream.linear.gather [hbm4b:s14+s1], $0x7D0, $0x38;
	[tilespmem:$0x16920] =	vst v63  }
0x356: {  	_ =	swait.ge [sflag:s18], $0x7D0  }
0x357: {  	[sflag:s18] =	ssyncset.done $0x0  }
0x358: {  	[sflag:s18] =	ssyncadd.s32 $0xFFFFF830  }
0x359: {  	_ =	swait.ge [sflag:s18], $0x7D0  }
0x35a: {  	[sflag:s18] =	ssyncset.done $0x0  }
0x35b: {  	[sflag:s18] =	ssyncadd.s32 $0xFFFFF830  }
0x35c: {  	_ =	swait.ge [sflag:s18], $0x7D0  }
0x35d: {  	[sflag:s18] =	ssyncset.done $0x0  }
0x35e: {  	s24 =	simm.s32 $0xD3E0;
	[sflag:s18] =	ssyncadd.s32 $0xFFFFF830  }
0x35f: {  	v0 =	vld [tilespmem:s24+$0x30]  }
0x360: {  	v1 =	vld [tilespmem:s24+$0xFFFFFFD0]  }
0x361: {  	v2 =	vld [tilespmem:s24+$0xFFFFFFE0]  }
0x362: {  	v3 =	vld [tilespmem:s24+$0xFFFFFFF0]  }
0x363: {  	v4 =	vld [tilespmem:s24+$0x0]  }
0x364: {  	v6 =	vld [tilespmem:s24+$0x10]  }
0x365: {  	v8 =	vld [tilespmem:s24+$0x20]  }
0x366: {  	vm5 =	vgt.s32 v0, $0xC3FF;
	v5 =	vadd.s32 $0xFFFF3C00, v0  }
0x367: {  	vm3 =	vgt.s32 v1, $0xC3FF;
	v7 =	vadd.s32 $0xFFFF3C00, v1;
	vm7 =	vgt.s32 v2, $0xC3FF  }
0x368: {  	vm6 =	vgt.s32 v3, $0xC3FF;
	vm4 =	vgt.s32 v4, $0xC3FF;
	v0 =	vsel vm5, v5, v0  }
0x369: {  	vm1 =	vgt.s32 v6, $0xC3FF;
	v5 =	vld [tilespmem:s24+$0xFFFFFFC0];
	v1 =	vsel vm3, v7, v1;
	v7 =	vadd.s32 $0xFFFF3C00, v2  }
0x36a: {  	vm0 =	vgt.s32 v8, $0xC3FF;
	v2 =	vsel vm7, v7, v2;
	v7 =	vadd.s32 $0xFFFF3C00, v3  }
0x36b: {  	v9 =	vadd.s32 $0xFFFF3C00, v8;
	s24 =	simm.s32 $0x131A0;
	v3 =	vsel vm6, v7, v3;
	v7 =	vadd.s32 $0xFFFF3C00, v4  }
0x36c: {  	s14 =	simm.s32 $0x0;
	v8 =	vsel vm0, v9, v8;
	v9 =	vld [tilespmem:s24+$0x30];
	v4 =	vsel vm4, v7, v4;
	v7 =	vadd.s32 $0xFFFF3C00, v6  }
0x36d: {  	v6 =	vsel vm1, v7, v6;
	v0 =	vld.idx.msk [tilespmem:v0+s14+$0x0], $0xffff  }
0x36e: {  	vm2 =	vgt.s32 v5, $0xC3FF;
	v7 =	vadd.s32 $0xFFFF3C00, v5;
	v1 =	vld.idx.msk [tilespmem:v1+s14+$0x0], $0xffff  }
0x36f: {  	v5 =	vsel vm2, v7, v5;
	v7 =	vld.idx.msk [tilespmem:v2+s14+$0x0], $0xffff  }
0x370: {  	v10 =	vld.idx.msk [tilespmem:v3+s14+$0x0], $0xffff  }
0x371: {  	v11 =	vld.idx.msk [tilespmem:v4+s14+$0x0], $0xffff  }
0x372: {  	v12 =	vld.idx.msk [tilespmem:v6+s14+$0x0], $0xffff;
	v3 =	vand.u32 $0xFFFF0000, v0  }
0x373: {  	v0 =	vshll.u32 v0, $0x10;
	v4 =	vand.u32 $0xFFFF0000, v1;
	v6 =	vshll.u32 v1, $0x10;
	v1 =	vld.idx.msk [tilespmem:v8+s14+$0x0], $0xffff  }
0x374: {  	v2 =	vld.idx.msk [tilespmem:v5+s14+$0x0], $0xffff;
	v0 =	vsel vm5, v3, v0;
	v3 =	vand.u32 $0xFFFF0000, v7  }
0x375: {  	v7 =	vshll.u32 v7, $0x10;
	v5 =	vld [tilespmem:s24+$0xFFFFFFC0];
	v4 =	vsel vm3, v4, v6;
	v0 =	vmul.f32 v0, v9  }
0x376: {  	v3 =	vsel vm7, v3, v7;
	v7 =	vld [tilespmem:s24+$0xFFFFFFD0];
	v6 =	vand.u32 $0xFFFF0000, v10;
	v9 =	vshll.u32 v10, $0x10  }
0x377: {  	v8 =	vld [tilespmem:s24+$0xFFFFFFE0];
	v6 =	vsel vm6, v6, v9;
	v10 =	vand.u32 $0xFFFF0000, v11;
	v11 =	vshll.u32 v11, $0x10  }
0x378: {  	s29 =	simm.s32 $0x0;
	s30 =	simm.s32 $0xD460;
	s10 =	simm.s32 $0x131A0;
	v9 =	vld [tilespmem:s24+$0xFFFFFFF0];
	[tilespmem:s24+$0x30] =	vst v0;
	v0 =	vsel vm4, v10, v11;
	v10 =	vand.u32 $0xFFFF0000, v12;
	v11 =	vshll.u32 v12, $0x10  }
.LBB2_34:
0x379: {  	v12 =	vld [tilespmem:s30+$0x30];
	s29 =	sadd.s32 $0x8, s29;
	v13 =	vand.u32 $0xFFFF0000, v2;
	v2 =	vshll.u32 v2, $0x10;
	v10 =	vsel vm1, v10, v11  }
0x37a: {  	v11 =	vld [tilespmem:s30+$0xFFFFFFD0];
	p0 =	slt.u32 s29, $0x70;
	v2 =	vsel vm2, v13, v2;
	v13 =	vand.u32 $0xFFFF0000, v1;
	v1 =	vshll.u32 v1, $0x10  }
0x37b: {  	v14 =	vld [tilespmem:s30+$0xFFFFFFE0];
	v2 =	vmul.f32 v2, v5;
	v4 =	vmul.f32 v4, v7;
	v1 =	vsel vm0, v13, v1  }
0x37c: {  	v5 =	vld [tilespmem:s30+$0xFFFFFFF0];
	v3 =	vmul.f32 v3, v8  }
0x37d: {  	v7 =	vld [tilespmem:s30+$0x0];
	[tilespmem:s24+$0xFFFFFFC0] =	vst v2;
	v2 =	vmul.f32 v6, v9  }
0x37e: {  	v6 =	vld [tilespmem:s30+$0x10];
	vm6 =	vgt.s32 v12, $0xC3FF;
	v8 =	vadd.s32 $0xFFFF3C00, v12;
	[tilespmem:s24+$0xFFFFFFD0] =	vst v4  }
0x37f: {  	vm3 =	vgt.s32 v11, $0xC3FF;
	v4 =	vadd.s32 $0xFFFF3C00, v11;
	v9 =	vld [tilespmem:s30+$0x20];
	v8 =	vsel vm6, v8, v12;
	[tilespmem:s24+$0xFFFFFFE0] =	vst v3  }
0x380: {  	v3 =	vld [tilespmem:s30+$0xFFFFFFC0];
	v4 =	vsel vm3, v4, v11;
	vm7 =	vgt.s32 v14, $0xC3FF;
	v11 =	vadd.s32 $0xFFFF3C00, v14;
	[tilespmem:s24+$0xFFFFFFF0] =	vst v2  }
0x381: {  	v2 =	vsel vm7, v11, v14;
	vm4 =	vgt.s32 v5, $0xC3FF;
	v11 =	vadd.s32 $0xFFFF3C00, v5;
	v12 =	vld [tilespmem:s24+$0x0]  }
0x382: {  	v5 =	vsel vm4, v11, v5;
	vm5 =	vgt.s32 v7, $0xC3FF;
	v11 =	vadd.s32 $0xFFFF3C00, v7;
	v13 =	vld [tilespmem:s24+$0x10]  }
0x383: {  	v7 =	vsel vm5, v11, v7;
	vm1 =	vgt.s32 v6, $0xC3FF;
	v11 =	vadd.s32 $0xFFFF3C00, v6;
	v14 =	vld [tilespmem:s24+$0x20]  }
0x384: {  	v6 =	vsel vm1, v11, v6;
	vm0 =	vgt.s32 v9, $0xC3FF;
	v11 =	vadd.s32 $0xFFFF3C00, v9;
	v8 =	vld.idx.msk [tilespmem:v8+s14+$0x0], $0xffff  }
0x385: {  	vm2 =	vgt.s32 v3, $0xC3FF;
	v15 =	vadd.s32 $0xFFFF3C00, v3;
	v4 =	vld.idx.msk [tilespmem:v4+s14+$0x0], $0xffff;
	v9 =	vsel vm0, v11, v9  }
0x386: {  	s24 =	sadd.s32 $0x80, s24;
	v3 =	vsel vm2, v15, v3;
	v11 =	vld.idx.msk [tilespmem:v2+s14+$0x0], $0xffff;
	v0 =	vmul.f32 v0, v12  }
0x387: {  	v12 =	vld [tilespmem:s24+$0x30];
	v2 =	vmul.f32 v10, v13  }
0x388: {  	v10 =	vld.idx.msk [tilespmem:v5+s14+$0x0], $0xffff;
	[tilespmem:s10+$0x0] =	vst v0;
	v0 =	vmul.f32 v1, v14  }
0x389: {  	v13 =	vld.idx.msk [tilespmem:v7+s14+$0x0], $0xffff;
	[tilespmem:s10+$0x10] =	vst v2  }
0x38a: {  	v1 =	vand.u32 $0xFFFF0000, v8;
	v5 =	vshll.u32 v8, $0x10;
	v14 =	vld.idx.msk [tilespmem:v6+s14+$0x0], $0xffff;
	[tilespmem:s10+$0x20] =	vst v0;
	s10 =	smov.u32 s24  }
0x38b: {  	v0 =	vand.u32 $0xFFFF0000, v4;
	v2 =	vld.idx.msk [tilespmem:v3+s14+$0x0], $0xffff;
	v3 =	vshll.u32 v4, $0x10;
	v4 =	vsel vm6, v1, v5  }
.Ltmp16:
0x38c: {  	v6 =	vand.u32 $0xFFFF0000, v11;
	v7 =	vshll.u32 v11, $0x10;
	v1 =	vld.idx.msk [tilespmem:v9+s14+$0x0], $0xffff;
	v8 =	vmul.f32 v4, v12;
	(pc) =	sbr.rel @p0 .LBB2_34-.Ltmp16, $4  }
0x38d: {  	v4 =	vsel vm3, v0, v3;
	v3 =	vsel vm7, v6, v7;
	v5 =	vld [tilespmem:s24+$0xFFFFFFC0]  }
0x38e: {  	v0 =	vand.u32 $0xFFFF0000, v10;
	v6 =	vshll.u32 v10, $0x10;
	v7 =	vld [tilespmem:s24+$0xFFFFFFD0];
	[tilespmem:s24+$0x30] =	vst v8  }
0x38f: {  	v6 =	vsel vm4, v0, v6;
	v0 =	vand.u32 $0xFFFF0000, v13;
	v10 =	vshll.u32 v13, $0x10;
	v8 =	vld [tilespmem:s24+$0xFFFFFFE0]  }
0x390: {  	s30 =	sadd.s32 $0x80, s30;
	v0 =	vsel vm5, v0, v10;
	v10 =	vand.u32 $0xFFFF0000, v14;
	v11 =	vshll.u32 v14, $0x10;
	v9 =	vld [tilespmem:s24+$0xFFFFFFF0]  }
0x391: {  	v12 =	vand.u32 $0xFFFF0000, v2;
	v56 =	vshll.u32 v2, $0x10  }
0x392: {  	v57 =	vld [tilespmem:s24+$0x0];
	v2 =	vsel vm2, v12, v56  }
0x393: {  	v58 =	vld [tilespmem:s24+$0x10];
	v2 =	vmul.f32 v2, v5  }
0x394: {  	v59 =	vld [tilespmem:s24+$0x20];
	v4 =	vmul.f32 v4, v7  }
0x395: {  	v3 =	vmul.f32 v3, v8;
	[tilespmem:s24+$0xFFFFFFC0] =	vst v2  }
0x396: {  	v60 =	vsel vm1, v10, v11;
	v6 =	vmul.f32 v6, v9;
	[tilespmem:s24+$0xFFFFFFD0] =	vst v4  }
0x397: {  	v61 =	vand.u32 $0xFFFF0000, v1;
	v62 =	vshll.u32 v1, $0x10;
	[tilespmem:s24+$0xFFFFFFE0] =	vst v3;
	v0 =	vmul.f32 v0, v57  }
0x398: {  	v1 =	vsel vm0, v61, v62;
	v2 =	vmul.f32 v60, v58;
	[tilespmem:s24+$0xFFFFFFF0] =	vst v6  }
0x399: {  	v63 =	vmul.f32 v1, v59;
	[tilespmem:s10+$0x0] =	vst v0  }
0x39a: {  	[tilespmem:s10+$0x10] =	vst v2  }
0x39b: {  	[tilespmem:s10+$0x20] =	vst v63  }
.LBB2_36:
0x39c: {  	s10 =	sshra.s32 s14, $0x2  }
0x39d: {  	v0 =	vld [tilespmem:s10+$0xDB20];
	_ =	sdelay $0x4  }
0x39e: {  	vm0 =	vgt.s32 v0, $0xC3FF;
	v1 =	vadd.s32 $0xFFFF3C00, v0  }
0x39f: {  	v0 =	vsel vm0, v1, v0;
	_ =	sdelay $0x4  }
0x3a0: {  	v0 =	vld.idx.msk [tilespmem:v0+s1+$0x0], $0xffff;
	_ =	sdelay $0x1  }
0x3a1: {  	v63 =	vld [tilespmem:s10+$0x138E0];
	_ =	sdelay $0x1  }
0x3a2: {  	p0 =	sne.s32 s14, $0x100  }
.Ltmp17:
0x3a3: {  	v2 =	vand.u32 $0xFFFF0000, v0;
	v0 =	vshll.u32 v0, $0x10;
	(pc) =	sbr.rel @p0 .LBB2_36-.Ltmp17, $3  }
0x3a4: {  	v0 =	vsel vm0, v2, v0  }
0x3a5: {  	v0 =	vmul.f32 v0, v63;
	_ =	sdelay $0x1  }
0x3a6: {  	s14 =	sadd.s32 $0x40, s14;
	[tilespmem:s10+$0x138E0] =	vst v0  }
0x3a7: {  	[spmem:s15] =	stream.indirect.scatter.add.f32 [tilespmem:s2], [sflag:$0xB], $0x1, s0, s9, $0xb8;
	[tilespmem:$0x16920] =	vst v63  }
0x3a8: {  	_ =	swait.ge [sflag:s19], $0x7D0  }
0x3a9: {  	s10 =	sld [smem:$0x7CE]  }
0x3aa: {  	[sflag:s19] =	ssyncset.done $0x0  }
0x3ab: {  	s14 =	simm.s32 $0xC400;
	s24 =	sld [smem:$0x7CF];
	[sflag:s19] =	ssyncadd.s32 $0xFFFFF830  }
0x3ac: {  	[tilespmem:s14], [sflag:$0x3] =	stream.linear.gather [hbm4b:s10+s1], $0x7D0, $0x38;
	[tilespmem:$0x16920] =	vst v63  }
0x3ad: {  	s14 =	sld [smem:$0x7D0]  }
0x3ae: {  	[tilespmem:s25], [sflag:$0x3] =	stream.linear.gather [hbm4b:s24+s1], $0x7D0, $0x38;
	[tilespmem:$0x16920] =	vst v63  }
0x3af: {  	_ = 	snop  }
0x3b0: {  	[tilespmem:s26], [sflag:$0x3] =	stream.linear.gather [hbm4b:s14+s1], $0x7D0, $0x38;
	[tilespmem:$0x16920] =	vst v63  }
0x3b1: {  	_ =	swait.ge [sflag:s20], $0x7D0  }
0x3b2: {  	[sflag:s20] =	ssyncset.done $0x0  }
0x3b3: {  	[sflag:s20] =	ssyncadd.s32 $0xFFFFF830  }
0x3b4: {  	_ =	swait.ge [sflag:s20], $0x7D0  }
0x3b5: {  	[sflag:s20] =	ssyncset.done $0x0  }
0x3b6: {  	[sflag:s20] =	ssyncadd.s32 $0xFFFFF830  }
0x3b7: {  	_ =	swait.ge [sflag:s20], $0x7D0  }
0x3b8: {  	[sflag:s20] =	ssyncset.done $0x0  }
0x3b9: {  	s24 =	simm.s32 $0xDBB0;
	[sflag:s20] =	ssyncadd.s32 $0xFFFFF830  }
0x3ba: {  	v0 =	vld [tilespmem:s24+$0x30]  }
0x3bb: {  	v1 =	vld [tilespmem:s24+$0xFFFFFFD0]  }
0x3bc: {  	v2 =	vld [tilespmem:s24+$0xFFFFFFE0]  }
0x3bd: {  	v3 =	vld [tilespmem:s24+$0xFFFFFFF0]  }
0x3be: {  	v4 =	vld [tilespmem:s24+$0x0]  }
0x3bf: {  	v6 =	vld [tilespmem:s24+$0x10]  }
0x3c0: {  	v8 =	vld [tilespmem:s24+$0x20]  }
0x3c1: {  	vm5 =	vgt.s32 v0, $0xC3FF;
	v5 =	vadd.s32 $0xFFFF3C00, v0  }
0x3c2: {  	vm3 =	vgt.s32 v1, $0xC3FF;
	v7 =	vadd.s32 $0xFFFF3C00, v1;
	vm7 =	vgt.s32 v2, $0xC3FF  }
0x3c3: {  	vm6 =	vgt.s32 v3, $0xC3FF;
	vm4 =	vgt.s32 v4, $0xC3FF;
	v0 =	vsel vm5, v5, v0  }
0x3c4: {  	vm1 =	vgt.s32 v6, $0xC3FF;
	v5 =	vld [tilespmem:s24+$0xFFFFFFC0];
	v1 =	vsel vm3, v7, v1;
	v7 =	vadd.s32 $0xFFFF3C00, v2  }
0x3c5: {  	vm0 =	vgt.s32 v8, $0xC3FF;
	v2 =	vsel vm7, v7, v2;
	v7 =	vadd.s32 $0xFFFF3C00, v3  }
0x3c6: {  	v9 =	vadd.s32 $0xFFFF3C00, v8;
	s24 =	simm.s32 $0x13970;
	v3 =	vsel vm6, v7, v3;
	v7 =	vadd.s32 $0xFFFF3C00, v4  }
0x3c7: {  	s14 =	simm.s32 $0x0;
	v8 =	vsel vm0, v9, v8;
	v9 =	vld [tilespmem:s24+$0x30];
	v4 =	vsel vm4, v7, v4;
	v7 =	vadd.s32 $0xFFFF3C00, v6  }
0x3c8: {  	v6 =	vsel vm1, v7, v6;
	v0 =	vld.idx.msk [tilespmem:v0+s14+$0x0], $0xffff  }
0x3c9: {  	vm2 =	vgt.s32 v5, $0xC3FF;
	v7 =	vadd.s32 $0xFFFF3C00, v5;
	v1 =	vld.idx.msk [tilespmem:v1+s14+$0x0], $0xffff  }
0x3ca: {  	v5 =	vsel vm2, v7, v5;
	v7 =	vld.idx.msk [tilespmem:v2+s14+$0x0], $0xffff  }
0x3cb: {  	v10 =	vld.idx.msk [tilespmem:v3+s14+$0x0], $0xffff  }
0x3cc: {  	v11 =	vld.idx.msk [tilespmem:v4+s14+$0x0], $0xffff  }
0x3cd: {  	v12 =	vld.idx.msk [tilespmem:v6+s14+$0x0], $0xffff;
	v3 =	vand.u32 $0xFFFF0000, v0  }
0x3ce: {  	v0 =	vshll.u32 v0, $0x10;
	v4 =	vand.u32 $0xFFFF0000, v1;
	v6 =	vshll.u32 v1, $0x10;
	v1 =	vld.idx.msk [tilespmem:v8+s14+$0x0], $0xffff  }
0x3cf: {  	v2 =	vld.idx.msk [tilespmem:v5+s14+$0x0], $0xffff;
	v0 =	vsel vm5, v3, v0;
	v3 =	vand.u32 $0xFFFF0000, v7  }
0x3d0: {  	v7 =	vshll.u32 v7, $0x10;
	v5 =	vld [tilespmem:s24+$0xFFFFFFC0];
	v4 =	vsel vm3, v4, v6;
	v0 =	vmul.f32 v0, v9  }
0x3d1: {  	v3 =	vsel vm7, v3, v7;
	v7 =	vld [tilespmem:s24+$0xFFFFFFD0];
	v6 =	vand.u32 $0xFFFF0000, v10;
	v9 =	vshll.u32 v10, $0x10  }
0x3d2: {  	v8 =	vld [tilespmem:s24+$0xFFFFFFE0];
	v6 =	vsel vm6, v6, v9;
	v10 =	vand.u32 $0xFFFF0000, v11;
	v11 =	vshll.u32 v11, $0x10  }
0x3d3: {  	s29 =	simm.s32 $0x0;
	s30 =	simm.s32 $0xDC30;
	s10 =	simm.s32 $0x13970;
	v9 =	vld [tilespmem:s24+$0xFFFFFFF0];
	[tilespmem:s24+$0x30] =	vst v0;
	v0 =	vsel vm4, v10, v11;
	v10 =	vand.u32 $0xFFFF0000, v12;
	v11 =	vshll.u32 v12, $0x10  }
.LBB2_38:
0x3d4: {  	v12 =	vld [tilespmem:s30+$0x30];
	s29 =	sadd.s32 $0x8, s29;
	v13 =	vand.u32 $0xFFFF0000, v2;
	v2 =	vshll.u32 v2, $0x10;
	v10 =	vsel vm1, v10, v11  }
0x3d5: {  	v11 =	vld [tilespmem:s30+$0xFFFFFFD0];
	p0 =	slt.u32 s29, $0x70;
	v2 =	vsel vm2, v13, v2;
	v13 =	vand.u32 $0xFFFF0000, v1;
	v1 =	vshll.u32 v1, $0x10  }
0x3d6: {  	v14 =	vld [tilespmem:s30+$0xFFFFFFE0];
	v2 =	vmul.f32 v2, v5;
	v4 =	vmul.f32 v4, v7;
	v1 =	vsel vm0, v13, v1  }
0x3d7: {  	v5 =	vld [tilespmem:s30+$0xFFFFFFF0];
	v3 =	vmul.f32 v3, v8  }
0x3d8: {  	v7 =	vld [tilespmem:s30+$0x0];
	[tilespmem:s24+$0xFFFFFFC0] =	vst v2;
	v2 =	vmul.f32 v6, v9  }
0x3d9: {  	v6 =	vld [tilespmem:s30+$0x10];
	vm6 =	vgt.s32 v12, $0xC3FF;
	v8 =	vadd.s32 $0xFFFF3C00, v12;
	[tilespmem:s24+$0xFFFFFFD0] =	vst v4  }
0x3da: {  	vm3 =	vgt.s32 v11, $0xC3FF;
	v4 =	vadd.s32 $0xFFFF3C00, v11;
	v9 =	vld [tilespmem:s30+$0x20];
	v8 =	vsel vm6, v8, v12;
	[tilespmem:s24+$0xFFFFFFE0] =	vst v3  }
0x3db: {  	v3 =	vld [tilespmem:s30+$0xFFFFFFC0];
	v4 =	vsel vm3, v4, v11;
	vm7 =	vgt.s32 v14, $0xC3FF;
	v11 =	vadd.s32 $0xFFFF3C00, v14;
	[tilespmem:s24+$0xFFFFFFF0] =	vst v2  }
0x3dc: {  	v2 =	vsel vm7, v11, v14;
	vm4 =	vgt.s32 v5, $0xC3FF;
	v11 =	vadd.s32 $0xFFFF3C00, v5;
	v12 =	vld [tilespmem:s24+$0x0]  }
0x3dd: {  	v5 =	vsel vm4, v11, v5;
	vm5 =	vgt.s32 v7, $0xC3FF;
	v11 =	vadd.s32 $0xFFFF3C00, v7;
	v13 =	vld [tilespmem:s24+$0x10]  }
0x3de: {  	v7 =	vsel vm5, v11, v7;
	vm1 =	vgt.s32 v6, $0xC3FF;
	v11 =	vadd.s32 $0xFFFF3C00, v6;
	v14 =	vld [tilespmem:s24+$0x20]  }
0x3df: {  	v6 =	vsel vm1, v11, v6;
	vm0 =	vgt.s32 v9, $0xC3FF;
	v11 =	vadd.s32 $0xFFFF3C00, v9;
	v8 =	vld.idx.msk [tilespmem:v8+s14+$0x0], $0xffff  }
0x3e0: {  	vm2 =	vgt.s32 v3, $0xC3FF;
	v15 =	vadd.s32 $0xFFFF3C00, v3;
	v4 =	vld.idx.msk [tilespmem:v4+s14+$0x0], $0xffff;
	v9 =	vsel vm0, v11, v9  }
0x3e1: {  	s24 =	sadd.s32 $0x80, s24;
	v3 =	vsel vm2, v15, v3;
	v11 =	vld.idx.msk [tilespmem:v2+s14+$0x0], $0xffff;
	v0 =	vmul.f32 v0, v12  }
0x3e2: {  	v12 =	vld [tilespmem:s24+$0x30];
	v2 =	vmul.f32 v10, v13  }
0x3e3: {  	v10 =	vld.idx.msk [tilespmem:v5+s14+$0x0], $0xffff;
	[tilespmem:s10+$0x0] =	vst v0;
	v0 =	vmul.f32 v1, v14  }
0x3e4: {  	v13 =	vld.idx.msk [tilespmem:v7+s14+$0x0], $0xffff;
	[tilespmem:s10+$0x10] =	vst v2  }
0x3e5: {  	v1 =	vand.u32 $0xFFFF0000, v8;
	v5 =	vshll.u32 v8, $0x10;
	v14 =	vld.idx.msk [tilespmem:v6+s14+$0x0], $0xffff;
	[tilespmem:s10+$0x20] =	vst v0;
	s10 =	smov.u32 s24  }
0x3e6: {  	v0 =	vand.u32 $0xFFFF0000, v4;
	v2 =	vld.idx.msk [tilespmem:v3+s14+$0x0], $0xffff;
	v3 =	vshll.u32 v4, $0x10;
	v4 =	vsel vm6, v1, v5  }
.Ltmp18:
0x3e7: {  	v6 =	vand.u32 $0xFFFF0000, v11;
	v7 =	vshll.u32 v11, $0x10;
	v1 =	vld.idx.msk [tilespmem:v9+s14+$0x0], $0xffff;
	v8 =	vmul.f32 v4, v12;
	(pc) =	sbr.rel @p0 .LBB2_38-.Ltmp18, $4  }
0x3e8: {  	v4 =	vsel vm3, v0, v3;
	v3 =	vsel vm7, v6, v7;
	v5 =	vld [tilespmem:s24+$0xFFFFFFC0]  }
0x3e9: {  	v0 =	vand.u32 $0xFFFF0000, v10;
	v6 =	vshll.u32 v10, $0x10;
	v7 =	vld [tilespmem:s24+$0xFFFFFFD0];
	[tilespmem:s24+$0x30] =	vst v8  }
0x3ea: {  	v6 =	vsel vm4, v0, v6;
	v0 =	vand.u32 $0xFFFF0000, v13;
	v10 =	vshll.u32 v13, $0x10;
	v8 =	vld [tilespmem:s24+$0xFFFFFFE0]  }
0x3eb: {  	s30 =	sadd.s32 $0x80, s30;
	v0 =	vsel vm5, v0, v10;
	v10 =	vand.u32 $0xFFFF0000, v14;
	v11 =	vshll.u32 v14, $0x10;
	v9 =	vld [tilespmem:s24+$0xFFFFFFF0]  }
0x3ec: {  	v12 =	vand.u32 $0xFFFF0000, v2;
	v56 =	vshll.u32 v2, $0x10  }
0x3ed: {  	v57 =	vld [tilespmem:s24+$0x0];
	v2 =	vsel vm2, v12, v56  }
0x3ee: {  	v58 =	vld [tilespmem:s24+$0x10];
	v2 =	vmul.f32 v2, v5  }
0x3ef: {  	v59 =	vld [tilespmem:s24+$0x20];
	v4 =	vmul.f32 v4, v7  }
0x3f0: {  	v3 =	vmul.f32 v3, v8;
	[tilespmem:s24+$0xFFFFFFC0] =	vst v2  }
0x3f1: {  	v60 =	vsel vm1, v10, v11;
	v6 =	vmul.f32 v6, v9;
	[tilespmem:s24+$0xFFFFFFD0] =	vst v4  }
0x3f2: {  	v61 =	vand.u32 $0xFFFF0000, v1;
	v62 =	vshll.u32 v1, $0x10;
	[tilespmem:s24+$0xFFFFFFE0] =	vst v3;
	v0 =	vmul.f32 v0, v57  }
0x3f3: {  	v1 =	vsel vm0, v61, v62;
	v2 =	vmul.f32 v60, v58;
	[tilespmem:s24+$0xFFFFFFF0] =	vst v6  }
0x3f4: {  	v63 =	vmul.f32 v1, v59;
	[tilespmem:s10+$0x0] =	vst v0  }
0x3f5: {  	[tilespmem:s10+$0x10] =	vst v2  }
0x3f6: {  	[tilespmem:s10+$0x20] =	vst v63  }
.LBB2_40:
0x3f7: {  	s10 =	sshra.s32 s14, $0x2  }
0x3f8: {  	v0 =	vld [tilespmem:s10+$0xE2F0];
	_ =	sdelay $0x4  }
0x3f9: {  	vm0 =	vgt.s32 v0, $0xC3FF;
	v1 =	vadd.s32 $0xFFFF3C00, v0  }
0x3fa: {  	v0 =	vsel vm0, v1, v0;
	_ =	sdelay $0x4  }
0x3fb: {  	v0 =	vld.idx.msk [tilespmem:v0+s1+$0x0], $0xffff;
	_ =	sdelay $0x1  }
0x3fc: {  	v63 =	vld [tilespmem:s10+$0x140B0];
	_ =	sdelay $0x1  }
0x3fd: {  	p0 =	sne.s32 s14, $0x100  }
.Ltmp19:
0x3fe: {  	v2 =	vand.u32 $0xFFFF0000, v0;
	v0 =	vshll.u32 v0, $0x10;
	(pc) =	sbr.rel @p0 .LBB2_40-.Ltmp19, $3  }
0x3ff: {  	v0 =	vsel vm0, v2, v0  }
0x400: {  	v0 =	vmul.f32 v0, v63;
	_ =	sdelay $0x1  }
0x401: {  	s14 =	sadd.s32 $0x40, s14;
	[tilespmem:s10+$0x140B0] =	vst v0  }
0x402: {  	[spmem:s15] =	stream.indirect.scatter.add.f32 [tilespmem:s7], [sflag:$0xC], $0x1, s6, s9, $0xb8;
	[tilespmem:$0x16920] =	vst v63  }
0x403: {  	_ =	swait.ge [sflag:s21], $0x7D0  }
0x404: {  	s10 =	sld [smem:$0x7D1]  }
0x405: {  	[sflag:s21] =	ssyncset.done $0x0  }
0x406: {  	s14 =	simm.s32 $0xCBD0;
	[sflag:s21] =	ssyncadd.s32 $0xFFFFF830  }
0x407: {  	[tilespmem:s14], [sflag:$0x4] =	stream.linear.gather [hbm4b:s10+s1], $0x7D0, $0x38;
	[tilespmem:$0x16920] =	vst v63  }
0x408: {  	s14 =	sld [smem:$0x7D2];
	_ =	sdelay $0x1  }
0x409: {  	s24 =	simm.s32 $0xFAB0  }
0x40a: {  	[tilespmem:s24], [sflag:$0x4] =	stream.linear.gather [hbm4b:s14+s1], $0x7D0, $0x38;
	[tilespmem:$0x16920] =	vst v63  }
0x40b: {  	s14 =	sld [smem:$0x7D3];
	_ =	sdelay $0x1  }
0x40c: {  	s24 =	simm.s32 $0x12990  }
0x40d: {  	[tilespmem:s24], [sflag:$0x4] =	stream.linear.gather [hbm4b:s14+s1], $0x7D0, $0x38;
	[tilespmem:$0x16920] =	vst v63  }
0x40e: {  	_ =	swait.ge [sflag:s23], $0x7D0  }
0x40f: {  	[sflag:s23] =	ssyncset.done $0x0  }
0x410: {  	[sflag:s23] =	ssyncadd.s32 $0xFFFFF830  }
0x411: {  	_ =	swait.ge [sflag:s23], $0x7D0  }
0x412: {  	[sflag:s23] =	ssyncset.done $0x0  }
0x413: {  	[sflag:s23] =	ssyncadd.s32 $0xFFFFF830  }
0x414: {  	_ =	swait.ge [sflag:s23], $0x7D0  }
0x415: {  	[sflag:s23] =	ssyncset.done $0x0  }
0x416: {  	s24 =	simm.s32 $0xE380;
	[sflag:s23] =	ssyncadd.s32 $0xFFFFF830  }
0x417: {  	v0 =	vld [tilespmem:s24+$0x30]  }
0x418: {  	v1 =	vld [tilespmem:s24+$0xFFFFFFD0]  }
0x419: {  	v2 =	vld [tilespmem:s24+$0xFFFFFFE0]  }
0x41a: {  	v3 =	vld [tilespmem:s24+$0xFFFFFFF0]  }
0x41b: {  	v4 =	vld [tilespmem:s24+$0x0]  }
0x41c: {  	v6 =	vld [tilespmem:s24+$0x10]  }
0x41d: {  	v8 =	vld [tilespmem:s24+$0x20]  }
0x41e: {  	vm5 =	vgt.s32 v0, $0xC3FF;
	v5 =	vadd.s32 $0xFFFF3C00, v0  }
0x41f: {  	vm3 =	vgt.s32 v1, $0xC3FF;
	v7 =	vadd.s32 $0xFFFF3C00, v1;
	vm7 =	vgt.s32 v2, $0xC3FF  }
0x420: {  	vm6 =	vgt.s32 v3, $0xC3FF;
	vm4 =	vgt.s32 v4, $0xC3FF;
	v0 =	vsel vm5, v5, v0  }
0x421: {  	vm1 =	vgt.s32 v6, $0xC3FF;
	v5 =	vld [tilespmem:s24+$0xFFFFFFC0];
	v1 =	vsel vm3, v7, v1;
	v7 =	vadd.s32 $0xFFFF3C00, v2  }
0x422: {  	vm0 =	vgt.s32 v8, $0xC3FF;
	v2 =	vsel vm7, v7, v2;
	v7 =	vadd.s32 $0xFFFF3C00, v3  }
0x423: {  	v9 =	vadd.s32 $0xFFFF3C00, v8;
	s24 =	simm.s32 $0x14140;
	v3 =	vsel vm6, v7, v3;
	v7 =	vadd.s32 $0xFFFF3C00, v4  }
0x424: {  	s14 =	simm.s32 $0x0;
	v8 =	vsel vm0, v9, v8;
	v9 =	vld [tilespmem:s24+$0x30];
	v4 =	vsel vm4, v7, v4;
	v7 =	vadd.s32 $0xFFFF3C00, v6  }
0x425: {  	v6 =	vsel vm1, v7, v6;
	v0 =	vld.idx.msk [tilespmem:v0+s14+$0x0], $0xffff  }
0x426: {  	vm2 =	vgt.s32 v5, $0xC3FF;
	v7 =	vadd.s32 $0xFFFF3C00, v5;
	v1 =	vld.idx.msk [tilespmem:v1+s14+$0x0], $0xffff  }
0x427: {  	v5 =	vsel vm2, v7, v5;
	v7 =	vld.idx.msk [tilespmem:v2+s14+$0x0], $0xffff  }
0x428: {  	v10 =	vld.idx.msk [tilespmem:v3+s14+$0x0], $0xffff  }
0x429: {  	v11 =	vld.idx.msk [tilespmem:v4+s14+$0x0], $0xffff  }
0x42a: {  	v12 =	vld.idx.msk [tilespmem:v6+s14+$0x0], $0xffff;
	v3 =	vand.u32 $0xFFFF0000, v0  }
0x42b: {  	v0 =	vshll.u32 v0, $0x10;
	v4 =	vand.u32 $0xFFFF0000, v1;
	v6 =	vshll.u32 v1, $0x10;
	v1 =	vld.idx.msk [tilespmem:v8+s14+$0x0], $0xffff  }
0x42c: {  	v2 =	vld.idx.msk [tilespmem:v5+s14+$0x0], $0xffff;
	v0 =	vsel vm5, v3, v0;
	v3 =	vand.u32 $0xFFFF0000, v7  }
0x42d: {  	v7 =	vshll.u32 v7, $0x10;
	v5 =	vld [tilespmem:s24+$0xFFFFFFC0];
	v4 =	vsel vm3, v4, v6;
	v0 =	vmul.f32 v0, v9  }
0x42e: {  	v3 =	vsel vm7, v3, v7;
	v7 =	vld [tilespmem:s24+$0xFFFFFFD0];
	v6 =	vand.u32 $0xFFFF0000, v10;
	v9 =	vshll.u32 v10, $0x10  }
0x42f: {  	v8 =	vld [tilespmem:s24+$0xFFFFFFE0];
	v6 =	vsel vm6, v6, v9;
	v10 =	vand.u32 $0xFFFF0000, v11;
	v11 =	vshll.u32 v11, $0x10  }
0x430: {  	s29 =	simm.s32 $0x0;
	s30 =	simm.s32 $0xE400;
	s10 =	simm.s32 $0x14140;
	v9 =	vld [tilespmem:s24+$0xFFFFFFF0];
	[tilespmem:s24+$0x30] =	vst v0;
	v0 =	vsel vm4, v10, v11;
	v10 =	vand.u32 $0xFFFF0000, v12;
	v11 =	vshll.u32 v12, $0x10  }
.LBB2_42:
0x431: {  	v12 =	vld [tilespmem:s30+$0x30];
	s29 =	sadd.s32 $0x8, s29;
	v13 =	vand.u32 $0xFFFF0000, v2;
	v2 =	vshll.u32 v2, $0x10;
	v10 =	vsel vm1, v10, v11  }
0x432: {  	v11 =	vld [tilespmem:s30+$0xFFFFFFD0];
	p0 =	slt.u32 s29, $0x70;
	v2 =	vsel vm2, v13, v2;
	v13 =	vand.u32 $0xFFFF0000, v1;
	v1 =	vshll.u32 v1, $0x10  }
0x433: {  	v14 =	vld [tilespmem:s30+$0xFFFFFFE0];
	v2 =	vmul.f32 v2, v5;
	v4 =	vmul.f32 v4, v7;
	v1 =	vsel vm0, v13, v1  }
0x434: {  	v5 =	vld [tilespmem:s30+$0xFFFFFFF0];
	v3 =	vmul.f32 v3, v8  }
0x435: {  	v7 =	vld [tilespmem:s30+$0x0];
	[tilespmem:s24+$0xFFFFFFC0] =	vst v2;
	v2 =	vmul.f32 v6, v9  }
0x436: {  	v6 =	vld [tilespmem:s30+$0x10];
	vm6 =	vgt.s32 v12, $0xC3FF;
	v8 =	vadd.s32 $0xFFFF3C00, v12;
	[tilespmem:s24+$0xFFFFFFD0] =	vst v4  }
0x437: {  	vm3 =	vgt.s32 v11, $0xC3FF;
	v4 =	vadd.s32 $0xFFFF3C00, v11;
	v9 =	vld [tilespmem:s30+$0x20];
	v8 =	vsel vm6, v8, v12;
	[tilespmem:s24+$0xFFFFFFE0] =	vst v3  }
0x438: {  	v3 =	vld [tilespmem:s30+$0xFFFFFFC0];
	v4 =	vsel vm3, v4, v11;
	vm7 =	vgt.s32 v14, $0xC3FF;
	v11 =	vadd.s32 $0xFFFF3C00, v14;
	[tilespmem:s24+$0xFFFFFFF0] =	vst v2  }
0x439: {  	v2 =	vsel vm7, v11, v14;
	vm4 =	vgt.s32 v5, $0xC3FF;
	v11 =	vadd.s32 $0xFFFF3C00, v5;
	v12 =	vld [tilespmem:s24+$0x0]  }
0x43a: {  	v5 =	vsel vm4, v11, v5;
	vm5 =	vgt.s32 v7, $0xC3FF;
	v11 =	vadd.s32 $0xFFFF3C00, v7;
	v13 =	vld [tilespmem:s24+$0x10]  }
0x43b: {  	v7 =	vsel vm5, v11, v7;
	vm1 =	vgt.s32 v6, $0xC3FF;
	v11 =	vadd.s32 $0xFFFF3C00, v6;
	v14 =	vld [tilespmem:s24+$0x20]  }
0x43c: {  	v6 =	vsel vm1, v11, v6;
	vm0 =	vgt.s32 v9, $0xC3FF;
	v11 =	vadd.s32 $0xFFFF3C00, v9;
	v8 =	vld.idx.msk [tilespmem:v8+s14+$0x0], $0xffff  }
0x43d: {  	vm2 =	vgt.s32 v3, $0xC3FF;
	v15 =	vadd.s32 $0xFFFF3C00, v3;
	v4 =	vld.idx.msk [tilespmem:v4+s14+$0x0], $0xffff;
	v9 =	vsel vm0, v11, v9  }
0x43e: {  	s24 =	sadd.s32 $0x80, s24;
	v3 =	vsel vm2, v15, v3;
	v11 =	vld.idx.msk [tilespmem:v2+s14+$0x0], $0xffff;
	v0 =	vmul.f32 v0, v12  }
0x43f: {  	v12 =	vld [tilespmem:s24+$0x30];
	v2 =	vmul.f32 v10, v13  }
0x440: {  	v10 =	vld.idx.msk [tilespmem:v5+s14+$0x0], $0xffff;
	[tilespmem:s10+$0x0] =	vst v0;
	v0 =	vmul.f32 v1, v14  }
0x441: {  	v13 =	vld.idx.msk [tilespmem:v7+s14+$0x0], $0xffff;
	[tilespmem:s10+$0x10] =	vst v2  }
0x442: {  	v1 =	vand.u32 $0xFFFF0000, v8;
	v5 =	vshll.u32 v8, $0x10;
	v14 =	vld.idx.msk [tilespmem:v6+s14+$0x0], $0xffff;
	[tilespmem:s10+$0x20] =	vst v0;
	s10 =	smov.u32 s24  }
0x443: {  	v0 =	vand.u32 $0xFFFF0000, v4;
	v2 =	vld.idx.msk [tilespmem:v3+s14+$0x0], $0xffff;
	v3 =	vshll.u32 v4, $0x10;
	v4 =	vsel vm6, v1, v5  }
.Ltmp20:
0x444: {  	v6 =	vand.u32 $0xFFFF0000, v11;
	v7 =	vshll.u32 v11, $0x10;
	v1 =	vld.idx.msk [tilespmem:v9+s14+$0x0], $0xffff;
	v8 =	vmul.f32 v4, v12;
	(pc) =	sbr.rel @p0 .LBB2_42-.Ltmp20, $4  }
0x445: {  	v4 =	vsel vm3, v0, v3;
	v3 =	vsel vm7, v6, v7;
	v5 =	vld [tilespmem:s24+$0xFFFFFFC0]  }
0x446: {  	v0 =	vand.u32 $0xFFFF0000, v10;
	v6 =	vshll.u32 v10, $0x10;
	v7 =	vld [tilespmem:s24+$0xFFFFFFD0];
	[tilespmem:s24+$0x30] =	vst v8  }
0x447: {  	v6 =	vsel vm4, v0, v6;
	v0 =	vand.u32 $0xFFFF0000, v13;
	v10 =	vshll.u32 v13, $0x10;
	v8 =	vld [tilespmem:s24+$0xFFFFFFE0]  }
0x448: {  	s30 =	sadd.s32 $0x80, s30;
	v0 =	vsel vm5, v0, v10;
	v10 =	vand.u32 $0xFFFF0000, v14;
	v11 =	vshll.u32 v14, $0x10;
	v9 =	vld [tilespmem:s24+$0xFFFFFFF0]  }
0x449: {  	v12 =	vand.u32 $0xFFFF0000, v2;
	v56 =	vshll.u32 v2, $0x10  }
0x44a: {  	v57 =	vld [tilespmem:s24+$0x0];
	v2 =	vsel vm2, v12, v56  }
0x44b: {  	v58 =	vld [tilespmem:s24+$0x10];
	v2 =	vmul.f32 v2, v5  }
0x44c: {  	v59 =	vld [tilespmem:s24+$0x20];
	v4 =	vmul.f32 v4, v7  }
0x44d: {  	v3 =	vmul.f32 v3, v8;
	[tilespmem:s24+$0xFFFFFFC0] =	vst v2  }
0x44e: {  	v60 =	vsel vm1, v10, v11;
	v6 =	vmul.f32 v6, v9;
	[tilespmem:s24+$0xFFFFFFD0] =	vst v4  }
0x44f: {  	v61 =	vand.u32 $0xFFFF0000, v1;
	v62 =	vshll.u32 v1, $0x10;
	[tilespmem:s24+$0xFFFFFFE0] =	vst v3;
	v0 =	vmul.f32 v0, v57  }
0x450: {  	v1 =	vsel vm0, v61, v62;
	v2 =	vmul.f32 v60, v58;
	[tilespmem:s24+$0xFFFFFFF0] =	vst v6  }
0x451: {  	v63 =	vmul.f32 v1, v59;
	[tilespmem:s10+$0x0] =	vst v0  }
0x452: {  	[tilespmem:s10+$0x10] =	vst v2  }
0x453: {  	[tilespmem:s10+$0x20] =	vst v63  }
.LBB2_44:
0x454: {  	s10 =	sshra.s32 s14, $0x2  }
0x455: {  	v0 =	vld [tilespmem:s10+$0xEAC0];
	_ =	sdelay $0x4  }
0x456: {  	vm0 =	vgt.s32 v0, $0xC3FF;
	v1 =	vadd.s32 $0xFFFF3C00, v0  }
0x457: {  	v0 =	vsel vm0, v1, v0;
	_ =	sdelay $0x4  }
0x458: {  	v0 =	vld.idx.msk [tilespmem:v0+s1+$0x0], $0xffff;
	_ =	sdelay $0x1  }
0x459: {  	v63 =	vld [tilespmem:s10+$0x14880];
	_ =	sdelay $0x1  }
0x45a: {  	p0 =	sne.s32 s14, $0x100  }
.Ltmp21:
0x45b: {  	v2 =	vand.u32 $0xFFFF0000, v0;
	v0 =	vshll.u32 v0, $0x10;
	(pc) =	sbr.rel @p0 .LBB2_44-.Ltmp21, $3  }
0x45c: {  	v0 =	vsel vm0, v2, v0  }
0x45d: {  	v0 =	vmul.f32 v0, v63;
	_ =	sdelay $0x1  }
0x45e: {  	s14 =	sadd.s32 $0x40, s14;
	[tilespmem:s10+$0x14880] =	vst v0  }
0x45f: {  	[spmem:s15] =	stream.indirect.scatter.add.f32 [tilespmem:s12], [sflag:$0xD], $0x1, s11, s9, $0xb8;
	[tilespmem:$0x16920] =	vst v63  }
0x460: {  	_ =	swait.ge [sflag:s22], $0x7D0  }
0x461: {  	s10 =	sld [smem:$0x7D4]  }
0x462: {  	[sflag:s22] =	ssyncset.done $0x0  }
0x463: {  	s14 =	simm.s32 $0xD3A0;
	s24 =	sld [smem:$0x7D5];
	[sflag:s22] =	ssyncadd.s32 $0xFFFFF830  }
0x464: {  	[tilespmem:s14], [sflag:$0x5] =	stream.linear.gather [hbm4b:s10+s1], $0x7D0, $0x38;
	[tilespmem:$0x16920] =	vst v63  }
0x465: {  	s14 =	sld [smem:$0x7D6]  }
0x466: {  	[tilespmem:s0], [sflag:$0x5] =	stream.linear.gather [hbm4b:s24+s1], $0x7D0, $0x38;
	[tilespmem:$0x16920] =	vst v63  }
0x467: {  	_ = 	snop  }
0x468: {  	[tilespmem:s2], [sflag:$0x5] =	stream.linear.gather [hbm4b:s14+s1], $0x7D0, $0x38;
	[tilespmem:$0x16920] =	vst v63  }
0x469: {  	_ =	swait.ge [sflag:s3], $0x7D0  }
0x46a: {  	[sflag:s3] =	ssyncset.done $0x0  }
0x46b: {  	[sflag:s3] =	ssyncadd.s32 $0xFFFFF830  }
0x46c: {  	_ =	swait.ge [sflag:s3], $0x7D0  }
0x46d: {  	[sflag:s3] =	ssyncset.done $0x0  }
0x46e: {  	[sflag:s3] =	ssyncadd.s32 $0xFFFFF830  }
0x46f: {  	_ =	swait.ge [sflag:s3], $0x7D0  }
0x470: {  	[sflag:s3] =	ssyncset.done $0x0  }
0x471: {  	s24 =	simm.s32 $0xEB50;
	[sflag:s3] =	ssyncadd.s32 $0xFFFFF830  }
0x472: {  	v0 =	vld [tilespmem:s24+$0x30]  }
0x473: {  	v1 =	vld [tilespmem:s24+$0xFFFFFFD0]  }
0x474: {  	v2 =	vld [tilespmem:s24+$0xFFFFFFE0]  }
0x475: {  	v3 =	vld [tilespmem:s24+$0xFFFFFFF0]  }
0x476: {  	v4 =	vld [tilespmem:s24+$0x0]  }
0x477: {  	v6 =	vld [tilespmem:s24+$0x10]  }
0x478: {  	v8 =	vld [tilespmem:s24+$0x20]  }
0x479: {  	vm5 =	vgt.s32 v0, $0xC3FF;
	v5 =	vadd.s32 $0xFFFF3C00, v0  }
0x47a: {  	vm3 =	vgt.s32 v1, $0xC3FF;
	v7 =	vadd.s32 $0xFFFF3C00, v1;
	vm7 =	vgt.s32 v2, $0xC3FF  }
0x47b: {  	vm6 =	vgt.s32 v3, $0xC3FF;
	vm4 =	vgt.s32 v4, $0xC3FF;
	v0 =	vsel vm5, v5, v0  }
0x47c: {  	vm1 =	vgt.s32 v6, $0xC3FF;
	v5 =	vld [tilespmem:s24+$0xFFFFFFC0];
	v1 =	vsel vm3, v7, v1;
	v7 =	vadd.s32 $0xFFFF3C00, v2  }
0x47d: {  	vm0 =	vgt.s32 v8, $0xC3FF;
	v2 =	vsel vm7, v7, v2;
	v7 =	vadd.s32 $0xFFFF3C00, v3  }
0x47e: {  	v9 =	vadd.s32 $0xFFFF3C00, v8;
	s24 =	simm.s32 $0x14910;
	v3 =	vsel vm6, v7, v3;
	v7 =	vadd.s32 $0xFFFF3C00, v4  }
0x47f: {  	s14 =	simm.s32 $0x0;
	v8 =	vsel vm0, v9, v8;
	v9 =	vld [tilespmem:s24+$0x30];
	v4 =	vsel vm4, v7, v4;
	v7 =	vadd.s32 $0xFFFF3C00, v6  }
0x480: {  	v6 =	vsel vm1, v7, v6;
	v0 =	vld.idx.msk [tilespmem:v0+s14+$0x0], $0xffff  }
0x481: {  	vm2 =	vgt.s32 v5, $0xC3FF;
	v7 =	vadd.s32 $0xFFFF3C00, v5;
	v1 =	vld.idx.msk [tilespmem:v1+s14+$0x0], $0xffff  }
0x482: {  	v5 =	vsel vm2, v7, v5;
	v7 =	vld.idx.msk [tilespmem:v2+s14+$0x0], $0xffff  }
0x483: {  	v10 =	vld.idx.msk [tilespmem:v3+s14+$0x0], $0xffff  }
0x484: {  	v11 =	vld.idx.msk [tilespmem:v4+s14+$0x0], $0xffff  }
0x485: {  	v12 =	vld.idx.msk [tilespmem:v6+s14+$0x0], $0xffff;
	v3 =	vand.u32 $0xFFFF0000, v0  }
0x486: {  	v0 =	vshll.u32 v0, $0x10;
	v4 =	vand.u32 $0xFFFF0000, v1;
	v6 =	vshll.u32 v1, $0x10;
	v1 =	vld.idx.msk [tilespmem:v8+s14+$0x0], $0xffff  }
0x487: {  	v2 =	vld.idx.msk [tilespmem:v5+s14+$0x0], $0xffff;
	v0 =	vsel vm5, v3, v0;
	v3 =	vand.u32 $0xFFFF0000, v7  }
0x488: {  	v7 =	vshll.u32 v7, $0x10;
	v5 =	vld [tilespmem:s24+$0xFFFFFFC0];
	v4 =	vsel vm3, v4, v6;
	v0 =	vmul.f32 v0, v9  }
0x489: {  	v3 =	vsel vm7, v3, v7;
	v7 =	vld [tilespmem:s24+$0xFFFFFFD0];
	v6 =	vand.u32 $0xFFFF0000, v10;
	v9 =	vshll.u32 v10, $0x10  }
0x48a: {  	v8 =	vld [tilespmem:s24+$0xFFFFFFE0];
	v6 =	vsel vm6, v6, v9;
	v10 =	vand.u32 $0xFFFF0000, v11;
	v11 =	vshll.u32 v11, $0x10  }
0x48b: {  	s29 =	simm.s32 $0x0;
	s30 =	simm.s32 $0xEBD0;
	s10 =	simm.s32 $0x14910;
	v9 =	vld [tilespmem:s24+$0xFFFFFFF0];
	[tilespmem:s24+$0x30] =	vst v0;
	v0 =	vsel vm4, v10, v11;
	v10 =	vand.u32 $0xFFFF0000, v12;
	v11 =	vshll.u32 v12, $0x10  }
.LBB2_46:
0x48c: {  	v12 =	vld [tilespmem:s30+$0x30];
	s29 =	sadd.s32 $0x8, s29;
	v13 =	vand.u32 $0xFFFF0000, v2;
	v2 =	vshll.u32 v2, $0x10;
	v10 =	vsel vm1, v10, v11  }
0x48d: {  	v11 =	vld [tilespmem:s30+$0xFFFFFFD0];
	p0 =	slt.u32 s29, $0x70;
	v2 =	vsel vm2, v13, v2;
	v13 =	vand.u32 $0xFFFF0000, v1;
	v1 =	vshll.u32 v1, $0x10  }
0x48e: {  	v14 =	vld [tilespmem:s30+$0xFFFFFFE0];
	v2 =	vmul.f32 v2, v5;
	v4 =	vmul.f32 v4, v7;
	v1 =	vsel vm0, v13, v1  }
0x48f: {  	v5 =	vld [tilespmem:s30+$0xFFFFFFF0];
	v3 =	vmul.f32 v3, v8  }
0x490: {  	v7 =	vld [tilespmem:s30+$0x0];
	[tilespmem:s24+$0xFFFFFFC0] =	vst v2;
	v2 =	vmul.f32 v6, v9  }
0x491: {  	v6 =	vld [tilespmem:s30+$0x10];
	vm6 =	vgt.s32 v12, $0xC3FF;
	v8 =	vadd.s32 $0xFFFF3C00, v12;
	[tilespmem:s24+$0xFFFFFFD0] =	vst v4  }
0x492: {  	vm3 =	vgt.s32 v11, $0xC3FF;
	v4 =	vadd.s32 $0xFFFF3C00, v11;
	v9 =	vld [tilespmem:s30+$0x20];
	v8 =	vsel vm6, v8, v12;
	[tilespmem:s24+$0xFFFFFFE0] =	vst v3  }
0x493: {  	v3 =	vld [tilespmem:s30+$0xFFFFFFC0];
	v4 =	vsel vm3, v4, v11;
	vm7 =	vgt.s32 v14, $0xC3FF;
	v11 =	vadd.s32 $0xFFFF3C00, v14;
	[tilespmem:s24+$0xFFFFFFF0] =	vst v2  }
0x494: {  	v2 =	vsel vm7, v11, v14;
	vm4 =	vgt.s32 v5, $0xC3FF;
	v11 =	vadd.s32 $0xFFFF3C00, v5;
	v12 =	vld [tilespmem:s24+$0x0]  }
0x495: {  	v5 =	vsel vm4, v11, v5;
	vm5 =	vgt.s32 v7, $0xC3FF;
	v11 =	vadd.s32 $0xFFFF3C00, v7;
	v13 =	vld [tilespmem:s24+$0x10]  }
0x496: {  	v7 =	vsel vm5, v11, v7;
	vm1 =	vgt.s32 v6, $0xC3FF;
	v11 =	vadd.s32 $0xFFFF3C00, v6;
	v14 =	vld [tilespmem:s24+$0x20]  }
0x497: {  	v6 =	vsel vm1, v11, v6;
	vm0 =	vgt.s32 v9, $0xC3FF;
	v11 =	vadd.s32 $0xFFFF3C00, v9;
	v8 =	vld.idx.msk [tilespmem:v8+s14+$0x0], $0xffff  }
0x498: {  	vm2 =	vgt.s32 v3, $0xC3FF;
	v15 =	vadd.s32 $0xFFFF3C00, v3;
	v4 =	vld.idx.msk [tilespmem:v4+s14+$0x0], $0xffff;
	v9 =	vsel vm0, v11, v9  }
0x499: {  	s24 =	sadd.s32 $0x80, s24;
	v3 =	vsel vm2, v15, v3;
	v11 =	vld.idx.msk [tilespmem:v2+s14+$0x0], $0xffff;
	v0 =	vmul.f32 v0, v12  }
0x49a: {  	v12 =	vld [tilespmem:s24+$0x30];
	v2 =	vmul.f32 v10, v13  }
0x49b: {  	v10 =	vld.idx.msk [tilespmem:v5+s14+$0x0], $0xffff;
	[tilespmem:s10+$0x0] =	vst v0;
	v0 =	vmul.f32 v1, v14  }
0x49c: {  	v13 =	vld.idx.msk [tilespmem:v7+s14+$0x0], $0xffff;
	[tilespmem:s10+$0x10] =	vst v2  }
0x49d: {  	v1 =	vand.u32 $0xFFFF0000, v8;
	v5 =	vshll.u32 v8, $0x10;
	v14 =	vld.idx.msk [tilespmem:v6+s14+$0x0], $0xffff;
	[tilespmem:s10+$0x20] =	vst v0;
	s10 =	smov.u32 s24  }
0x49e: {  	v0 =	vand.u32 $0xFFFF0000, v4;
	v2 =	vld.idx.msk [tilespmem:v3+s14+$0x0], $0xffff;
	v3 =	vshll.u32 v4, $0x10;
	v4 =	vsel vm6, v1, v5  }
.Ltmp22:
0x49f: {  	v6 =	vand.u32 $0xFFFF0000, v11;
	v7 =	vshll.u32 v11, $0x10;
	v1 =	vld.idx.msk [tilespmem:v9+s14+$0x0], $0xffff;
	v8 =	vmul.f32 v4, v12;
	(pc) =	sbr.rel @p0 .LBB2_46-.Ltmp22, $4  }
0x4a0: {  	v4 =	vsel vm3, v0, v3;
	v3 =	vsel vm7, v6, v7;
	v5 =	vld [tilespmem:s24+$0xFFFFFFC0]  }
0x4a1: {  	v0 =	vand.u32 $0xFFFF0000, v10;
	v6 =	vshll.u32 v10, $0x10;
	v7 =	vld [tilespmem:s24+$0xFFFFFFD0];
	[tilespmem:s24+$0x30] =	vst v8  }
0x4a2: {  	v6 =	vsel vm4, v0, v6;
	v0 =	vand.u32 $0xFFFF0000, v13;
	v10 =	vshll.u32 v13, $0x10;
	v8 =	vld [tilespmem:s24+$0xFFFFFFE0]  }
0x4a3: {  	s30 =	sadd.s32 $0x80, s30;
	v0 =	vsel vm5, v0, v10;
	v10 =	vand.u32 $0xFFFF0000, v14;
	v11 =	vshll.u32 v14, $0x10;
	v9 =	vld [tilespmem:s24+$0xFFFFFFF0]  }
0x4a4: {  	v12 =	vand.u32 $0xFFFF0000, v2;
	v56 =	vshll.u32 v2, $0x10  }
0x4a5: {  	v57 =	vld [tilespmem:s24+$0x0];
	v2 =	vsel vm2, v12, v56  }
0x4a6: {  	v58 =	vld [tilespmem:s24+$0x10];
	v2 =	vmul.f32 v2, v5  }
0x4a7: {  	v59 =	vld [tilespmem:s24+$0x20];
	v4 =	vmul.f32 v4, v7  }
0x4a8: {  	v3 =	vmul.f32 v3, v8;
	[tilespmem:s24+$0xFFFFFFC0] =	vst v2  }
0x4a9: {  	v60 =	vsel vm1, v10, v11;
	v6 =	vmul.f32 v6, v9;
	[tilespmem:s24+$0xFFFFFFD0] =	vst v4  }
0x4aa: {  	v61 =	vand.u32 $0xFFFF0000, v1;
	v62 =	vshll.u32 v1, $0x10;
	[tilespmem:s24+$0xFFFFFFE0] =	vst v3;
	v0 =	vmul.f32 v0, v57  }
0x4ab: {  	v1 =	vsel vm0, v61, v62;
	v2 =	vmul.f32 v60, v58;
	[tilespmem:s24+$0xFFFFFFF0] =	vst v6  }
0x4ac: {  	v63 =	vmul.f32 v1, v59;
	[tilespmem:s10+$0x0] =	vst v0  }
0x4ad: {  	[tilespmem:s10+$0x10] =	vst v2  }
0x4ae: {  	[tilespmem:s10+$0x20] =	vst v63  }
.LBB2_48:
0x4af: {  	s10 =	sshra.s32 s14, $0x2  }
0x4b0: {  	v0 =	vld [tilespmem:s10+$0xF290];
	_ =	sdelay $0x4  }
0x4b1: {  	vm0 =	vgt.s32 v0, $0xC3FF;
	v1 =	vadd.s32 $0xFFFF3C00, v0  }
0x4b2: {  	v0 =	vsel vm0, v1, v0;
	_ =	sdelay $0x4  }
0x4b3: {  	v0 =	vld.idx.msk [tilespmem:v0+s1+$0x0], $0xffff;
	_ =	sdelay $0x1  }
0x4b4: {  	v63 =	vld [tilespmem:s10+$0x15050];
	_ =	sdelay $0x1  }
0x4b5: {  	p0 =	sne.s32 s14, $0x100  }
.Ltmp23:
0x4b6: {  	v2 =	vand.u32 $0xFFFF0000, v0;
	v0 =	vshll.u32 v0, $0x10;
	(pc) =	sbr.rel @p0 .LBB2_48-.Ltmp23, $3  }
0x4b7: {  	v0 =	vsel vm0, v2, v0  }
0x4b8: {  	v0 =	vmul.f32 v0, v63;
	_ =	sdelay $0x1  }
0x4b9: {  	s14 =	sadd.s32 $0x40, s14;
	[tilespmem:s10+$0x15050] =	vst v0  }
0x4ba: {  	[spmem:s15] =	stream.indirect.scatter.add.f32 [tilespmem:s17], [sflag:$0xE], $0x1, s16, s9, $0xb8;
	[tilespmem:$0x16920] =	vst v63  }
0x4bb: {  	_ =	swait.ge [sflag:s4], $0x7D0  }
0x4bc: {  	s10 =	sld [smem:$0x7D7]  }
0x4bd: {  	[sflag:s4] =	ssyncset.done $0x0  }
0x4be: {  	s14 =	simm.s32 $0xDB70;
	s24 =	sld [smem:$0x7D8];
	[sflag:s4] =	ssyncadd.s32 $0xFFFFF830  }
0x4bf: {  	[tilespmem:s14], [sflag:$0x6] =	stream.linear.gather [hbm4b:s10+s1], $0x7D0, $0x38;
	[tilespmem:$0x16920] =	vst v63  }
0x4c0: {  	s14 =	sld [smem:$0x7D9]  }
0x4c1: {  	[tilespmem:s6], [sflag:$0x6] =	stream.linear.gather [hbm4b:s24+s1], $0x7D0, $0x38;
	[tilespmem:$0x16920] =	vst v63  }
0x4c2: {  	_ = 	snop  }
0x4c3: {  	[tilespmem:s7], [sflag:$0x6] =	stream.linear.gather [hbm4b:s14+s1], $0x7D0, $0x38;
	[tilespmem:$0x16920] =	vst v63  }
0x4c4: {  	_ =	swait.ge [sflag:s8], $0x7D0  }
0x4c5: {  	[sflag:s8] =	ssyncset.done $0x0  }
0x4c6: {  	[sflag:s8] =	ssyncadd.s32 $0xFFFFF830  }
0x4c7: {  	_ =	swait.ge [sflag:s8], $0x7D0  }
0x4c8: {  	[sflag:s8] =	ssyncset.done $0x0  }
0x4c9: {  	[sflag:s8] =	ssyncadd.s32 $0xFFFFF830  }
0x4ca: {  	_ =	swait.ge [sflag:s8], $0x7D0  }
0x4cb: {  	[sflag:s8] =	ssyncset.done $0x0  }
0x4cc: {  	s24 =	simm.s32 $0xC440;
	[sflag:s8] =	ssyncadd.s32 $0xFFFFF830  }
0x4cd: {  	v0 =	vld [tilespmem:s24+$0x30]  }
0x4ce: {  	v1 =	vld [tilespmem:s24+$0xFFFFFFD0]  }
0x4cf: {  	v2 =	vld [tilespmem:s24+$0xFFFFFFE0]  }
0x4d0: {  	v3 =	vld [tilespmem:s24+$0xFFFFFFF0]  }
0x4d1: {  	v4 =	vld [tilespmem:s24+$0x0]  }
0x4d2: {  	v6 =	vld [tilespmem:s24+$0x10]  }
0x4d3: {  	v8 =	vld [tilespmem:s24+$0x20]  }
0x4d4: {  	vm5 =	vgt.s32 v0, $0xC3FF;
	v5 =	vadd.s32 $0xFFFF3C00, v0  }
0x4d5: {  	vm3 =	vgt.s32 v1, $0xC3FF;
	v7 =	vadd.s32 $0xFFFF3C00, v1;
	vm7 =	vgt.s32 v2, $0xC3FF  }
0x4d6: {  	vm6 =	vgt.s32 v3, $0xC3FF;
	vm4 =	vgt.s32 v4, $0xC3FF;
	v0 =	vsel vm5, v5, v0  }
0x4d7: {  	vm1 =	vgt.s32 v6, $0xC3FF;
	v5 =	vld [tilespmem:s24+$0xFFFFFFC0];
	v1 =	vsel vm3, v7, v1;
	v7 =	vadd.s32 $0xFFFF3C00, v2  }
0x4d8: {  	vm0 =	vgt.s32 v8, $0xC3FF;
	v2 =	vsel vm7, v7, v2;
	v7 =	vadd.s32 $0xFFFF3C00, v3  }
0x4d9: {  	v9 =	vadd.s32 $0xFFFF3C00, v8;
	s24 =	simm.s32 $0x12200;
	v3 =	vsel vm6, v7, v3;
	v7 =	vadd.s32 $0xFFFF3C00, v4  }
0x4da: {  	s14 =	simm.s32 $0x0;
	v8 =	vsel vm0, v9, v8;
	v9 =	vld [tilespmem:s24+$0x30];
	v4 =	vsel vm4, v7, v4;
	v7 =	vadd.s32 $0xFFFF3C00, v6  }
0x4db: {  	v6 =	vsel vm1, v7, v6;
	v0 =	vld.idx.msk [tilespmem:v0+s14+$0x0], $0xffff  }
0x4dc: {  	vm2 =	vgt.s32 v5, $0xC3FF;
	v7 =	vadd.s32 $0xFFFF3C00, v5;
	v1 =	vld.idx.msk [tilespmem:v1+s14+$0x0], $0xffff  }
0x4dd: {  	v5 =	vsel vm2, v7, v5;
	v7 =	vld.idx.msk [tilespmem:v2+s14+$0x0], $0xffff  }
0x4de: {  	v10 =	vld.idx.msk [tilespmem:v3+s14+$0x0], $0xffff  }
0x4df: {  	v11 =	vld.idx.msk [tilespmem:v4+s14+$0x0], $0xffff  }
0x4e0: {  	v12 =	vld.idx.msk [tilespmem:v6+s14+$0x0], $0xffff;
	v3 =	vand.u32 $0xFFFF0000, v0  }
0x4e1: {  	v0 =	vshll.u32 v0, $0x10;
	v4 =	vand.u32 $0xFFFF0000, v1;
	v6 =	vshll.u32 v1, $0x10;
	v1 =	vld.idx.msk [tilespmem:v8+s14+$0x0], $0xffff  }
0x4e2: {  	v2 =	vld.idx.msk [tilespmem:v5+s14+$0x0], $0xffff;
	v0 =	vsel vm5, v3, v0;
	v3 =	vand.u32 $0xFFFF0000, v7  }
0x4e3: {  	v7 =	vshll.u32 v7, $0x10;
	v5 =	vld [tilespmem:s24+$0xFFFFFFC0];
	v4 =	vsel vm3, v4, v6;
	v0 =	vmul.f32 v0, v9  }
0x4e4: {  	v3 =	vsel vm7, v3, v7;
	v7 =	vld [tilespmem:s24+$0xFFFFFFD0];
	v6 =	vand.u32 $0xFFFF0000, v10;
	v9 =	vshll.u32 v10, $0x10  }
0x4e5: {  	v8 =	vld [tilespmem:s24+$0xFFFFFFE0];
	v6 =	vsel vm6, v6, v9;
	v10 =	vand.u32 $0xFFFF0000, v11;
	v11 =	vshll.u32 v11, $0x10  }
0x4e6: {  	s29 =	simm.s32 $0x0;
	s30 =	simm.s32 $0xC4C0;
	s10 =	simm.s32 $0x12200;
	v9 =	vld [tilespmem:s24+$0xFFFFFFF0];
	[tilespmem:s24+$0x30] =	vst v0;
	v0 =	vsel vm4, v10, v11;
	v10 =	vand.u32 $0xFFFF0000, v12;
	v11 =	vshll.u32 v12, $0x10  }
.LBB2_50:
0x4e7: {  	v12 =	vld [tilespmem:s30+$0x30];
	s29 =	sadd.s32 $0x8, s29;
	v13 =	vand.u32 $0xFFFF0000, v2;
	v2 =	vshll.u32 v2, $0x10;
	v10 =	vsel vm1, v10, v11  }
0x4e8: {  	v11 =	vld [tilespmem:s30+$0xFFFFFFD0];
	p0 =	slt.u32 s29, $0x70;
	v2 =	vsel vm2, v13, v2;
	v13 =	vand.u32 $0xFFFF0000, v1;
	v1 =	vshll.u32 v1, $0x10  }
0x4e9: {  	v14 =	vld [tilespmem:s30+$0xFFFFFFE0];
	v2 =	vmul.f32 v2, v5;
	v4 =	vmul.f32 v4, v7;
	v1 =	vsel vm0, v13, v1  }
0x4ea: {  	v5 =	vld [tilespmem:s30+$0xFFFFFFF0];
	v3 =	vmul.f32 v3, v8  }
0x4eb: {  	v7 =	vld [tilespmem:s30+$0x0];
	[tilespmem:s24+$0xFFFFFFC0] =	vst v2;
	v2 =	vmul.f32 v6, v9  }
0x4ec: {  	v6 =	vld [tilespmem:s30+$0x10];
	vm6 =	vgt.s32 v12, $0xC3FF;
	v8 =	vadd.s32 $0xFFFF3C00, v12;
	[tilespmem:s24+$0xFFFFFFD0] =	vst v4  }
0x4ed: {  	vm3 =	vgt.s32 v11, $0xC3FF;
	v4 =	vadd.s32 $0xFFFF3C00, v11;
	v9 =	vld [tilespmem:s30+$0x20];
	v8 =	vsel vm6, v8, v12;
	[tilespmem:s24+$0xFFFFFFE0] =	vst v3  }
0x4ee: {  	v3 =	vld [tilespmem:s30+$0xFFFFFFC0];
	v4 =	vsel vm3, v4, v11;
	vm7 =	vgt.s32 v14, $0xC3FF;
	v11 =	vadd.s32 $0xFFFF3C00, v14;
	[tilespmem:s24+$0xFFFFFFF0] =	vst v2  }
0x4ef: {  	v2 =	vsel vm7, v11, v14;
	vm4 =	vgt.s32 v5, $0xC3FF;
	v11 =	vadd.s32 $0xFFFF3C00, v5;
	v12 =	vld [tilespmem:s24+$0x0]  }
0x4f0: {  	v5 =	vsel vm4, v11, v5;
	vm5 =	vgt.s32 v7, $0xC3FF;
	v11 =	vadd.s32 $0xFFFF3C00, v7;
	v13 =	vld [tilespmem:s24+$0x10]  }
0x4f1: {  	v7 =	vsel vm5, v11, v7;
	vm1 =	vgt.s32 v6, $0xC3FF;
	v11 =	vadd.s32 $0xFFFF3C00, v6;
	v14 =	vld [tilespmem:s24+$0x20]  }
0x4f2: {  	v6 =	vsel vm1, v11, v6;
	vm0 =	vgt.s32 v9, $0xC3FF;
	v11 =	vadd.s32 $0xFFFF3C00, v9;
	v8 =	vld.idx.msk [tilespmem:v8+s14+$0x0], $0xffff  }
0x4f3: {  	vm2 =	vgt.s32 v3, $0xC3FF;
	v15 =	vadd.s32 $0xFFFF3C00, v3;
	v4 =	vld.idx.msk [tilespmem:v4+s14+$0x0], $0xffff;
	v9 =	vsel vm0, v11, v9  }
0x4f4: {  	s24 =	sadd.s32 $0x80, s24;
	v3 =	vsel vm2, v15, v3;
	v11 =	vld.idx.msk [tilespmem:v2+s14+$0x0], $0xffff;
	v0 =	vmul.f32 v0, v12  }
0x4f5: {  	v12 =	vld [tilespmem:s24+$0x30];
	v2 =	vmul.f32 v10, v13  }
0x4f6: {  	v10 =	vld.idx.msk [tilespmem:v5+s14+$0x0], $0xffff;
	[tilespmem:s10+$0x0] =	vst v0;
	v0 =	vmul.f32 v1, v14  }
0x4f7: {  	v13 =	vld.idx.msk [tilespmem:v7+s14+$0x0], $0xffff;
	[tilespmem:s10+$0x10] =	vst v2  }
0x4f8: {  	v1 =	vand.u32 $0xFFFF0000, v8;
	v5 =	vshll.u32 v8, $0x10;
	v14 =	vld.idx.msk [tilespmem:v6+s14+$0x0], $0xffff;
	[tilespmem:s10+$0x20] =	vst v0;
	s10 =	smov.u32 s24  }
0x4f9: {  	v0 =	vand.u32 $0xFFFF0000, v4;
	v2 =	vld.idx.msk [tilespmem:v3+s14+$0x0], $0xffff;
	v3 =	vshll.u32 v4, $0x10;
	v4 =	vsel vm6, v1, v5  }
.Ltmp24:
0x4fa: {  	v6 =	vand.u32 $0xFFFF0000, v11;
	v7 =	vshll.u32 v11, $0x10;
	v1 =	vld.idx.msk [tilespmem:v9+s14+$0x0], $0xffff;
	v8 =	vmul.f32 v4, v12;
	(pc) =	sbr.rel @p0 .LBB2_50-.Ltmp24, $4  }
0x4fb: {  	v4 =	vsel vm3, v0, v3;
	v3 =	vsel vm7, v6, v7;
	v5 =	vld [tilespmem:s24+$0xFFFFFFC0]  }
0x4fc: {  	v0 =	vand.u32 $0xFFFF0000, v10;
	v6 =	vshll.u32 v10, $0x10;
	v7 =	vld [tilespmem:s24+$0xFFFFFFD0];
	[tilespmem:s24+$0x30] =	vst v8  }
0x4fd: {  	v6 =	vsel vm4, v0, v6;
	v0 =	vand.u32 $0xFFFF0000, v13;
	v10 =	vshll.u32 v13, $0x10;
	v8 =	vld [tilespmem:s24+$0xFFFFFFE0]  }
0x4fe: {  	s30 =	sadd.s32 $0x80, s30;
	v0 =	vsel vm5, v0, v10;
	v10 =	vand.u32 $0xFFFF0000, v14;
	v11 =	vshll.u32 v14, $0x10;
	v9 =	vld [tilespmem:s24+$0xFFFFFFF0]  }
0x4ff: {  	v12 =	vand.u32 $0xFFFF0000, v2;
	v56 =	vshll.u32 v2, $0x10  }
0x500: {  	v57 =	vld [tilespmem:s24+$0x0];
	v2 =	vsel vm2, v12, v56  }
0x501: {  	v58 =	vld [tilespmem:s24+$0x10];
	v2 =	vmul.f32 v2, v5  }
0x502: {  	v59 =	vld [tilespmem:s24+$0x20];
	v4 =	vmul.f32 v4, v7  }
0x503: {  	v3 =	vmul.f32 v3, v8;
	[tilespmem:s24+$0xFFFFFFC0] =	vst v2  }
0x504: {  	v60 =	vsel vm1, v10, v11;
	v6 =	vmul.f32 v6, v9;
	[tilespmem:s24+$0xFFFFFFD0] =	vst v4  }
0x505: {  	v61 =	vand.u32 $0xFFFF0000, v1;
	v62 =	vshll.u32 v1, $0x10;
	[tilespmem:s24+$0xFFFFFFE0] =	vst v3;
	v0 =	vmul.f32 v0, v57  }
0x506: {  	v1 =	vsel vm0, v61, v62;
	v2 =	vmul.f32 v60, v58;
	[tilespmem:s24+$0xFFFFFFF0] =	vst v6  }
0x507: {  	v63 =	vmul.f32 v1, v59;
	[tilespmem:s10+$0x0] =	vst v0  }
0x508: {  	[tilespmem:s10+$0x10] =	vst v2  }
0x509: {  	[tilespmem:s10+$0x20] =	vst v63  }
.LBB2_52:
0x50a: {  	s10 =	sshra.s32 s14, $0x2  }
0x50b: {  	v0 =	vld [tilespmem:s10+$0xCB80];
	_ =	sdelay $0x4  }
0x50c: {  	vm0 =	vgt.s32 v0, $0xC3FF;
	v1 =	vadd.s32 $0xFFFF3C00, v0  }
0x50d: {  	v0 =	vsel vm0, v1, v0;
	_ =	sdelay $0x4  }
0x50e: {  	v0 =	vld.idx.msk [tilespmem:v0+s1+$0x0], $0xffff;
	_ =	sdelay $0x1  }
0x50f: {  	v63 =	vld [tilespmem:s10+$0x12940];
	_ =	sdelay $0x1  }
0x510: {  	p0 =	sne.s32 s14, $0x100  }
.Ltmp25:
0x511: {  	v2 =	vand.u32 $0xFFFF0000, v0;
	v0 =	vshll.u32 v0, $0x10;
	(pc) =	sbr.rel @p0 .LBB2_52-.Ltmp25, $3  }
0x512: {  	v0 =	vsel vm0, v2, v0  }
0x513: {  	v0 =	vmul.f32 v0, v63;
	_ =	sdelay $0x1  }
0x514: {  	s14 =	sadd.s32 $0x40, s14;
	[tilespmem:s10+$0x12940] =	vst v0  }
0x515: {  	[spmem:s15] =	stream.indirect.scatter.add.f32 [tilespmem:s26], [sflag:$0x9], $0x1, s25, s9, $0xb8;
	[tilespmem:$0x16920] =	vst v63  }
0x516: {  	_ =	swait.ge [sflag:s28], $0x7D0  }
0x517: {  	s10 =	sld [smem:$0x7DA]  }
0x518: {  	[sflag:s28] =	ssyncset.done $0x0  }
0x519: {  	s14 =	simm.s32 $0xE340;
	s24 =	sld [smem:$0x7DB];
	[sflag:s28] =	ssyncadd.s32 $0xFFFFF830  }
0x51a: {  	[tilespmem:s14], [sflag:$0x7] =	stream.linear.gather [hbm4b:s10+s1], $0x7D0, $0x38;
	[tilespmem:$0x16920] =	vst v63  }
0x51b: {  	s14 =	sld [smem:$0x7DC]  }
0x51c: {  	[tilespmem:s11], [sflag:$0x7] =	stream.linear.gather [hbm4b:s24+s1], $0x7D0, $0x38;
	[tilespmem:$0x16920] =	vst v63  }
0x51d: {  	_ = 	snop  }
0x51e: {  	[tilespmem:s12], [sflag:$0x7] =	stream.linear.gather [hbm4b:s14+s1], $0x7D0, $0x38;
	[tilespmem:$0x16920] =	vst v63  }
0x51f: {  	_ =	swait.ge [sflag:s13], $0x7D0  }
0x520: {  	[sflag:s13] =	ssyncset.done $0x0  }
0x521: {  	[sflag:s13] =	ssyncadd.s32 $0xFFFFF830  }
0x522: {  	_ =	swait.ge [sflag:s13], $0x7D0  }
0x523: {  	[sflag:s13] =	ssyncset.done $0x0  }
0x524: {  	[sflag:s13] =	ssyncadd.s32 $0xFFFFF830  }
0x525: {  	_ =	swait.ge [sflag:s13], $0x7D0  }
0x526: {  	[sflag:s13] =	ssyncset.done $0x0  }
0x527: {  	s24 =	simm.s32 $0xCC10;
	[sflag:s13] =	ssyncadd.s32 $0xFFFFF830  }
0x528: {  	v0 =	vld [tilespmem:s24+$0x30]  }
0x529: {  	v1 =	vld [tilespmem:s24+$0xFFFFFFD0]  }
0x52a: {  	v2 =	vld [tilespmem:s24+$0xFFFFFFE0]  }
0x52b: {  	v3 =	vld [tilespmem:s24+$0xFFFFFFF0]  }
0x52c: {  	v4 =	vld [tilespmem:s24+$0x0]  }
0x52d: {  	v6 =	vld [tilespmem:s24+$0x10]  }
0x52e: {  	v8 =	vld [tilespmem:s24+$0x20]  }
0x52f: {  	vm5 =	vgt.s32 v0, $0xC3FF;
	v5 =	vadd.s32 $0xFFFF3C00, v0  }
0x530: {  	vm3 =	vgt.s32 v1, $0xC3FF;
	v7 =	vadd.s32 $0xFFFF3C00, v1;
	vm7 =	vgt.s32 v2, $0xC3FF  }
0x531: {  	vm6 =	vgt.s32 v3, $0xC3FF;
	vm4 =	vgt.s32 v4, $0xC3FF;
	v0 =	vsel vm5, v5, v0  }
0x532: {  	vm1 =	vgt.s32 v6, $0xC3FF;
	v5 =	vld [tilespmem:s24+$0xFFFFFFC0];
	v1 =	vsel vm3, v7, v1;
	v7 =	vadd.s32 $0xFFFF3C00, v2  }
0x533: {  	vm0 =	vgt.s32 v8, $0xC3FF;
	v2 =	vsel vm7, v7, v2;
	v7 =	vadd.s32 $0xFFFF3C00, v3  }
0x534: {  	v9 =	vadd.s32 $0xFFFF3C00, v8;
	s24 =	simm.s32 $0x129D0;
	v3 =	vsel vm6, v7, v3;
	v7 =	vadd.s32 $0xFFFF3C00, v4  }
0x535: {  	s14 =	simm.s32 $0x0;
	v8 =	vsel vm0, v9, v8;
	v9 =	vld [tilespmem:s24+$0x30];
	v4 =	vsel vm4, v7, v4;
	v7 =	vadd.s32 $0xFFFF3C00, v6  }
0x536: {  	v6 =	vsel vm1, v7, v6;
	v0 =	vld.idx.msk [tilespmem:v0+s14+$0x0], $0xffff  }
0x537: {  	vm2 =	vgt.s32 v5, $0xC3FF;
	v7 =	vadd.s32 $0xFFFF3C00, v5;
	v1 =	vld.idx.msk [tilespmem:v1+s14+$0x0], $0xffff  }
0x538: {  	v5 =	vsel vm2, v7, v5;
	v7 =	vld.idx.msk [tilespmem:v2+s14+$0x0], $0xffff  }
0x539: {  	v10 =	vld.idx.msk [tilespmem:v3+s14+$0x0], $0xffff  }
0x53a: {  	v11 =	vld.idx.msk [tilespmem:v4+s14+$0x0], $0xffff  }
0x53b: {  	v12 =	vld.idx.msk [tilespmem:v6+s14+$0x0], $0xffff;
	v3 =	vand.u32 $0xFFFF0000, v0  }
0x53c: {  	v0 =	vshll.u32 v0, $0x10;
	v4 =	vand.u32 $0xFFFF0000, v1;
	v6 =	vshll.u32 v1, $0x10;
	v1 =	vld.idx.msk [tilespmem:v8+s14+$0x0], $0xffff  }
0x53d: {  	v2 =	vld.idx.msk [tilespmem:v5+s14+$0x0], $0xffff;
	v0 =	vsel vm5, v3, v0;
	v3 =	vand.u32 $0xFFFF0000, v7  }
0x53e: {  	v7 =	vshll.u32 v7, $0x10;
	v5 =	vld [tilespmem:s24+$0xFFFFFFC0];
	v4 =	vsel vm3, v4, v6;
	v0 =	vmul.f32 v0, v9  }
0x53f: {  	v3 =	vsel vm7, v3, v7;
	v7 =	vld [tilespmem:s24+$0xFFFFFFD0];
	v6 =	vand.u32 $0xFFFF0000, v10;
	v9 =	vshll.u32 v10, $0x10  }
0x540: {  	v8 =	vld [tilespmem:s24+$0xFFFFFFE0];
	v6 =	vsel vm6, v6, v9;
	v10 =	vand.u32 $0xFFFF0000, v11;
	v11 =	vshll.u32 v11, $0x10  }
0x541: {  	s29 =	simm.s32 $0x0;
	s30 =	simm.s32 $0xCC90;
	s10 =	simm.s32 $0x129D0;
	v9 =	vld [tilespmem:s24+$0xFFFFFFF0];
	[tilespmem:s24+$0x30] =	vst v0;
	v0 =	vsel vm4, v10, v11;
	v10 =	vand.u32 $0xFFFF0000, v12;
	v11 =	vshll.u32 v12, $0x10  }
.LBB2_54:
0x542: {  	v12 =	vld [tilespmem:s30+$0x30];
	s29 =	sadd.s32 $0x8, s29;
	v13 =	vand.u32 $0xFFFF0000, v2;
	v2 =	vshll.u32 v2, $0x10;
	v10 =	vsel vm1, v10, v11  }
0x543: {  	v11 =	vld [tilespmem:s30+$0xFFFFFFD0];
	p0 =	slt.u32 s29, $0x70;
	v2 =	vsel vm2, v13, v2;
	v13 =	vand.u32 $0xFFFF0000, v1;
	v1 =	vshll.u32 v1, $0x10  }
0x544: {  	v14 =	vld [tilespmem:s30+$0xFFFFFFE0];
	v2 =	vmul.f32 v2, v5;
	v4 =	vmul.f32 v4, v7;
	v1 =	vsel vm0, v13, v1  }
0x545: {  	v5 =	vld [tilespmem:s30+$0xFFFFFFF0];
	v3 =	vmul.f32 v3, v8  }
0x546: {  	v7 =	vld [tilespmem:s30+$0x0];
	[tilespmem:s24+$0xFFFFFFC0] =	vst v2;
	v2 =	vmul.f32 v6, v9  }
0x547: {  	v6 =	vld [tilespmem:s30+$0x10];
	vm6 =	vgt.s32 v12, $0xC3FF;
	v8 =	vadd.s32 $0xFFFF3C00, v12;
	[tilespmem:s24+$0xFFFFFFD0] =	vst v4  }
0x548: {  	vm3 =	vgt.s32 v11, $0xC3FF;
	v4 =	vadd.s32 $0xFFFF3C00, v11;
	v9 =	vld [tilespmem:s30+$0x20];
	v8 =	vsel vm6, v8, v12;
	[tilespmem:s24+$0xFFFFFFE0] =	vst v3  }
0x549: {  	v3 =	vld [tilespmem:s30+$0xFFFFFFC0];
	v4 =	vsel vm3, v4, v11;
	vm7 =	vgt.s32 v14, $0xC3FF;
	v11 =	vadd.s32 $0xFFFF3C00, v14;
	[tilespmem:s24+$0xFFFFFFF0] =	vst v2  }
0x54a: {  	v2 =	vsel vm7, v11, v14;
	vm4 =	vgt.s32 v5, $0xC3FF;
	v11 =	vadd.s32 $0xFFFF3C00, v5;
	v12 =	vld [tilespmem:s24+$0x0]  }
0x54b: {  	v5 =	vsel vm4, v11, v5;
	vm5 =	vgt.s32 v7, $0xC3FF;
	v11 =	vadd.s32 $0xFFFF3C00, v7;
	v13 =	vld [tilespmem:s24+$0x10]  }
0x54c: {  	v7 =	vsel vm5, v11, v7;
	vm1 =	vgt.s32 v6, $0xC3FF;
	v11 =	vadd.s32 $0xFFFF3C00, v6;
	v14 =	vld [tilespmem:s24+$0x20]  }
0x54d: {  	v6 =	vsel vm1, v11, v6;
	vm0 =	vgt.s32 v9, $0xC3FF;
	v11 =	vadd.s32 $0xFFFF3C00, v9;
	v8 =	vld.idx.msk [tilespmem:v8+s14+$0x0], $0xffff  }
0x54e: {  	vm2 =	vgt.s32 v3, $0xC3FF;
	v15 =	vadd.s32 $0xFFFF3C00, v3;
	v4 =	vld.idx.msk [tilespmem:v4+s14+$0x0], $0xffff;
	v9 =	vsel vm0, v11, v9  }
0x54f: {  	s24 =	sadd.s32 $0x80, s24;
	v3 =	vsel vm2, v15, v3;
	v11 =	vld.idx.msk [tilespmem:v2+s14+$0x0], $0xffff;
	v0 =	vmul.f32 v0, v12  }
0x550: {  	v12 =	vld [tilespmem:s24+$0x30];
	v2 =	vmul.f32 v10, v13  }
0x551: {  	v10 =	vld.idx.msk [tilespmem:v5+s14+$0x0], $0xffff;
	[tilespmem:s10+$0x0] =	vst v0;
	v0 =	vmul.f32 v1, v14  }
0x552: {  	v13 =	vld.idx.msk [tilespmem:v7+s14+$0x0], $0xffff;
	[tilespmem:s10+$0x10] =	vst v2  }
0x553: {  	v1 =	vand.u32 $0xFFFF0000, v8;
	v5 =	vshll.u32 v8, $0x10;
	v14 =	vld.idx.msk [tilespmem:v6+s14+$0x0], $0xffff;
	[tilespmem:s10+$0x20] =	vst v0;
	s10 =	smov.u32 s24  }
0x554: {  	v0 =	vand.u32 $0xFFFF0000, v4;
	v2 =	vld.idx.msk [tilespmem:v3+s14+$0x0], $0xffff;
	v3 =	vshll.u32 v4, $0x10;
	v4 =	vsel vm6, v1, v5  }
.Ltmp26:
0x555: {  	v6 =	vand.u32 $0xFFFF0000, v11;
	v7 =	vshll.u32 v11, $0x10;
	v1 =	vld.idx.msk [tilespmem:v9+s14+$0x0], $0xffff;
	v8 =	vmul.f32 v4, v12;
	(pc) =	sbr.rel @p0 .LBB2_54-.Ltmp26, $4  }
0x556: {  	v4 =	vsel vm3, v0, v3;
	v3 =	vsel vm7, v6, v7;
	v5 =	vld [tilespmem:s24+$0xFFFFFFC0]  }
0x557: {  	v0 =	vand.u32 $0xFFFF0000, v10;
	v6 =	vshll.u32 v10, $0x10;
	v7 =	vld [tilespmem:s24+$0xFFFFFFD0];
	[tilespmem:s24+$0x30] =	vst v8  }
0x558: {  	v6 =	vsel vm4, v0, v6;
	v0 =	vand.u32 $0xFFFF0000, v13;
	v10 =	vshll.u32 v13, $0x10;
	v8 =	vld [tilespmem:s24+$0xFFFFFFE0]  }
0x559: {  	s30 =	sadd.s32 $0x80, s30;
	v0 =	vsel vm5, v0, v10;
	v10 =	vand.u32 $0xFFFF0000, v14;
	v11 =	vshll.u32 v14, $0x10;
	v9 =	vld [tilespmem:s24+$0xFFFFFFF0]  }
0x55a: {  	v12 =	vand.u32 $0xFFFF0000, v2;
	v56 =	vshll.u32 v2, $0x10  }
0x55b: {  	v57 =	vld [tilespmem:s24+$0x0];
	v2 =	vsel vm2, v12, v56  }
0x55c: {  	v58 =	vld [tilespmem:s24+$0x10];
	v2 =	vmul.f32 v2, v5  }
0x55d: {  	v59 =	vld [tilespmem:s24+$0x20];
	v4 =	vmul.f32 v4, v7  }
0x55e: {  	v3 =	vmul.f32 v3, v8;
	[tilespmem:s24+$0xFFFFFFC0] =	vst v2  }
0x55f: {  	v60 =	vsel vm1, v10, v11;
	v6 =	vmul.f32 v6, v9;
	[tilespmem:s24+$0xFFFFFFD0] =	vst v4  }
0x560: {  	v61 =	vand.u32 $0xFFFF0000, v1;
	v62 =	vshll.u32 v1, $0x10;
	[tilespmem:s24+$0xFFFFFFE0] =	vst v3;
	v0 =	vmul.f32 v0, v57  }
0x561: {  	v1 =	vsel vm0, v61, v62;
	v2 =	vmul.f32 v60, v58;
	[tilespmem:s24+$0xFFFFFFF0] =	vst v6  }
0x562: {  	v63 =	vmul.f32 v1, v59;
	[tilespmem:s10+$0x0] =	vst v0  }
0x563: {  	[tilespmem:s10+$0x10] =	vst v2  }
0x564: {  	[tilespmem:s10+$0x20] =	vst v63  }
.LBB2_56:
0x565: {  	s10 =	sshra.s32 s14, $0x2  }
0x566: {  	v0 =	vld [tilespmem:s10+$0xD350];
	_ =	sdelay $0x4  }
0x567: {  	vm0 =	vgt.s32 v0, $0xC3FF;
	v1 =	vadd.s32 $0xFFFF3C00, v0  }
0x568: {  	v0 =	vsel vm0, v1, v0;
	_ =	sdelay $0x4  }
0x569: {  	v0 =	vld.idx.msk [tilespmem:v0+s1+$0x0], $0xffff;
	_ =	sdelay $0x1  }
0x56a: {  	v63 =	vld [tilespmem:s10+$0x13110];
	_ =	sdelay $0x1  }
0x56b: {  	p0 =	sne.s32 s14, $0x100  }
.Ltmp27:
0x56c: {  	v2 =	vand.u32 $0xFFFF0000, v0;
	v0 =	vshll.u32 v0, $0x10;
	(pc) =	sbr.rel @p0 .LBB2_56-.Ltmp27, $3  }
0x56d: {  	v0 =	vsel vm0, v2, v0  }
0x56e: {  	v0 =	vmul.f32 v0, v63;
	_ =	sdelay $0x1  }
0x56f: {  	s14 =	sadd.s32 $0x40, s14;
	[tilespmem:s10+$0x13110] =	vst v0  }
0x570: {  	s10 =	simm.s32 $0xFAB0;
	s14 =	simm.s32 $0x12990  }
0x571: {  	[spmem:s15] =	stream.indirect.scatter.add.f32 [tilespmem:s14], [sflag:$0xA], $0x1, s10, s9, $0xb8;
	[tilespmem:$0x16920] =	vst v63  }
0x572: {  	_ =	swait.ge [sflag:s31], $0x7D0  }
0x573: {  	s14 =	sld [smem:$0x7DD]  }
0x574: {  	[sflag:s31] =	ssyncset.done $0x0  }
0x575: {  	s24 =	simm.s32 $0xEB10;
	[sflag:s31] =	ssyncadd.s32 $0xFFFFF830  }
0x576: {  	[tilespmem:s24], [sflag:$0x8] =	stream.linear.gather [hbm4b:s14+s1], $0x7D0, $0x38;
	[tilespmem:$0x16920] =	vst v63  }
0x577: {  	s24 =	sld [smem:$0x7DE];
	_ =	sdelay $0x1  }
0x578: {  	s14 =	sld [smem:$0x7DF]  }
0x579: {  	[tilespmem:s16], [sflag:$0x8] =	stream.linear.gather [hbm4b:s24+s1], $0x7D0, $0x38;
	[tilespmem:$0x16920] =	vst v63  }
0x57a: {  	_ = 	snop  }
0x57b: {  	[tilespmem:s17], [sflag:$0x8] =	stream.linear.gather [hbm4b:s14+s1], $0x7D0, $0x38;
	[tilespmem:$0x16920] =	vst v63  }
0x57c: {  	_ =	swait.ge [sflag:s18], $0x7D0  }
0x57d: {  	[sflag:s18] =	ssyncset.done $0x0  }
0x57e: {  	[sflag:s18] =	ssyncadd.s32 $0xFFFFF830  }
0x57f: {  	_ =	swait.ge [sflag:s18], $0x7D0  }
0x580: {  	[sflag:s18] =	ssyncset.done $0x0  }
0x581: {  	[sflag:s18] =	ssyncadd.s32 $0xFFFFF830  }
0x582: {  	_ =	swait.ge [sflag:s18], $0x7D0  }
0x583: {  	[sflag:s18] =	ssyncset.done $0x0  }
0x584: {  	s24 =	simm.s32 $0xD3E0;
	[sflag:s18] =	ssyncadd.s32 $0xFFFFF830  }
0x585: {  	v0 =	vld [tilespmem:s24+$0x30]  }
0x586: {  	v1 =	vld [tilespmem:s24+$0xFFFFFFD0]  }
0x587: {  	v2 =	vld [tilespmem:s24+$0xFFFFFFE0]  }
0x588: {  	v3 =	vld [tilespmem:s24+$0xFFFFFFF0]  }
0x589: {  	v4 =	vld [tilespmem:s24+$0x0]  }
0x58a: {  	v6 =	vld [tilespmem:s24+$0x10]  }
0x58b: {  	v8 =	vld [tilespmem:s24+$0x20]  }
0x58c: {  	vm5 =	vgt.s32 v0, $0xC3FF;
	v5 =	vadd.s32 $0xFFFF3C00, v0  }
0x58d: {  	vm3 =	vgt.s32 v1, $0xC3FF;
	v7 =	vadd.s32 $0xFFFF3C00, v1;
	vm7 =	vgt.s32 v2, $0xC3FF  }
0x58e: {  	vm6 =	vgt.s32 v3, $0xC3FF;
	vm4 =	vgt.s32 v4, $0xC3FF;
	v0 =	vsel vm5, v5, v0  }
0x58f: {  	vm1 =	vgt.s32 v6, $0xC3FF;
	v5 =	vld [tilespmem:s24+$0xFFFFFFC0];
	v1 =	vsel vm3, v7, v1;
	v7 =	vadd.s32 $0xFFFF3C00, v2  }
0x590: {  	vm0 =	vgt.s32 v8, $0xC3FF;
	v2 =	vsel vm7, v7, v2;
	v7 =	vadd.s32 $0xFFFF3C00, v3  }
0x591: {  	v9 =	vadd.s32 $0xFFFF3C00, v8;
	s24 =	simm.s32 $0x131A0;
	v3 =	vsel vm6, v7, v3;
	v7 =	vadd.s32 $0xFFFF3C00, v4  }
0x592: {  	s14 =	simm.s32 $0x0;
	v8 =	vsel vm0, v9, v8;
	v9 =	vld [tilespmem:s24+$0x30];
	v4 =	vsel vm4, v7, v4;
	v7 =	vadd.s32 $0xFFFF3C00, v6  }
0x593: {  	v6 =	vsel vm1, v7, v6;
	v0 =	vld.idx.msk [tilespmem:v0+s14+$0x0], $0xffff  }
0x594: {  	vm2 =	vgt.s32 v5, $0xC3FF;
	v7 =	vadd.s32 $0xFFFF3C00, v5;
	v1 =	vld.idx.msk [tilespmem:v1+s14+$0x0], $0xffff  }
0x595: {  	v5 =	vsel vm2, v7, v5;
	v7 =	vld.idx.msk [tilespmem:v2+s14+$0x0], $0xffff  }
0x596: {  	v10 =	vld.idx.msk [tilespmem:v3+s14+$0x0], $0xffff  }
0x597: {  	v11 =	vld.idx.msk [tilespmem:v4+s14+$0x0], $0xffff  }
0x598: {  	v12 =	vld.idx.msk [tilespmem:v6+s14+$0x0], $0xffff;
	v3 =	vand.u32 $0xFFFF0000, v0  }
0x599: {  	v0 =	vshll.u32 v0, $0x10;
	v4 =	vand.u32 $0xFFFF0000, v1;
	v6 =	vshll.u32 v1, $0x10;
	v1 =	vld.idx.msk [tilespmem:v8+s14+$0x0], $0xffff  }
0x59a: {  	v2 =	vld.idx.msk [tilespmem:v5+s14+$0x0], $0xffff;
	v0 =	vsel vm5, v3, v0;
	v3 =	vand.u32 $0xFFFF0000, v7  }
0x59b: {  	v7 =	vshll.u32 v7, $0x10;
	v5 =	vld [tilespmem:s24+$0xFFFFFFC0];
	v4 =	vsel vm3, v4, v6;
	v0 =	vmul.f32 v0, v9  }
0x59c: {  	v3 =	vsel vm7, v3, v7;
	v7 =	vld [tilespmem:s24+$0xFFFFFFD0];
	v6 =	vand.u32 $0xFFFF0000, v10;
	v9 =	vshll.u32 v10, $0x10  }
0x59d: {  	v8 =	vld [tilespmem:s24+$0xFFFFFFE0];
	v6 =	vsel vm6, v6, v9;
	v10 =	vand.u32 $0xFFFF0000, v11;
	v11 =	vshll.u32 v11, $0x10  }
0x59e: {  	s29 =	simm.s32 $0x0;
	s30 =	simm.s32 $0xD460;
	s10 =	simm.s32 $0x131A0;
	v9 =	vld [tilespmem:s24+$0xFFFFFFF0];
	[tilespmem:s24+$0x30] =	vst v0;
	v0 =	vsel vm4, v10, v11;
	v10 =	vand.u32 $0xFFFF0000, v12;
	v11 =	vshll.u32 v12, $0x10  }
.LBB2_58:
0x59f: {  	v12 =	vld [tilespmem:s30+$0x30];
	s29 =	sadd.s32 $0x8, s29;
	v13 =	vand.u32 $0xFFFF0000, v2;
	v2 =	vshll.u32 v2, $0x10;
	v10 =	vsel vm1, v10, v11  }
0x5a0: {  	v11 =	vld [tilespmem:s30+$0xFFFFFFD0];
	p0 =	slt.u32 s29, $0x70;
	v2 =	vsel vm2, v13, v2;
	v13 =	vand.u32 $0xFFFF0000, v1;
	v1 =	vshll.u32 v1, $0x10  }
0x5a1: {  	v14 =	vld [tilespmem:s30+$0xFFFFFFE0];
	v2 =	vmul.f32 v2, v5;
	v4 =	vmul.f32 v4, v7;
	v1 =	vsel vm0, v13, v1  }
0x5a2: {  	v5 =	vld [tilespmem:s30+$0xFFFFFFF0];
	v3 =	vmul.f32 v3, v8  }
0x5a3: {  	v7 =	vld [tilespmem:s30+$0x0];
	[tilespmem:s24+$0xFFFFFFC0] =	vst v2;
	v2 =	vmul.f32 v6, v9  }
0x5a4: {  	v6 =	vld [tilespmem:s30+$0x10];
	vm6 =	vgt.s32 v12, $0xC3FF;
	v8 =	vadd.s32 $0xFFFF3C00, v12;
	[tilespmem:s24+$0xFFFFFFD0] =	vst v4  }
0x5a5: {  	vm3 =	vgt.s32 v11, $0xC3FF;
	v4 =	vadd.s32 $0xFFFF3C00, v11;
	v9 =	vld [tilespmem:s30+$0x20];
	v8 =	vsel vm6, v8, v12;
	[tilespmem:s24+$0xFFFFFFE0] =	vst v3  }
0x5a6: {  	v3 =	vld [tilespmem:s30+$0xFFFFFFC0];
	v4 =	vsel vm3, v4, v11;
	vm7 =	vgt.s32 v14, $0xC3FF;
	v11 =	vadd.s32 $0xFFFF3C00, v14;
	[tilespmem:s24+$0xFFFFFFF0] =	vst v2  }
0x5a7: {  	v2 =	vsel vm7, v11, v14;
	vm4 =	vgt.s32 v5, $0xC3FF;
	v11 =	vadd.s32 $0xFFFF3C00, v5;
	v12 =	vld [tilespmem:s24+$0x0]  }
0x5a8: {  	v5 =	vsel vm4, v11, v5;
	vm5 =	vgt.s32 v7, $0xC3FF;
	v11 =	vadd.s32 $0xFFFF3C00, v7;
	v13 =	vld [tilespmem:s24+$0x10]  }
0x5a9: {  	v7 =	vsel vm5, v11, v7;
	vm1 =	vgt.s32 v6, $0xC3FF;
	v11 =	vadd.s32 $0xFFFF3C00, v6;
	v14 =	vld [tilespmem:s24+$0x20]  }
0x5aa: {  	v6 =	vsel vm1, v11, v6;
	vm0 =	vgt.s32 v9, $0xC3FF;
	v11 =	vadd.s32 $0xFFFF3C00, v9;
	v8 =	vld.idx.msk [tilespmem:v8+s14+$0x0], $0xffff  }
0x5ab: {  	vm2 =	vgt.s32 v3, $0xC3FF;
	v15 =	vadd.s32 $0xFFFF3C00, v3;
	v4 =	vld.idx.msk [tilespmem:v4+s14+$0x0], $0xffff;
	v9 =	vsel vm0, v11, v9  }
0x5ac: {  	s24 =	sadd.s32 $0x80, s24;
	v3 =	vsel vm2, v15, v3;
	v11 =	vld.idx.msk [tilespmem:v2+s14+$0x0], $0xffff;
	v0 =	vmul.f32 v0, v12  }
0x5ad: {  	v12 =	vld [tilespmem:s24+$0x30];
	v2 =	vmul.f32 v10, v13  }
0x5ae: {  	v10 =	vld.idx.msk [tilespmem:v5+s14+$0x0], $0xffff;
	[tilespmem:s10+$0x0] =	vst v0;
	v0 =	vmul.f32 v1, v14  }
0x5af: {  	v13 =	vld.idx.msk [tilespmem:v7+s14+$0x0], $0xffff;
	[tilespmem:s10+$0x10] =	vst v2  }
0x5b0: {  	v1 =	vand.u32 $0xFFFF0000, v8;
	v5 =	vshll.u32 v8, $0x10;
	v14 =	vld.idx.msk [tilespmem:v6+s14+$0x0], $0xffff;
	[tilespmem:s10+$0x20] =	vst v0;
	s10 =	smov.u32 s24  }
0x5b1: {  	v0 =	vand.u32 $0xFFFF0000, v4;
	v2 =	vld.idx.msk [tilespmem:v3+s14+$0x0], $0xffff;
	v3 =	vshll.u32 v4, $0x10;
	v4 =	vsel vm6, v1, v5  }
.Ltmp28:
0x5b2: {  	v6 =	vand.u32 $0xFFFF0000, v11;
	v7 =	vshll.u32 v11, $0x10;
	v1 =	vld.idx.msk [tilespmem:v9+s14+$0x0], $0xffff;
	v8 =	vmul.f32 v4, v12;
	(pc) =	sbr.rel @p0 .LBB2_58-.Ltmp28, $4  }
0x5b3: {  	v4 =	vsel vm3, v0, v3;
	v3 =	vsel vm7, v6, v7;
	v5 =	vld [tilespmem:s24+$0xFFFFFFC0]  }
0x5b4: {  	v0 =	vand.u32 $0xFFFF0000, v10;
	v6 =	vshll.u32 v10, $0x10;
	v7 =	vld [tilespmem:s24+$0xFFFFFFD0];
	[tilespmem:s24+$0x30] =	vst v8  }
0x5b5: {  	v6 =	vsel vm4, v0, v6;
	v0 =	vand.u32 $0xFFFF0000, v13;
	v10 =	vshll.u32 v13, $0x10;
	v8 =	vld [tilespmem:s24+$0xFFFFFFE0]  }
0x5b6: {  	s30 =	sadd.s32 $0x80, s30;
	v0 =	vsel vm5, v0, v10;
	v10 =	vand.u32 $0xFFFF0000, v14;
	v11 =	vshll.u32 v14, $0x10;
	v9 =	vld [tilespmem:s24+$0xFFFFFFF0]  }
0x5b7: {  	v12 =	vand.u32 $0xFFFF0000, v2;
	v56 =	vshll.u32 v2, $0x10  }
0x5b8: {  	v57 =	vld [tilespmem:s24+$0x0];
	v2 =	vsel vm2, v12, v56  }
0x5b9: {  	v58 =	vld [tilespmem:s24+$0x10];
	v2 =	vmul.f32 v2, v5  }
0x5ba: {  	v59 =	vld [tilespmem:s24+$0x20];
	v4 =	vmul.f32 v4, v7  }
0x5bb: {  	v3 =	vmul.f32 v3, v8;
	[tilespmem:s24+$0xFFFFFFC0] =	vst v2  }
0x5bc: {  	v60 =	vsel vm1, v10, v11;
	v6 =	vmul.f32 v6, v9;
	[tilespmem:s24+$0xFFFFFFD0] =	vst v4  }
0x5bd: {  	v61 =	vand.u32 $0xFFFF0000, v1;
	v62 =	vshll.u32 v1, $0x10;
	[tilespmem:s24+$0xFFFFFFE0] =	vst v3;
	v0 =	vmul.f32 v0, v57  }
0x5be: {  	v1 =	vsel vm0, v61, v62;
	v2 =	vmul.f32 v60, v58;
	[tilespmem:s24+$0xFFFFFFF0] =	vst v6  }
0x5bf: {  	v63 =	vmul.f32 v1, v59;
	[tilespmem:s10+$0x0] =	vst v0  }
0x5c0: {  	[tilespmem:s10+$0x10] =	vst v2  }
0x5c1: {  	[tilespmem:s10+$0x20] =	vst v63  }
.LBB2_60:
0x5c2: {  	s10 =	sshra.s32 s14, $0x2  }
0x5c3: {  	v0 =	vld [tilespmem:s10+$0xDB20];
	_ =	sdelay $0x4  }
0x5c4: {  	vm0 =	vgt.s32 v0, $0xC3FF;
	v1 =	vadd.s32 $0xFFFF3C00, v0  }
0x5c5: {  	v0 =	vsel vm0, v1, v0;
	_ =	sdelay $0x4  }
0x5c6: {  	v0 =	vld.idx.msk [tilespmem:v0+s1+$0x0], $0xffff;
	_ =	sdelay $0x1  }
0x5c7: {  	v63 =	vld [tilespmem:s10+$0x138E0];
	_ =	sdelay $0x1  }
0x5c8: {  	p0 =	sne.s32 s14, $0x100  }
.Ltmp29:
0x5c9: {  	v2 =	vand.u32 $0xFFFF0000, v0;
	v0 =	vshll.u32 v0, $0x10;
	(pc) =	sbr.rel @p0 .LBB2_60-.Ltmp29, $3  }
0x5ca: {  	v0 =	vsel vm0, v2, v0  }
0x5cb: {  	v0 =	vmul.f32 v0, v63;
	_ =	sdelay $0x1  }
0x5cc: {  	s14 =	sadd.s32 $0x40, s14;
	[tilespmem:s10+$0x138E0] =	vst v0  }
0x5cd: {  	[spmem:s15] =	stream.indirect.scatter.add.f32 [tilespmem:s2], [sflag:$0xB], $0x1, s0, s9, $0xb8;
	[tilespmem:$0x16920] =	vst v63  }
0x5ce: {  	_ =	swait.ge [sflag:s19], $0x7D0  }
0x5cf: {  	s10 =	sld [smem:$0x7E0]  }
0x5d0: {  	[sflag:s19] =	ssyncset.done $0x0  }
0x5d1: {  	s14 =	simm.s32 $0xC400;
	s24 =	sld [smem:$0x7E1];
	[sflag:s19] =	ssyncadd.s32 $0xFFFFF830  }
0x5d2: {  	[tilespmem:s14], [sflag:$0x3] =	stream.linear.gather [hbm4b:s10+s1], $0x7D0, $0x38;
	[tilespmem:$0x16920] =	vst v63  }
0x5d3: {  	s14 =	sld [smem:$0x7E2]  }
0x5d4: {  	[tilespmem:s25], [sflag:$0x3] =	stream.linear.gather [hbm4b:s24+s1], $0x7D0, $0x38;
	[tilespmem:$0x16920] =	vst v63  }
0x5d5: {  	_ = 	snop  }
0x5d6: {  	[tilespmem:s26], [sflag:$0x3] =	stream.linear.gather [hbm4b:s14+s1], $0x7D0, $0x38;
	[tilespmem:$0x16920] =	vst v63  }
0x5d7: {  	_ =	swait.ge [sflag:s20], $0x7D0  }
0x5d8: {  	[sflag:s20] =	ssyncset.done $0x0  }
0x5d9: {  	[sflag:s20] =	ssyncadd.s32 $0xFFFFF830  }
0x5da: {  	_ =	swait.ge [sflag:s20], $0x7D0  }
0x5db: {  	[sflag:s20] =	ssyncset.done $0x0  }
0x5dc: {  	[sflag:s20] =	ssyncadd.s32 $0xFFFFF830  }
0x5dd: {  	_ =	swait.ge [sflag:s20], $0x7D0  }
0x5de: {  	[sflag:s20] =	ssyncset.done $0x0  }
0x5df: {  	s24 =	simm.s32 $0xDBB0;
	[sflag:s20] =	ssyncadd.s32 $0xFFFFF830  }
0x5e0: {  	v0 =	vld [tilespmem:s24+$0x30]  }
0x5e1: {  	v1 =	vld [tilespmem:s24+$0xFFFFFFD0]  }
0x5e2: {  	v2 =	vld [tilespmem:s24+$0xFFFFFFE0]  }
0x5e3: {  	v3 =	vld [tilespmem:s24+$0xFFFFFFF0]  }
0x5e4: {  	v4 =	vld [tilespmem:s24+$0x0]  }
0x5e5: {  	v6 =	vld [tilespmem:s24+$0x10]  }
0x5e6: {  	v8 =	vld [tilespmem:s24+$0x20]  }
0x5e7: {  	vm5 =	vgt.s32 v0, $0xC3FF;
	v5 =	vadd.s32 $0xFFFF3C00, v0  }
0x5e8: {  	vm3 =	vgt.s32 v1, $0xC3FF;
	v7 =	vadd.s32 $0xFFFF3C00, v1;
	vm7 =	vgt.s32 v2, $0xC3FF  }
0x5e9: {  	vm6 =	vgt.s32 v3, $0xC3FF;
	vm4 =	vgt.s32 v4, $0xC3FF;
	v0 =	vsel vm5, v5, v0  }
0x5ea: {  	vm1 =	vgt.s32 v6, $0xC3FF;
	v5 =	vld [tilespmem:s24+$0xFFFFFFC0];
	v1 =	vsel vm3, v7, v1;
	v7 =	vadd.s32 $0xFFFF3C00, v2  }
0x5eb: {  	vm0 =	vgt.s32 v8, $0xC3FF;
	v2 =	vsel vm7, v7, v2;
	v7 =	vadd.s32 $0xFFFF3C00, v3  }
0x5ec: {  	v9 =	vadd.s32 $0xFFFF3C00, v8;
	s24 =	simm.s32 $0x13970;
	v3 =	vsel vm6, v7, v3;
	v7 =	vadd.s32 $0xFFFF3C00, v4  }
0x5ed: {  	s14 =	simm.s32 $0x0;
	v8 =	vsel vm0, v9, v8;
	v9 =	vld [tilespmem:s24+$0x30];
	v4 =	vsel vm4, v7, v4;
	v7 =	vadd.s32 $0xFFFF3C00, v6  }
0x5ee: {  	v6 =	vsel vm1, v7, v6;
	v0 =	vld.idx.msk [tilespmem:v0+s14+$0x0], $0xffff  }
0x5ef: {  	vm2 =	vgt.s32 v5, $0xC3FF;
	v7 =	vadd.s32 $0xFFFF3C00, v5;
	v1 =	vld.idx.msk [tilespmem:v1+s14+$0x0], $0xffff  }
0x5f0: {  	v5 =	vsel vm2, v7, v5;
	v7 =	vld.idx.msk [tilespmem:v2+s14+$0x0], $0xffff  }
0x5f1: {  	v10 =	vld.idx.msk [tilespmem:v3+s14+$0x0], $0xffff  }
0x5f2: {  	v11 =	vld.idx.msk [tilespmem:v4+s14+$0x0], $0xffff  }
0x5f3: {  	v12 =	vld.idx.msk [tilespmem:v6+s14+$0x0], $0xffff;
	v3 =	vand.u32 $0xFFFF0000, v0  }
0x5f4: {  	v0 =	vshll.u32 v0, $0x10;
	v4 =	vand.u32 $0xFFFF0000, v1;
	v6 =	vshll.u32 v1, $0x10;
	v1 =	vld.idx.msk [tilespmem:v8+s14+$0x0], $0xffff  }
0x5f5: {  	v2 =	vld.idx.msk [tilespmem:v5+s14+$0x0], $0xffff;
	v0 =	vsel vm5, v3, v0;
	v3 =	vand.u32 $0xFFFF0000, v7  }
0x5f6: {  	v7 =	vshll.u32 v7, $0x10;
	v5 =	vld [tilespmem:s24+$0xFFFFFFC0];
	v4 =	vsel vm3, v4, v6;
	v0 =	vmul.f32 v0, v9  }
0x5f7: {  	v3 =	vsel vm7, v3, v7;
	v7 =	vld [tilespmem:s24+$0xFFFFFFD0];
	v6 =	vand.u32 $0xFFFF0000, v10;
	v9 =	vshll.u32 v10, $0x10  }
0x5f8: {  	v8 =	vld [tilespmem:s24+$0xFFFFFFE0];
	v6 =	vsel vm6, v6, v9;
	v10 =	vand.u32 $0xFFFF0000, v11;
	v11 =	vshll.u32 v11, $0x10  }
0x5f9: {  	s29 =	simm.s32 $0x0;
	s30 =	simm.s32 $0xDC30;
	s10 =	simm.s32 $0x13970;
	v9 =	vld [tilespmem:s24+$0xFFFFFFF0];
	[tilespmem:s24+$0x30] =	vst v0;
	v0 =	vsel vm4, v10, v11;
	v10 =	vand.u32 $0xFFFF0000, v12;
	v11 =	vshll.u32 v12, $0x10  }
.LBB2_62:
0x5fa: {  	v12 =	vld [tilespmem:s30+$0x30];
	s29 =	sadd.s32 $0x8, s29;
	v13 =	vand.u32 $0xFFFF0000, v2;
	v2 =	vshll.u32 v2, $0x10;
	v10 =	vsel vm1, v10, v11  }
0x5fb: {  	v11 =	vld [tilespmem:s30+$0xFFFFFFD0];
	p0 =	slt.u32 s29, $0x70;
	v2 =	vsel vm2, v13, v2;
	v13 =	vand.u32 $0xFFFF0000, v1;
	v1 =	vshll.u32 v1, $0x10  }
0x5fc: {  	v14 =	vld [tilespmem:s30+$0xFFFFFFE0];
	v2 =	vmul.f32 v2, v5;
	v4 =	vmul.f32 v4, v7;
	v1 =	vsel vm0, v13, v1  }
0x5fd: {  	v5 =	vld [tilespmem:s30+$0xFFFFFFF0];
	v3 =	vmul.f32 v3, v8  }
0x5fe: {  	v7 =	vld [tilespmem:s30+$0x0];
	[tilespmem:s24+$0xFFFFFFC0] =	vst v2;
	v2 =	vmul.f32 v6, v9  }
0x5ff: {  	v6 =	vld [tilespmem:s30+$0x10];
	vm6 =	vgt.s32 v12, $0xC3FF;
	v8 =	vadd.s32 $0xFFFF3C00, v12;
	[tilespmem:s24+$0xFFFFFFD0] =	vst v4  }
0x600: {  	vm3 =	vgt.s32 v11, $0xC3FF;
	v4 =	vadd.s32 $0xFFFF3C00, v11;
	v9 =	vld [tilespmem:s30+$0x20];
	v8 =	vsel vm6, v8, v12;
	[tilespmem:s24+$0xFFFFFFE0] =	vst v3  }
0x601: {  	v3 =	vld [tilespmem:s30+$0xFFFFFFC0];
	v4 =	vsel vm3, v4, v11;
	vm7 =	vgt.s32 v14, $0xC3FF;
	v11 =	vadd.s32 $0xFFFF3C00, v14;
	[tilespmem:s24+$0xFFFFFFF0] =	vst v2  }
0x602: {  	v2 =	vsel vm7, v11, v14;
	vm4 =	vgt.s32 v5, $0xC3FF;
	v11 =	vadd.s32 $0xFFFF3C00, v5;
	v12 =	vld [tilespmem:s24+$0x0]  }
0x603: {  	v5 =	vsel vm4, v11, v5;
	vm5 =	vgt.s32 v7, $0xC3FF;
	v11 =	vadd.s32 $0xFFFF3C00, v7;
	v13 =	vld [tilespmem:s24+$0x10]  }
0x604: {  	v7 =	vsel vm5, v11, v7;
	vm1 =	vgt.s32 v6, $0xC3FF;
	v11 =	vadd.s32 $0xFFFF3C00, v6;
	v14 =	vld [tilespmem:s24+$0x20]  }
0x605: {  	v6 =	vsel vm1, v11, v6;
	vm0 =	vgt.s32 v9, $0xC3FF;
	v11 =	vadd.s32 $0xFFFF3C00, v9;
	v8 =	vld.idx.msk [tilespmem:v8+s14+$0x0], $0xffff  }
0x606: {  	vm2 =	vgt.s32 v3, $0xC3FF;
	v15 =	vadd.s32 $0xFFFF3C00, v3;
	v4 =	vld.idx.msk [tilespmem:v4+s14+$0x0], $0xffff;
	v9 =	vsel vm0, v11, v9  }
0x607: {  	s24 =	sadd.s32 $0x80, s24;
	v3 =	vsel vm2, v15, v3;
	v11 =	vld.idx.msk [tilespmem:v2+s14+$0x0], $0xffff;
	v0 =	vmul.f32 v0, v12  }
0x608: {  	v12 =	vld [tilespmem:s24+$0x30];
	v2 =	vmul.f32 v10, v13  }
0x609: {  	v10 =	vld.idx.msk [tilespmem:v5+s14+$0x0], $0xffff;
	[tilespmem:s10+$0x0] =	vst v0;
	v0 =	vmul.f32 v1, v14  }
0x60a: {  	v13 =	vld.idx.msk [tilespmem:v7+s14+$0x0], $0xffff;
	[tilespmem:s10+$0x10] =	vst v2  }
0x60b: {  	v1 =	vand.u32 $0xFFFF0000, v8;
	v5 =	vshll.u32 v8, $0x10;
	v14 =	vld.idx.msk [tilespmem:v6+s14+$0x0], $0xffff;
	[tilespmem:s10+$0x20] =	vst v0;
	s10 =	smov.u32 s24  }
0x60c: {  	v0 =	vand.u32 $0xFFFF0000, v4;
	v2 =	vld.idx.msk [tilespmem:v3+s14+$0x0], $0xffff;
	v3 =	vshll.u32 v4, $0x10;
	v4 =	vsel vm6, v1, v5  }
.Ltmp30:
0x60d: {  	v6 =	vand.u32 $0xFFFF0000, v11;
	v7 =	vshll.u32 v11, $0x10;
	v1 =	vld.idx.msk [tilespmem:v9+s14+$0x0], $0xffff;
	v8 =	vmul.f32 v4, v12;
	(pc) =	sbr.rel @p0 .LBB2_62-.Ltmp30, $4  }
0x60e: {  	v4 =	vsel vm3, v0, v3;
	v3 =	vsel vm7, v6, v7;
	v5 =	vld [tilespmem:s24+$0xFFFFFFC0]  }
0x60f: {  	v0 =	vand.u32 $0xFFFF0000, v10;
	v6 =	vshll.u32 v10, $0x10;
	v7 =	vld [tilespmem:s24+$0xFFFFFFD0];
	[tilespmem:s24+$0x30] =	vst v8  }
0x610: {  	v6 =	vsel vm4, v0, v6;
	v0 =	vand.u32 $0xFFFF0000, v13;
	v10 =	vshll.u32 v13, $0x10;
	v8 =	vld [tilespmem:s24+$0xFFFFFFE0]  }
0x611: {  	s30 =	sadd.s32 $0x80, s30;
	v0 =	vsel vm5, v0, v10;
	v10 =	vand.u32 $0xFFFF0000, v14;
	v11 =	vshll.u32 v14, $0x10;
	v9 =	vld [tilespmem:s24+$0xFFFFFFF0]  }
0x612: {  	v12 =	vand.u32 $0xFFFF0000, v2;
	v56 =	vshll.u32 v2, $0x10  }
0x613: {  	v57 =	vld [tilespmem:s24+$0x0];
	v2 =	vsel vm2, v12, v56  }
0x614: {  	v58 =	vld [tilespmem:s24+$0x10];
	v2 =	vmul.f32 v2, v5  }
0x615: {  	v59 =	vld [tilespmem:s24+$0x20];
	v4 =	vmul.f32 v4, v7  }
0x616: {  	v3 =	vmul.f32 v3, v8;
	[tilespmem:s24+$0xFFFFFFC0] =	vst v2  }
0x617: {  	v60 =	vsel vm1, v10, v11;
	v6 =	vmul.f32 v6, v9;
	[tilespmem:s24+$0xFFFFFFD0] =	vst v4  }
0x618: {  	v61 =	vand.u32 $0xFFFF0000, v1;
	v62 =	vshll.u32 v1, $0x10;
	[tilespmem:s24+$0xFFFFFFE0] =	vst v3;
	v0 =	vmul.f32 v0, v57  }
0x619: {  	v1 =	vsel vm0, v61, v62;
	v2 =	vmul.f32 v60, v58;
	[tilespmem:s24+$0xFFFFFFF0] =	vst v6  }
0x61a: {  	v63 =	vmul.f32 v1, v59;
	[tilespmem:s10+$0x0] =	vst v0  }
0x61b: {  	[tilespmem:s10+$0x10] =	vst v2  }
0x61c: {  	[tilespmem:s10+$0x20] =	vst v63  }
.LBB2_64:
0x61d: {  	s10 =	sshra.s32 s14, $0x2  }
0x61e: {  	v0 =	vld [tilespmem:s10+$0xE2F0];
	_ =	sdelay $0x4  }
0x61f: {  	vm0 =	vgt.s32 v0, $0xC3FF;
	v1 =	vadd.s32 $0xFFFF3C00, v0  }
0x620: {  	v0 =	vsel vm0, v1, v0;
	_ =	sdelay $0x4  }
0x621: {  	v0 =	vld.idx.msk [tilespmem:v0+s1+$0x0], $0xffff;
	_ =	sdelay $0x1  }
0x622: {  	v63 =	vld [tilespmem:s10+$0x140B0];
	_ =	sdelay $0x1  }
0x623: {  	p0 =	sne.s32 s14, $0x100  }
.Ltmp31:
0x624: {  	v2 =	vand.u32 $0xFFFF0000, v0;
	v0 =	vshll.u32 v0, $0x10;
	(pc) =	sbr.rel @p0 .LBB2_64-.Ltmp31, $3  }
0x625: {  	v0 =	vsel vm0, v2, v0  }
0x626: {  	v0 =	vmul.f32 v0, v63;
	_ =	sdelay $0x1  }
0x627: {  	s14 =	sadd.s32 $0x40, s14;
	[tilespmem:s10+$0x140B0] =	vst v0  }
0x628: {  	[spmem:s15] =	stream.indirect.scatter.add.f32 [tilespmem:s7], [sflag:$0xC], $0x1, s6, s9, $0xb8;
	[tilespmem:$0x16920] =	vst v63  }
0x629: {  	_ =	swait.ge [sflag:s21], $0x7D0  }
0x62a: {  	s10 =	sld [smem:$0x7E3]  }
0x62b: {  	[sflag:s21] =	ssyncset.done $0x0  }
0x62c: {  	s14 =	simm.s32 $0xCBD0;
	[sflag:s21] =	ssyncadd.s32 $0xFFFFF830  }
0x62d: {  	[tilespmem:s14], [sflag:$0x4] =	stream.linear.gather [hbm4b:s10+s1], $0x7D0, $0x38;
	[tilespmem:$0x16920] =	vst v63  }
0x62e: {  	s14 =	sld [smem:$0x7E4];
	_ =	sdelay $0x1  }
0x62f: {  	s24 =	simm.s32 $0xFAB0  }
0x630: {  	[tilespmem:s24], [sflag:$0x4] =	stream.linear.gather [hbm4b:s14+s1], $0x7D0, $0x38;
	[tilespmem:$0x16920] =	vst v63  }
0x631: {  	s14 =	sld [smem:$0x7E5];
	_ =	sdelay $0x1  }
0x632: {  	s24 =	simm.s32 $0x12990  }
0x633: {  	[tilespmem:s24], [sflag:$0x4] =	stream.linear.gather [hbm4b:s14+s1], $0x7D0, $0x38;
	[tilespmem:$0x16920] =	vst v63  }
0x634: {  	_ =	swait.ge [sflag:s23], $0x7D0  }
0x635: {  	[sflag:s23] =	ssyncset.done $0x0  }
0x636: {  	[sflag:s23] =	ssyncadd.s32 $0xFFFFF830  }
0x637: {  	_ =	swait.ge [sflag:s23], $0x7D0  }
0x638: {  	[sflag:s23] =	ssyncset.done $0x0  }
0x639: {  	[sflag:s23] =	ssyncadd.s32 $0xFFFFF830  }
0x63a: {  	_ =	swait.ge [sflag:s23], $0x7D0  }
0x63b: {  	[sflag:s23] =	ssyncset.done $0x0  }
0x63c: {  	s24 =	simm.s32 $0xE380;
	[sflag:s23] =	ssyncadd.s32 $0xFFFFF830  }
0x63d: {  	v0 =	vld [tilespmem:s24+$0x30]  }
0x63e: {  	v1 =	vld [tilespmem:s24+$0xFFFFFFD0]  }
0x63f: {  	v2 =	vld [tilespmem:s24+$0xFFFFFFE0]  }
0x640: {  	v3 =	vld [tilespmem:s24+$0xFFFFFFF0]  }
0x641: {  	v4 =	vld [tilespmem:s24+$0x0]  }
0x642: {  	v6 =	vld [tilespmem:s24+$0x10]  }
0x643: {  	v8 =	vld [tilespmem:s24+$0x20]  }
0x644: {  	vm5 =	vgt.s32 v0, $0xC3FF;
	v5 =	vadd.s32 $0xFFFF3C00, v0  }
0x645: {  	vm3 =	vgt.s32 v1, $0xC3FF;
	v7 =	vadd.s32 $0xFFFF3C00, v1;
	vm7 =	vgt.s32 v2, $0xC3FF  }
0x646: {  	vm6 =	vgt.s32 v3, $0xC3FF;
	vm4 =	vgt.s32 v4, $0xC3FF;
	v0 =	vsel vm5, v5, v0  }
0x647: {  	vm1 =	vgt.s32 v6, $0xC3FF;
	v5 =	vld [tilespmem:s24+$0xFFFFFFC0];
	v1 =	vsel vm3, v7, v1;
	v7 =	vadd.s32 $0xFFFF3C00, v2  }
0x648: {  	vm0 =	vgt.s32 v8, $0xC3FF;
	v2 =	vsel vm7, v7, v2;
	v7 =	vadd.s32 $0xFFFF3C00, v3  }
0x649: {  	v9 =	vadd.s32 $0xFFFF3C00, v8;
	s24 =	simm.s32 $0x14140;
	v3 =	vsel vm6, v7, v3;
	v7 =	vadd.s32 $0xFFFF3C00, v4  }
0x64a: {  	s14 =	simm.s32 $0x0;
	v8 =	vsel vm0, v9, v8;
	v9 =	vld [tilespmem:s24+$0x30];
	v4 =	vsel vm4, v7, v4;
	v7 =	vadd.s32 $0xFFFF3C00, v6  }
0x64b: {  	v6 =	vsel vm1, v7, v6;
	v0 =	vld.idx.msk [tilespmem:v0+s14+$0x0], $0xffff  }
0x64c: {  	vm2 =	vgt.s32 v5, $0xC3FF;
	v7 =	vadd.s32 $0xFFFF3C00, v5;
	v1 =	vld.idx.msk [tilespmem:v1+s14+$0x0], $0xffff  }
0x64d: {  	v5 =	vsel vm2, v7, v5;
	v7 =	vld.idx.msk [tilespmem:v2+s14+$0x0], $0xffff  }
0x64e: {  	v10 =	vld.idx.msk [tilespmem:v3+s14+$0x0], $0xffff  }
0x64f: {  	v11 =	vld.idx.msk [tilespmem:v4+s14+$0x0], $0xffff  }
0x650: {  	v12 =	vld.idx.msk [tilespmem:v6+s14+$0x0], $0xffff;
	v3 =	vand.u32 $0xFFFF0000, v0  }
0x651: {  	v0 =	vshll.u32 v0, $0x10;
	v4 =	vand.u32 $0xFFFF0000, v1;
	v6 =	vshll.u32 v1, $0x10;
	v1 =	vld.idx.msk [tilespmem:v8+s14+$0x0], $0xffff  }
0x652: {  	v2 =	vld.idx.msk [tilespmem:v5+s14+$0x0], $0xffff;
	v0 =	vsel vm5, v3, v0;
	v3 =	vand.u32 $0xFFFF0000, v7  }
0x653: {  	v7 =	vshll.u32 v7, $0x10;
	v5 =	vld [tilespmem:s24+$0xFFFFFFC0];
	v4 =	vsel vm3, v4, v6;
	v0 =	vmul.f32 v0, v9  }
0x654: {  	v3 =	vsel vm7, v3, v7;
	v7 =	vld [tilespmem:s24+$0xFFFFFFD0];
	v6 =	vand.u32 $0xFFFF0000, v10;
	v9 =	vshll.u32 v10, $0x10  }
0x655: {  	v8 =	vld [tilespmem:s24+$0xFFFFFFE0];
	v6 =	vsel vm6, v6, v9;
	v10 =	vand.u32 $0xFFFF0000, v11;
	v11 =	vshll.u32 v11, $0x10  }
0x656: {  	s29 =	simm.s32 $0x0;
	s30 =	simm.s32 $0xE400;
	s10 =	simm.s32 $0x14140;
	v9 =	vld [tilespmem:s24+$0xFFFFFFF0];
	[tilespmem:s24+$0x30] =	vst v0;
	v0 =	vsel vm4, v10, v11;
	v10 =	vand.u32 $0xFFFF0000, v12;
	v11 =	vshll.u32 v12, $0x10  }
.LBB2_66:
0x657: {  	v12 =	vld [tilespmem:s30+$0x30];
	s29 =	sadd.s32 $0x8, s29;
	v13 =	vand.u32 $0xFFFF0000, v2;
	v2 =	vshll.u32 v2, $0x10;
	v10 =	vsel vm1, v10, v11  }
0x658: {  	v11 =	vld [tilespmem:s30+$0xFFFFFFD0];
	p0 =	slt.u32 s29, $0x70;
	v2 =	vsel vm2, v13, v2;
	v13 =	vand.u32 $0xFFFF0000, v1;
	v1 =	vshll.u32 v1, $0x10  }
0x659: {  	v14 =	vld [tilespmem:s30+$0xFFFFFFE0];
	v2 =	vmul.f32 v2, v5;
	v4 =	vmul.f32 v4, v7;
	v1 =	vsel vm0, v13, v1  }
0x65a: {  	v5 =	vld [tilespmem:s30+$0xFFFFFFF0];
	v3 =	vmul.f32 v3, v8  }
0x65b: {  	v7 =	vld [tilespmem:s30+$0x0];
	[tilespmem:s24+$0xFFFFFFC0] =	vst v2;
	v2 =	vmul.f32 v6, v9  }
0x65c: {  	v6 =	vld [tilespmem:s30+$0x10];
	vm6 =	vgt.s32 v12, $0xC3FF;
	v8 =	vadd.s32 $0xFFFF3C00, v12;
	[tilespmem:s24+$0xFFFFFFD0] =	vst v4  }
0x65d: {  	vm3 =	vgt.s32 v11, $0xC3FF;
	v4 =	vadd.s32 $0xFFFF3C00, v11;
	v9 =	vld [tilespmem:s30+$0x20];
	v8 =	vsel vm6, v8, v12;
	[tilespmem:s24+$0xFFFFFFE0] =	vst v3  }
0x65e: {  	v3 =	vld [tilespmem:s30+$0xFFFFFFC0];
	v4 =	vsel vm3, v4, v11;
	vm7 =	vgt.s32 v14, $0xC3FF;
	v11 =	vadd.s32 $0xFFFF3C00, v14;
	[tilespmem:s24+$0xFFFFFFF0] =	vst v2  }
0x65f: {  	v2 =	vsel vm7, v11, v14;
	vm4 =	vgt.s32 v5, $0xC3FF;
	v11 =	vadd.s32 $0xFFFF3C00, v5;
	v12 =	vld [tilespmem:s24+$0x0]  }
0x660: {  	v5 =	vsel vm4, v11, v5;
	vm5 =	vgt.s32 v7, $0xC3FF;
	v11 =	vadd.s32 $0xFFFF3C00, v7;
	v13 =	vld [tilespmem:s24+$0x10]  }
0x661: {  	v7 =	vsel vm5, v11, v7;
	vm1 =	vgt.s32 v6, $0xC3FF;
	v11 =	vadd.s32 $0xFFFF3C00, v6;
	v14 =	vld [tilespmem:s24+$0x20]  }
0x662: {  	v6 =	vsel vm1, v11, v6;
	vm0 =	vgt.s32 v9, $0xC3FF;
	v11 =	vadd.s32 $0xFFFF3C00, v9;
	v8 =	vld.idx.msk [tilespmem:v8+s14+$0x0], $0xffff  }
0x663: {  	vm2 =	vgt.s32 v3, $0xC3FF;
	v15 =	vadd.s32 $0xFFFF3C00, v3;
	v4 =	vld.idx.msk [tilespmem:v4+s14+$0x0], $0xffff;
	v9 =	vsel vm0, v11, v9  }
0x664: {  	s24 =	sadd.s32 $0x80, s24;
	v3 =	vsel vm2, v15, v3;
	v11 =	vld.idx.msk [tilespmem:v2+s14+$0x0], $0xffff;
	v0 =	vmul.f32 v0, v12  }
0x665: {  	v12 =	vld [tilespmem:s24+$0x30];
	v2 =	vmul.f32 v10, v13  }
0x666: {  	v10 =	vld.idx.msk [tilespmem:v5+s14+$0x0], $0xffff;
	[tilespmem:s10+$0x0] =	vst v0;
	v0 =	vmul.f32 v1, v14  }
0x667: {  	v13 =	vld.idx.msk [tilespmem:v7+s14+$0x0], $0xffff;
	[tilespmem:s10+$0x10] =	vst v2  }
0x668: {  	v1 =	vand.u32 $0xFFFF0000, v8;
	v5 =	vshll.u32 v8, $0x10;
	v14 =	vld.idx.msk [tilespmem:v6+s14+$0x0], $0xffff;
	[tilespmem:s10+$0x20] =	vst v0;
	s10 =	smov.u32 s24  }
0x669: {  	v0 =	vand.u32 $0xFFFF0000, v4;
	v2 =	vld.idx.msk [tilespmem:v3+s14+$0x0], $0xffff;
	v3 =	vshll.u32 v4, $0x10;
	v4 =	vsel vm6, v1, v5  }
.Ltmp32:
0x66a: {  	v6 =	vand.u32 $0xFFFF0000, v11;
	v7 =	vshll.u32 v11, $0x10;
	v1 =	vld.idx.msk [tilespmem:v9+s14+$0x0], $0xffff;
	v8 =	vmul.f32 v4, v12;
	(pc) =	sbr.rel @p0 .LBB2_66-.Ltmp32, $4  }
0x66b: {  	v4 =	vsel vm3, v0, v3;
	v3 =	vsel vm7, v6, v7;
	v5 =	vld [tilespmem:s24+$0xFFFFFFC0]  }
0x66c: {  	v0 =	vand.u32 $0xFFFF0000, v10;
	v6 =	vshll.u32 v10, $0x10;
	v7 =	vld [tilespmem:s24+$0xFFFFFFD0];
	[tilespmem:s24+$0x30] =	vst v8  }
0x66d: {  	v6 =	vsel vm4, v0, v6;
	v0 =	vand.u32 $0xFFFF0000, v13;
	v10 =	vshll.u32 v13, $0x10;
	v8 =	vld [tilespmem:s24+$0xFFFFFFE0]  }
0x66e: {  	s30 =	sadd.s32 $0x80, s30;
	v0 =	vsel vm5, v0, v10;
	v10 =	vand.u32 $0xFFFF0000, v14;
	v11 =	vshll.u32 v14, $0x10;
	v9 =	vld [tilespmem:s24+$0xFFFFFFF0]  }
0x66f: {  	v12 =	vand.u32 $0xFFFF0000, v2;
	v56 =	vshll.u32 v2, $0x10  }
0x670: {  	v57 =	vld [tilespmem:s24+$0x0];
	v2 =	vsel vm2, v12, v56  }
0x671: {  	v58 =	vld [tilespmem:s24+$0x10];
	v2 =	vmul.f32 v2, v5  }
0x672: {  	v59 =	vld [tilespmem:s24+$0x20];
	v4 =	vmul.f32 v4, v7  }
0x673: {  	v3 =	vmul.f32 v3, v8;
	[tilespmem:s24+$0xFFFFFFC0] =	vst v2  }
0x674: {  	v60 =	vsel vm1, v10, v11;
	v6 =	vmul.f32 v6, v9;
	[tilespmem:s24+$0xFFFFFFD0] =	vst v4  }
0x675: {  	v61 =	vand.u32 $0xFFFF0000, v1;
	v62 =	vshll.u32 v1, $0x10;
	[tilespmem:s24+$0xFFFFFFE0] =	vst v3;
	v0 =	vmul.f32 v0, v57  }
0x676: {  	v1 =	vsel vm0, v61, v62;
	v2 =	vmul.f32 v60, v58;
	[tilespmem:s24+$0xFFFFFFF0] =	vst v6  }
0x677: {  	v63 =	vmul.f32 v1, v59;
	[tilespmem:s10+$0x0] =	vst v0  }
0x678: {  	[tilespmem:s10+$0x10] =	vst v2  }
0x679: {  	[tilespmem:s10+$0x20] =	vst v63  }
.LBB2_68:
0x67a: {  	s10 =	sshra.s32 s14, $0x2  }
0x67b: {  	v0 =	vld [tilespmem:s10+$0xEAC0];
	_ =	sdelay $0x4  }
0x67c: {  	vm0 =	vgt.s32 v0, $0xC3FF;
	v1 =	vadd.s32 $0xFFFF3C00, v0  }
0x67d: {  	v0 =	vsel vm0, v1, v0;
	_ =	sdelay $0x4  }
0x67e: {  	v0 =	vld.idx.msk [tilespmem:v0+s1+$0x0], $0xffff;
	_ =	sdelay $0x1  }
0x67f: {  	v63 =	vld [tilespmem:s10+$0x14880];
	_ =	sdelay $0x1  }
0x680: {  	p0 =	sne.s32 s14, $0x100  }
.Ltmp33:
0x681: {  	v2 =	vand.u32 $0xFFFF0000, v0;
	v0 =	vshll.u32 v0, $0x10;
	(pc) =	sbr.rel @p0 .LBB2_68-.Ltmp33, $3  }
0x682: {  	v0 =	vsel vm0, v2, v0  }
0x683: {  	v0 =	vmul.f32 v0, v63;
	_ =	sdelay $0x1  }
0x684: {  	s14 =	sadd.s32 $0x40, s14;
	[tilespmem:s10+$0x14880] =	vst v0  }
0x685: {  	[spmem:s15] =	stream.indirect.scatter.add.f32 [tilespmem:s12], [sflag:$0xD], $0x1, s11, s9, $0xb8;
	[tilespmem:$0x16920] =	vst v63  }
0x686: {  	_ =	swait.ge [sflag:s22], $0x7D0  }
0x687: {  	s10 =	sld [smem:$0x7E6]  }
0x688: {  	[sflag:s22] =	ssyncset.done $0x0  }
0x689: {  	s14 =	simm.s32 $0xD3A0;
	s24 =	sld [smem:$0x7E7];
	[sflag:s22] =	ssyncadd.s32 $0xFFFFF830  }
0x68a: {  	[tilespmem:s14], [sflag:$0x5] =	stream.linear.gather [hbm4b:s10+s1], $0x7D0, $0x38;
	[tilespmem:$0x16920] =	vst v63  }
0x68b: {  	s14 =	sld [smem:$0x7E8]  }
0x68c: {  	[tilespmem:s0], [sflag:$0x5] =	stream.linear.gather [hbm4b:s24+s1], $0x7D0, $0x38;
	[tilespmem:$0x16920] =	vst v63  }
0x68d: {  	_ = 	snop  }
0x68e: {  	[tilespmem:s2], [sflag:$0x5] =	stream.linear.gather [hbm4b:s14+s1], $0x7D0, $0x38;
	[tilespmem:$0x16920] =	vst v63  }
0x68f: {  	_ =	swait.ge [sflag:s3], $0x7D0  }
0x690: {  	[sflag:s3] =	ssyncset.done $0x0  }
0x691: {  	[sflag:s3] =	ssyncadd.s32 $0xFFFFF830  }
0x692: {  	_ =	swait.ge [sflag:s3], $0x7D0  }
0x693: {  	[sflag:s3] =	ssyncset.done $0x0  }
0x694: {  	[sflag:s3] =	ssyncadd.s32 $0xFFFFF830  }
0x695: {  	_ =	swait.ge [sflag:s3], $0x7D0  }
0x696: {  	[sflag:s3] =	ssyncset.done $0x0  }
0x697: {  	s24 =	simm.s32 $0xEB50;
	[sflag:s3] =	ssyncadd.s32 $0xFFFFF830  }
0x698: {  	v0 =	vld [tilespmem:s24+$0x30]  }
0x699: {  	v1 =	vld [tilespmem:s24+$0xFFFFFFD0]  }
0x69a: {  	v2 =	vld [tilespmem:s24+$0xFFFFFFE0]  }
0x69b: {  	v3 =	vld [tilespmem:s24+$0xFFFFFFF0]  }
0x69c: {  	v4 =	vld [tilespmem:s24+$0x0]  }
0x69d: {  	v6 =	vld [tilespmem:s24+$0x10]  }
0x69e: {  	v8 =	vld [tilespmem:s24+$0x20]  }
0x69f: {  	vm5 =	vgt.s32 v0, $0xC3FF;
	v5 =	vadd.s32 $0xFFFF3C00, v0  }
0x6a0: {  	vm3 =	vgt.s32 v1, $0xC3FF;
	v7 =	vadd.s32 $0xFFFF3C00, v1;
	vm7 =	vgt.s32 v2, $0xC3FF  }
0x6a1: {  	vm6 =	vgt.s32 v3, $0xC3FF;
	vm4 =	vgt.s32 v4, $0xC3FF;
	v0 =	vsel vm5, v5, v0  }
0x6a2: {  	vm1 =	vgt.s32 v6, $0xC3FF;
	v5 =	vld [tilespmem:s24+$0xFFFFFFC0];
	v1 =	vsel vm3, v7, v1;
	v7 =	vadd.s32 $0xFFFF3C00, v2  }
0x6a3: {  	vm0 =	vgt.s32 v8, $0xC3FF;
	v2 =	vsel vm7, v7, v2;
	v7 =	vadd.s32 $0xFFFF3C00, v3  }
0x6a4: {  	v9 =	vadd.s32 $0xFFFF3C00, v8;
	s24 =	simm.s32 $0x14910;
	v3 =	vsel vm6, v7, v3;
	v7 =	vadd.s32 $0xFFFF3C00, v4  }
0x6a5: {  	s14 =	simm.s32 $0x0;
	v8 =	vsel vm0, v9, v8;
	v9 =	vld [tilespmem:s24+$0x30];
	v4 =	vsel vm4, v7, v4;
	v7 =	vadd.s32 $0xFFFF3C00, v6  }
0x6a6: {  	v6 =	vsel vm1, v7, v6;
	v0 =	vld.idx.msk [tilespmem:v0+s14+$0x0], $0xffff  }
0x6a7: {  	vm2 =	vgt.s32 v5, $0xC3FF;
	v7 =	vadd.s32 $0xFFFF3C00, v5;
	v1 =	vld.idx.msk [tilespmem:v1+s14+$0x0], $0xffff  }
0x6a8: {  	v5 =	vsel vm2, v7, v5;
	v7 =	vld.idx.msk [tilespmem:v2+s14+$0x0], $0xffff  }
0x6a9: {  	v10 =	vld.idx.msk [tilespmem:v3+s14+$0x0], $0xffff  }
0x6aa: {  	v11 =	vld.idx.msk [tilespmem:v4+s14+$0x0], $0xffff  }
0x6ab: {  	v12 =	vld.idx.msk [tilespmem:v6+s14+$0x0], $0xffff;
	v3 =	vand.u32 $0xFFFF0000, v0  }
0x6ac: {  	v0 =	vshll.u32 v0, $0x10;
	v4 =	vand.u32 $0xFFFF0000, v1;
	v6 =	vshll.u32 v1, $0x10;
	v1 =	vld.idx.msk [tilespmem:v8+s14+$0x0], $0xffff  }
0x6ad: {  	v2 =	vld.idx.msk [tilespmem:v5+s14+$0x0], $0xffff;
	v0 =	vsel vm5, v3, v0;
	v3 =	vand.u32 $0xFFFF0000, v7  }
0x6ae: {  	v7 =	vshll.u32 v7, $0x10;
	v5 =	vld [tilespmem:s24+$0xFFFFFFC0];
	v4 =	vsel vm3, v4, v6;
	v0 =	vmul.f32 v0, v9  }
0x6af: {  	v3 =	vsel vm7, v3, v7;
	v7 =	vld [tilespmem:s24+$0xFFFFFFD0];
	v6 =	vand.u32 $0xFFFF0000, v10;
	v9 =	vshll.u32 v10, $0x10  }
0x6b0: {  	v8 =	vld [tilespmem:s24+$0xFFFFFFE0];
	v6 =	vsel vm6, v6, v9;
	v10 =	vand.u32 $0xFFFF0000, v11;
	v11 =	vshll.u32 v11, $0x10  }
0x6b1: {  	s29 =	simm.s32 $0x0;
	s30 =	simm.s32 $0xEBD0;
	s10 =	simm.s32 $0x14910;
	v9 =	vld [tilespmem:s24+$0xFFFFFFF0];
	[tilespmem:s24+$0x30] =	vst v0;
	v0 =	vsel vm4, v10, v11;
	v10 =	vand.u32 $0xFFFF0000, v12;
	v11 =	vshll.u32 v12, $0x10  }
.LBB2_70:
0x6b2: {  	v12 =	vld [tilespmem:s30+$0x30];
	s29 =	sadd.s32 $0x8, s29;
	v13 =	vand.u32 $0xFFFF0000, v2;
	v2 =	vshll.u32 v2, $0x10;
	v10 =	vsel vm1, v10, v11  }
0x6b3: {  	v11 =	vld [tilespmem:s30+$0xFFFFFFD0];
	p0 =	slt.u32 s29, $0x70;
	v2 =	vsel vm2, v13, v2;
	v13 =	vand.u32 $0xFFFF0000, v1;
	v1 =	vshll.u32 v1, $0x10  }
0x6b4: {  	v14 =	vld [tilespmem:s30+$0xFFFFFFE0];
	v2 =	vmul.f32 v2, v5;
	v4 =	vmul.f32 v4, v7;
	v1 =	vsel vm0, v13, v1  }
0x6b5: {  	v5 =	vld [tilespmem:s30+$0xFFFFFFF0];
	v3 =	vmul.f32 v3, v8  }
0x6b6: {  	v7 =	vld [tilespmem:s30+$0x0];
	[tilespmem:s24+$0xFFFFFFC0] =	vst v2;
	v2 =	vmul.f32 v6, v9  }
0x6b7: {  	v6 =	vld [tilespmem:s30+$0x10];
	vm6 =	vgt.s32 v12, $0xC3FF;
	v8 =	vadd.s32 $0xFFFF3C00, v12;
	[tilespmem:s24+$0xFFFFFFD0] =	vst v4  }
0x6b8: {  	vm3 =	vgt.s32 v11, $0xC3FF;
	v4 =	vadd.s32 $0xFFFF3C00, v11;
	v9 =	vld [tilespmem:s30+$0x20];
	v8 =	vsel vm6, v8, v12;
	[tilespmem:s24+$0xFFFFFFE0] =	vst v3  }
0x6b9: {  	v3 =	vld [tilespmem:s30+$0xFFFFFFC0];
	v4 =	vsel vm3, v4, v11;
	vm7 =	vgt.s32 v14, $0xC3FF;
	v11 =	vadd.s32 $0xFFFF3C00, v14;
	[tilespmem:s24+$0xFFFFFFF0] =	vst v2  }
0x6ba: {  	v2 =	vsel vm7, v11, v14;
	vm4 =	vgt.s32 v5, $0xC3FF;
	v11 =	vadd.s32 $0xFFFF3C00, v5;
	v12 =	vld [tilespmem:s24+$0x0]  }
0x6bb: {  	v5 =	vsel vm4, v11, v5;
	vm5 =	vgt.s32 v7, $0xC3FF;
	v11 =	vadd.s32 $0xFFFF3C00, v7;
	v13 =	vld [tilespmem:s24+$0x10]  }
0x6bc: {  	v7 =	vsel vm5, v11, v7;
	vm1 =	vgt.s32 v6, $0xC3FF;
	v11 =	vadd.s32 $0xFFFF3C00, v6;
	v14 =	vld [tilespmem:s24+$0x20]  }
0x6bd: {  	v6 =	vsel vm1, v11, v6;
	vm0 =	vgt.s32 v9, $0xC3FF;
	v11 =	vadd.s32 $0xFFFF3C00, v9;
	v8 =	vld.idx.msk [tilespmem:v8+s14+$0x0], $0xffff  }
0x6be: {  	vm2 =	vgt.s32 v3, $0xC3FF;
	v15 =	vadd.s32 $0xFFFF3C00, v3;
	v4 =	vld.idx.msk [tilespmem:v4+s14+$0x0], $0xffff;
	v9 =	vsel vm0, v11, v9  }
0x6bf: {  	s24 =	sadd.s32 $0x80, s24;
	v3 =	vsel vm2, v15, v3;
	v11 =	vld.idx.msk [tilespmem:v2+s14+$0x0], $0xffff;
	v0 =	vmul.f32 v0, v12  }
0x6c0: {  	v12 =	vld [tilespmem:s24+$0x30];
	v2 =	vmul.f32 v10, v13  }
0x6c1: {  	v10 =	vld.idx.msk [tilespmem:v5+s14+$0x0], $0xffff;
	[tilespmem:s10+$0x0] =	vst v0;
	v0 =	vmul.f32 v1, v14  }
0x6c2: {  	v13 =	vld.idx.msk [tilespmem:v7+s14+$0x0], $0xffff;
	[tilespmem:s10+$0x10] =	vst v2  }
0x6c3: {  	v1 =	vand.u32 $0xFFFF0000, v8;
	v5 =	vshll.u32 v8, $0x10;
	v14 =	vld.idx.msk [tilespmem:v6+s14+$0x0], $0xffff;
	[tilespmem:s10+$0x20] =	vst v0;
	s10 =	smov.u32 s24  }
0x6c4: {  	v0 =	vand.u32 $0xFFFF0000, v4;
	v2 =	vld.idx.msk [tilespmem:v3+s14+$0x0], $0xffff;
	v3 =	vshll.u32 v4, $0x10;
	v4 =	vsel vm6, v1, v5  }
.Ltmp34:
0x6c5: {  	v6 =	vand.u32 $0xFFFF0000, v11;
	v7 =	vshll.u32 v11, $0x10;
	v1 =	vld.idx.msk [tilespmem:v9+s14+$0x0], $0xffff;
	v8 =	vmul.f32 v4, v12;
	(pc) =	sbr.rel @p0 .LBB2_70-.Ltmp34, $4  }
0x6c6: {  	v4 =	vsel vm3, v0, v3;
	v3 =	vsel vm7, v6, v7;
	v5 =	vld [tilespmem:s24+$0xFFFFFFC0]  }
0x6c7: {  	v0 =	vand.u32 $0xFFFF0000, v10;
	v6 =	vshll.u32 v10, $0x10;
	v7 =	vld [tilespmem:s24+$0xFFFFFFD0];
	[tilespmem:s24+$0x30] =	vst v8  }
0x6c8: {  	v6 =	vsel vm4, v0, v6;
	v0 =	vand.u32 $0xFFFF0000, v13;
	v10 =	vshll.u32 v13, $0x10;
	v8 =	vld [tilespmem:s24+$0xFFFFFFE0]  }
0x6c9: {  	s30 =	sadd.s32 $0x80, s30;
	v0 =	vsel vm5, v0, v10;
	v10 =	vand.u32 $0xFFFF0000, v14;
	v11 =	vshll.u32 v14, $0x10;
	v9 =	vld [tilespmem:s24+$0xFFFFFFF0]  }
0x6ca: {  	v12 =	vand.u32 $0xFFFF0000, v2;
	v56 =	vshll.u32 v2, $0x10  }
0x6cb: {  	v57 =	vld [tilespmem:s24+$0x0];
	v2 =	vsel vm2, v12, v56  }
0x6cc: {  	v58 =	vld [tilespmem:s24+$0x10];
	v2 =	vmul.f32 v2, v5  }
0x6cd: {  	v59 =	vld [tilespmem:s24+$0x20];
	v4 =	vmul.f32 v4, v7  }
0x6ce: {  	v3 =	vmul.f32 v3, v8;
	[tilespmem:s24+$0xFFFFFFC0] =	vst v2  }
0x6cf: {  	v60 =	vsel vm1, v10, v11;
	v6 =	vmul.f32 v6, v9;
	[tilespmem:s24+$0xFFFFFFD0] =	vst v4  }
0x6d0: {  	v61 =	vand.u32 $0xFFFF0000, v1;
	v62 =	vshll.u32 v1, $0x10;
	[tilespmem:s24+$0xFFFFFFE0] =	vst v3;
	v0 =	vmul.f32 v0, v57  }
0x6d1: {  	v1 =	vsel vm0, v61, v62;
	v2 =	vmul.f32 v60, v58;
	[tilespmem:s24+$0xFFFFFFF0] =	vst v6  }
0x6d2: {  	v63 =	vmul.f32 v1, v59;
	[tilespmem:s10+$0x0] =	vst v0  }
0x6d3: {  	[tilespmem:s10+$0x10] =	vst v2  }
0x6d4: {  	[tilespmem:s10+$0x20] =	vst v63  }
.LBB2_72:
0x6d5: {  	s10 =	sshra.s32 s14, $0x2  }
0x6d6: {  	v0 =	vld [tilespmem:s10+$0xF290];
	_ =	sdelay $0x4  }
0x6d7: {  	vm0 =	vgt.s32 v0, $0xC3FF;
	v1 =	vadd.s32 $0xFFFF3C00, v0  }
0x6d8: {  	v0 =	vsel vm0, v1, v0;
	_ =	sdelay $0x4  }
0x6d9: {  	v0 =	vld.idx.msk [tilespmem:v0+s1+$0x0], $0xffff;
	_ =	sdelay $0x1  }
0x6da: {  	v63 =	vld [tilespmem:s10+$0x15050];
	_ =	sdelay $0x1  }
0x6db: {  	p0 =	sne.s32 s14, $0x100  }
.Ltmp35:
0x6dc: {  	v2 =	vand.u32 $0xFFFF0000, v0;
	v0 =	vshll.u32 v0, $0x10;
	(pc) =	sbr.rel @p0 .LBB2_72-.Ltmp35, $3  }
0x6dd: {  	v0 =	vsel vm0, v2, v0  }
0x6de: {  	v0 =	vmul.f32 v0, v63;
	_ =	sdelay $0x1  }
0x6df: {  	s14 =	sadd.s32 $0x40, s14;
	[tilespmem:s10+$0x15050] =	vst v0  }
0x6e0: {  	[spmem:s15] =	stream.indirect.scatter.add.f32 [tilespmem:s17], [sflag:$0xE], $0x1, s16, s9, $0xb8;
	[tilespmem:$0x16920] =	vst v63  }
0x6e1: {  	_ =	swait.ge [sflag:s4], $0x7D0  }
0x6e2: {  	s10 =	sld [smem:$0x7E9]  }
0x6e3: {  	[sflag:s4] =	ssyncset.done $0x0  }
0x6e4: {  	s14 =	simm.s32 $0xDB70;
	s24 =	sld [smem:$0x7EA];
	[sflag:s4] =	ssyncadd.s32 $0xFFFFF830  }
0x6e5: {  	[tilespmem:s14], [sflag:$0x6] =	stream.linear.gather [hbm4b:s10+s1], $0x7D0, $0x38;
	[tilespmem:$0x16920] =	vst v63  }
0x6e6: {  	s14 =	sld [smem:$0x7EB]  }
0x6e7: {  	[tilespmem:s6], [sflag:$0x6] =	stream.linear.gather [hbm4b:s24+s1], $0x7D0, $0x38;
	[tilespmem:$0x16920] =	vst v63  }
0x6e8: {  	_ = 	snop  }
0x6e9: {  	[tilespmem:s7], [sflag:$0x6] =	stream.linear.gather [hbm4b:s14+s1], $0x7D0, $0x38;
	[tilespmem:$0x16920] =	vst v63  }
0x6ea: {  	_ =	swait.ge [sflag:s8], $0x7D0  }
0x6eb: {  	[sflag:s8] =	ssyncset.done $0x0  }
0x6ec: {  	[sflag:s8] =	ssyncadd.s32 $0xFFFFF830  }
0x6ed: {  	_ =	swait.ge [sflag:s8], $0x7D0  }
0x6ee: {  	[sflag:s8] =	ssyncset.done $0x0  }
0x6ef: {  	[sflag:s8] =	ssyncadd.s32 $0xFFFFF830  }
0x6f0: {  	_ =	swait.ge [sflag:s8], $0x7D0  }
0x6f1: {  	[sflag:s8] =	ssyncset.done $0x0  }
0x6f2: {  	s24 =	simm.s32 $0xC440;
	[sflag:s8] =	ssyncadd.s32 $0xFFFFF830  }
0x6f3: {  	v0 =	vld [tilespmem:s24+$0x30]  }
0x6f4: {  	v1 =	vld [tilespmem:s24+$0xFFFFFFD0]  }
0x6f5: {  	v2 =	vld [tilespmem:s24+$0xFFFFFFE0]  }
0x6f6: {  	v3 =	vld [tilespmem:s24+$0xFFFFFFF0]  }
0x6f7: {  	v4 =	vld [tilespmem:s24+$0x0]  }
0x6f8: {  	v6 =	vld [tilespmem:s24+$0x10]  }
0x6f9: {  	v8 =	vld [tilespmem:s24+$0x20]  }
0x6fa: {  	vm5 =	vgt.s32 v0, $0xC3FF;
	v5 =	vadd.s32 $0xFFFF3C00, v0  }
0x6fb: {  	vm3 =	vgt.s32 v1, $0xC3FF;
	v7 =	vadd.s32 $0xFFFF3C00, v1;
	vm7 =	vgt.s32 v2, $0xC3FF  }
0x6fc: {  	vm6 =	vgt.s32 v3, $0xC3FF;
	vm4 =	vgt.s32 v4, $0xC3FF;
	v0 =	vsel vm5, v5, v0  }
0x6fd: {  	vm1 =	vgt.s32 v6, $0xC3FF;
	v5 =	vld [tilespmem:s24+$0xFFFFFFC0];
	v1 =	vsel vm3, v7, v1;
	v7 =	vadd.s32 $0xFFFF3C00, v2  }
0x6fe: {  	vm0 =	vgt.s32 v8, $0xC3FF;
	v2 =	vsel vm7, v7, v2;
	v7 =	vadd.s32 $0xFFFF3C00, v3  }
0x6ff: {  	v9 =	vadd.s32 $0xFFFF3C00, v8;
	s24 =	simm.s32 $0x12200;
	v3 =	vsel vm6, v7, v3;
	v7 =	vadd.s32 $0xFFFF3C00, v4  }
0x700: {  	s14 =	simm.s32 $0x0;
	v8 =	vsel vm0, v9, v8;
	v9 =	vld [tilespmem:s24+$0x30];
	v4 =	vsel vm4, v7, v4;
	v7 =	vadd.s32 $0xFFFF3C00, v6  }
0x701: {  	v6 =	vsel vm1, v7, v6;
	v0 =	vld.idx.msk [tilespmem:v0+s14+$0x0], $0xffff  }
0x702: {  	vm2 =	vgt.s32 v5, $0xC3FF;
	v7 =	vadd.s32 $0xFFFF3C00, v5;
	v1 =	vld.idx.msk [tilespmem:v1+s14+$0x0], $0xffff  }
0x703: {  	v5 =	vsel vm2, v7, v5;
	v7 =	vld.idx.msk [tilespmem:v2+s14+$0x0], $0xffff  }
0x704: {  	v10 =	vld.idx.msk [tilespmem:v3+s14+$0x0], $0xffff  }
0x705: {  	v11 =	vld.idx.msk [tilespmem:v4+s14+$0x0], $0xffff  }
0x706: {  	v12 =	vld.idx.msk [tilespmem:v6+s14+$0x0], $0xffff;
	v3 =	vand.u32 $0xFFFF0000, v0  }
0x707: {  	v0 =	vshll.u32 v0, $0x10;
	v4 =	vand.u32 $0xFFFF0000, v1;
	v6 =	vshll.u32 v1, $0x10;
	v1 =	vld.idx.msk [tilespmem:v8+s14+$0x0], $0xffff  }
0x708: {  	v2 =	vld.idx.msk [tilespmem:v5+s14+$0x0], $0xffff;
	v0 =	vsel vm5, v3, v0;
	v3 =	vand.u32 $0xFFFF0000, v7  }
0x709: {  	v7 =	vshll.u32 v7, $0x10;
	v5 =	vld [tilespmem:s24+$0xFFFFFFC0];
	v4 =	vsel vm3, v4, v6;
	v0 =	vmul.f32 v0, v9  }
0x70a: {  	v3 =	vsel vm7, v3, v7;
	v7 =	vld [tilespmem:s24+$0xFFFFFFD0];
	v6 =	vand.u32 $0xFFFF0000, v10;
	v9 =	vshll.u32 v10, $0x10  }
0x70b: {  	v8 =	vld [tilespmem:s24+$0xFFFFFFE0];
	v6 =	vsel vm6, v6, v9;
	v10 =	vand.u32 $0xFFFF0000, v11;
	v11 =	vshll.u32 v11, $0x10  }
0x70c: {  	s29 =	simm.s32 $0x0;
	s30 =	simm.s32 $0xC4C0;
	s10 =	simm.s32 $0x12200;
	v9 =	vld [tilespmem:s24+$0xFFFFFFF0];
	[tilespmem:s24+$0x30] =	vst v0;
	v0 =	vsel vm4, v10, v11;
	v10 =	vand.u32 $0xFFFF0000, v12;
	v11 =	vshll.u32 v12, $0x10  }
.LBB2_74:
0x70d: {  	v12 =	vld [tilespmem:s30+$0x30];
	s29 =	sadd.s32 $0x8, s29;
	v13 =	vand.u32 $0xFFFF0000, v2;
	v2 =	vshll.u32 v2, $0x10;
	v10 =	vsel vm1, v10, v11  }
0x70e: {  	v11 =	vld [tilespmem:s30+$0xFFFFFFD0];
	p0 =	slt.u32 s29, $0x70;
	v2 =	vsel vm2, v13, v2;
	v13 =	vand.u32 $0xFFFF0000, v1;
	v1 =	vshll.u32 v1, $0x10  }
0x70f: {  	v14 =	vld [tilespmem:s30+$0xFFFFFFE0];
	v2 =	vmul.f32 v2, v5;
	v4 =	vmul.f32 v4, v7;
	v1 =	vsel vm0, v13, v1  }
0x710: {  	v5 =	vld [tilespmem:s30+$0xFFFFFFF0];
	v3 =	vmul.f32 v3, v8  }
0x711: {  	v7 =	vld [tilespmem:s30+$0x0];
	[tilespmem:s24+$0xFFFFFFC0] =	vst v2;
	v2 =	vmul.f32 v6, v9  }
0x712: {  	v6 =	vld [tilespmem:s30+$0x10];
	vm6 =	vgt.s32 v12, $0xC3FF;
	v8 =	vadd.s32 $0xFFFF3C00, v12;
	[tilespmem:s24+$0xFFFFFFD0] =	vst v4  }
0x713: {  	vm3 =	vgt.s32 v11, $0xC3FF;
	v4 =	vadd.s32 $0xFFFF3C00, v11;
	v9 =	vld [tilespmem:s30+$0x20];
	v8 =	vsel vm6, v8, v12;
	[tilespmem:s24+$0xFFFFFFE0] =	vst v3  }
0x714: {  	v3 =	vld [tilespmem:s30+$0xFFFFFFC0];
	v4 =	vsel vm3, v4, v11;
	vm7 =	vgt.s32 v14, $0xC3FF;
	v11 =	vadd.s32 $0xFFFF3C00, v14;
	[tilespmem:s24+$0xFFFFFFF0] =	vst v2  }
0x715: {  	v2 =	vsel vm7, v11, v14;
	vm4 =	vgt.s32 v5, $0xC3FF;
	v11 =	vadd.s32 $0xFFFF3C00, v5;
	v12 =	vld [tilespmem:s24+$0x0]  }
0x716: {  	v5 =	vsel vm4, v11, v5;
	vm5 =	vgt.s32 v7, $0xC3FF;
	v11 =	vadd.s32 $0xFFFF3C00, v7;
	v13 =	vld [tilespmem:s24+$0x10]  }
0x717: {  	v7 =	vsel vm5, v11, v7;
	vm1 =	vgt.s32 v6, $0xC3FF;
	v11 =	vadd.s32 $0xFFFF3C00, v6;
	v14 =	vld [tilespmem:s24+$0x20]  }
0x718: {  	v6 =	vsel vm1, v11, v6;
	vm0 =	vgt.s32 v9, $0xC3FF;
	v11 =	vadd.s32 $0xFFFF3C00, v9;
	v8 =	vld.idx.msk [tilespmem:v8+s14+$0x0], $0xffff  }
0x719: {  	vm2 =	vgt.s32 v3, $0xC3FF;
	v15 =	vadd.s32 $0xFFFF3C00, v3;
	v4 =	vld.idx.msk [tilespmem:v4+s14+$0x0], $0xffff;
	v9 =	vsel vm0, v11, v9  }
0x71a: {  	s24 =	sadd.s32 $0x80, s24;
	v3 =	vsel vm2, v15, v3;
	v11 =	vld.idx.msk [tilespmem:v2+s14+$0x0], $0xffff;
	v0 =	vmul.f32 v0, v12  }
0x71b: {  	v12 =	vld [tilespmem:s24+$0x30];
	v2 =	vmul.f32 v10, v13  }
0x71c: {  	v10 =	vld.idx.msk [tilespmem:v5+s14+$0x0], $0xffff;
	[tilespmem:s10+$0x0] =	vst v0;
	v0 =	vmul.f32 v1, v14  }
0x71d: {  	v13 =	vld.idx.msk [tilespmem:v7+s14+$0x0], $0xffff;
	[tilespmem:s10+$0x10] =	vst v2  }
0x71e: {  	v1 =	vand.u32 $0xFFFF0000, v8;
	v5 =	vshll.u32 v8, $0x10;
	v14 =	vld.idx.msk [tilespmem:v6+s14+$0x0], $0xffff;
	[tilespmem:s10+$0x20] =	vst v0;
	s10 =	smov.u32 s24  }
0x71f: {  	v0 =	vand.u32 $0xFFFF0000, v4;
	v2 =	vld.idx.msk [tilespmem:v3+s14+$0x0], $0xffff;
	v3 =	vshll.u32 v4, $0x10;
	v4 =	vsel vm6, v1, v5  }
.Ltmp36:
0x720: {  	v6 =	vand.u32 $0xFFFF0000, v11;
	v7 =	vshll.u32 v11, $0x10;
	v1 =	vld.idx.msk [tilespmem:v9+s14+$0x0], $0xffff;
	v8 =	vmul.f32 v4, v12;
	(pc) =	sbr.rel @p0 .LBB2_74-.Ltmp36, $4  }
0x721: {  	v4 =	vsel vm3, v0, v3;
	v3 =	vsel vm7, v6, v7;
	v5 =	vld [tilespmem:s24+$0xFFFFFFC0]  }
0x722: {  	v0 =	vand.u32 $0xFFFF0000, v10;
	v6 =	vshll.u32 v10, $0x10;
	v7 =	vld [tilespmem:s24+$0xFFFFFFD0];
	[tilespmem:s24+$0x30] =	vst v8  }
0x723: {  	v6 =	vsel vm4, v0, v6;
	v0 =	vand.u32 $0xFFFF0000, v13;
	v10 =	vshll.u32 v13, $0x10;
	v8 =	vld [tilespmem:s24+$0xFFFFFFE0]  }
0x724: {  	s30 =	sadd.s32 $0x80, s30;
	v0 =	vsel vm5, v0, v10;
	v10 =	vand.u32 $0xFFFF0000, v14;
	v11 =	vshll.u32 v14, $0x10;
	v9 =	vld [tilespmem:s24+$0xFFFFFFF0]  }
0x725: {  	v12 =	vand.u32 $0xFFFF0000, v2;
	v56 =	vshll.u32 v2, $0x10  }
0x726: {  	v57 =	vld [tilespmem:s24+$0x0];
	v2 =	vsel vm2, v12, v56  }
0x727: {  	v58 =	vld [tilespmem:s24+$0x10];
	v2 =	vmul.f32 v2, v5  }
0x728: {  	v59 =	vld [tilespmem:s24+$0x20];
	v4 =	vmul.f32 v4, v7  }
0x729: {  	v3 =	vmul.f32 v3, v8;
	[tilespmem:s24+$0xFFFFFFC0] =	vst v2  }
0x72a: {  	v60 =	vsel vm1, v10, v11;
	v6 =	vmul.f32 v6, v9;
	[tilespmem:s24+$0xFFFFFFD0] =	vst v4  }
0x72b: {  	v61 =	vand.u32 $0xFFFF0000, v1;
	v62 =	vshll.u32 v1, $0x10;
	[tilespmem:s24+$0xFFFFFFE0] =	vst v3;
	v0 =	vmul.f32 v0, v57  }
0x72c: {  	v1 =	vsel vm0, v61, v62;
	v2 =	vmul.f32 v60, v58;
	[tilespmem:s24+$0xFFFFFFF0] =	vst v6  }
0x72d: {  	v63 =	vmul.f32 v1, v59;
	[tilespmem:s10+$0x0] =	vst v0  }
0x72e: {  	[tilespmem:s10+$0x10] =	vst v2  }
0x72f: {  	[tilespmem:s10+$0x20] =	vst v63  }
.LBB2_76:
0x730: {  	s10 =	sshra.s32 s14, $0x2  }
0x731: {  	v0 =	vld [tilespmem:s10+$0xCB80];
	_ =	sdelay $0x4  }
0x732: {  	vm0 =	vgt.s32 v0, $0xC3FF;
	v1 =	vadd.s32 $0xFFFF3C00, v0  }
0x733: {  	v0 =	vsel vm0, v1, v0;
	_ =	sdelay $0x4  }
0x734: {  	v0 =	vld.idx.msk [tilespmem:v0+s1+$0x0], $0xffff;
	_ =	sdelay $0x1  }
0x735: {  	v63 =	vld [tilespmem:s10+$0x12940];
	_ =	sdelay $0x1  }
0x736: {  	p0 =	sne.s32 s14, $0x100  }
.Ltmp37:
0x737: {  	v2 =	vand.u32 $0xFFFF0000, v0;
	v0 =	vshll.u32 v0, $0x10;
	(pc) =	sbr.rel @p0 .LBB2_76-.Ltmp37, $3  }
0x738: {  	v0 =	vsel vm0, v2, v0  }
0x739: {  	v0 =	vmul.f32 v0, v63;
	_ =	sdelay $0x1  }
0x73a: {  	s14 =	sadd.s32 $0x40, s14;
	[tilespmem:s10+$0x12940] =	vst v0  }
0x73b: {  	[spmem:s15] =	stream.indirect.scatter.add.f32 [tilespmem:s26], [sflag:$0x9], $0x1, s25, s9, $0xb8;
	[tilespmem:$0x16920] =	vst v63  }
0x73c: {  	_ =	swait.ge [sflag:s28], $0x7D0  }
0x73d: {  	s10 =	sld [smem:$0x7EC]  }
0x73e: {  	[sflag:s28] =	ssyncset.done $0x0  }
0x73f: {  	s14 =	simm.s32 $0xE340;
	s24 =	sld [smem:$0x7ED];
	[sflag:s28] =	ssyncadd.s32 $0xFFFFF830  }
0x740: {  	[tilespmem:s14], [sflag:$0x7] =	stream.linear.gather [hbm4b:s10+s1], $0x7D0, $0x38;
	[tilespmem:$0x16920] =	vst v63  }
0x741: {  	s14 =	sld [smem:$0x7EE]  }
0x742: {  	[tilespmem:s11], [sflag:$0x7] =	stream.linear.gather [hbm4b:s24+s1], $0x7D0, $0x38;
	[tilespmem:$0x16920] =	vst v63  }
0x743: {  	_ = 	snop  }
0x744: {  	[tilespmem:s12], [sflag:$0x7] =	stream.linear.gather [hbm4b:s14+s1], $0x7D0, $0x38;
	[tilespmem:$0x16920] =	vst v63  }
0x745: {  	_ =	swait.ge [sflag:s13], $0x7D0  }
0x746: {  	[sflag:s13] =	ssyncset.done $0x0  }
0x747: {  	[sflag:s13] =	ssyncadd.s32 $0xFFFFF830  }
0x748: {  	_ =	swait.ge [sflag:s13], $0x7D0  }
0x749: {  	[sflag:s13] =	ssyncset.done $0x0  }
0x74a: {  	[sflag:s13] =	ssyncadd.s32 $0xFFFFF830  }
0x74b: {  	_ =	swait.ge [sflag:s13], $0x7D0  }
0x74c: {  	[sflag:s13] =	ssyncset.done $0x0  }
0x74d: {  	s24 =	simm.s32 $0xCC10;
	[sflag:s13] =	ssyncadd.s32 $0xFFFFF830  }
0x74e: {  	v0 =	vld [tilespmem:s24+$0x30]  }
0x74f: {  	v1 =	vld [tilespmem:s24+$0xFFFFFFD0]  }
0x750: {  	v2 =	vld [tilespmem:s24+$0xFFFFFFE0]  }
0x751: {  	v3 =	vld [tilespmem:s24+$0xFFFFFFF0]  }
0x752: {  	v4 =	vld [tilespmem:s24+$0x0]  }
0x753: {  	v6 =	vld [tilespmem:s24+$0x10]  }
0x754: {  	v8 =	vld [tilespmem:s24+$0x20]  }
0x755: {  	vm5 =	vgt.s32 v0, $0xC3FF;
	v5 =	vadd.s32 $0xFFFF3C00, v0  }
0x756: {  	vm3 =	vgt.s32 v1, $0xC3FF;
	v7 =	vadd.s32 $0xFFFF3C00, v1;
	vm7 =	vgt.s32 v2, $0xC3FF  }
0x757: {  	vm6 =	vgt.s32 v3, $0xC3FF;
	vm4 =	vgt.s32 v4, $0xC3FF;
	v0 =	vsel vm5, v5, v0  }
0x758: {  	vm1 =	vgt.s32 v6, $0xC3FF;
	v5 =	vld [tilespmem:s24+$0xFFFFFFC0];
	v1 =	vsel vm3, v7, v1;
	v7 =	vadd.s32 $0xFFFF3C00, v2  }
0x759: {  	vm0 =	vgt.s32 v8, $0xC3FF;
	v2 =	vsel vm7, v7, v2;
	v7 =	vadd.s32 $0xFFFF3C00, v3  }
0x75a: {  	v9 =	vadd.s32 $0xFFFF3C00, v8;
	s24 =	simm.s32 $0x129D0;
	v3 =	vsel vm6, v7, v3;
	v7 =	vadd.s32 $0xFFFF3C00, v4  }
0x75b: {  	s14 =	simm.s32 $0x0;
	v8 =	vsel vm0, v9, v8;
	v9 =	vld [tilespmem:s24+$0x30];
	v4 =	vsel vm4, v7, v4;
	v7 =	vadd.s32 $0xFFFF3C00, v6  }
0x75c: {  	v6 =	vsel vm1, v7, v6;
	v0 =	vld.idx.msk [tilespmem:v0+s14+$0x0], $0xffff  }
0x75d: {  	vm2 =	vgt.s32 v5, $0xC3FF;
	v7 =	vadd.s32 $0xFFFF3C00, v5;
	v1 =	vld.idx.msk [tilespmem:v1+s14+$0x0], $0xffff  }
0x75e: {  	v5 =	vsel vm2, v7, v5;
	v7 =	vld.idx.msk [tilespmem:v2+s14+$0x0], $0xffff  }
0x75f: {  	v10 =	vld.idx.msk [tilespmem:v3+s14+$0x0], $0xffff  }
0x760: {  	v11 =	vld.idx.msk [tilespmem:v4+s14+$0x0], $0xffff  }
0x761: {  	v12 =	vld.idx.msk [tilespmem:v6+s14+$0x0], $0xffff;
	v3 =	vand.u32 $0xFFFF0000, v0  }
0x762: {  	v0 =	vshll.u32 v0, $0x10;
	v4 =	vand.u32 $0xFFFF0000, v1;
	v6 =	vshll.u32 v1, $0x10;
	v1 =	vld.idx.msk [tilespmem:v8+s14+$0x0], $0xffff  }
0x763: {  	v2 =	vld.idx.msk [tilespmem:v5+s14+$0x0], $0xffff;
	v0 =	vsel vm5, v3, v0;
	v3 =	vand.u32 $0xFFFF0000, v7  }
0x764: {  	v7 =	vshll.u32 v7, $0x10;
	v5 =	vld [tilespmem:s24+$0xFFFFFFC0];
	v4 =	vsel vm3, v4, v6;
	v0 =	vmul.f32 v0, v9  }
0x765: {  	v3 =	vsel vm7, v3, v7;
	v7 =	vld [tilespmem:s24+$0xFFFFFFD0];
	v6 =	vand.u32 $0xFFFF0000, v10;
	v9 =	vshll.u32 v10, $0x10  }
0x766: {  	v8 =	vld [tilespmem:s24+$0xFFFFFFE0];
	v6 =	vsel vm6, v6, v9;
	v10 =	vand.u32 $0xFFFF0000, v11;
	v11 =	vshll.u32 v11, $0x10  }
0x767: {  	s29 =	simm.s32 $0x0;
	s30 =	simm.s32 $0xCC90;
	s10 =	simm.s32 $0x129D0;
	v9 =	vld [tilespmem:s24+$0xFFFFFFF0];
	[tilespmem:s24+$0x30] =	vst v0;
	v0 =	vsel vm4, v10, v11;
	v10 =	vand.u32 $0xFFFF0000, v12;
	v11 =	vshll.u32 v12, $0x10  }
.LBB2_78:
0x768: {  	v12 =	vld [tilespmem:s30+$0x30];
	s29 =	sadd.s32 $0x8, s29;
	v13 =	vand.u32 $0xFFFF0000, v2;
	v2 =	vshll.u32 v2, $0x10;
	v10 =	vsel vm1, v10, v11  }
0x769: {  	v11 =	vld [tilespmem:s30+$0xFFFFFFD0];
	p0 =	slt.u32 s29, $0x70;
	v2 =	vsel vm2, v13, v2;
	v13 =	vand.u32 $0xFFFF0000, v1;
	v1 =	vshll.u32 v1, $0x10  }
0x76a: {  	v14 =	vld [tilespmem:s30+$0xFFFFFFE0];
	v2 =	vmul.f32 v2, v5;
	v4 =	vmul.f32 v4, v7;
	v1 =	vsel vm0, v13, v1  }
0x76b: {  	v5 =	vld [tilespmem:s30+$0xFFFFFFF0];
	v3 =	vmul.f32 v3, v8  }
0x76c: {  	v7 =	vld [tilespmem:s30+$0x0];
	[tilespmem:s24+$0xFFFFFFC0] =	vst v2;
	v2 =	vmul.f32 v6, v9  }
0x76d: {  	v6 =	vld [tilespmem:s30+$0x10];
	vm6 =	vgt.s32 v12, $0xC3FF;
	v8 =	vadd.s32 $0xFFFF3C00, v12;
	[tilespmem:s24+$0xFFFFFFD0] =	vst v4  }
0x76e: {  	vm3 =	vgt.s32 v11, $0xC3FF;
	v4 =	vadd.s32 $0xFFFF3C00, v11;
	v9 =	vld [tilespmem:s30+$0x20];
	v8 =	vsel vm6, v8, v12;
	[tilespmem:s24+$0xFFFFFFE0] =	vst v3  }
0x76f: {  	v3 =	vld [tilespmem:s30+$0xFFFFFFC0];
	v4 =	vsel vm3, v4, v11;
	vm7 =	vgt.s32 v14, $0xC3FF;
	v11 =	vadd.s32 $0xFFFF3C00, v14;
	[tilespmem:s24+$0xFFFFFFF0] =	vst v2  }
0x770: {  	v2 =	vsel vm7, v11, v14;
	vm4 =	vgt.s32 v5, $0xC3FF;
	v11 =	vadd.s32 $0xFFFF3C00, v5;
	v12 =	vld [tilespmem:s24+$0x0]  }
0x771: {  	v5 =	vsel vm4, v11, v5;
	vm5 =	vgt.s32 v7, $0xC3FF;
	v11 =	vadd.s32 $0xFFFF3C00, v7;
	v13 =	vld [tilespmem:s24+$0x10]  }
0x772: {  	v7 =	vsel vm5, v11, v7;
	vm1 =	vgt.s32 v6, $0xC3FF;
	v11 =	vadd.s32 $0xFFFF3C00, v6;
	v14 =	vld [tilespmem:s24+$0x20]  }
0x773: {  	v6 =	vsel vm1, v11, v6;
	vm0 =	vgt.s32 v9, $0xC3FF;
	v11 =	vadd.s32 $0xFFFF3C00, v9;
	v8 =	vld.idx.msk [tilespmem:v8+s14+$0x0], $0xffff  }
0x774: {  	vm2 =	vgt.s32 v3, $0xC3FF;
	v15 =	vadd.s32 $0xFFFF3C00, v3;
	v4 =	vld.idx.msk [tilespmem:v4+s14+$0x0], $0xffff;
	v9 =	vsel vm0, v11, v9  }
0x775: {  	s24 =	sadd.s32 $0x80, s24;
	v3 =	vsel vm2, v15, v3;
	v11 =	vld.idx.msk [tilespmem:v2+s14+$0x0], $0xffff;
	v0 =	vmul.f32 v0, v12  }
0x776: {  	v12 =	vld [tilespmem:s24+$0x30];
	v2 =	vmul.f32 v10, v13  }
0x777: {  	v10 =	vld.idx.msk [tilespmem:v5+s14+$0x0], $0xffff;
	[tilespmem:s10+$0x0] =	vst v0;
	v0 =	vmul.f32 v1, v14  }
0x778: {  	v13 =	vld.idx.msk [tilespmem:v7+s14+$0x0], $0xffff;
	[tilespmem:s10+$0x10] =	vst v2  }
0x779: {  	v1 =	vand.u32 $0xFFFF0000, v8;
	v5 =	vshll.u32 v8, $0x10;
	v14 =	vld.idx.msk [tilespmem:v6+s14+$0x0], $0xffff;
	[tilespmem:s10+$0x20] =	vst v0;
	s10 =	smov.u32 s24  }
0x77a: {  	v0 =	vand.u32 $0xFFFF0000, v4;
	v2 =	vld.idx.msk [tilespmem:v3+s14+$0x0], $0xffff;
	v3 =	vshll.u32 v4, $0x10;
	v4 =	vsel vm6, v1, v5  }
.Ltmp38:
0x77b: {  	v6 =	vand.u32 $0xFFFF0000, v11;
	v7 =	vshll.u32 v11, $0x10;
	v1 =	vld.idx.msk [tilespmem:v9+s14+$0x0], $0xffff;
	v8 =	vmul.f32 v4, v12;
	(pc) =	sbr.rel @p0 .LBB2_78-.Ltmp38, $4  }
0x77c: {  	v4 =	vsel vm3, v0, v3;
	v3 =	vsel vm7, v6, v7;
	v5 =	vld [tilespmem:s24+$0xFFFFFFC0]  }
0x77d: {  	v0 =	vand.u32 $0xFFFF0000, v10;
	v6 =	vshll.u32 v10, $0x10;
	v7 =	vld [tilespmem:s24+$0xFFFFFFD0];
	[tilespmem:s24+$0x30] =	vst v8  }
0x77e: {  	v6 =	vsel vm4, v0, v6;
	v0 =	vand.u32 $0xFFFF0000, v13;
	v10 =	vshll.u32 v13, $0x10;
	v8 =	vld [tilespmem:s24+$0xFFFFFFE0]  }
0x77f: {  	s30 =	sadd.s32 $0x80, s30;
	v0 =	vsel vm5, v0, v10;
	v10 =	vand.u32 $0xFFFF0000, v14;
	v11 =	vshll.u32 v14, $0x10;
	v9 =	vld [tilespmem:s24+$0xFFFFFFF0]  }
0x780: {  	v12 =	vand.u32 $0xFFFF0000, v2;
	v56 =	vshll.u32 v2, $0x10  }
0x781: {  	v57 =	vld [tilespmem:s24+$0x0];
	v2 =	vsel vm2, v12, v56  }
0x782: {  	v58 =	vld [tilespmem:s24+$0x10];
	v2 =	vmul.f32 v2, v5  }
0x783: {  	v59 =	vld [tilespmem:s24+$0x20];
	v4 =	vmul.f32 v4, v7  }
0x784: {  	v3 =	vmul.f32 v3, v8;
	[tilespmem:s24+$0xFFFFFFC0] =	vst v2  }
0x785: {  	v60 =	vsel vm1, v10, v11;
	v6 =	vmul.f32 v6, v9;
	[tilespmem:s24+$0xFFFFFFD0] =	vst v4  }
0x786: {  	v61 =	vand.u32 $0xFFFF0000, v1;
	v62 =	vshll.u32 v1, $0x10;
	[tilespmem:s24+$0xFFFFFFE0] =	vst v3;
	v0 =	vmul.f32 v0, v57  }
0x787: {  	v1 =	vsel vm0, v61, v62;
	v2 =	vmul.f32 v60, v58;
	[tilespmem:s24+$0xFFFFFFF0] =	vst v6  }
0x788: {  	v63 =	vmul.f32 v1, v59;
	[tilespmem:s10+$0x0] =	vst v0  }
0x789: {  	[tilespmem:s10+$0x10] =	vst v2  }
0x78a: {  	[tilespmem:s10+$0x20] =	vst v63  }
.LBB2_80:
0x78b: {  	s10 =	sshra.s32 s14, $0x2  }
0x78c: {  	v0 =	vld [tilespmem:s10+$0xD350];
	_ =	sdelay $0x4  }
0x78d: {  	vm0 =	vgt.s32 v0, $0xC3FF;
	v1 =	vadd.s32 $0xFFFF3C00, v0  }
0x78e: {  	v0 =	vsel vm0, v1, v0;
	_ =	sdelay $0x4  }
0x78f: {  	v0 =	vld.idx.msk [tilespmem:v0+s1+$0x0], $0xffff;
	_ =	sdelay $0x1  }
0x790: {  	v63 =	vld [tilespmem:s10+$0x13110];
	_ =	sdelay $0x1  }
0x791: {  	p0 =	sne.s32 s14, $0x100  }
.Ltmp39:
0x792: {  	v2 =	vand.u32 $0xFFFF0000, v0;
	v0 =	vshll.u32 v0, $0x10;
	(pc) =	sbr.rel @p0 .LBB2_80-.Ltmp39, $3  }
0x793: {  	v0 =	vsel vm0, v2, v0  }
0x794: {  	v0 =	vmul.f32 v0, v63;
	_ =	sdelay $0x1  }
0x795: {  	s14 =	sadd.s32 $0x40, s14;
	[tilespmem:s10+$0x13110] =	vst v0  }
0x796: {  	s10 =	simm.s32 $0xFAB0;
	s14 =	simm.s32 $0x12990  }
0x797: {  	[spmem:s15] =	stream.indirect.scatter.add.f32 [tilespmem:s14], [sflag:$0xA], $0x1, s10, s9, $0xb8;
	[tilespmem:$0x16920] =	vst v63  }
0x798: {  	_ =	swait.ge [sflag:s31], $0x7D0  }
0x799: {  	s14 =	sld [smem:$0x7F2]  }
0x79a: {  	[sflag:s31] =	ssyncset.done $0x0  }
0x79b: {  	s24 =	simm.s32 $0xEB10;
	[sflag:s31] =	ssyncadd.s32 $0xFFFFF830  }
0x79c: {  	[tilespmem:s24], [sflag:$0x8] =	stream.linear.gather [hbm4b:s14+s1], $0x7D0, $0x38;
	[tilespmem:$0x16920] =	vst v63  }
0x79d: {  	s24 =	sld [smem:$0x7F3];
	_ =	sdelay $0x1  }
0x79e: {  	s14 =	sld [smem:$0x7F4]  }
0x79f: {  	[tilespmem:s16], [sflag:$0x8] =	stream.linear.gather [hbm4b:s24+s1], $0x7D0, $0x38;
	[tilespmem:$0x16920] =	vst v63  }
0x7a0: {  	_ = 	snop  }
0x7a1: {  	[tilespmem:s17], [sflag:$0x8] =	stream.linear.gather [hbm4b:s14+s1], $0x7D0, $0x38;
	[tilespmem:$0x16920] =	vst v63  }
0x7a2: {  	_ =	swait.ge [sflag:s18], $0x7D0  }
0x7a3: {  	[sflag:s18] =	ssyncset.done $0x0  }
0x7a4: {  	[sflag:s18] =	ssyncadd.s32 $0xFFFFF830  }
0x7a5: {  	_ =	swait.ge [sflag:s18], $0x7D0  }
0x7a6: {  	[sflag:s18] =	ssyncset.done $0x0  }
0x7a7: {  	[sflag:s18] =	ssyncadd.s32 $0xFFFFF830  }
0x7a8: {  	_ =	swait.ge [sflag:s18], $0x7D0  }
0x7a9: {  	[sflag:s18] =	ssyncset.done $0x0  }
0x7aa: {  	s24 =	simm.s32 $0xD3E0;
	[sflag:s18] =	ssyncadd.s32 $0xFFFFF830  }
0x7ab: {  	v0 =	vld [tilespmem:s24+$0x30]  }
0x7ac: {  	v1 =	vld [tilespmem:s24+$0xFFFFFFD0]  }
0x7ad: {  	v2 =	vld [tilespmem:s24+$0xFFFFFFE0]  }
0x7ae: {  	v3 =	vld [tilespmem:s24+$0xFFFFFFF0]  }
0x7af: {  	v4 =	vld [tilespmem:s24+$0x0]  }
0x7b0: {  	v6 =	vld [tilespmem:s24+$0x10]  }
0x7b1: {  	v8 =	vld [tilespmem:s24+$0x20]  }
0x7b2: {  	vm5 =	vgt.s32 v0, $0xC3FF;
	v5 =	vadd.s32 $0xFFFF3C00, v0  }
0x7b3: {  	vm3 =	vgt.s32 v1, $0xC3FF;
	v7 =	vadd.s32 $0xFFFF3C00, v1;
	vm7 =	vgt.s32 v2, $0xC3FF  }
0x7b4: {  	vm6 =	vgt.s32 v3, $0xC3FF;
	vm4 =	vgt.s32 v4, $0xC3FF;
	v0 =	vsel vm5, v5, v0  }
0x7b5: {  	vm1 =	vgt.s32 v6, $0xC3FF;
	v5 =	vld [tilespmem:s24+$0xFFFFFFC0];
	v1 =	vsel vm3, v7, v1;
	v7 =	vadd.s32 $0xFFFF3C00, v2  }
0x7b6: {  	vm0 =	vgt.s32 v8, $0xC3FF;
	v2 =	vsel vm7, v7, v2;
	v7 =	vadd.s32 $0xFFFF3C00, v3  }
0x7b7: {  	v9 =	vadd.s32 $0xFFFF3C00, v8;
	s24 =	simm.s32 $0x131A0;
	v3 =	vsel vm6, v7, v3;
	v7 =	vadd.s32 $0xFFFF3C00, v4  }
0x7b8: {  	s14 =	simm.s32 $0x0;
	v8 =	vsel vm0, v9, v8;
	v9 =	vld [tilespmem:s24+$0x30];
	v4 =	vsel vm4, v7, v4;
	v7 =	vadd.s32 $0xFFFF3C00, v6  }
0x7b9: {  	v6 =	vsel vm1, v7, v6;
	v0 =	vld.idx.msk [tilespmem:v0+s14+$0x0], $0xffff  }
0x7ba: {  	vm2 =	vgt.s32 v5, $0xC3FF;
	v7 =	vadd.s32 $0xFFFF3C00, v5;
	v1 =	vld.idx.msk [tilespmem:v1+s14+$0x0], $0xffff  }
0x7bb: {  	v5 =	vsel vm2, v7, v5;
	v7 =	vld.idx.msk [tilespmem:v2+s14+$0x0], $0xffff  }
0x7bc: {  	v10 =	vld.idx.msk [tilespmem:v3+s14+$0x0], $0xffff  }
0x7bd: {  	v11 =	vld.idx.msk [tilespmem:v4+s14+$0x0], $0xffff  }
0x7be: {  	v12 =	vld.idx.msk [tilespmem:v6+s14+$0x0], $0xffff;
	v3 =	vand.u32 $0xFFFF0000, v0  }
0x7bf: {  	v0 =	vshll.u32 v0, $0x10;
	v4 =	vand.u32 $0xFFFF0000, v1;
	v6 =	vshll.u32 v1, $0x10;
	v1 =	vld.idx.msk [tilespmem:v8+s14+$0x0], $0xffff  }
0x7c0: {  	v2 =	vld.idx.msk [tilespmem:v5+s14+$0x0], $0xffff;
	v0 =	vsel vm5, v3, v0;
	v3 =	vand.u32 $0xFFFF0000, v7  }
0x7c1: {  	v7 =	vshll.u32 v7, $0x10;
	v5 =	vld [tilespmem:s24+$0xFFFFFFC0];
	v4 =	vsel vm3, v4, v6;
	v0 =	vmul.f32 v0, v9  }
0x7c2: {  	v3 =	vsel vm7, v3, v7;
	v7 =	vld [tilespmem:s24+$0xFFFFFFD0];
	v6 =	vand.u32 $0xFFFF0000, v10;
	v9 =	vshll.u32 v10, $0x10  }
0x7c3: {  	v8 =	vld [tilespmem:s24+$0xFFFFFFE0];
	v6 =	vsel vm6, v6, v9;
	v10 =	vand.u32 $0xFFFF0000, v11;
	v11 =	vshll.u32 v11, $0x10  }
0x7c4: {  	s29 =	simm.s32 $0x0;
	s30 =	simm.s32 $0xD460;
	s10 =	simm.s32 $0x131A0;
	v9 =	vld [tilespmem:s24+$0xFFFFFFF0];
	[tilespmem:s24+$0x30] =	vst v0;
	v0 =	vsel vm4, v10, v11;
	v10 =	vand.u32 $0xFFFF0000, v12;
	v11 =	vshll.u32 v12, $0x10  }
.LBB2_82:
0x7c5: {  	v12 =	vld [tilespmem:s30+$0x30];
	s29 =	sadd.s32 $0x8, s29;
	v13 =	vand.u32 $0xFFFF0000, v2;
	v2 =	vshll.u32 v2, $0x10;
	v10 =	vsel vm1, v10, v11  }
0x7c6: {  	v11 =	vld [tilespmem:s30+$0xFFFFFFD0];
	p0 =	slt.u32 s29, $0x70;
	v2 =	vsel vm2, v13, v2;
	v13 =	vand.u32 $0xFFFF0000, v1;
	v1 =	vshll.u32 v1, $0x10  }
0x7c7: {  	v14 =	vld [tilespmem:s30+$0xFFFFFFE0];
	v2 =	vmul.f32 v2, v5;
	v4 =	vmul.f32 v4, v7;
	v1 =	vsel vm0, v13, v1  }
0x7c8: {  	v5 =	vld [tilespmem:s30+$0xFFFFFFF0];
	v3 =	vmul.f32 v3, v8  }
0x7c9: {  	v7 =	vld [tilespmem:s30+$0x0];
	[tilespmem:s24+$0xFFFFFFC0] =	vst v2;
	v2 =	vmul.f32 v6, v9  }
0x7ca: {  	v6 =	vld [tilespmem:s30+$0x10];
	vm6 =	vgt.s32 v12, $0xC3FF;
	v8 =	vadd.s32 $0xFFFF3C00, v12;
	[tilespmem:s24+$0xFFFFFFD0] =	vst v4  }
0x7cb: {  	vm3 =	vgt.s32 v11, $0xC3FF;
	v4 =	vadd.s32 $0xFFFF3C00, v11;
	v9 =	vld [tilespmem:s30+$0x20];
	v8 =	vsel vm6, v8, v12;
	[tilespmem:s24+$0xFFFFFFE0] =	vst v3  }
0x7cc: {  	v3 =	vld [tilespmem:s30+$0xFFFFFFC0];
	v4 =	vsel vm3, v4, v11;
	vm7 =	vgt.s32 v14, $0xC3FF;
	v11 =	vadd.s32 $0xFFFF3C00, v14;
	[tilespmem:s24+$0xFFFFFFF0] =	vst v2  }
0x7cd: {  	v2 =	vsel vm7, v11, v14;
	vm4 =	vgt.s32 v5, $0xC3FF;
	v11 =	vadd.s32 $0xFFFF3C00, v5;
	v12 =	vld [tilespmem:s24+$0x0]  }
0x7ce: {  	v5 =	vsel vm4, v11, v5;
	vm5 =	vgt.s32 v7, $0xC3FF;
	v11 =	vadd.s32 $0xFFFF3C00, v7;
	v13 =	vld [tilespmem:s24+$0x10]  }
0x7cf: {  	v7 =	vsel vm5, v11, v7;
	vm1 =	vgt.s32 v6, $0xC3FF;
	v11 =	vadd.s32 $0xFFFF3C00, v6;
	v14 =	vld [tilespmem:s24+$0x20]  }
0x7d0: {  	v6 =	vsel vm1, v11, v6;
	vm0 =	vgt.s32 v9, $0xC3FF;
	v11 =	vadd.s32 $0xFFFF3C00, v9;
	v8 =	vld.idx.msk [tilespmem:v8+s14+$0x0], $0xffff  }
0x7d1: {  	vm2 =	vgt.s32 v3, $0xC3FF;
	v15 =	vadd.s32 $0xFFFF3C00, v3;
	v4 =	vld.idx.msk [tilespmem:v4+s14+$0x0], $0xffff;
	v9 =	vsel vm0, v11, v9  }
0x7d2: {  	s24 =	sadd.s32 $0x80, s24;
	v3 =	vsel vm2, v15, v3;
	v11 =	vld.idx.msk [tilespmem:v2+s14+$0x0], $0xffff;
	v0 =	vmul.f32 v0, v12  }
0x7d3: {  	v12 =	vld [tilespmem:s24+$0x30];
	v2 =	vmul.f32 v10, v13  }
0x7d4: {  	v10 =	vld.idx.msk [tilespmem:v5+s14+$0x0], $0xffff;
	[tilespmem:s10+$0x0] =	vst v0;
	v0 =	vmul.f32 v1, v14  }
0x7d5: {  	v13 =	vld.idx.msk [tilespmem:v7+s14+$0x0], $0xffff;
	[tilespmem:s10+$0x10] =	vst v2  }
0x7d6: {  	v1 =	vand.u32 $0xFFFF0000, v8;
	v5 =	vshll.u32 v8, $0x10;
	v14 =	vld.idx.msk [tilespmem:v6+s14+$0x0], $0xffff;
	[tilespmem:s10+$0x20] =	vst v0;
	s10 =	smov.u32 s24  }
0x7d7: {  	v0 =	vand.u32 $0xFFFF0000, v4;
	v2 =	vld.idx.msk [tilespmem:v3+s14+$0x0], $0xffff;
	v3 =	vshll.u32 v4, $0x10;
	v4 =	vsel vm6, v1, v5  }
.Ltmp40:
0x7d8: {  	v6 =	vand.u32 $0xFFFF0000, v11;
	v7 =	vshll.u32 v11, $0x10;
	v1 =	vld.idx.msk [tilespmem:v9+s14+$0x0], $0xffff;
	v8 =	vmul.f32 v4, v12;
	(pc) =	sbr.rel @p0 .LBB2_82-.Ltmp40, $4  }
0x7d9: {  	v4 =	vsel vm3, v0, v3;
	v3 =	vsel vm7, v6, v7;
	v5 =	vld [tilespmem:s24+$0xFFFFFFC0]  }
0x7da: {  	v0 =	vand.u32 $0xFFFF0000, v10;
	v6 =	vshll.u32 v10, $0x10;
	v7 =	vld [tilespmem:s24+$0xFFFFFFD0];
	[tilespmem:s24+$0x30] =	vst v8  }
0x7db: {  	v6 =	vsel vm4, v0, v6;
	v0 =	vand.u32 $0xFFFF0000, v13;
	v10 =	vshll.u32 v13, $0x10;
	v8 =	vld [tilespmem:s24+$0xFFFFFFE0]  }
0x7dc: {  	s30 =	sadd.s32 $0x80, s30;
	v0 =	vsel vm5, v0, v10;
	v10 =	vand.u32 $0xFFFF0000, v14;
	v11 =	vshll.u32 v14, $0x10;
	v9 =	vld [tilespmem:s24+$0xFFFFFFF0]  }
0x7dd: {  	v12 =	vand.u32 $0xFFFF0000, v2;
	v56 =	vshll.u32 v2, $0x10  }
0x7de: {  	v57 =	vld [tilespmem:s24+$0x0];
	v2 =	vsel vm2, v12, v56  }
0x7df: {  	v58 =	vld [tilespmem:s24+$0x10];
	v2 =	vmul.f32 v2, v5  }
0x7e0: {  	v59 =	vld [tilespmem:s24+$0x20];
	v4 =	vmul.f32 v4, v7  }
0x7e1: {  	v3 =	vmul.f32 v3, v8;
	[tilespmem:s24+$0xFFFFFFC0] =	vst v2  }
0x7e2: {  	v60 =	vsel vm1, v10, v11;
	v6 =	vmul.f32 v6, v9;
	[tilespmem:s24+$0xFFFFFFD0] =	vst v4  }
0x7e3: {  	v61 =	vand.u32 $0xFFFF0000, v1;
	v62 =	vshll.u32 v1, $0x10;
	[tilespmem:s24+$0xFFFFFFE0] =	vst v3;
	v0 =	vmul.f32 v0, v57  }
0x7e4: {  	v1 =	vsel vm0, v61, v62;
	v2 =	vmul.f32 v60, v58;
	[tilespmem:s24+$0xFFFFFFF0] =	vst v6  }
0x7e5: {  	v63 =	vmul.f32 v1, v59;
	[tilespmem:s10+$0x0] =	vst v0  }
0x7e6: {  	[tilespmem:s10+$0x10] =	vst v2  }
0x7e7: {  	[tilespmem:s10+$0x20] =	vst v63  }
.LBB2_84:
0x7e8: {  	s10 =	sshra.s32 s14, $0x2  }
0x7e9: {  	v0 =	vld [tilespmem:s10+$0xDB20];
	_ =	sdelay $0x4  }
0x7ea: {  	vm0 =	vgt.s32 v0, $0xC3FF;
	v1 =	vadd.s32 $0xFFFF3C00, v0  }
0x7eb: {  	v0 =	vsel vm0, v1, v0;
	_ =	sdelay $0x4  }
0x7ec: {  	v0 =	vld.idx.msk [tilespmem:v0+s1+$0x0], $0xffff;
	_ =	sdelay $0x1  }
0x7ed: {  	v63 =	vld [tilespmem:s10+$0x138E0];
	_ =	sdelay $0x1  }
0x7ee: {  	p0 =	sne.s32 s14, $0x100  }
.Ltmp41:
0x7ef: {  	v2 =	vand.u32 $0xFFFF0000, v0;
	v0 =	vshll.u32 v0, $0x10;
	(pc) =	sbr.rel @p0 .LBB2_84-.Ltmp41, $3  }
0x7f0: {  	v0 =	vsel vm0, v2, v0  }
0x7f1: {  	v0 =	vmul.f32 v0, v63;
	_ =	sdelay $0x1  }
0x7f2: {  	s14 =	sadd.s32 $0x40, s14;
	[tilespmem:s10+$0x138E0] =	vst v0  }
0x7f3: {  	[spmem:s15] =	stream.indirect.scatter.add.f32 [tilespmem:s2], [sflag:$0xB], $0x1, s0, s9, $0xb8;
	[tilespmem:$0x16920] =	vst v63  }
0x7f4: {  	_ =	swait.ge [sflag:s19], $0x7D0  }
0x7f5: {  	s10 =	sld [smem:$0x7F5]  }
0x7f6: {  	[sflag:s19] =	ssyncset.done $0x0  }
0x7f7: {  	s14 =	simm.s32 $0xC400;
	s24 =	sld [smem:$0x7F6];
	[sflag:s19] =	ssyncadd.s32 $0xFFFFF830  }
0x7f8: {  	[tilespmem:s14], [sflag:$0x3] =	stream.linear.gather [hbm4b:s10+s1], $0x7D0, $0x38;
	[tilespmem:$0x16920] =	vst v63  }
0x7f9: {  	s14 =	sld [smem:$0x7F7]  }
0x7fa: {  	[tilespmem:s25], [sflag:$0x3] =	stream.linear.gather [hbm4b:s24+s1], $0x7D0, $0x38;
	[tilespmem:$0x16920] =	vst v63  }
0x7fb: {  	_ = 	snop  }
0x7fc: {  	[tilespmem:s26], [sflag:$0x3] =	stream.linear.gather [hbm4b:s14+s1], $0x7D0, $0x38;
	[tilespmem:$0x16920] =	vst v63  }
0x7fd: {  	_ =	swait.ge [sflag:s20], $0x7D0  }
0x7fe: {  	[sflag:s20] =	ssyncset.done $0x0  }
0x7ff: {  	[sflag:s20] =	ssyncadd.s32 $0xFFFFF830  }
0x800: {  	_ =	swait.ge [sflag:s20], $0x7D0  }
0x801: {  	[sflag:s20] =	ssyncset.done $0x0  }
0x802: {  	[sflag:s20] =	ssyncadd.s32 $0xFFFFF830  }
0x803: {  	_ =	swait.ge [sflag:s20], $0x7D0  }
0x804: {  	[sflag:s20] =	ssyncset.done $0x0  }
0x805: {  	s24 =	simm.s32 $0xDBB0;
	[sflag:s20] =	ssyncadd.s32 $0xFFFFF830  }
0x806: {  	v0 =	vld [tilespmem:s24+$0x30]  }
0x807: {  	v1 =	vld [tilespmem:s24+$0xFFFFFFD0]  }
0x808: {  	v2 =	vld [tilespmem:s24+$0xFFFFFFE0]  }
0x809: {  	v3 =	vld [tilespmem:s24+$0xFFFFFFF0]  }
0x80a: {  	v4 =	vld [tilespmem:s24+$0x0]  }
0x80b: {  	v6 =	vld [tilespmem:s24+$0x10]  }
0x80c: {  	v8 =	vld [tilespmem:s24+$0x20]  }
0x80d: {  	vm5 =	vgt.s32 v0, $0xC3FF;
	v5 =	vadd.s32 $0xFFFF3C00, v0  }
0x80e: {  	vm3 =	vgt.s32 v1, $0xC3FF;
	v7 =	vadd.s32 $0xFFFF3C00, v1;
	vm7 =	vgt.s32 v2, $0xC3FF  }
0x80f: {  	vm6 =	vgt.s32 v3, $0xC3FF;
	vm4 =	vgt.s32 v4, $0xC3FF;
	v0 =	vsel vm5, v5, v0  }
0x810: {  	vm1 =	vgt.s32 v6, $0xC3FF;
	v5 =	vld [tilespmem:s24+$0xFFFFFFC0];
	v1 =	vsel vm3, v7, v1;
	v7 =	vadd.s32 $0xFFFF3C00, v2  }
0x811: {  	vm0 =	vgt.s32 v8, $0xC3FF;
	v2 =	vsel vm7, v7, v2;
	v7 =	vadd.s32 $0xFFFF3C00, v3  }
0x812: {  	v9 =	vadd.s32 $0xFFFF3C00, v8;
	s24 =	simm.s32 $0x13970;
	v3 =	vsel vm6, v7, v3;
	v7 =	vadd.s32 $0xFFFF3C00, v4  }
0x813: {  	s14 =	simm.s32 $0x0;
	v8 =	vsel vm0, v9, v8;
	v9 =	vld [tilespmem:s24+$0x30];
	v4 =	vsel vm4, v7, v4;
	v7 =	vadd.s32 $0xFFFF3C00, v6  }
0x814: {  	v6 =	vsel vm1, v7, v6;
	v0 =	vld.idx.msk [tilespmem:v0+s14+$0x0], $0xffff  }
0x815: {  	vm2 =	vgt.s32 v5, $0xC3FF;
	v7 =	vadd.s32 $0xFFFF3C00, v5;
	v1 =	vld.idx.msk [tilespmem:v1+s14+$0x0], $0xffff  }
0x816: {  	v5 =	vsel vm2, v7, v5;
	v7 =	vld.idx.msk [tilespmem:v2+s14+$0x0], $0xffff  }
0x817: {  	v10 =	vld.idx.msk [tilespmem:v3+s14+$0x0], $0xffff  }
0x818: {  	v11 =	vld.idx.msk [tilespmem:v4+s14+$0x0], $0xffff  }
0x819: {  	v12 =	vld.idx.msk [tilespmem:v6+s14+$0x0], $0xffff;
	v3 =	vand.u32 $0xFFFF0000, v0  }
0x81a: {  	v0 =	vshll.u32 v0, $0x10;
	v4 =	vand.u32 $0xFFFF0000, v1;
	v6 =	vshll.u32 v1, $0x10;
	v1 =	vld.idx.msk [tilespmem:v8+s14+$0x0], $0xffff  }
0x81b: {  	v2 =	vld.idx.msk [tilespmem:v5+s14+$0x0], $0xffff;
	v0 =	vsel vm5, v3, v0;
	v3 =	vand.u32 $0xFFFF0000, v7  }
0x81c: {  	v7 =	vshll.u32 v7, $0x10;
	v5 =	vld [tilespmem:s24+$0xFFFFFFC0];
	v4 =	vsel vm3, v4, v6;
	v0 =	vmul.f32 v0, v9  }
0x81d: {  	v3 =	vsel vm7, v3, v7;
	v7 =	vld [tilespmem:s24+$0xFFFFFFD0];
	v6 =	vand.u32 $0xFFFF0000, v10;
	v9 =	vshll.u32 v10, $0x10  }
0x81e: {  	v8 =	vld [tilespmem:s24+$0xFFFFFFE0];
	v6 =	vsel vm6, v6, v9;
	v10 =	vand.u32 $0xFFFF0000, v11;
	v11 =	vshll.u32 v11, $0x10  }
0x81f: {  	s29 =	simm.s32 $0x0;
	s30 =	simm.s32 $0xDC30;
	s10 =	simm.s32 $0x13970;
	v9 =	vld [tilespmem:s24+$0xFFFFFFF0];
	[tilespmem:s24+$0x30] =	vst v0;
	v0 =	vsel vm4, v10, v11;
	v10 =	vand.u32 $0xFFFF0000, v12;
	v11 =	vshll.u32 v12, $0x10  }
.LBB2_86:
0x820: {  	v12 =	vld [tilespmem:s30+$0x30];
	s29 =	sadd.s32 $0x8, s29;
	v13 =	vand.u32 $0xFFFF0000, v2;
	v2 =	vshll.u32 v2, $0x10;
	v10 =	vsel vm1, v10, v11  }
0x821: {  	v11 =	vld [tilespmem:s30+$0xFFFFFFD0];
	p0 =	slt.u32 s29, $0x70;
	v2 =	vsel vm2, v13, v2;
	v13 =	vand.u32 $0xFFFF0000, v1;
	v1 =	vshll.u32 v1, $0x10  }
0x822: {  	v14 =	vld [tilespmem:s30+$0xFFFFFFE0];
	v2 =	vmul.f32 v2, v5;
	v4 =	vmul.f32 v4, v7;
	v1 =	vsel vm0, v13, v1  }
0x823: {  	v5 =	vld [tilespmem:s30+$0xFFFFFFF0];
	v3 =	vmul.f32 v3, v8  }
0x824: {  	v7 =	vld [tilespmem:s30+$0x0];
	[tilespmem:s24+$0xFFFFFFC0] =	vst v2;
	v2 =	vmul.f32 v6, v9  }
0x825: {  	v6 =	vld [tilespmem:s30+$0x10];
	vm6 =	vgt.s32 v12, $0xC3FF;
	v8 =	vadd.s32 $0xFFFF3C00, v12;
	[tilespmem:s24+$0xFFFFFFD0] =	vst v4  }
0x826: {  	vm3 =	vgt.s32 v11, $0xC3FF;
	v4 =	vadd.s32 $0xFFFF3C00, v11;
	v9 =	vld [tilespmem:s30+$0x20];
	v8 =	vsel vm6, v8, v12;
	[tilespmem:s24+$0xFFFFFFE0] =	vst v3  }
0x827: {  	v3 =	vld [tilespmem:s30+$0xFFFFFFC0];
	v4 =	vsel vm3, v4, v11;
	vm7 =	vgt.s32 v14, $0xC3FF;
	v11 =	vadd.s32 $0xFFFF3C00, v14;
	[tilespmem:s24+$0xFFFFFFF0] =	vst v2  }
0x828: {  	v2 =	vsel vm7, v11, v14;
	vm4 =	vgt.s32 v5, $0xC3FF;
	v11 =	vadd.s32 $0xFFFF3C00, v5;
	v12 =	vld [tilespmem:s24+$0x0]  }
0x829: {  	v5 =	vsel vm4, v11, v5;
	vm5 =	vgt.s32 v7, $0xC3FF;
	v11 =	vadd.s32 $0xFFFF3C00, v7;
	v13 =	vld [tilespmem:s24+$0x10]  }
0x82a: {  	v7 =	vsel vm5, v11, v7;
	vm1 =	vgt.s32 v6, $0xC3FF;
	v11 =	vadd.s32 $0xFFFF3C00, v6;
	v14 =	vld [tilespmem:s24+$0x20]  }
0x82b: {  	v6 =	vsel vm1, v11, v6;
	vm0 =	vgt.s32 v9, $0xC3FF;
	v11 =	vadd.s32 $0xFFFF3C00, v9;
	v8 =	vld.idx.msk [tilespmem:v8+s14+$0x0], $0xffff  }
0x82c: {  	vm2 =	vgt.s32 v3, $0xC3FF;
	v15 =	vadd.s32 $0xFFFF3C00, v3;
	v4 =	vld.idx.msk [tilespmem:v4+s14+$0x0], $0xffff;
	v9 =	vsel vm0, v11, v9  }
0x82d: {  	s24 =	sadd.s32 $0x80, s24;
	v3 =	vsel vm2, v15, v3;
	v11 =	vld.idx.msk [tilespmem:v2+s14+$0x0], $0xffff;
	v0 =	vmul.f32 v0, v12  }
0x82e: {  	v12 =	vld [tilespmem:s24+$0x30];
	v2 =	vmul.f32 v10, v13  }
0x82f: {  	v10 =	vld.idx.msk [tilespmem:v5+s14+$0x0], $0xffff;
	[tilespmem:s10+$0x0] =	vst v0;
	v0 =	vmul.f32 v1, v14  }
0x830: {  	v13 =	vld.idx.msk [tilespmem:v7+s14+$0x0], $0xffff;
	[tilespmem:s10+$0x10] =	vst v2  }
0x831: {  	v1 =	vand.u32 $0xFFFF0000, v8;
	v5 =	vshll.u32 v8, $0x10;
	v14 =	vld.idx.msk [tilespmem:v6+s14+$0x0], $0xffff;
	[tilespmem:s10+$0x20] =	vst v0;
	s10 =	smov.u32 s24  }
0x832: {  	v0 =	vand.u32 $0xFFFF0000, v4;
	v2 =	vld.idx.msk [tilespmem:v3+s14+$0x0], $0xffff;
	v3 =	vshll.u32 v4, $0x10;
	v4 =	vsel vm6, v1, v5  }
.Ltmp42:
0x833: {  	v6 =	vand.u32 $0xFFFF0000, v11;
	v7 =	vshll.u32 v11, $0x10;
	v1 =	vld.idx.msk [tilespmem:v9+s14+$0x0], $0xffff;
	v8 =	vmul.f32 v4, v12;
	(pc) =	sbr.rel @p0 .LBB2_86-.Ltmp42, $4  }
0x834: {  	v4 =	vsel vm3, v0, v3;
	v3 =	vsel vm7, v6, v7;
	v5 =	vld [tilespmem:s24+$0xFFFFFFC0]  }
0x835: {  	v0 =	vand.u32 $0xFFFF0000, v10;
	v6 =	vshll.u32 v10, $0x10;
	v7 =	vld [tilespmem:s24+$0xFFFFFFD0];
	[tilespmem:s24+$0x30] =	vst v8  }
0x836: {  	v6 =	vsel vm4, v0, v6;
	v0 =	vand.u32 $0xFFFF0000, v13;
	v10 =	vshll.u32 v13, $0x10;
	v8 =	vld [tilespmem:s24+$0xFFFFFFE0]  }
0x837: {  	s30 =	sadd.s32 $0x80, s30;
	v0 =	vsel vm5, v0, v10;
	v10 =	vand.u32 $0xFFFF0000, v14;
	v11 =	vshll.u32 v14, $0x10;
	v9 =	vld [tilespmem:s24+$0xFFFFFFF0]  }
0x838: {  	v12 =	vand.u32 $0xFFFF0000, v2;
	v56 =	vshll.u32 v2, $0x10  }
0x839: {  	v57 =	vld [tilespmem:s24+$0x0];
	v2 =	vsel vm2, v12, v56  }
0x83a: {  	v58 =	vld [tilespmem:s24+$0x10];
	v2 =	vmul.f32 v2, v5  }
0x83b: {  	v59 =	vld [tilespmem:s24+$0x20];
	v4 =	vmul.f32 v4, v7  }
0x83c: {  	v3 =	vmul.f32 v3, v8;
	[tilespmem:s24+$0xFFFFFFC0] =	vst v2  }
0x83d: {  	v60 =	vsel vm1, v10, v11;
	v6 =	vmul.f32 v6, v9;
	[tilespmem:s24+$0xFFFFFFD0] =	vst v4  }
0x83e: {  	v61 =	vand.u32 $0xFFFF0000, v1;
	v62 =	vshll.u32 v1, $0x10;
	[tilespmem:s24+$0xFFFFFFE0] =	vst v3;
	v0 =	vmul.f32 v0, v57  }
0x83f: {  	v1 =	vsel vm0, v61, v62;
	v2 =	vmul.f32 v60, v58;
	[tilespmem:s24+$0xFFFFFFF0] =	vst v6  }
0x840: {  	v63 =	vmul.f32 v1, v59;
	[tilespmem:s10+$0x0] =	vst v0  }
0x841: {  	[tilespmem:s10+$0x10] =	vst v2  }
0x842: {  	[tilespmem:s10+$0x20] =	vst v63  }
.LBB2_88:
0x843: {  	s10 =	sshra.s32 s14, $0x2  }
0x844: {  	v0 =	vld [tilespmem:s10+$0xE2F0];
	_ =	sdelay $0x4  }
0x845: {  	vm0 =	vgt.s32 v0, $0xC3FF;
	v1 =	vadd.s32 $0xFFFF3C00, v0  }
0x846: {  	v0 =	vsel vm0, v1, v0;
	_ =	sdelay $0x4  }
0x847: {  	v0 =	vld.idx.msk [tilespmem:v0+s1+$0x0], $0xffff;
	_ =	sdelay $0x1  }
0x848: {  	v63 =	vld [tilespmem:s10+$0x140B0];
	_ =	sdelay $0x1  }
0x849: {  	p0 =	sne.s32 s14, $0x100  }
.Ltmp43:
0x84a: {  	v2 =	vand.u32 $0xFFFF0000, v0;
	v0 =	vshll.u32 v0, $0x10;
	(pc) =	sbr.rel @p0 .LBB2_88-.Ltmp43, $3  }
0x84b: {  	v0 =	vsel vm0, v2, v0  }
0x84c: {  	v0 =	vmul.f32 v0, v63;
	_ =	sdelay $0x1  }
0x84d: {  	s14 =	sadd.s32 $0x40, s14;
	[tilespmem:s10+$0x140B0] =	vst v0  }
0x84e: {  	[spmem:s15] =	stream.indirect.scatter.add.f32 [tilespmem:s7], [sflag:$0xC], $0x1, s6, s9, $0xb8;
	[tilespmem:$0x16920] =	vst v63  }
0x84f: {  	_ =	swait.ge [sflag:s23], $0x7D0  }
0x850: {  	[sflag:s23] =	ssyncset.done $0x0  }
0x851: {  	[sflag:s23] =	ssyncadd.s32 $0xFFFFF830  }
0x852: {  	_ =	swait.ge [sflag:s23], $0x7D0  }
0x853: {  	[sflag:s23] =	ssyncset.done $0x0  }
0x854: {  	[sflag:s23] =	ssyncadd.s32 $0xFFFFF830  }
0x855: {  	_ =	swait.ge [sflag:s23], $0x7D0  }
0x856: {  	[sflag:s23] =	ssyncset.done $0x0  }
0x857: {  	s10 =	simm.s32 $0xE380;
	[sflag:s23] =	ssyncadd.s32 $0xFFFFF830  }
0x858: {  	v0 =	vld [tilespmem:s10+$0x30]  }
0x859: {  	v1 =	vld [tilespmem:s10+$0xFFFFFFD0]  }
0x85a: {  	v2 =	vld [tilespmem:s10+$0xFFFFFFE0]  }
0x85b: {  	v3 =	vld [tilespmem:s10+$0xFFFFFFF0]  }
0x85c: {  	v4 =	vld [tilespmem:s10+$0x0]  }
0x85d: {  	v6 =	vld [tilespmem:s10+$0x10]  }
0x85e: {  	v8 =	vld [tilespmem:s10+$0x20]  }
0x85f: {  	vm5 =	vgt.s32 v0, $0xC3FF;
	v5 =	vadd.s32 $0xFFFF3C00, v0  }
0x860: {  	vm3 =	vgt.s32 v1, $0xC3FF;
	v7 =	vadd.s32 $0xFFFF3C00, v1;
	vm7 =	vgt.s32 v2, $0xC3FF  }
0x861: {  	vm6 =	vgt.s32 v3, $0xC3FF;
	vm4 =	vgt.s32 v4, $0xC3FF;
	v0 =	vsel vm5, v5, v0  }
0x862: {  	vm1 =	vgt.s32 v6, $0xC3FF;
	v5 =	vld [tilespmem:s10+$0xFFFFFFC0];
	v1 =	vsel vm3, v7, v1;
	v7 =	vadd.s32 $0xFFFF3C00, v2  }
0x863: {  	vm0 =	vgt.s32 v8, $0xC3FF;
	v2 =	vsel vm7, v7, v2;
	v7 =	vadd.s32 $0xFFFF3C00, v3  }
0x864: {  	s24 =	simm.s32 $0x14140;
	v9 =	vadd.s32 $0xFFFF3C00, v8;
	v3 =	vsel vm6, v7, v3;
	v7 =	vadd.s32 $0xFFFF3C00, v4  }
0x865: {  	s14 =	simm.s32 $0x0;
	v8 =	vsel vm0, v9, v8;
	v9 =	vld [tilespmem:s24+$0x30];
	v4 =	vsel vm4, v7, v4;
	v7 =	vadd.s32 $0xFFFF3C00, v6  }
0x866: {  	v6 =	vsel vm1, v7, v6;
	v0 =	vld.idx.msk [tilespmem:v0+s14+$0x0], $0xffff  }
0x867: {  	vm2 =	vgt.s32 v5, $0xC3FF;
	v7 =	vadd.s32 $0xFFFF3C00, v5;
	v1 =	vld.idx.msk [tilespmem:v1+s14+$0x0], $0xffff  }
0x868: {  	v5 =	vsel vm2, v7, v5;
	v7 =	vld.idx.msk [tilespmem:v2+s14+$0x0], $0xffff  }
0x869: {  	v10 =	vld.idx.msk [tilespmem:v3+s14+$0x0], $0xffff  }
0x86a: {  	v11 =	vld.idx.msk [tilespmem:v4+s14+$0x0], $0xffff  }
0x86b: {  	v12 =	vld.idx.msk [tilespmem:v6+s14+$0x0], $0xffff;
	v3 =	vand.u32 $0xFFFF0000, v0  }
0x86c: {  	v0 =	vshll.u32 v0, $0x10;
	v4 =	vand.u32 $0xFFFF0000, v1;
	v6 =	vshll.u32 v1, $0x10;
	v1 =	vld.idx.msk [tilespmem:v8+s14+$0x0], $0xffff  }
0x86d: {  	v2 =	vld.idx.msk [tilespmem:v5+s14+$0x0], $0xffff;
	v0 =	vsel vm5, v3, v0;
	v3 =	vand.u32 $0xFFFF0000, v7  }
0x86e: {  	v7 =	vshll.u32 v7, $0x10;
	v5 =	vld [tilespmem:s24+$0xFFFFFFC0];
	v4 =	vsel vm3, v4, v6;
	v0 =	vmul.f32 v0, v9  }
0x86f: {  	v3 =	vsel vm7, v3, v7;
	v7 =	vld [tilespmem:s24+$0xFFFFFFD0];
	v6 =	vand.u32 $0xFFFF0000, v10;
	v9 =	vshll.u32 v10, $0x10  }
0x870: {  	v8 =	vld [tilespmem:s24+$0xFFFFFFE0];
	v6 =	vsel vm6, v6, v9;
	v10 =	vand.u32 $0xFFFF0000, v11;
	v11 =	vshll.u32 v11, $0x10  }
0x871: {  	s29 =	simm.s32 $0x0;
	s30 =	simm.s32 $0xE400;
	s10 =	simm.s32 $0x14140;
	v9 =	vld [tilespmem:s24+$0xFFFFFFF0];
	[tilespmem:s24+$0x30] =	vst v0;
	v0 =	vsel vm4, v10, v11;
	v10 =	vand.u32 $0xFFFF0000, v12;
	v11 =	vshll.u32 v12, $0x10  }
.LBB2_90:
0x872: {  	v12 =	vld [tilespmem:s30+$0x30];
	s29 =	sadd.s32 $0x8, s29;
	v13 =	vand.u32 $0xFFFF0000, v2;
	v2 =	vshll.u32 v2, $0x10;
	v10 =	vsel vm1, v10, v11  }
0x873: {  	v11 =	vld [tilespmem:s30+$0xFFFFFFD0];
	p0 =	slt.u32 s29, $0x70;
	v2 =	vsel vm2, v13, v2;
	v13 =	vand.u32 $0xFFFF0000, v1;
	v1 =	vshll.u32 v1, $0x10  }
0x874: {  	v14 =	vld [tilespmem:s30+$0xFFFFFFE0];
	v2 =	vmul.f32 v2, v5;
	v4 =	vmul.f32 v4, v7;
	v1 =	vsel vm0, v13, v1  }
0x875: {  	v5 =	vld [tilespmem:s30+$0xFFFFFFF0];
	v3 =	vmul.f32 v3, v8  }
0x876: {  	v7 =	vld [tilespmem:s30+$0x0];
	[tilespmem:s24+$0xFFFFFFC0] =	vst v2;
	v2 =	vmul.f32 v6, v9  }
0x877: {  	v6 =	vld [tilespmem:s30+$0x10];
	vm6 =	vgt.s32 v12, $0xC3FF;
	v8 =	vadd.s32 $0xFFFF3C00, v12;
	[tilespmem:s24+$0xFFFFFFD0] =	vst v4  }
0x878: {  	vm3 =	vgt.s32 v11, $0xC3FF;
	v4 =	vadd.s32 $0xFFFF3C00, v11;
	v9 =	vld [tilespmem:s30+$0x20];
	v8 =	vsel vm6, v8, v12;
	[tilespmem:s24+$0xFFFFFFE0] =	vst v3  }
0x879: {  	v3 =	vld [tilespmem:s30+$0xFFFFFFC0];
	v4 =	vsel vm3, v4, v11;
	vm7 =	vgt.s32 v14, $0xC3FF;
	v11 =	vadd.s32 $0xFFFF3C00, v14;
	[tilespmem:s24+$0xFFFFFFF0] =	vst v2  }
0x87a: {  	v2 =	vsel vm7, v11, v14;
	vm4 =	vgt.s32 v5, $0xC3FF;
	v11 =	vadd.s32 $0xFFFF3C00, v5;
	v12 =	vld [tilespmem:s24+$0x0]  }
0x87b: {  	v5 =	vsel vm4, v11, v5;
	vm5 =	vgt.s32 v7, $0xC3FF;
	v11 =	vadd.s32 $0xFFFF3C00, v7;
	v13 =	vld [tilespmem:s24+$0x10]  }
0x87c: {  	v7 =	vsel vm5, v11, v7;
	vm1 =	vgt.s32 v6, $0xC3FF;
	v11 =	vadd.s32 $0xFFFF3C00, v6;
	v14 =	vld [tilespmem:s24+$0x20]  }
0x87d: {  	v6 =	vsel vm1, v11, v6;
	vm0 =	vgt.s32 v9, $0xC3FF;
	v11 =	vadd.s32 $0xFFFF3C00, v9;
	v8 =	vld.idx.msk [tilespmem:v8+s14+$0x0], $0xffff  }
0x87e: {  	vm2 =	vgt.s32 v3, $0xC3FF;
	v15 =	vadd.s32 $0xFFFF3C00, v3;
	v4 =	vld.idx.msk [tilespmem:v4+s14+$0x0], $0xffff;
	v9 =	vsel vm0, v11, v9  }
0x87f: {  	s24 =	sadd.s32 $0x80, s24;
	v3 =	vsel vm2, v15, v3;
	v11 =	vld.idx.msk [tilespmem:v2+s14+$0x0], $0xffff;
	v0 =	vmul.f32 v0, v12  }
0x880: {  	v12 =	vld [tilespmem:s24+$0x30];
	v2 =	vmul.f32 v10, v13  }
0x881: {  	v10 =	vld.idx.msk [tilespmem:v5+s14+$0x0], $0xffff;
	[tilespmem:s10+$0x0] =	vst v0;
	v0 =	vmul.f32 v1, v14  }
0x882: {  	v13 =	vld.idx.msk [tilespmem:v7+s14+$0x0], $0xffff;
	[tilespmem:s10+$0x10] =	vst v2  }
0x883: {  	v1 =	vand.u32 $0xFFFF0000, v8;
	v5 =	vshll.u32 v8, $0x10;
	v14 =	vld.idx.msk [tilespmem:v6+s14+$0x0], $0xffff;
	[tilespmem:s10+$0x20] =	vst v0;
	s10 =	smov.u32 s24  }
0x884: {  	v0 =	vand.u32 $0xFFFF0000, v4;
	v2 =	vld.idx.msk [tilespmem:v3+s14+$0x0], $0xffff;
	v3 =	vshll.u32 v4, $0x10;
	v4 =	vsel vm6, v1, v5  }
.Ltmp44:
0x885: {  	v6 =	vand.u32 $0xFFFF0000, v11;
	v7 =	vshll.u32 v11, $0x10;
	v1 =	vld.idx.msk [tilespmem:v9+s14+$0x0], $0xffff;
	v8 =	vmul.f32 v4, v12;
	(pc) =	sbr.rel @p0 .LBB2_90-.Ltmp44, $4  }
0x886: {  	v4 =	vsel vm3, v0, v3;
	v3 =	vsel vm7, v6, v7;
	v5 =	vld [tilespmem:s24+$0xFFFFFFC0]  }
0x887: {  	v0 =	vand.u32 $0xFFFF0000, v10;
	v6 =	vshll.u32 v10, $0x10;
	v7 =	vld [tilespmem:s24+$0xFFFFFFD0];
	[tilespmem:s24+$0x30] =	vst v8  }
0x888: {  	v6 =	vsel vm4, v0, v6;
	v0 =	vand.u32 $0xFFFF0000, v13;
	v10 =	vshll.u32 v13, $0x10;
	v8 =	vld [tilespmem:s24+$0xFFFFFFE0]  }
0x889: {  	s30 =	sadd.s32 $0x80, s30;
	v0 =	vsel vm5, v0, v10;
	v10 =	vand.u32 $0xFFFF0000, v14;
	v11 =	vshll.u32 v14, $0x10;
	v9 =	vld [tilespmem:s24+$0xFFFFFFF0]  }
0x88a: {  	v12 =	vand.u32 $0xFFFF0000, v2;
	v56 =	vshll.u32 v2, $0x10  }
0x88b: {  	v57 =	vld [tilespmem:s24+$0x0];
	v2 =	vsel vm2, v12, v56  }
0x88c: {  	v58 =	vld [tilespmem:s24+$0x10];
	v2 =	vmul.f32 v2, v5  }
0x88d: {  	v59 =	vld [tilespmem:s24+$0x20];
	v4 =	vmul.f32 v4, v7  }
0x88e: {  	v3 =	vmul.f32 v3, v8;
	[tilespmem:s24+$0xFFFFFFC0] =	vst v2  }
0x88f: {  	v60 =	vsel vm1, v10, v11;
	v6 =	vmul.f32 v6, v9;
	[tilespmem:s24+$0xFFFFFFD0] =	vst v4  }
0x890: {  	v61 =	vand.u32 $0xFFFF0000, v1;
	v62 =	vshll.u32 v1, $0x10;
	[tilespmem:s24+$0xFFFFFFE0] =	vst v3;
	v0 =	vmul.f32 v0, v57  }
0x891: {  	v1 =	vsel vm0, v61, v62;
	v2 =	vmul.f32 v60, v58;
	[tilespmem:s24+$0xFFFFFFF0] =	vst v6  }
0x892: {  	v63 =	vmul.f32 v1, v59;
	[tilespmem:s10+$0x0] =	vst v0  }
0x893: {  	[tilespmem:s10+$0x10] =	vst v2  }
0x894: {  	[tilespmem:s10+$0x20] =	vst v63  }
.LBB2_92:
0x895: {  	s10 =	sshra.s32 s14, $0x2  }
0x896: {  	v0 =	vld [tilespmem:s10+$0xEAC0];
	_ =	sdelay $0x4  }
0x897: {  	vm0 =	vgt.s32 v0, $0xC3FF;
	v1 =	vadd.s32 $0xFFFF3C00, v0  }
0x898: {  	v0 =	vsel vm0, v1, v0;
	_ =	sdelay $0x4  }
0x899: {  	v0 =	vld.idx.msk [tilespmem:v0+s1+$0x0], $0xffff;
	_ =	sdelay $0x1  }
0x89a: {  	v63 =	vld [tilespmem:s10+$0x14880];
	_ =	sdelay $0x1  }
0x89b: {  	p0 =	sne.s32 s14, $0x100  }
.Ltmp45:
0x89c: {  	v2 =	vand.u32 $0xFFFF0000, v0;
	v0 =	vshll.u32 v0, $0x10;
	(pc) =	sbr.rel @p0 .LBB2_92-.Ltmp45, $3  }
0x89d: {  	v0 =	vsel vm0, v2, v0  }
0x89e: {  	v0 =	vmul.f32 v0, v63;
	_ =	sdelay $0x1  }
0x89f: {  	s14 =	sadd.s32 $0x40, s14;
	[tilespmem:s10+$0x14880] =	vst v0  }
0x8a0: {  	[spmem:s15] =	stream.indirect.scatter.add.f32 [tilespmem:s12], [sflag:$0xD], $0x1, s11, s9, $0xb8;
	[tilespmem:$0x16920] =	vst v63  }
0x8a1: {  	_ =	swait.ge [sflag:s3], $0x7D0  }
0x8a2: {  	[sflag:s3] =	ssyncset.done $0x0  }
0x8a3: {  	[sflag:s3] =	ssyncadd.s32 $0xFFFFF830  }
0x8a4: {  	_ =	swait.ge [sflag:s3], $0x7D0  }
0x8a5: {  	[sflag:s3] =	ssyncset.done $0x0  }
0x8a6: {  	[sflag:s3] =	ssyncadd.s32 $0xFFFFF830  }
0x8a7: {  	_ =	swait.ge [sflag:s3], $0x7D0  }
0x8a8: {  	[sflag:s3] =	ssyncset.done $0x0  }
0x8a9: {  	s10 =	simm.s32 $0xEB50;
	[sflag:s3] =	ssyncadd.s32 $0xFFFFF830  }
0x8aa: {  	v0 =	vld [tilespmem:s10+$0x30]  }
0x8ab: {  	v1 =	vld [tilespmem:s10+$0xFFFFFFD0]  }
0x8ac: {  	v2 =	vld [tilespmem:s10+$0xFFFFFFE0]  }
0x8ad: {  	v3 =	vld [tilespmem:s10+$0xFFFFFFF0]  }
0x8ae: {  	v4 =	vld [tilespmem:s10+$0x0]  }
0x8af: {  	v6 =	vld [tilespmem:s10+$0x10]  }
0x8b0: {  	v8 =	vld [tilespmem:s10+$0x20]  }
0x8b1: {  	vm5 =	vgt.s32 v0, $0xC3FF;
	v5 =	vadd.s32 $0xFFFF3C00, v0  }
0x8b2: {  	vm3 =	vgt.s32 v1, $0xC3FF;
	v7 =	vadd.s32 $0xFFFF3C00, v1;
	vm7 =	vgt.s32 v2, $0xC3FF  }
0x8b3: {  	vm6 =	vgt.s32 v3, $0xC3FF;
	vm4 =	vgt.s32 v4, $0xC3FF;
	v0 =	vsel vm5, v5, v0  }
0x8b4: {  	vm1 =	vgt.s32 v6, $0xC3FF;
	v5 =	vld [tilespmem:s10+$0xFFFFFFC0];
	v1 =	vsel vm3, v7, v1;
	v7 =	vadd.s32 $0xFFFF3C00, v2  }
0x8b5: {  	vm0 =	vgt.s32 v8, $0xC3FF;
	v2 =	vsel vm7, v7, v2;
	v7 =	vadd.s32 $0xFFFF3C00, v3  }
0x8b6: {  	s24 =	simm.s32 $0x14910;
	v9 =	vadd.s32 $0xFFFF3C00, v8;
	v3 =	vsel vm6, v7, v3;
	v7 =	vadd.s32 $0xFFFF3C00, v4  }
0x8b7: {  	s14 =	simm.s32 $0x0;
	v8 =	vsel vm0, v9, v8;
	v9 =	vld [tilespmem:s24+$0x30];
	v4 =	vsel vm4, v7, v4;
	v7 =	vadd.s32 $0xFFFF3C00, v6  }
0x8b8: {  	v6 =	vsel vm1, v7, v6;
	v0 =	vld.idx.msk [tilespmem:v0+s14+$0x0], $0xffff  }
0x8b9: {  	vm2 =	vgt.s32 v5, $0xC3FF;
	v7 =	vadd.s32 $0xFFFF3C00, v5;
	v1 =	vld.idx.msk [tilespmem:v1+s14+$0x0], $0xffff  }
0x8ba: {  	v5 =	vsel vm2, v7, v5;
	v7 =	vld.idx.msk [tilespmem:v2+s14+$0x0], $0xffff  }
0x8bb: {  	v10 =	vld.idx.msk [tilespmem:v3+s14+$0x0], $0xffff  }
0x8bc: {  	v11 =	vld.idx.msk [tilespmem:v4+s14+$0x0], $0xffff  }
0x8bd: {  	v12 =	vld.idx.msk [tilespmem:v6+s14+$0x0], $0xffff;
	v3 =	vand.u32 $0xFFFF0000, v0  }
0x8be: {  	v0 =	vshll.u32 v0, $0x10;
	v4 =	vand.u32 $0xFFFF0000, v1;
	v6 =	vshll.u32 v1, $0x10;
	v1 =	vld.idx.msk [tilespmem:v8+s14+$0x0], $0xffff  }
0x8bf: {  	v2 =	vld.idx.msk [tilespmem:v5+s14+$0x0], $0xffff;
	v0 =	vsel vm5, v3, v0;
	v3 =	vand.u32 $0xFFFF0000, v7  }
0x8c0: {  	v7 =	vshll.u32 v7, $0x10;
	v5 =	vld [tilespmem:s24+$0xFFFFFFC0];
	v4 =	vsel vm3, v4, v6;
	v0 =	vmul.f32 v0, v9  }
0x8c1: {  	v3 =	vsel vm7, v3, v7;
	v7 =	vld [tilespmem:s24+$0xFFFFFFD0];
	v6 =	vand.u32 $0xFFFF0000, v10;
	v9 =	vshll.u32 v10, $0x10  }
0x8c2: {  	v8 =	vld [tilespmem:s24+$0xFFFFFFE0];
	v6 =	vsel vm6, v6, v9;
	v10 =	vand.u32 $0xFFFF0000, v11;
	v11 =	vshll.u32 v11, $0x10  }
0x8c3: {  	s29 =	simm.s32 $0x0;
	s30 =	simm.s32 $0xEBD0;
	s10 =	simm.s32 $0x14910;
	v9 =	vld [tilespmem:s24+$0xFFFFFFF0];
	[tilespmem:s24+$0x30] =	vst v0;
	v0 =	vsel vm4, v10, v11;
	v10 =	vand.u32 $0xFFFF0000, v12;
	v11 =	vshll.u32 v12, $0x10  }
.LBB2_94:
0x8c4: {  	v12 =	vld [tilespmem:s30+$0x30];
	s29 =	sadd.s32 $0x8, s29;
	v13 =	vand.u32 $0xFFFF0000, v2;
	v2 =	vshll.u32 v2, $0x10;
	v10 =	vsel vm1, v10, v11  }
0x8c5: {  	v11 =	vld [tilespmem:s30+$0xFFFFFFD0];
	p0 =	slt.u32 s29, $0x70;
	v2 =	vsel vm2, v13, v2;
	v13 =	vand.u32 $0xFFFF0000, v1;
	v1 =	vshll.u32 v1, $0x10  }
0x8c6: {  	v14 =	vld [tilespmem:s30+$0xFFFFFFE0];
	v2 =	vmul.f32 v2, v5;
	v4 =	vmul.f32 v4, v7;
	v1 =	vsel vm0, v13, v1  }
0x8c7: {  	v5 =	vld [tilespmem:s30+$0xFFFFFFF0];
	v3 =	vmul.f32 v3, v8  }
0x8c8: {  	v7 =	vld [tilespmem:s30+$0x0];
	[tilespmem:s24+$0xFFFFFFC0] =	vst v2;
	v2 =	vmul.f32 v6, v9  }
0x8c9: {  	v6 =	vld [tilespmem:s30+$0x10];
	vm6 =	vgt.s32 v12, $0xC3FF;
	v8 =	vadd.s32 $0xFFFF3C00, v12;
	[tilespmem:s24+$0xFFFFFFD0] =	vst v4  }
0x8ca: {  	vm3 =	vgt.s32 v11, $0xC3FF;
	v4 =	vadd.s32 $0xFFFF3C00, v11;
	v9 =	vld [tilespmem:s30+$0x20];
	v8 =	vsel vm6, v8, v12;
	[tilespmem:s24+$0xFFFFFFE0] =	vst v3  }
0x8cb: {  	v3 =	vld [tilespmem:s30+$0xFFFFFFC0];
	v4 =	vsel vm3, v4, v11;
	vm7 =	vgt.s32 v14, $0xC3FF;
	v11 =	vadd.s32 $0xFFFF3C00, v14;
	[tilespmem:s24+$0xFFFFFFF0] =	vst v2  }
0x8cc: {  	v2 =	vsel vm7, v11, v14;
	vm4 =	vgt.s32 v5, $0xC3FF;
	v11 =	vadd.s32 $0xFFFF3C00, v5;
	v12 =	vld [tilespmem:s24+$0x0]  }
0x8cd: {  	v5 =	vsel vm4, v11, v5;
	vm5 =	vgt.s32 v7, $0xC3FF;
	v11 =	vadd.s32 $0xFFFF3C00, v7;
	v13 =	vld [tilespmem:s24+$0x10]  }
0x8ce: {  	v7 =	vsel vm5, v11, v7;
	vm1 =	vgt.s32 v6, $0xC3FF;
	v11 =	vadd.s32 $0xFFFF3C00, v6;
	v14 =	vld [tilespmem:s24+$0x20]  }
0x8cf: {  	v6 =	vsel vm1, v11, v6;
	vm0 =	vgt.s32 v9, $0xC3FF;
	v11 =	vadd.s32 $0xFFFF3C00, v9;
	v8 =	vld.idx.msk [tilespmem:v8+s14+$0x0], $0xffff  }
0x8d0: {  	vm2 =	vgt.s32 v3, $0xC3FF;
	v15 =	vadd.s32 $0xFFFF3C00, v3;
	v4 =	vld.idx.msk [tilespmem:v4+s14+$0x0], $0xffff;
	v9 =	vsel vm0, v11, v9  }
0x8d1: {  	s24 =	sadd.s32 $0x80, s24;
	v3 =	vsel vm2, v15, v3;
	v11 =	vld.idx.msk [tilespmem:v2+s14+$0x0], $0xffff;
	v0 =	vmul.f32 v0, v12  }
0x8d2: {  	v12 =	vld [tilespmem:s24+$0x30];
	v2 =	vmul.f32 v10, v13  }
0x8d3: {  	v10 =	vld.idx.msk [tilespmem:v5+s14+$0x0], $0xffff;
	[tilespmem:s10+$0x0] =	vst v0;
	v0 =	vmul.f32 v1, v14  }
0x8d4: {  	v13 =	vld.idx.msk [tilespmem:v7+s14+$0x0], $0xffff;
	[tilespmem:s10+$0x10] =	vst v2  }
0x8d5: {  	v1 =	vand.u32 $0xFFFF0000, v8;
	v5 =	vshll.u32 v8, $0x10;
	v14 =	vld.idx.msk [tilespmem:v6+s14+$0x0], $0xffff;
	[tilespmem:s10+$0x20] =	vst v0;
	s10 =	smov.u32 s24  }
0x8d6: {  	v0 =	vand.u32 $0xFFFF0000, v4;
	v2 =	vld.idx.msk [tilespmem:v3+s14+$0x0], $0xffff;
	v3 =	vshll.u32 v4, $0x10;
	v4 =	vsel vm6, v1, v5  }
.Ltmp46:
0x8d7: {  	v6 =	vand.u32 $0xFFFF0000, v11;
	v7 =	vshll.u32 v11, $0x10;
	v1 =	vld.idx.msk [tilespmem:v9+s14+$0x0], $0xffff;
	v8 =	vmul.f32 v4, v12;
	(pc) =	sbr.rel @p0 .LBB2_94-.Ltmp46, $4  }
0x8d8: {  	v4 =	vsel vm3, v0, v3;
	v3 =	vsel vm7, v6, v7;
	v5 =	vld [tilespmem:s24+$0xFFFFFFC0]  }
0x8d9: {  	v0 =	vand.u32 $0xFFFF0000, v10;
	v6 =	vshll.u32 v10, $0x10;
	v7 =	vld [tilespmem:s24+$0xFFFFFFD0];
	[tilespmem:s24+$0x30] =	vst v8  }
0x8da: {  	v6 =	vsel vm4, v0, v6;
	v0 =	vand.u32 $0xFFFF0000, v13;
	v10 =	vshll.u32 v13, $0x10;
	v8 =	vld [tilespmem:s24+$0xFFFFFFE0]  }
0x8db: {  	s30 =	sadd.s32 $0x80, s30;
	v0 =	vsel vm5, v0, v10;
	v10 =	vand.u32 $0xFFFF0000, v14;
	v11 =	vshll.u32 v14, $0x10;
	v9 =	vld [tilespmem:s24+$0xFFFFFFF0]  }
0x8dc: {  	v12 =	vand.u32 $0xFFFF0000, v2;
	v56 =	vshll.u32 v2, $0x10  }
0x8dd: {  	v57 =	vld [tilespmem:s24+$0x0];
	v2 =	vsel vm2, v12, v56  }
0x8de: {  	v58 =	vld [tilespmem:s24+$0x10];
	v2 =	vmul.f32 v2, v5  }
0x8df: {  	v59 =	vld [tilespmem:s24+$0x20];
	v4 =	vmul.f32 v4, v7  }
0x8e0: {  	v3 =	vmul.f32 v3, v8;
	[tilespmem:s24+$0xFFFFFFC0] =	vst v2  }
0x8e1: {  	v60 =	vsel vm1, v10, v11;
	v6 =	vmul.f32 v6, v9;
	[tilespmem:s24+$0xFFFFFFD0] =	vst v4  }
0x8e2: {  	v61 =	vand.u32 $0xFFFF0000, v1;
	v62 =	vshll.u32 v1, $0x10;
	[tilespmem:s24+$0xFFFFFFE0] =	vst v3;
	v0 =	vmul.f32 v0, v57  }
0x8e3: {  	v1 =	vsel vm0, v61, v62;
	v2 =	vmul.f32 v60, v58;
	[tilespmem:s24+$0xFFFFFFF0] =	vst v6  }
0x8e4: {  	v63 =	vmul.f32 v1, v59;
	[tilespmem:s10+$0x0] =	vst v0  }
0x8e5: {  	[tilespmem:s10+$0x10] =	vst v2  }
0x8e6: {  	[tilespmem:s10+$0x20] =	vst v63  }
.LBB2_96:
0x8e7: {  	s10 =	sshra.s32 s14, $0x2  }
0x8e8: {  	v0 =	vld [tilespmem:s10+$0xF290];
	_ =	sdelay $0x4  }
0x8e9: {  	vm0 =	vgt.s32 v0, $0xC3FF;
	v1 =	vadd.s32 $0xFFFF3C00, v0  }
0x8ea: {  	v0 =	vsel vm0, v1, v0;
	_ =	sdelay $0x4  }
0x8eb: {  	v0 =	vld.idx.msk [tilespmem:v0+s1+$0x0], $0xffff;
	_ =	sdelay $0x1  }
0x8ec: {  	v63 =	vld [tilespmem:s10+$0x15050];
	_ =	sdelay $0x1  }
0x8ed: {  	p0 =	sne.s32 s14, $0x100  }
.Ltmp47:
0x8ee: {  	v2 =	vand.u32 $0xFFFF0000, v0;
	v0 =	vshll.u32 v0, $0x10;
	(pc) =	sbr.rel @p0 .LBB2_96-.Ltmp47, $3  }
0x8ef: {  	v0 =	vsel vm0, v2, v0  }
0x8f0: {  	v0 =	vmul.f32 v0, v63;
	_ =	sdelay $0x1  }
0x8f1: {  	s14 =	sadd.s32 $0x40, s14;
	[tilespmem:s10+$0x15050] =	vst v0  }
0x8f2: {  	[spmem:s15] =	stream.indirect.scatter.add.f32 [tilespmem:s17], [sflag:$0xE], $0x1, s16, s9, $0xb8;
	[tilespmem:$0x16920] =	vst v63  }
0x8f3: {  	_ =	swait.ge [sflag:s8], $0x7D0  }
0x8f4: {  	[sflag:s8] =	ssyncset.done $0x0  }
0x8f5: {  	[sflag:s8] =	ssyncadd.s32 $0xFFFFF830  }
0x8f6: {  	_ =	swait.ge [sflag:s8], $0x7D0  }
0x8f7: {  	[sflag:s8] =	ssyncset.done $0x0  }
0x8f8: {  	[sflag:s8] =	ssyncadd.s32 $0xFFFFF830  }
0x8f9: {  	_ =	swait.ge [sflag:s8], $0x7D0  }
0x8fa: {  	[sflag:s8] =	ssyncset.done $0x0  }
0x8fb: {  	s10 =	simm.s32 $0xC440;
	[sflag:s8] =	ssyncadd.s32 $0xFFFFF830  }
0x8fc: {  	v0 =	vld [tilespmem:s10+$0x30]  }
0x8fd: {  	v1 =	vld [tilespmem:s10+$0xFFFFFFD0]  }
0x8fe: {  	v2 =	vld [tilespmem:s10+$0xFFFFFFE0]  }
0x8ff: {  	v3 =	vld [tilespmem:s10+$0xFFFFFFF0]  }
0x900: {  	v4 =	vld [tilespmem:s10+$0x0]  }
0x901: {  	v6 =	vld [tilespmem:s10+$0x10]  }
0x902: {  	v8 =	vld [tilespmem:s10+$0x20]  }
0x903: {  	vm5 =	vgt.s32 v0, $0xC3FF;
	v5 =	vadd.s32 $0xFFFF3C00, v0  }
0x904: {  	vm3 =	vgt.s32 v1, $0xC3FF;
	v7 =	vadd.s32 $0xFFFF3C00, v1;
	vm7 =	vgt.s32 v2, $0xC3FF  }
0x905: {  	vm6 =	vgt.s32 v3, $0xC3FF;
	vm4 =	vgt.s32 v4, $0xC3FF;
	v0 =	vsel vm5, v5, v0  }
0x906: {  	vm1 =	vgt.s32 v6, $0xC3FF;
	v5 =	vld [tilespmem:s10+$0xFFFFFFC0];
	v1 =	vsel vm3, v7, v1;
	v7 =	vadd.s32 $0xFFFF3C00, v2  }
0x907: {  	vm0 =	vgt.s32 v8, $0xC3FF;
	v2 =	vsel vm7, v7, v2;
	v7 =	vadd.s32 $0xFFFF3C00, v3  }
0x908: {  	s24 =	simm.s32 $0x12200;
	v9 =	vadd.s32 $0xFFFF3C00, v8;
	v3 =	vsel vm6, v7, v3;
	v7 =	vadd.s32 $0xFFFF3C00, v4  }
0x909: {  	s14 =	simm.s32 $0x0;
	v8 =	vsel vm0, v9, v8;
	v9 =	vld [tilespmem:s24+$0x30];
	v4 =	vsel vm4, v7, v4;
	v7 =	vadd.s32 $0xFFFF3C00, v6  }
0x90a: {  	v6 =	vsel vm1, v7, v6;
	v0 =	vld.idx.msk [tilespmem:v0+s14+$0x0], $0xffff  }
0x90b: {  	vm2 =	vgt.s32 v5, $0xC3FF;
	v7 =	vadd.s32 $0xFFFF3C00, v5;
	v1 =	vld.idx.msk [tilespmem:v1+s14+$0x0], $0xffff  }
0x90c: {  	v5 =	vsel vm2, v7, v5;
	v7 =	vld.idx.msk [tilespmem:v2+s14+$0x0], $0xffff  }
0x90d: {  	v10 =	vld.idx.msk [tilespmem:v3+s14+$0x0], $0xffff  }
0x90e: {  	v11 =	vld.idx.msk [tilespmem:v4+s14+$0x0], $0xffff  }
0x90f: {  	v12 =	vld.idx.msk [tilespmem:v6+s14+$0x0], $0xffff;
	v3 =	vand.u32 $0xFFFF0000, v0  }
0x910: {  	v0 =	vshll.u32 v0, $0x10;
	v4 =	vand.u32 $0xFFFF0000, v1;
	v6 =	vshll.u32 v1, $0x10;
	v1 =	vld.idx.msk [tilespmem:v8+s14+$0x0], $0xffff  }
0x911: {  	v2 =	vld.idx.msk [tilespmem:v5+s14+$0x0], $0xffff;
	v0 =	vsel vm5, v3, v0;
	v3 =	vand.u32 $0xFFFF0000, v7  }
0x912: {  	v7 =	vshll.u32 v7, $0x10;
	v5 =	vld [tilespmem:s24+$0xFFFFFFC0];
	v4 =	vsel vm3, v4, v6;
	v0 =	vmul.f32 v0, v9  }
0x913: {  	v3 =	vsel vm7, v3, v7;
	v7 =	vld [tilespmem:s24+$0xFFFFFFD0];
	v6 =	vand.u32 $0xFFFF0000, v10;
	v9 =	vshll.u32 v10, $0x10  }
0x914: {  	v8 =	vld [tilespmem:s24+$0xFFFFFFE0];
	v6 =	vsel vm6, v6, v9;
	v10 =	vand.u32 $0xFFFF0000, v11;
	v11 =	vshll.u32 v11, $0x10  }
0x915: {  	s29 =	simm.s32 $0x0;
	s30 =	simm.s32 $0xC4C0;
	s10 =	simm.s32 $0x12200;
	v9 =	vld [tilespmem:s24+$0xFFFFFFF0];
	[tilespmem:s24+$0x30] =	vst v0;
	v0 =	vsel vm4, v10, v11;
	v10 =	vand.u32 $0xFFFF0000, v12;
	v11 =	vshll.u32 v12, $0x10  }
.LBB2_98:
0x916: {  	v12 =	vld [tilespmem:s30+$0x30];
	s29 =	sadd.s32 $0x8, s29;
	v13 =	vand.u32 $0xFFFF0000, v2;
	v2 =	vshll.u32 v2, $0x10;
	v10 =	vsel vm1, v10, v11  }
0x917: {  	v11 =	vld [tilespmem:s30+$0xFFFFFFD0];
	p0 =	slt.u32 s29, $0x70;
	v2 =	vsel vm2, v13, v2;
	v13 =	vand.u32 $0xFFFF0000, v1;
	v1 =	vshll.u32 v1, $0x10  }
0x918: {  	v14 =	vld [tilespmem:s30+$0xFFFFFFE0];
	v2 =	vmul.f32 v2, v5;
	v4 =	vmul.f32 v4, v7;
	v1 =	vsel vm0, v13, v1  }
0x919: {  	v5 =	vld [tilespmem:s30+$0xFFFFFFF0];
	v3 =	vmul.f32 v3, v8  }
0x91a: {  	v7 =	vld [tilespmem:s30+$0x0];
	[tilespmem:s24+$0xFFFFFFC0] =	vst v2;
	v2 =	vmul.f32 v6, v9  }
0x91b: {  	v6 =	vld [tilespmem:s30+$0x10];
	vm6 =	vgt.s32 v12, $0xC3FF;
	v8 =	vadd.s32 $0xFFFF3C00, v12;
	[tilespmem:s24+$0xFFFFFFD0] =	vst v4  }
0x91c: {  	vm3 =	vgt.s32 v11, $0xC3FF;
	v4 =	vadd.s32 $0xFFFF3C00, v11;
	v9 =	vld [tilespmem:s30+$0x20];
	v8 =	vsel vm6, v8, v12;
	[tilespmem:s24+$0xFFFFFFE0] =	vst v3  }
0x91d: {  	v3 =	vld [tilespmem:s30+$0xFFFFFFC0];
	v4 =	vsel vm3, v4, v11;
	vm7 =	vgt.s32 v14, $0xC3FF;
	v11 =	vadd.s32 $0xFFFF3C00, v14;
	[tilespmem:s24+$0xFFFFFFF0] =	vst v2  }
0x91e: {  	v2 =	vsel vm7, v11, v14;
	vm4 =	vgt.s32 v5, $0xC3FF;
	v11 =	vadd.s32 $0xFFFF3C00, v5;
	v12 =	vld [tilespmem:s24+$0x0]  }
0x91f: {  	v5 =	vsel vm4, v11, v5;
	vm5 =	vgt.s32 v7, $0xC3FF;
	v11 =	vadd.s32 $0xFFFF3C00, v7;
	v13 =	vld [tilespmem:s24+$0x10]  }
0x920: {  	v7 =	vsel vm5, v11, v7;
	vm1 =	vgt.s32 v6, $0xC3FF;
	v11 =	vadd.s32 $0xFFFF3C00, v6;
	v14 =	vld [tilespmem:s24+$0x20]  }
0x921: {  	v6 =	vsel vm1, v11, v6;
	vm0 =	vgt.s32 v9, $0xC3FF;
	v11 =	vadd.s32 $0xFFFF3C00, v9;
	v8 =	vld.idx.msk [tilespmem:v8+s14+$0x0], $0xffff  }
0x922: {  	vm2 =	vgt.s32 v3, $0xC3FF;
	v15 =	vadd.s32 $0xFFFF3C00, v3;
	v4 =	vld.idx.msk [tilespmem:v4+s14+$0x0], $0xffff;
	v9 =	vsel vm0, v11, v9  }
0x923: {  	s24 =	sadd.s32 $0x80, s24;
	v3 =	vsel vm2, v15, v3;
	v11 =	vld.idx.msk [tilespmem:v2+s14+$0x0], $0xffff;
	v0 =	vmul.f32 v0, v12  }
0x924: {  	v12 =	vld [tilespmem:s24+$0x30];
	v2 =	vmul.f32 v10, v13  }
0x925: {  	v10 =	vld.idx.msk [tilespmem:v5+s14+$0x0], $0xffff;
	[tilespmem:s10+$0x0] =	vst v0;
	v0 =	vmul.f32 v1, v14  }
0x926: {  	v13 =	vld.idx.msk [tilespmem:v7+s14+$0x0], $0xffff;
	[tilespmem:s10+$0x10] =	vst v2  }
0x927: {  	v1 =	vand.u32 $0xFFFF0000, v8;
	v5 =	vshll.u32 v8, $0x10;
	v14 =	vld.idx.msk [tilespmem:v6+s14+$0x0], $0xffff;
	[tilespmem:s10+$0x20] =	vst v0;
	s10 =	smov.u32 s24  }
0x928: {  	v0 =	vand.u32 $0xFFFF0000, v4;
	v2 =	vld.idx.msk [tilespmem:v3+s14+$0x0], $0xffff;
	v3 =	vshll.u32 v4, $0x10;
	v4 =	vsel vm6, v1, v5  }
.Ltmp48:
0x929: {  	v6 =	vand.u32 $0xFFFF0000, v11;
	v7 =	vshll.u32 v11, $0x10;
	v1 =	vld.idx.msk [tilespmem:v9+s14+$0x0], $0xffff;
	v8 =	vmul.f32 v4, v12;
	(pc) =	sbr.rel @p0 .LBB2_98-.Ltmp48, $4  }
0x92a: {  	v4 =	vsel vm3, v0, v3;
	v3 =	vsel vm7, v6, v7;
	v5 =	vld [tilespmem:s24+$0xFFFFFFC0]  }
0x92b: {  	v0 =	vand.u32 $0xFFFF0000, v10;
	v6 =	vshll.u32 v10, $0x10;
	v7 =	vld [tilespmem:s24+$0xFFFFFFD0];
	[tilespmem:s24+$0x30] =	vst v8  }
0x92c: {  	v6 =	vsel vm4, v0, v6;
	v0 =	vand.u32 $0xFFFF0000, v13;
	v10 =	vshll.u32 v13, $0x10;
	v8 =	vld [tilespmem:s24+$0xFFFFFFE0]  }
0x92d: {  	s30 =	sadd.s32 $0x80, s30;
	v0 =	vsel vm5, v0, v10;
	v10 =	vand.u32 $0xFFFF0000, v14;
	v11 =	vshll.u32 v14, $0x10;
	v9 =	vld [tilespmem:s24+$0xFFFFFFF0]  }
0x92e: {  	v12 =	vand.u32 $0xFFFF0000, v2;
	v56 =	vshll.u32 v2, $0x10  }
0x92f: {  	v57 =	vld [tilespmem:s24+$0x0];
	v2 =	vsel vm2, v12, v56  }
0x930: {  	v58 =	vld [tilespmem:s24+$0x10];
	v2 =	vmul.f32 v2, v5  }
0x931: {  	v59 =	vld [tilespmem:s24+$0x20];
	v4 =	vmul.f32 v4, v7  }
0x932: {  	v3 =	vmul.f32 v3, v8;
	[tilespmem:s24+$0xFFFFFFC0] =	vst v2  }
0x933: {  	v60 =	vsel vm1, v10, v11;
	v6 =	vmul.f32 v6, v9;
	[tilespmem:s24+$0xFFFFFFD0] =	vst v4  }
0x934: {  	v61 =	vand.u32 $0xFFFF0000, v1;
	v62 =	vshll.u32 v1, $0x10;
	[tilespmem:s24+$0xFFFFFFE0] =	vst v3;
	v0 =	vmul.f32 v0, v57  }
0x935: {  	v1 =	vsel vm0, v61, v62;
	v2 =	vmul.f32 v60, v58;
	[tilespmem:s24+$0xFFFFFFF0] =	vst v6  }
0x936: {  	v63 =	vmul.f32 v1, v59;
	[tilespmem:s10+$0x0] =	vst v0  }
0x937: {  	[tilespmem:s10+$0x10] =	vst v2  }
0x938: {  	[tilespmem:s10+$0x20] =	vst v63  }
.LBB2_100:
0x939: {  	s10 =	sshra.s32 s14, $0x2  }
0x93a: {  	v0 =	vld [tilespmem:s10+$0xCB80];
	_ =	sdelay $0x4  }
0x93b: {  	vm0 =	vgt.s32 v0, $0xC3FF;
	v1 =	vadd.s32 $0xFFFF3C00, v0  }
0x93c: {  	v0 =	vsel vm0, v1, v0;
	_ =	sdelay $0x4  }
0x93d: {  	v0 =	vld.idx.msk [tilespmem:v0+s1+$0x0], $0xffff;
	_ =	sdelay $0x1  }
0x93e: {  	v63 =	vld [tilespmem:s10+$0x12940];
	_ =	sdelay $0x1  }
0x93f: {  	p0 =	sne.s32 s14, $0x100  }
.Ltmp49:
0x940: {  	v2 =	vand.u32 $0xFFFF0000, v0;
	v0 =	vshll.u32 v0, $0x10;
	(pc) =	sbr.rel @p0 .LBB2_100-.Ltmp49, $3  }
0x941: {  	v0 =	vsel vm0, v2, v0  }
0x942: {  	v0 =	vmul.f32 v0, v63;
	_ =	sdelay $0x1  }
0x943: {  	s14 =	sadd.s32 $0x40, s14;
	[tilespmem:s10+$0x12940] =	vst v0  }
0x944: {  	[spmem:s15] =	stream.indirect.scatter.add.f32 [tilespmem:s26], [sflag:$0x9], $0x1, s25, s9, $0xb8;
	[tilespmem:$0x16920] =	vst v63  }
0x945: {  	_ =	swait.ge [sflag:s21], $0x7D0  }
0x946: {  	[sflag:s21] =	ssyncset.done $0x0  }
0x947: {  	[sflag:s21] =	ssyncadd.s32 $0xFFFFF830  }
0x948: {  	_ =	swait.ge [sflag:s22], $0x7D0  }
0x949: {  	[sflag:s22] =	ssyncset.done $0x0  }
0x94a: {  	[sflag:s22] =	ssyncadd.s32 $0xFFFFF830  }
0x94b: {  	_ =	swait.ge [sflag:s4], $0x7D0  }
0x94c: {  	[sflag:s4] =	ssyncset.done $0x0  }
0x94d: {  	[sflag:s4] =	ssyncadd.s32 $0xFFFFF830  }
0x94e: {  	_ =	swait.ge [sflag:s28], $0x7D0  }
0x94f: {  	[sflag:s28] =	ssyncset.done $0x0  }
0x950: {  	[sflag:s28] =	ssyncadd.s32 $0xFFFFF830  }
0x951: {  	_ =	swait.ge [sflag:s31], $0x7D0  }
0x952: {  	[sflag:s31] =	ssyncset.done $0x0  }
0x953: {  	[sflag:s31] =	ssyncadd.s32 $0xFFFFF830  }
0x954: {  	_ =	swait.ge [sflag:s19], $0x7D0  }
0x955: {  	[sflag:s19] =	ssyncset.done $0x0  }
0x956: {  	[sflag:s19] =	ssyncadd.s32 $0xFFFFF830  }
0x957: {  	[bflag:$0x0] =	sbarrier.arrive $0xFFFF  }
0x958: {  	s10 =	sld [smem:$0x7FC]  }
0x959: {  	s14 =	sld [smem:$0x7FA]  }
0x95a: {  	s24 =	sld [smem:$0x7C7];
	_ =	sdelay $0x1  }
0x95b: {  	s29 =	simm.s32 $0xF;
	s10 =	sor.u32 $0x1C0F, s10  }
0x95c: {  	[hbm:s14], [sflag:s10] =	dma.local [spmem:s24], $0x310  }
0x95d: {  	_ =	swait.ge [sflag:s29], $0x310  }
0x95e: {  	s30 =	sld [smem:$0x7FB];
	_ =	sdelay $0x1  }
0x95f: {  	s5 =	sadd.s32 $0x1, s5  }
0x960: {  	p0 =	sne.s32 s5, s30  }
.Ltmp50:
0x961: {  	_ = 	snop;
	(pc) =	sbr.rel @p0 .LBB2_1-.Ltmp50, $3  }
0x962: {  	_ =	sdelay $0x1  }
0x963: {  	[sflag:s29] =	ssyncset.done $0x0  }
0x964: {  	[sflag:s29] =	ssyncadd.s32 $0xFFFFFCF0  }
0x965: {  	_ =	sfence.sel $0x180000  }
0x966: {  	[bflag:$0x0] =	sbarrier.arrive $0xFFFF  }
0x967: {  	_ =	strace $0x90000047  }
0x968: {  	s0 =	stileid.u32;
	[bflag:$0x2] =	sbarrier.arrive $0xFFFF  }
0x969: {  	p0 =	sne.s32 s0, $0x0;
	s0 =	rddreg [dreg:$0x4]  }
0x96a: {  	s0 =	sadd.s32 @!p0 $0x100000, s0  }
0x96b: {  	[sflag:s0] =	ssyncadd.tile.s32 @!p0 $0x1;
	_ =	shalt  }
.Lfunc_end2:
_tile_overlayer_lowered:
.L_overlay_start_2:
0x96c: {  	(tag) =	ssettag $0x2  }
0x96d: {  	s0 =	rddreg [dreg:$0x0];
	s2 =	stileid.u32  }
0x96e: {  	s1 =	rddreg [dreg:$0x1];
	p0 =	sne.s32 s2, $0x0  }
0x96f: {  	s3 =	rddreg [dreg:$0x2];
	[bflag:$0x3] =	sbarrier.arrive $0xFFFF;
	s2 =	simm.s32 @!p0 $0x1C0F  }
0x970: {  	[timem:s3], [sflag:s2] =	dma.local @!p0 [hbm:s0], s1  }
0x971: {  	s0 =	simm.s32 @!p0 $0xF  }
0x972: {  	_ =	swait.ge @!p0 [sflag:s0], s1  }
0x973: {  	s1 =	ssub.s32 @!p0 $0x0, s1;
	[sflag:s0] =	ssyncset.done @!p0 $0x0  }
0x974: {  	[sflag:s0] =	ssyncadd.s32 @!p0 s1  }
0x975: {  	[bflag:$0x3] =	sbarrier.arrive $0xFFFF  }
0x976: {  	_ =	shalt  }

</sc_bundles>
